<compile_context>
chip_gen: v7x
topology: tpu7x:2x2x1
jax: 0.10.2.dev20260603
libtpu: 0.0.44.dev20260713+nightly
codegen_flags: <defaults>
</compile_context>

<pallas_src>
import numpy as np
import jax
import jax.numpy as jnp
from jax import lax
from jax.experimental import pallas as pl
from jax.experimental.pallas import tpu as pltpu
from jax.experimental.pallas import tpu_sc as plsc

D = 64
SEQ = 200
BATCH = 4096
B = BATCH * SEQ
NC, NS = 2, 16
NW = NC * NS
BPW = B // NW
CB = 2
C = CB * SEQ
NCHUNK = BPW // C
IDXM = 100
NSUB = C // IDXM
KPB = SEQ // IDXM
IROWS = BPW // IDXM
SCALE = 8.0
NBUF = 3


def _pos_pattern() -> jax.Array:
    position = np.arange(SEQ)[:, np.newaxis]
    k = np.arange(D)[np.newaxis, :]
    i = k // 2
    angle_rates = 1 / np.power(10000, 2 * i / np.float32(D))
    angle_rads = position * angle_rates
    angle_rads[:, 0::2] = np.sin(angle_rads[:, 0::2])
    angle_rads[:, 1::2] = np.cos(angle_rads[:, 1::2])
    return jnp.asarray(angle_rads.astype(np.float32))


def _make_mesh():
    return plsc.VectorSubcoreMesh(
        core_axis_name="c", subcore_axis_name="s",
        num_cores=NC, num_subcores=NS)


def _emb_body(x_hbm, table_hbm, pos_hbm, out_hbm,
              idx_v, rows0, rows1, rows2, pos_v,
              sg0, sg1, sg2, ss0, ss1, ss2):
    wid = lax.axis_index("s") * NC + lax.axis_index("c")
    bbase = wid * (BPW // SEQ)
    rows = (rows0, rows1, rows2)
    sg = (sg0, sg1, sg2)
    ss = (ss0, ss1, ss2)

    pltpu.sync_copy(pos_hbm, pos_v)
    pltpu.sync_copy(x_hbm.at[pl.ds(wid * IROWS, IROWS)], idx_v)

    def fire_gathers(g, buf, sem):
        for j in range(NSUB):
            pltpu.make_async_copy(
                table_hbm.at[idx_v.at[g * NSUB + j]],
                buf.at[j // KPB, pl.ds((j % KPB) * IDXM, IDXM)],
                sem).start()

    def drain_gathers(g, buf, sem):
        for j in range(NSUB):
            pltpu.make_async_copy(
                table_hbm.at[idx_v.at[g * NSUB + j]],
                buf.at[j // KPB, pl.ds((j % KPB) * IDXM, IDXM)],
                sem).wait()

    def fire_scatter(g, buf, sem):
        pltpu.make_async_copy(
            buf, out_hbm.at[pl.ds(bbase + g * CB, CB)], sem).start()

    def wait_scatter(g, buf, sem):
        pltpu.make_async_copy(
            buf, out_hbm.at[pl.ds(bbase + g * CB, CB)], sem).wait()

    def fma(buf):
        def fma_body(r, _):
            for j in range(D // 16):
                sl = pl.ds(j * 16, 16)
                p = pos_v[r, sl]
                for q in range(CB):
                    buf[q, r, sl] = buf[q, r, sl] * SCALE + p
            return ()
        lax.fori_loop(0, SEQ, fma_body, (), unroll=4)

    def step(g, b):
        nb = (b + 1) % NBUF

        @pl.when(g >= NBUF - 1)
        def _wait_prev_scatter():
            wait_scatter(g - (NBUF - 1), rows[nb], ss[nb])

        @pl.when(g + 1 < NCHUNK)
        def _fire_next_gather():
            fire_gathers(g + 1, rows[nb], sg[nb])

        drain_gathers(g, rows[b], sg[b])
        fma(rows[b])
        fire_scatter(g, rows[b], ss[b])

    fire_gathers(0, rows0, sg0)

    def outer(i, _):
        g0 = i * NBUF
        for b in range(NBUF):
            step(g0 + b, b)
        return ()
    nfull = (NCHUNK // NBUF) * NBUF
    lax.fori_loop(0, NCHUNK // NBUF, outer, ())

    for g in range(nfull, NCHUNK):
        step(g, g % NBUF)

    for g in range(NCHUNK - (NBUF - 1), NCHUNK):
        wait_scatter(g, rows[g % NBUF], ss[g % NBUF])


@jax.jit
def kernel(x, table):
    x_flat = x.reshape(B // IDXM, IDXM)
    pos_pat = _pos_pattern()
    return pl.kernel(
        _emb_body,
        out_type=jax.ShapeDtypeStruct((BATCH, SEQ, D), jnp.float32),
        mesh=_make_mesh(),
        scratch_types=[
            pltpu.VMEM((IROWS, IDXM), jnp.int32),
            pltpu.VMEM((CB, SEQ, D), jnp.float32),
            pltpu.VMEM((CB, SEQ, D), jnp.float32),
            pltpu.VMEM((CB, SEQ, D), jnp.float32),
            pltpu.VMEM((SEQ, D), jnp.float32),
            pltpu.SemaphoreType.DMA,
            pltpu.SemaphoreType.DMA,
            pltpu.SemaphoreType.DMA,
            pltpu.SemaphoreType.DMA,
            pltpu.SemaphoreType.DMA,
            pltpu.SemaphoreType.DMA,
        ],
        compiler_params=pltpu.CompilerParams(use_tc_tiling_on_sc=False),
    )(x_flat, table, pos_pat)

# --- scband reference (transcript-rebuilt; emitter-appended) ---
"""Pipeline reference for scband-positional-embedding-19464791785846 (READ-ONLY COPY).

The authoritative reference and input builder live on the scoring server;
editing this copy changes nothing except your own understanding.
"""

import jax, jax.numpy as jnp
import numpy as np

VOCAB = 1000000
D_MODEL = 64
POSITIONS = 256
BATCH = 4096
SEQ = 200


def _positional_embedding(positions, d_model):
    if d_model % 2 == 1:
        d_model += 1
    position = np.arange(positions)[:, np.newaxis]
    k = np.arange(d_model)[np.newaxis, :]
    i = k // 2
    angle_rates = 1 / np.power(10000, 2 * i / np.float32(d_model))
    angle_rads = position * angle_rates
    angle_rads[:, 0::2] = np.sin(angle_rads[:, 0::2])
    angle_rads[:, 1::2] = np.cos(angle_rads[:, 1::2])
    pos_encoding = angle_rads[np.newaxis, ...]
    return jnp.asarray(pos_encoding, dtype=jnp.float32)


def setup_inputs(seed: int = 0) -> dict:
    key = jax.random.key(seed)
    k1, k2 = jax.random.split(key)
    x = jax.random.randint(k1, (BATCH, SEQ), 0, VOCAB, dtype=jnp.int32)
    # learned embedding table (keras Embedding default: uniform init)
    table = jax.random.uniform(k2, (VOCAB, D_MODEL), dtype=jnp.float32, minval=-0.05, maxval=0.05)
    return {"x": x, "table": table}


def reference(x, table):
    pos = _positional_embedding(POSITIONS, D_MODEL)
    length = x.shape[1]
    emb = jnp.take(table, x, axis=0)
    emb = emb * jnp.sqrt(jnp.asarray(D_MODEL, dtype=jnp.float32))
    out = emb + pos[:, :length, :]
    return out

if __name__ == "__main__":
    import jax
    _d = setup_inputs()
    print(jax.jit(kernel)(*tuple(_d.values())))

</pallas_src>

<mosaic_0001>
#map = affine_map<(d0, d1) -> (0, 0)>
#map1 = affine_map<(d0, d1) -> (0, 0, 0)>
module attributes {stable_mosaic.version = 14 : i64} {
  func.func @_emb_body(%arg0: i32, %arg1: i32, %arg2: memref<8192x100xi32, #tpu.memory_space<hbm>>, %arg3: memref<1000000x64xf32, #tpu.memory_space<hbm>>, %arg4: memref<200x64xf32, #tpu.memory_space<hbm>>, %arg5: memref<4096x200x64xf32, #tpu.memory_space<hbm>>, %arg6: memref<256x100xi32, #tpu.memory_space<vmem>>, %arg7: memref<2x200x64xf32, #tpu.memory_space<vmem>>, %arg8: memref<2x200x64xf32, #tpu.memory_space<vmem>>, %arg9: memref<2x200x64xf32, #tpu.memory_space<vmem>>, %arg10: memref<200x64xf32, #tpu.memory_space<vmem>>, %arg11: memref<!tpu.dma_semaphore, #tpu.memory_space<semaphore_mem>>, %arg12: memref<!tpu.dma_semaphore, #tpu.memory_space<semaphore_mem>>, %arg13: memref<!tpu.dma_semaphore, #tpu.memory_space<semaphore_mem>>, %arg14: memref<!tpu.dma_semaphore, #tpu.memory_space<semaphore_mem>>, %arg15: memref<!tpu.dma_semaphore, #tpu.memory_space<semaphore_mem>>, %arg16: memref<!tpu.dma_semaphore, #tpu.memory_space<semaphore_mem>>) attributes {dimension_semantics = [#tpu.dimension_semantics<core_parallel>, #tpu.dimension_semantics<subcore_parallel>], iteration_bounds = array<i64: 2, 16>, scalar_prefetch = 0 : i64, scratch_operands = 11 : i64, tpu.core_type = #tpu.core_type<sc_vector_subcore>, window_params = [{transform_indices = #map}, {transform_indices = #map}, {transform_indices = #map}, {transform_indices = #map1}]} {
    %mul3A = arith.constant 2 : i32
    %mul3A_0 = arith.muli %arg1, %mul3A : i32
    %add3A = arith.addi %mul3A_0, %arg0 : i32
    %mul3A_1 = arith.constant 128 : i32
    %mul3A_2 = arith.muli %add3A, %mul3A_1 : i32
    "tpu.region"() ({
      %run_scoped3A = tpu.sem_alloc : memref<!tpu.dma_semaphore, #tpu.memory_space<semaphore_mem>>
      tpu.enqueue_dma source(%arg4 : memref<200x64xf32, #tpu.memory_space<hbm>>) target(%arg10 : memref<200x64xf32, #tpu.memory_space<vmem>>) target_semaphore(%run_scoped3A : memref<!tpu.dma_semaphore, #tpu.memory_space<semaphore_mem>>)
      tpu.wait_dma2 semaphore(%run_scoped3A : memref<!tpu.dma_semaphore, #tpu.memory_space<semaphore_mem>>) src(%arg4 : memref<200x64xf32, #tpu.memory_space<hbm>>) dst(%arg10 : memref<200x64xf32, #tpu.memory_space<vmem>>)
      tpu.yield
    }) : () -> ()
    %mul3A_3 = arith.constant 256 : i32
    %mul3A_4 = arith.muli %add3A, %mul3A_3 : i32
    "tpu.region"() ({
      %run_scoped3A = tpu.sem_alloc : memref<!tpu.dma_semaphore, #tpu.memory_space<semaphore_mem>>
      %dma_start3A_140 = arith.constant 0 : i32
      %dma_start3A_141 = tpu.memref_slice %arg2[%mul3A_4, %dma_start3A_140] : memref<8192x100xi32, #tpu.memory_space<hbm>> -> memref<256x100xi32, #tpu.memory_space<hbm>>
      %dma_start3A_142 = arith.constant 0 : i32
      %dma_start3A_143 = tpu.memref_slice %arg2[%mul3A_4, %dma_start3A_142] : memref<8192x100xi32, #tpu.memory_space<hbm>> -> memref<256x100xi32, #tpu.memory_space<hbm>>
      tpu.enqueue_dma source(%dma_start3A_143 : memref<256x100xi32, #tpu.memory_space<hbm>>) target(%arg6 : memref<256x100xi32, #tpu.memory_space<vmem>>) target_semaphore(%run_scoped3A : memref<!tpu.dma_semaphore, #tpu.memory_space<semaphore_mem>>)
      %dma_wait3A_144 = arith.constant 0 : i32
      %dma_wait3A_145 = tpu.memref_slice %arg2[%mul3A_4, %dma_wait3A_144] : memref<8192x100xi32, #tpu.memory_space<hbm>> -> memref<256x100xi32, #tpu.memory_space<hbm>>
      %dma_wait3A_146 = arith.constant 0 : i32
      %dma_wait3A_147 = tpu.memref_slice %arg2[%mul3A_4, %dma_wait3A_146] : memref<8192x100xi32, #tpu.memory_space<hbm>> -> memref<256x100xi32, #tpu.memory_space<hbm>>
      tpu.wait_dma2 semaphore(%run_scoped3A : memref<!tpu.dma_semaphore, #tpu.memory_space<semaphore_mem>>) src(%dma_wait3A_147 : memref<256x100xi32, #tpu.memory_space<hbm>>) dst(%arg6 : memref<256x100xi32, #tpu.memory_space<vmem>>)
      tpu.yield
    }) : () -> ()
    %dma_start3A = arith.constant 0 : i32
    %dma_start3A_5 = arith.constant 0 : i32
    %dma_start3A_6 = arith.constant 0 : i32
    %dma_start3A_7 = arith.constant 0 : i32
    %dma_start3A_8 = tpu.memref_slice %arg7[%dma_start3A_5, %dma_start3A_6, %dma_start3A_7] : memref<2x200x64xf32, #tpu.memory_space<vmem>> -> memref<1x100x64xf32, #tpu.memory_space<vmem>>
    %dma_start3A_9 = tpu.memref_squeeze %dma_start3A_8 : memref<1x100x64xf32, #tpu.memory_space<vmem>> -> memref<100x64xf32, #tpu.memory_space<vmem>>
    %dma_start3A_10 = arith.constant 0 : i32
    %dma_start3A_11 = tpu.memref_slice %arg6[%dma_start3A, %dma_start3A_10] : memref<256x100xi32, #tpu.memory_space<vmem>> -> memref<1x100xi32, #tpu.memory_space<vmem>>
    %dma_start3A_12 = tpu.memref_squeeze %dma_start3A_11 : memref<1x100xi32, #tpu.memory_space<vmem>> -> memref<100xi32, #tpu.memory_space<vmem>>
    %dma_start3A_13 = arith.constant 0 : i32
    %dma_start3A_14 = arith.constant 0 : i32
    %dma_start3A_15 = tpu.memref_slice %arg3[%dma_start3A_13, %dma_start3A_14] : memref<1000000x64xf32, #tpu.memory_space<hbm>> -> memref<1000000x64xf32, #tpu.memory_space<hbm>>
    tpu.enqueue_indirect_dma source(%dma_start3A_15 : memref<1000000x64xf32, #tpu.memory_space<hbm>>) target(%dma_start3A_9 : memref<100x64xf32, #tpu.memory_space<vmem>>) offsets(%dma_start3A_12 : memref<100xi32, #tpu.memory_space<vmem>>) semaphore(%arg11 : memref<!tpu.dma_semaphore, #tpu.memory_space<semaphore_mem>>)
    %dma_start3A_16 = arith.constant 1 : i32
    %dma_start3A_17 = arith.constant 0 : i32
    %dma_start3A_18 = arith.constant 100 : i32
    %dma_start3A_19 = arith.constant 0 : i32
    %dma_start3A_20 = tpu.memref_slice %arg7[%dma_start3A_17, %dma_start3A_18, %dma_start3A_19] : memref<2x200x64xf32, #tpu.memory_space<vmem>> -> memref<1x100x64xf32, #tpu.memory_space<vmem>>
    %dma_start3A_21 = tpu.memref_squeeze %dma_start3A_20 : memref<1x100x64xf32, #tpu.memory_space<vmem>> -> memref<100x64xf32, #tpu.memory_space<vmem>>
    %dma_start3A_22 = arith.constant 0 : i32
    %dma_start3A_23 = tpu.memref_slice %arg6[%dma_start3A_16, %dma_start3A_22] : memref<256x100xi32, #tpu.memory_space<vmem>> -> memref<1x100xi32, #tpu.memory_space<vmem>>
    %dma_start3A_24 = tpu.memref_squeeze %dma_start3A_23 : memref<1x100xi32, #tpu.memory_space<vmem>> -> memref<100xi32, #tpu.memory_space<vmem>>
    %dma_start3A_25 = arith.constant 0 : i32
    %dma_start3A_26 = arith.constant 0 : i32
    %dma_start3A_27 = tpu.memref_slice %arg3[%dma_start3A_25, %dma_start3A_26] : memref<1000000x64xf32, #tpu.memory_space<hbm>> -> memref<1000000x64xf32, #tpu.memory_space<hbm>>
    tpu.enqueue_indirect_dma source(%dma_start3A_27 : memref<1000000x64xf32, #tpu.memory_space<hbm>>) target(%dma_start3A_21 : memref<100x64xf32, #tpu.memory_space<vmem>>) offsets(%dma_start3A_24 : memref<100xi32, #tpu.memory_space<vmem>>) semaphore(%arg11 : memref<!tpu.dma_semaphore, #tpu.memory_space<semaphore_mem>>)
    %dma_start3A_28 = arith.constant 2 : i32
    %dma_start3A_29 = arith.constant 1 : i32
    %dma_start3A_30 = arith.constant 0 : i32
    %dma_start3A_31 = arith.constant 0 : i32
    %dma_start3A_32 = tpu.memref_slice %arg7[%dma_start3A_29, %dma_start3A_30, %dma_start3A_31] : memref<2x200x64xf32, #tpu.memory_space<vmem>> -> memref<1x100x64xf32, #tpu.memory_space<vmem>>
    %dma_start3A_33 = tpu.memref_squeeze %dma_start3A_32 : memref<1x100x64xf32, #tpu.memory_space<vmem>> -> memref<100x64xf32, #tpu.memory_space<vmem>>
    %dma_start3A_34 = arith.constant 0 : i32
    %dma_start3A_35 = tpu.memref_slice %arg6[%dma_start3A_28, %dma_start3A_34] : memref<256x100xi32, #tpu.memory_space<vmem>> -> memref<1x100xi32, #tpu.memory_space<vmem>>
    %dma_start3A_36 = tpu.memref_squeeze %dma_start3A_35 : memref<1x100xi32, #tpu.memory_space<vmem>> -> memref<100xi32, #tpu.memory_space<vmem>>
    %dma_start3A_37 = arith.constant 0 : i32
    %dma_start3A_38 = arith.constant 0 : i32
    %dma_start3A_39 = tpu.memref_slice %arg3[%dma_start3A_37, %dma_start3A_38] : memref<1000000x64xf32, #tpu.memory_space<hbm>> -> memref<1000000x64xf32, #tpu.memory_space<hbm>>
    tpu.enqueue_indirect_dma source(%dma_start3A_39 : memref<1000000x64xf32, #tpu.memory_space<hbm>>) target(%dma_start3A_33 : memref<100x64xf32, #tpu.memory_space<vmem>>) offsets(%dma_start3A_36 : memref<100xi32, #tpu.memory_space<vmem>>) semaphore(%arg11 : memref<!tpu.dma_semaphore, #tpu.memory_space<semaphore_mem>>)
    %dma_start3A_40 = arith.constant 3 : i32
    %dma_start3A_41 = arith.constant 1 : i32
    %dma_start3A_42 = arith.constant 100 : i32
    %dma_start3A_43 = arith.constant 0 : i32
    %dma_start3A_44 = tpu.memref_slice %arg7[%dma_start3A_41, %dma_start3A_42, %dma_start3A_43] : memref<2x200x64xf32, #tpu.memory_space<vmem>> -> memref<1x100x64xf32, #tpu.memory_space<vmem>>
    %dma_start3A_45 = tpu.memref_squeeze %dma_start3A_44 : memref<1x100x64xf32, #tpu.memory_space<vmem>> -> memref<100x64xf32, #tpu.memory_space<vmem>>
    %dma_start3A_46 = arith.constant 0 : i32
    %dma_start3A_47 = tpu.memref_slice %arg6[%dma_start3A_40, %dma_start3A_46] : memref<256x100xi32, #tpu.memory_space<vmem>> -> memref<1x100xi32, #tpu.memory_space<vmem>>
    %dma_start3A_48 = tpu.memref_squeeze %dma_start3A_47 : memref<1x100xi32, #tpu.memory_space<vmem>> -> memref<100xi32, #tpu.memory_space<vmem>>
    %dma_start3A_49 = arith.constant 0 : i32
    %dma_start3A_50 = arith.constant 0 : i32
    %dma_start3A_51 = tpu.memref_slice %arg3[%dma_start3A_49, %dma_start3A_50] : memref<1000000x64xf32, #tpu.memory_space<hbm>> -> memref<1000000x64xf32, #tpu.memory_space<hbm>>
    tpu.enqueue_indirect_dma source(%dma_start3A_51 : memref<1000000x64xf32, #tpu.memory_space<hbm>>) target(%dma_start3A_45 : memref<100x64xf32, #tpu.memory_space<vmem>>) offsets(%dma_start3A_48 : memref<100xi32, #tpu.memory_space<vmem>>) semaphore(%arg11 : memref<!tpu.dma_semaphore, #tpu.memory_space<semaphore_mem>>)
    %scan3A = arith.constant 0 : i32
    %scan3A_52 = arith.constant 21 : i32
    %scan3A_53 = arith.addi %scan3A, %scan3A_52 : i32
    %scan3A_54 = arith.constant 1 : i32
    scf.for %scan3A_140 = %scan3A to %scan3A_53 step %scan3A_54  : i32 {
      %mul3A_141 = arith.constant 3 : i32
      %mul3A_142 = arith.muli %scan3A_140, %mul3A_141 : i32
      %add3A_143 = arith.constant 0 : i32
      %add3A_144 = arith.addi %mul3A_142, %add3A_143 : i32
      %ge3A = arith.constant 2 : i32
      %ge3A_145 = arith.cmpi sge, %add3A_144, %ge3A : i32
      %convert_element_type3A = arith.extui %ge3A_145 : i1 to i32
      %cond3A = arith.constant 0 : i32
      %cond3A_146 = arith.cmpi ne, %convert_element_type3A, %cond3A : i32
      scf.if %cond3A_146 {
        %sub3A = arith.constant 2 : i32
        %sub3A_403 = arith.subi %add3A_144, %sub3A : i32
        %mul3A_404 = arith.constant 2 : i32
        %mul3A_405 = arith.muli %sub3A_403, %mul3A_404 : i32
        %add3A_406 = arith.addi %mul3A_2, %mul3A_405 : i32
        %dma_wait3A_407 = arith.constant 0 : i32
        %dma_wait3A_408 = arith.constant 0 : i32
        %dma_wait3A_409 = tpu.memref_slice %arg5[%add3A_406, %dma_wait3A_407, %dma_wait3A_408] : memref<4096x200x64xf32, #tpu.memory_space<hbm>> -> memref<2x200x64xf32, #tpu.memory_space<hbm>>
        %dma_wait3A_410 = arith.constant 0 : i32
        %dma_wait3A_411 = arith.constant 0 : i32
        %dma_wait3A_412 = tpu.memref_slice %arg5[%add3A_406, %dma_wait3A_410, %dma_wait3A_411] : memref<4096x200x64xf32, #tpu.memory_space<hbm>> -> memref<2x200x64xf32, #tpu.memory_space<hbm>>
        tpu.wait_dma2 semaphore(%arg15 : memref<!tpu.dma_semaphore, #tpu.memory_space<semaphore_mem>>) src(%arg8 : memref<2x200x64xf32, #tpu.memory_space<vmem>>) dst(%dma_wait3A_412 : memref<2x200x64xf32, #tpu.memory_space<hbm>>)
      } else {
      }
      %add3A_147 = arith.constant 1 : i32
      %add3A_148 = arith.addi %add3A_144, %add3A_147 : i32
      %lt3A = arith.constant 64 : i32
      %lt3A_149 = arith.cmpi slt, %add3A_148, %lt3A : i32
      %convert_element_type3A_150 = arith.extui %lt3A_149 : i1 to i32
      %cond3A_151 = arith.constant 0 : i32
      %cond3A_152 = arith.cmpi ne, %convert_element_type3A_150, %cond3A_151 : i32
      scf.if %cond3A_152 {
        %add3A_403 = arith.constant 1 : i32
        %add3A_404 = arith.addi %add3A_144, %add3A_403 : i32
        %mul3A_405 = arith.constant 4 : i32
        %mul3A_406 = arith.muli %add3A_404, %mul3A_405 : i32
        %add3A_407 = arith.constant 0 : i32
        %add3A_408 = arith.addi %mul3A_406, %add3A_407 : i32
        %dma_start3A_409 = arith.constant 0 : i32
        %dma_start3A_410 = arith.constant 0 : i32
        %dma_start3A_411 = arith.constant 0 : i32
        %dma_start3A_412 = tpu.memref_slice %arg8[%dma_start3A_409, %dma_start3A_410, %dma_start3A_411] : memref<2x200x64xf32, #tpu.memory_space<vmem>> -> memref<1x100x64xf32, #tpu.memory_space<vmem>>
        %dma_start3A_413 = tpu.memref_squeeze %dma_start3A_412 : memref<1x100x64xf32, #tpu.memory_space<vmem>> -> memref<100x64xf32, #tpu.memory_space<vmem>>
        %dma_start3A_414 = arith.constant 0 : i32
        %dma_start3A_415 = tpu.memref_slice %arg6[%add3A_408, %dma_start3A_414] : memref<256x100xi32, #tpu.memory_space<vmem>> -> memref<1x100xi32, #tpu.memory_space<vmem>>
        %dma_start3A_416 = tpu.memref_squeeze %dma_start3A_415 : memref<1x100xi32, #tpu.memory_space<vmem>> -> memref<100xi32, #tpu.memory_space<vmem>>
        %dma_start3A_417 = arith.constant 0 : i32
        %dma_start3A_418 = arith.constant 0 : i32
        %dma_start3A_419 = tpu.memref_slice %arg3[%dma_start3A_417, %dma_start3A_418] : memref<1000000x64xf32, #tpu.memory_space<hbm>> -> memref<1000000x64xf32, #tpu.memory_space<hbm>>
        tpu.enqueue_indirect_dma source(%dma_start3A_419 : memref<1000000x64xf32, #tpu.memory_space<hbm>>) target(%dma_start3A_413 : memref<100x64xf32, #tpu.memory_space<vmem>>) offsets(%dma_start3A_416 : memref<100xi32, #tpu.memory_space<vmem>>) semaphore(%arg12 : memref<!tpu.dma_semaphore, #tpu.memory_space<semaphore_mem>>)
        %mul3A_420 = arith.constant 4 : i32
        %mul3A_421 = arith.muli %add3A_404, %mul3A_420 : i32
        %add3A_422 = arith.constant 1 : i32
        %add3A_423 = arith.addi %mul3A_421, %add3A_422 : i32
        %dma_start3A_424 = arith.constant 0 : i32
        %dma_start3A_425 = arith.constant 100 : i32
        %dma_start3A_426 = arith.constant 0 : i32
        %dma_start3A_427 = tpu.memref_slice %arg8[%dma_start3A_424, %dma_start3A_425, %dma_start3A_426] : memref<2x200x64xf32, #tpu.memory_space<vmem>> -> memref<1x100x64xf32, #tpu.memory_space<vmem>>
        %dma_start3A_428 = tpu.memref_squeeze %dma_start3A_427 : memref<1x100x64xf32, #tpu.memory_space<vmem>> -> memref<100x64xf32, #tpu.memory_space<vmem>>
        %dma_start3A_429 = arith.constant 0 : i32
        %dma_start3A_430 = tpu.memref_slice %arg6[%add3A_423, %dma_start3A_429] : memref<256x100xi32, #tpu.memory_space<vmem>> -> memref<1x100xi32, #tpu.memory_space<vmem>>
        %dma_start3A_431 = tpu.memref_squeeze %dma_start3A_430 : memref<1x100xi32, #tpu.memory_space<vmem>> -> memref<100xi32, #tpu.memory_space<vmem>>
        %dma_start3A_432 = arith.constant 0 : i32
        %dma_start3A_433 = arith.constant 0 : i32
        %dma_start3A_434 = tpu.memref_slice %arg3[%dma_start3A_432, %dma_start3A_433] : memref<1000000x64xf32, #tpu.memory_space<hbm>> -> memref<1000000x64xf32, #tpu.memory_space<hbm>>
        tpu.enqueue_indirect_dma source(%dma_start3A_434 : memref<1000000x64xf32, #tpu.memory_space<hbm>>) target(%dma_start3A_428 : memref<100x64xf32, #tpu.memory_space<vmem>>) offsets(%dma_start3A_431 : memref<100xi32, #tpu.memory_space<vmem>>) semaphore(%arg12 : memref<!tpu.dma_semaphore, #tpu.memory_space<semaphore_mem>>)
        %mul3A_435 = arith.constant 4 : i32
        %mul3A_436 = arith.muli %add3A_404, %mul3A_435 : i32
        %add3A_437 = arith.constant 2 : i32
        %add3A_438 = arith.addi %mul3A_436, %add3A_437 : i32
        %dma_start3A_439 = arith.constant 1 : i32
        %dma_start3A_440 = arith.constant 0 : i32
        %dma_start3A_441 = arith.constant 0 : i32
        %dma_start3A_442 = tpu.memref_slice %arg8[%dma_start3A_439, %dma_start3A_440, %dma_start3A_441] : memref<2x200x64xf32, #tpu.memory_space<vmem>> -> memref<1x100x64xf32, #tpu.memory_space<vmem>>
        %dma_start3A_443 = tpu.memref_squeeze %dma_start3A_442 : memref<1x100x64xf32, #tpu.memory_space<vmem>> -> memref<100x64xf32, #tpu.memory_space<vmem>>
        %dma_start3A_444 = arith.constant 0 : i32
        %dma_start3A_445 = tpu.memref_slice %arg6[%add3A_438, %dma_start3A_444] : memref<256x100xi32, #tpu.memory_space<vmem>> -> memref<1x100xi32, #tpu.memory_space<vmem>>
        %dma_start3A_446 = tpu.memref_squeeze %dma_start3A_445 : memref<1x100xi32, #tpu.memory_space<vmem>> -> memref<100xi32, #tpu.memory_space<vmem>>
        %dma_start3A_447 = arith.constant 0 : i32
        %dma_start3A_448 = arith.constant 0 : i32
        %dma_start3A_449 = tpu.memref_slice %arg3[%dma_start3A_447, %dma_start3A_448] : memref<1000000x64xf32, #tpu.memory_space<hbm>> -> memref<1000000x64xf32, #tpu.memory_space<hbm>>
        tpu.enqueue_indirect_dma source(%dma_start3A_449 : memref<1000000x64xf32, #tpu.memory_space<hbm>>) target(%dma_start3A_443 : memref<100x64xf32, #tpu.memory_space<vmem>>) offsets(%dma_start3A_446 : memref<100xi32, #tpu.memory_space<vmem>>) semaphore(%arg12 : memref<!tpu.dma_semaphore, #tpu.memory_space<semaphore_mem>>)
        %mul3A_450 = arith.constant 4 : i32
        %mul3A_451 = arith.muli %add3A_404, %mul3A_450 : i32
        %add3A_452 = arith.constant 3 : i32
        %add3A_453 = arith.addi %mul3A_451, %add3A_452 : i32
        %dma_start3A_454 = arith.constant 1 : i32
        %dma_start3A_455 = arith.constant 100 : i32
        %dma_start3A_456 = arith.constant 0 : i32
        %dma_start3A_457 = tpu.memref_slice %arg8[%dma_start3A_454, %dma_start3A_455, %dma_start3A_456] : memref<2x200x64xf32, #tpu.memory_space<vmem>> -> memref<1x100x64xf32, #tpu.memory_space<vmem>>
        %dma_start3A_458 = tpu.memref_squeeze %dma_start3A_457 : memref<1x100x64xf32, #tpu.memory_space<vmem>> -> memref<100x64xf32, #tpu.memory_space<vmem>>
        %dma_start3A_459 = arith.constant 0 : i32
        %dma_start3A_460 = tpu.memref_slice %arg6[%add3A_453, %dma_start3A_459] : memref<256x100xi32, #tpu.memory_space<vmem>> -> memref<1x100xi32, #tpu.memory_space<vmem>>
        %dma_start3A_461 = tpu.memref_squeeze %dma_start3A_460 : memref<1x100xi32, #tpu.memory_space<vmem>> -> memref<100xi32, #tpu.memory_space<vmem>>
        %dma_start3A_462 = arith.constant 0 : i32
        %dma_start3A_463 = arith.constant 0 : i32
        %dma_start3A_464 = tpu.memref_slice %arg3[%dma_start3A_462, %dma_start3A_463] : memref<1000000x64xf32, #tpu.memory_space<hbm>> -> memref<1000000x64xf32, #tpu.memory_space<hbm>>
        tpu.enqueue_indirect_dma source(%dma_start3A_464 : memref<1000000x64xf32, #tpu.memory_space<hbm>>) target(%dma_start3A_458 : memref<100x64xf32, #tpu.memory_space<vmem>>) offsets(%dma_start3A_461 : memref<100xi32, #tpu.memory_space<vmem>>) semaphore(%arg12 : memref<!tpu.dma_semaphore, #tpu.memory_space<semaphore_mem>>)
      } else {
      }
      %mul3A_153 = arith.constant 4 : i32
      %mul3A_154 = arith.muli %add3A_144, %mul3A_153 : i32
      %add3A_155 = arith.constant 0 : i32
      %add3A_156 = arith.addi %mul3A_154, %add3A_155 : i32
      %dma_wait3A_157 = arith.constant 0 : i32
      %dma_wait3A_158 = arith.constant 0 : i32
      %dma_wait3A_159 = arith.constant 0 : i32
      %dma_wait3A_160 = tpu.memref_slice %arg7[%dma_wait3A_157, %dma_wait3A_158, %dma_wait3A_159] : memref<2x200x64xf32, #tpu.memory_space<vmem>> -> memref<1x100x64xf32, #tpu.memory_space<vmem>>
      %dma_wait3A_161 = tpu.memref_squeeze %dma_wait3A_160 : memref<1x100x64xf32, #tpu.memory_space<vmem>> -> memref<100x64xf32, #tpu.memory_space<vmem>>
      %dma_wait3A_162 = arith.constant 0 : i32
      %dma_wait3A_163 = tpu.memref_slice %arg6[%add3A_156, %dma_wait3A_162] : memref<256x100xi32, #tpu.memory_space<vmem>> -> memref<1x100xi32, #tpu.memory_space<vmem>>
      %dma_wait3A_164 = tpu.memref_squeeze %dma_wait3A_163 : memref<1x100xi32, #tpu.memory_space<vmem>> -> memref<100xi32, #tpu.memory_space<vmem>>
      %dma_wait3A_165 = arith.constant 0 : i32
      %dma_wait3A_166 = arith.constant 0 : i32
      %dma_wait3A_167 = tpu.memref_slice %arg3[%dma_wait3A_165, %dma_wait3A_166] : memref<1000000x64xf32, #tpu.memory_space<hbm>> -> memref<1000000x64xf32, #tpu.memory_space<hbm>>
      tpu.wait_indirect_dma semaphore(%arg11 : memref<!tpu.dma_semaphore, #tpu.memory_space<semaphore_mem>>) src(%dma_wait3A_167 : memref<1000000x64xf32, #tpu.memory_space<hbm>>) dst(%dma_wait3A_161 : memref<100x64xf32, #tpu.memory_space<vmem>>)
      %mul3A_168 = arith.constant 4 : i32
      %mul3A_169 = arith.muli %add3A_144, %mul3A_168 : i32
      %add3A_170 = arith.constant 1 : i32
      %add3A_171 = arith.addi %mul3A_169, %add3A_170 : i32
      %dma_wait3A_172 = arith.constant 0 : i32
      %dma_wait3A_173 = arith.constant 100 : i32
      %dma_wait3A_174 = arith.constant 0 : i32
      %dma_wait3A_175 = tpu.memref_slice %arg7[%dma_wait3A_172, %dma_wait3A_173, %dma_wait3A_174] : memref<2x200x64xf32, #tpu.memory_space<vmem>> -> memref<1x100x64xf32, #tpu.memory_space<vmem>>
      %dma_wait3A_176 = tpu.memref_squeeze %dma_wait3A_175 : memref<1x100x64xf32, #tpu.memory_space<vmem>> -> memref<100x64xf32, #tpu.memory_space<vmem>>
      %dma_wait3A_177 = arith.constant 0 : i32
      %dma_wait3A_178 = tpu.memref_slice %arg6[%add3A_171, %dma_wait3A_177] : memref<256x100xi32, #tpu.memory_space<vmem>> -> memref<1x100xi32, #tpu.memory_space<vmem>>
      %dma_wait3A_179 = tpu.memref_squeeze %dma_wait3A_178 : memref<1x100xi32, #tpu.memory_space<vmem>> -> memref<100xi32, #tpu.memory_space<vmem>>
      %dma_wait3A_180 = arith.constant 0 : i32
      %dma_wait3A_181 = arith.constant 0 : i32
      %dma_wait3A_182 = tpu.memref_slice %arg3[%dma_wait3A_180, %dma_wait3A_181] : memref<1000000x64xf32, #tpu.memory_space<hbm>> -> memref<1000000x64xf32, #tpu.memory_space<hbm>>
      tpu.wait_indirect_dma semaphore(%arg11 : memref<!tpu.dma_semaphore, #tpu.memory_space<semaphore_mem>>) src(%dma_wait3A_182 : memref<1000000x64xf32, #tpu.memory_space<hbm>>) dst(%dma_wait3A_176 : memref<100x64xf32, #tpu.memory_space<vmem>>)
      %mul3A_183 = arith.constant 4 : i32
      %mul3A_184 = arith.muli %add3A_144, %mul3A_183 : i32
      %add3A_185 = arith.constant 2 : i32
      %add3A_186 = arith.addi %mul3A_184, %add3A_185 : i32
      %dma_wait3A_187 = arith.constant 1 : i32
      %dma_wait3A_188 = arith.constant 0 : i32
      %dma_wait3A_189 = arith.constant 0 : i32
      %dma_wait3A_190 = tpu.memref_slice %arg7[%dma_wait3A_187, %dma_wait3A_188, %dma_wait3A_189] : memref<2x200x64xf32, #tpu.memory_space<vmem>> -> memref<1x100x64xf32, #tpu.memory_space<vmem>>
      %dma_wait3A_191 = tpu.memref_squeeze %dma_wait3A_190 : memref<1x100x64xf32, #tpu.memory_space<vmem>> -> memref<100x64xf32, #tpu.memory_space<vmem>>
      %dma_wait3A_192 = arith.constant 0 : i32
      %dma_wait3A_193 = tpu.memref_slice %arg6[%add3A_186, %dma_wait3A_192] : memref<256x100xi32, #tpu.memory_space<vmem>> -> memref<1x100xi32, #tpu.memory_space<vmem>>
      %dma_wait3A_194 = tpu.memref_squeeze %dma_wait3A_193 : memref<1x100xi32, #tpu.memory_space<vmem>> -> memref<100xi32, #tpu.memory_space<vmem>>
      %dma_wait3A_195 = arith.constant 0 : i32
      %dma_wait3A_196 = arith.constant 0 : i32
      %dma_wait3A_197 = tpu.memref_slice %arg3[%dma_wait3A_195, %dma_wait3A_196] : memref<1000000x64xf32, #tpu.memory_space<hbm>> -> memref<1000000x64xf32, #tpu.memory_space<hbm>>
      tpu.wait_indirect_dma semaphore(%arg11 : memref<!tpu.dma_semaphore, #tpu.memory_space<semaphore_mem>>) src(%dma_wait3A_197 : memref<1000000x64xf32, #tpu.memory_space<hbm>>) dst(%dma_wait3A_191 : memref<100x64xf32, #tpu.memory_space<vmem>>)
      %mul3A_198 = arith.constant 4 : i32
      %mul3A_199 = arith.muli %add3A_144, %mul3A_198 : i32
      %add3A_200 = arith.constant 3 : i32
      %add3A_201 = arith.addi %mul3A_199, %add3A_200 : i32
      %dma_wait3A_202 = arith.constant 1 : i32
      %dma_wait3A_203 = arith.constant 100 : i32
      %dma_wait3A_204 = arith.constant 0 : i32
      %dma_wait3A_205 = tpu.memref_slice %arg7[%dma_wait3A_202, %dma_wait3A_203, %dma_wait3A_204] : memref<2x200x64xf32, #tpu.memory_space<vmem>> -> memref<1x100x64xf32, #tpu.memory_space<vmem>>
      %dma_wait3A_206 = tpu.memref_squeeze %dma_wait3A_205 : memref<1x100x64xf32, #tpu.memory_space<vmem>> -> memref<100x64xf32, #tpu.memory_space<vmem>>
      %dma_wait3A_207 = arith.constant 0 : i32
      %dma_wait3A_208 = tpu.memref_slice %arg6[%add3A_201, %dma_wait3A_207] : memref<256x100xi32, #tpu.memory_space<vmem>> -> memref<1x100xi32, #tpu.memory_space<vmem>>
      %dma_wait3A_209 = tpu.memref_squeeze %dma_wait3A_208 : memref<1x100xi32, #tpu.memory_space<vmem>> -> memref<100xi32, #tpu.memory_space<vmem>>
      %dma_wait3A_210 = arith.constant 0 : i32
      %dma_wait3A_211 = arith.constant 0 : i32
      %dma_wait3A_212 = tpu.memref_slice %arg3[%dma_wait3A_210, %dma_wait3A_211] : memref<1000000x64xf32, #tpu.memory_space<hbm>> -> memref<1000000x64xf32, #tpu.memory_space<hbm>>
      tpu.wait_indirect_dma semaphore(%arg11 : memref<!tpu.dma_semaphore, #tpu.memory_space<semaphore_mem>>) src(%dma_wait3A_212 : memref<1000000x64xf32, #tpu.memory_space<hbm>>) dst(%dma_wait3A_206 : memref<100x64xf32, #tpu.memory_space<vmem>>)
      %scan3A_213 = arith.constant 0 : i32
      %scan3A_214 = arith.constant 200 : i32
      %scan3A_215 = arith.addi %scan3A_213, %scan3A_214 : i32
      %scan3A_216 = arith.constant 4 : i32
      scf.for %scan3A_403 = %scan3A_213 to %scan3A_215 step %scan3A_216  : i32 {
        %get3A = arith.index_cast %scan3A_403 : i32 to index
        %get3A_404 = arith.constant 0 : index
        %get3A_405 = tpu.vector_load %arg10[%get3A, %get3A_404] {strides = array<i32>} : memref<200x64xf32, #tpu.memory_space<vmem>>, vector<1x16xf32>,
        %get3A_406 = vector.shape_cast %get3A_405 : vector<1x16xf32> to vector<16xf32>
        %get3A_407 = arith.constant 0 : i32
        %get3A_408 = arith.index_cast %get3A_407 : i32 to index
        %get3A_409 = arith.index_cast %scan3A_403 : i32 to index
        %get3A_410 = arith.constant 0 : index
        %get3A_411 = tpu.vector_load %arg7[%get3A_408, %get3A_409, %get3A_410] {strides = array<i32>} : memref<2x200x64xf32, #tpu.memory_space<vmem>>, vector<1x1x16xf32>,
        %get3A_412 = vector.shape_cast %get3A_411 : vector<1x1x16xf32> to vector<16xf32>
        %mul3A_413 = arith.constant 8.000000e+00 : f32
        %mul3A_414 = vector.broadcast %mul3A_413 : f32 to vector<16xf32>
        %mul3A_415 = arith.mulf %get3A_412, %mul3A_414 : vector<16xf32>
        %add3A_416 = arith.addf %mul3A_415, %get3A_406 : vector<16xf32>
        %swap3A = arith.constant 0 : i32
        %swap3A_417 = arith.index_cast %swap3A : i32 to index
        %swap3A_418 = arith.index_cast %scan3A_403 : i32 to index
        %swap3A_419 = arith.constant 0 : index
        %swap3A_420 = tpu.vector_load %arg7[%swap3A_417, %swap3A_418, %swap3A_419] {strides = array<i32>} : memref<2x200x64xf32, #tpu.memory_space<vmem>>, vector<1x1x16xf32>,
        %swap3A_421 = vector.shape_cast %swap3A_420 : vector<1x1x16xf32> to vector<16xf32>
        %swap3A_422 = vector.shape_cast %add3A_416 : vector<16xf32> to vector<1x1x16xf32>
        tpu.vector_store %arg7[%swap3A_417, %swap3A_418, %swap3A_419], %swap3A_422 {strides = array<i32>} : memref<2x200x64xf32, #tpu.memory_space<vmem>>, vector<1x1x16xf32>,
        %get3A_423 = arith.constant 1 : i32
        %get3A_424 = arith.index_cast %get3A_423 : i32 to index
        %get3A_425 = arith.index_cast %scan3A_403 : i32 to index
        %get3A_426 = arith.constant 0 : index
        %get3A_427 = tpu.vector_load %arg7[%get3A_424, %get3A_425, %get3A_426] {strides = array<i32>} : memref<2x200x64xf32, #tpu.memory_space<vmem>>, vector<1x1x16xf32>,
        %get3A_428 = vector.shape_cast %get3A_427 : vector<1x1x16xf32> to vector<16xf32>
        %mul3A_429 = arith.constant 8.000000e+00 : f32
        %mul3A_430 = vector.broadcast %mul3A_429 : f32 to vector<16xf32>
        %mul3A_431 = arith.mulf %get3A_428, %mul3A_430 : vector<16xf32>
        %add3A_432 = arith.addf %mul3A_431, %get3A_406 : vector<16xf32>
        %swap3A_433 = arith.constant 1 : i32
        %swap3A_434 = arith.index_cast %swap3A_433 : i32 to index
        %swap3A_435 = arith.index_cast %scan3A_403 : i32 to index
        %swap3A_436 = arith.constant 0 : index
        %swap3A_437 = tpu.vector_load %arg7[%swap3A_434, %swap3A_435, %swap3A_436] {strides = array<i32>} : memref<2x200x64xf32, #tpu.memory_space<vmem>>, vector<1x1x16xf32>,
        %swap3A_438 = vector.shape_cast %swap3A_437 : vector<1x1x16xf32> to vector<16xf32>
        %swap3A_439 = vector.shape_cast %add3A_432 : vector<16xf32> to vector<1x1x16xf32>
        tpu.vector_store %arg7[%swap3A_434, %swap3A_435, %swap3A_436], %swap3A_439 {strides = array<i32>} : memref<2x200x64xf32, #tpu.memory_space<vmem>>, vector<1x1x16xf32>,
        %get3A_440 = arith.index_cast %scan3A_403 : i32 to index
        %get3A_441 = arith.constant 16 : index
        %get3A_442 = tpu.vector_load %arg10[%get3A_440, %get3A_441] {strides = array<i32>} : memref<200x64xf32, #tpu.memory_space<vmem>>, vector<1x16xf32>,
        %get3A_443 = vector.shape_cast %get3A_442 : vector<1x16xf32> to vector<16xf32>
        %get3A_444 = arith.constant 0 : i32
        %get3A_445 = arith.index_cast %get3A_444 : i32 to index
        %get3A_446 = arith.index_cast %scan3A_403 : i32 to index
        %get3A_447 = arith.constant 16 : index
        %get3A_448 = tpu.vector_load %arg7[%get3A_445, %get3A_446, %get3A_447] {strides = array<i32>} : memref<2x200x64xf32, #tpu.memory_space<vmem>>, vector<1x1x16xf32>,
        %get3A_449 = vector.shape_cast %get3A_448 : vector<1x1x16xf32> to vector<16xf32>
        %mul3A_450 = arith.constant 8.000000e+00 : f32
        %mul3A_451 = vector.broadcast %mul3A_450 : f32 to vector<16xf32>
        %mul3A_452 = arith.mulf %get3A_449, %mul3A_451 : vector<16xf32>
        %add3A_453 = arith.addf %mul3A_452, %get3A_443 : vector<16xf32>
        %swap3A_454 = arith.constant 0 : i32
        %swap3A_455 = arith.index_cast %swap3A_454 : i32 to index
        %swap3A_456 = arith.index_cast %scan3A_403 : i32 to index
        %swap3A_457 = arith.constant 16 : index
        %swap3A_458 = tpu.vector_load %arg7[%swap3A_455, %swap3A_456, %swap3A_457] {strides = array<i32>} : memref<2x200x64xf32, #tpu.memory_space<vmem>>, vector<1x1x16xf32>,
        %swap3A_459 = vector.shape_cast %swap3A_458 : vector<1x1x16xf32> to vector<16xf32>
        %swap3A_460 = vector.shape_cast %add3A_453 : vector<16xf32> to vector<1x1x16xf32>
        tpu.vector_store %arg7[%swap3A_455, %swap3A_456, %swap3A_457], %swap3A_460 {strides = array<i32>} : memref<2x200x64xf32, #tpu.memory_space<vmem>>, vector<1x1x16xf32>,
        %get3A_461 = arith.constant 1 : i32
        %get3A_462 = arith.index_cast %get3A_461 : i32 to index
        %get3A_463 = arith.index_cast %scan3A_403 : i32 to index
        %get3A_464 = arith.constant 16 : index
        %get3A_465 = tpu.vector_load %arg7[%get3A_462, %get3A_463, %get3A_464] {strides = array<i32>} : memref<2x200x64xf32, #tpu.memory_space<vmem>>, vector<1x1x16xf32>,
        %get3A_466 = vector.shape_cast %get3A_465 : vector<1x1x16xf32> to vector<16xf32>
        %mul3A_467 = arith.constant 8.000000e+00 : f32
        %mul3A_468 = vector.broadcast %mul3A_467 : f32 to vector<16xf32>
        %mul3A_469 = arith.mulf %get3A_466, %mul3A_468 : vector<16xf32>
        %add3A_470 = arith.addf %mul3A_469, %get3A_443 : vector<16xf32>
        %swap3A_471 = arith.constant 1 : i32
        %swap3A_472 = arith.index_cast %swap3A_471 : i32 to index
        %swap3A_473 = arith.index_cast %scan3A_403 : i32 to index
        %swap3A_474 = arith.constant 16 : index
        %swap3A_475 = tpu.vector_load %arg7[%swap3A_472, %swap3A_473, %swap3A_474] {strides = array<i32>} : memref<2x200x64xf32, #tpu.memory_space<vmem>>, vector<1x1x16xf32>,
        %swap3A_476 = vector.shape_cast %swap3A_475 : vector<1x1x16xf32> to vector<16xf32>
        %swap3A_477 = vector.shape_cast %add3A_470 : vector<16xf32> to vector<1x1x16xf32>
        tpu.vector_store %arg7[%swap3A_472, %swap3A_473, %swap3A_474], %swap3A_477 {strides = array<i32>} : memref<2x200x64xf32, #tpu.memory_space<vmem>>, vector<1x1x16xf32>,
        %get3A_478 = arith.index_cast %scan3A_403 : i32 to index
        %get3A_479 = arith.constant 32 : index
        %get3A_480 = tpu.vector_load %arg10[%get3A_478, %get3A_479] {strides = array<i32>} : memref<200x64xf32, #tpu.memory_space<vmem>>, vector<1x16xf32>,
        %get3A_481 = vector.shape_cast %get3A_480 : vector<1x16xf32> to vector<16xf32>
        %get3A_482 = arith.constant 0 : i32
        %get3A_483 = arith.index_cast %get3A_482 : i32 to index
        %get3A_484 = arith.index_cast %scan3A_403 : i32 to index
        %get3A_485 = arith.constant 32 : index
        %get3A_486 = tpu.vector_load %arg7[%get3A_483, %get3A_484, %get3A_485] {strides = array<i32>} : memref<2x200x64xf32, #tpu.memory_space<vmem>>, vector<1x1x16xf32>,
        %get3A_487 = vector.shape_cast %get3A_486 : vector<1x1x16xf32> to vector<16xf32>
        %mul3A_488 = arith.constant 8.000000e+00 : f32
        %mul3A_489 = vector.broadcast %mul3A_488 : f32 to vector<16xf32>
        %mul3A_490 = arith.mulf %get3A_487, %mul3A_489 : vector<16xf32>
        %add3A_491 = arith.addf %mul3A_490, %get3A_481 : vector<16xf32>
        %swap3A_492 = arith.constant 0 : i32
        %swap3A_493 = arith.index_cast %swap3A_492 : i32 to index
        %swap3A_494 = arith.index_cast %scan3A_403 : i32 to index
        %swap3A_495 = arith.constant 32 : index
        %swap3A_496 = tpu.vector_load %arg7[%swap3A_493, %swap3A_494, %swap3A_495] {strides = array<i32>} : memref<2x200x64xf32, #tpu.memory_space<vmem>>, vector<1x1x16xf32>,
        %swap3A_497 = vector.shape_cast %swap3A_496 : vector<1x1x16xf32> to vector<16xf32>
        %swap3A_498 = vector.shape_cast %add3A_491 : vector<16xf32> to vector<1x1x16xf32>
        tpu.vector_store %arg7[%swap3A_493, %swap3A_494, %swap3A_495], %swap3A_498 {strides = array<i32>} : memref<2x200x64xf32, #tpu.memory_space<vmem>>, vector<1x1x16xf32>,
        %get3A_499 = arith.constant 1 : i32
        %get3A_500 = arith.index_cast %get3A_499 : i32 to index
        %get3A_501 = arith.index_cast %scan3A_403 : i32 to index
        %get3A_502 = arith.constant 32 : index
        %get3A_503 = tpu.vector_load %arg7[%get3A_500, %get3A_501, %get3A_502] {strides = array<i32>} : memref<2x200x64xf32, #tpu.memory_space<vmem>>, vector<1x1x16xf32>,
        %get3A_504 = vector.shape_cast %get3A_503 : vector<1x1x16xf32> to vector<16xf32>
        %mul3A_505 = arith.constant 8.000000e+00 : f32
        %mul3A_506 = vector.broadcast %mul3A_505 : f32 to vector<16xf32>
        %mul3A_507 = arith.mulf %get3A_504, %mul3A_506 : vector<16xf32>
        %add3A_508 = arith.addf %mul3A_507, %get3A_481 : vector<16xf32>
        %swap3A_509 = arith.constant 1 : i32
        %swap3A_510 = arith.index_cast %swap3A_509 : i32 to index
        %swap3A_511 = arith.index_cast %scan3A_403 : i32 to index
        %swap3A_512 = arith.constant 32 : index
        %swap3A_513 = tpu.vector_load %arg7[%swap3A_510, %swap3A_511, %swap3A_512] {strides = array<i32>} : memref<2x200x64xf32, #tpu.memory_space<vmem>>, vector<1x1x16xf32>,
        %swap3A_514 = vector.shape_cast %swap3A_513 : vector<1x1x16xf32> to vector<16xf32>
        %swap3A_515 = vector.shape_cast %add3A_508 : vector<16xf32> to vector<1x1x16xf32>
        tpu.vector_store %arg7[%swap3A_510, %swap3A_511, %swap3A_512], %swap3A_515 {strides = array<i32>} : memref<2x200x64xf32, #tpu.memory_space<vmem>>, vector<1x1x16xf32>,
        %get3A_516 = arith.index_cast %scan3A_403 : i32 to index
        %get3A_517 = arith.constant 48 : index
        %get3A_518 = tpu.vector_load %arg10[%get3A_516, %get3A_517] {strides = array<i32>} : memref<200x64xf32, #tpu.memory_space<vmem>>, vector<1x16xf32>,
        %get3A_519 = vector.shape_cast %get3A_518 : vector<1x16xf32> to vector<16xf32>
        %get3A_520 = arith.constant 0 : i32
        %get3A_521 = arith.index_cast %get3A_520 : i32 to index
        %get3A_522 = arith.index_cast %scan3A_403 : i32 to index
        %get3A_523 = arith.constant 48 : index
        %get3A_524 = tpu.vector_load %arg7[%get3A_521, %get3A_522, %get3A_523] {strides = array<i32>} : memref<2x200x64xf32, #tpu.memory_space<vmem>>, vector<1x1x16xf32>,
        %get3A_525 = vector.shape_cast %get3A_524 : vector<1x1x16xf32> to vector<16xf32>
        %mul3A_526 = arith.constant 8.000000e+00 : f32
        %mul3A_527 = vector.broadcast %mul3A_526 : f32 to vector<16xf32>
        %mul3A_528 = arith.mulf %get3A_525, %mul3A_527 : vector<16xf32>
        %add3A_529 = arith.addf %mul3A_528, %get3A_519 : vector<16xf32>
        %swap3A_530 = arith.constant 0 : i32
        %swap3A_531 = arith.index_cast %swap3A_530 : i32 to index
        %swap3A_532 = arith.index_cast %scan3A_403 : i32 to index
        %swap3A_533 = arith.constant 48 : index
        %swap3A_534 = tpu.vector_load %arg7[%swap3A_531, %swap3A_532, %swap3A_533] {strides = array<i32>} : memref<2x200x64xf32, #tpu.memory_space<vmem>>, vector<1x1x16xf32>,
        %swap3A_535 = vector.shape_cast %swap3A_534 : vector<1x1x16xf32> to vector<16xf32>
        %swap3A_536 = vector.shape_cast %add3A_529 : vector<16xf32> to vector<1x1x16xf32>
        tpu.vector_store %arg7[%swap3A_531, %swap3A_532, %swap3A_533], %swap3A_536 {strides = array<i32>} : memref<2x200x64xf32, #tpu.memory_space<vmem>>, vector<1x1x16xf32>,
        %get3A_537 = arith.constant 1 : i32
        %get3A_538 = arith.index_cast %get3A_537 : i32 to index
        %get3A_539 = arith.index_cast %scan3A_403 : i32 to index
        %get3A_540 = arith.constant 48 : index
        %get3A_541 = tpu.vector_load %arg7[%get3A_538, %get3A_539, %get3A_540] {strides = array<i32>} : memref<2x200x64xf32, #tpu.memory_space<vmem>>, vector<1x1x16xf32>,
        %get3A_542 = vector.shape_cast %get3A_541 : vector<1x1x16xf32> to vector<16xf32>
        %mul3A_543 = arith.constant 8.000000e+00 : f32
        %mul3A_544 = vector.broadcast %mul3A_543 : f32 to vector<16xf32>
        %mul3A_545 = arith.mulf %get3A_542, %mul3A_544 : vector<16xf32>
        %add3A_546 = arith.addf %mul3A_545, %get3A_519 : vector<16xf32>
        %swap3A_547 = arith.constant 1 : i32
        %swap3A_548 = arith.index_cast %swap3A_547 : i32 to index
        %swap3A_549 = arith.index_cast %scan3A_403 : i32 to index
        %swap3A_550 = arith.constant 48 : index
        %swap3A_551 = tpu.vector_load %arg7[%swap3A_548, %swap3A_549, %swap3A_550] {strides = array<i32>} : memref<2x200x64xf32, #tpu.memory_space<vmem>>, vector<1x1x16xf32>,
        %swap3A_552 = vector.shape_cast %swap3A_551 : vector<1x1x16xf32> to vector<16xf32>
        %swap3A_553 = vector.shape_cast %add3A_546 : vector<16xf32> to vector<1x1x16xf32>
        tpu.vector_store %arg7[%swap3A_548, %swap3A_549, %swap3A_550], %swap3A_553 {strides = array<i32>} : memref<2x200x64xf32, #tpu.memory_space<vmem>>, vector<1x1x16xf32>,
        %scan3A_554 = arith.constant 1 : i32
        %scan3A_555 = arith.addi %scan3A_403, %scan3A_554 : i32
        %get3A_556 = arith.index_cast %scan3A_555 : i32 to index
        %get3A_557 = arith.constant 0 : index
        %get3A_558 = tpu.vector_load %arg10[%get3A_556, %get3A_557] {strides = array<i32>} : memref<200x64xf32, #tpu.memory_space<vmem>>, vector<1x16xf32>,
        %get3A_559 = vector.shape_cast %get3A_558 : vector<1x16xf32> to vector<16xf32>
        %get3A_560 = arith.constant 0 : i32
        %get3A_561 = arith.index_cast %get3A_560 : i32 to index
        %get3A_562 = arith.index_cast %scan3A_555 : i32 to index
        %get3A_563 = arith.constant 0 : index
        %get3A_564 = tpu.vector_load %arg7[%get3A_561, %get3A_562, %get3A_563] {strides = array<i32>} : memref<2x200x64xf32, #tpu.memory_space<vmem>>, vector<1x1x16xf32>,
        %get3A_565 = vector.shape_cast %get3A_564 : vector<1x1x16xf32> to vector<16xf32>
        %mul3A_566 = arith.constant 8.000000e+00 : f32
        %mul3A_567 = vector.broadcast %mul3A_566 : f32 to vector<16xf32>
        %mul3A_568 = arith.mulf %get3A_565, %mul3A_567 : vector<16xf32>
        %add3A_569 = arith.addf %mul3A_568, %get3A_559 : vector<16xf32>
        %swap3A_570 = arith.constant 0 : i32
        %swap3A_571 = arith.index_cast %swap3A_570 : i32 to index
        %swap3A_572 = arith.index_cast %scan3A_555 : i32 to index
        %swap3A_573 = arith.constant 0 : index
        %swap3A_574 = tpu.vector_load %arg7[%swap3A_571, %swap3A_572, %swap3A_573] {strides = array<i32>} : memref<2x200x64xf32, #tpu.memory_space<vmem>>, vector<1x1x16xf32>,
        %swap3A_575 = vector.shape_cast %swap3A_574 : vector<1x1x16xf32> to vector<16xf32>
        %swap3A_576 = vector.shape_cast %add3A_569 : vector<16xf32> to vector<1x1x16xf32>
        tpu.vector_store %arg7[%swap3A_571, %swap3A_572, %swap3A_573], %swap3A_576 {strides = array<i32>} : memref<2x200x64xf32, #tpu.memory_space<vmem>>, vector<1x1x16xf32>,
        %get3A_577 = arith.constant 1 : i32
        %get3A_578 = arith.index_cast %get3A_577 : i32 to index
        %get3A_579 = arith.index_cast %scan3A_555 : i32 to index
        %get3A_580 = arith.constant 0 : index
        %get3A_581 = tpu.vector_load %arg7[%get3A_578, %get3A_579, %get3A_580] {strides = array<i32>} : memref<2x200x64xf32, #tpu.memory_space<vmem>>, vector<1x1x16xf32>,
        %get3A_582 = vector.shape_cast %get3A_581 : vector<1x1x16xf32> to vector<16xf32>
        %mul3A_583 = arith.constant 8.000000e+00 : f32
        %mul3A_584 = vector.broadcast %mul3A_583 : f32 to vector<16xf32>
        %mul3A_585 = arith.mulf %get3A_582, %mul3A_584 : vector<16xf32>
        %add3A_586 = arith.addf %mul3A_585, %get3A_559 : vector<16xf32>
        %swap3A_587 = arith.constant 1 : i32
        %swap3A_588 = arith.index_cast %swap3A_587 : i32 to index
        %swap3A_589 = arith.index_cast %scan3A_555 : i32 to index
        %swap3A_590 = arith.constant 0 : index
        %swap3A_591 = tpu.vector_load %arg7[%swap3A_588, %swap3A_589, %swap3A_590] {strides = array<i32>} : memref<2x200x64xf32, #tpu.memory_space<vmem>>, vector<1x1x16xf32>,
        %swap3A_592 = vector.shape_cast %swap3A_591 : vector<1x1x16xf32> to vector<16xf32>
        %swap3A_593 = vector.shape_cast %add3A_586 : vector<16xf32> to vector<1x1x16xf32>
        tpu.vector_store %arg7[%swap3A_588, %swap3A_589, %swap3A_590], %swap3A_593 {strides = array<i32>} : memref<2x200x64xf32, #tpu.memory_space<vmem>>, vector<1x1x16xf32>,
        %get3A_594 = arith.index_cast %scan3A_555 : i32 to index
        %get3A_595 = arith.constant 16 : index
        %get3A_596 = tpu.vector_load %arg10[%get3A_594, %get3A_595] {strides = array<i32>} : memref<200x64xf32, #tpu.memory_space<vmem>>, vector<1x16xf32>,
        %get3A_597 = vector.shape_cast %get3A_596 : vector<1x16xf32> to vector<16xf32>
        %get3A_598 = arith.constant 0 : i32
        %get3A_599 = arith.index_cast %get3A_598 : i32 to index
        %get3A_600 = arith.index_cast %scan3A_555 : i32 to index
        %get3A_601 = arith.constant 16 : index
        %get3A_602 = tpu.vector_load %arg7[%get3A_599, %get3A_600, %get3A_601] {strides = array<i32>} : memref<2x200x64xf32, #tpu.memory_space<vmem>>, vector<1x1x16xf32>,
        %get3A_603 = vector.shape_cast %get3A_602 : vector<1x1x16xf32> to vector<16xf32>
        %mul3A_604 = arith.constant 8.000000e+00 : f32
        %mul3A_605 = vector.broadcast %mul3A_604 : f32 to vector<16xf32>
        %mul3A_606 = arith.mulf %get3A_603, %mul3A_605 : vector<16xf32>
        %add3A_607 = arith.addf %mul3A_606, %get3A_597 : vector<16xf32>
        %swap3A_608 = arith.constant 0 : i32
        %swap3A_609 = arith.index_cast %swap3A_608 : i32 to index
        %swap3A_610 = arith.index_cast %scan3A_555 : i32 to index
        %swap3A_611 = arith.constant 16 : index
        %swap3A_612 = tpu.vector_load %arg7[%swap3A_609, %swap3A_610, %swap3A_611] {strides = array<i32>} : memref<2x200x64xf32, #tpu.memory_space<vmem>>, vector<1x1x16xf32>,
        %swap3A_613 = vector.shape_cast %swap3A_612 : vector<1x1x16xf32> to vector<16xf32>
        %swap3A_614 = vector.shape_cast %add3A_607 : vector<16xf32> to vector<1x1x16xf32>
        tpu.vector_store %arg7[%swap3A_609, %swap3A_610, %swap3A_611], %swap3A_614 {strides = array<i32>} : memref<2x200x64xf32, #tpu.memory_space<vmem>>, vector<1x1x16xf32>,
        %get3A_615 = arith.constant 1 : i32
        %get3A_616 = arith.index_cast %get3A_615 : i32 to index
        %get3A_617 = arith.index_cast %scan3A_555 : i32 to index
        %get3A_618 = arith.constant 16 : index
        %get3A_619 = tpu.vector_load %arg7[%get3A_616, %get3A_617, %get3A_618] {strides = array<i32>} : memref<2x200x64xf32, #tpu.memory_space<vmem>>, vector<1x1x16xf32>,
        %get3A_620 = vector.shape_cast %get3A_619 : vector<1x1x16xf32> to vector<16xf32>
        %mul3A_621 = arith.constant 8.000000e+00 : f32
        %mul3A_622 = vector.broadcast %mul3A_621 : f32 to vector<16xf32>
        %mul3A_623 = arith.mulf %get3A_620, %mul3A_622 : vector<16xf32>
        %add3A_624 = arith.addf %mul3A_623, %get3A_597 : vector<16xf32>
        %swap3A_625 = arith.constant 1 : i32
        %swap3A_626 = arith.index_cast %swap3A_625 : i32 to index
        %swap3A_627 = arith.index_cast %scan3A_555 : i32 to index
        %swap3A_628 = arith.constant 16 : index
        %swap3A_629 = tpu.vector_load %arg7[%swap3A_626, %swap3A_627, %swap3A_628] {strides = array<i32>} : memref<2x200x64xf32, #tpu.memory_space<vmem>>, vector<1x1x16xf32>,
        %swap3A_630 = vector.shape_cast %swap3A_629 : vector<1x1x16xf32> to vector<16xf32>
        %swap3A_631 = vector.shape_cast %add3A_624 : vector<16xf32> to vector<1x1x16xf32>
        tpu.vector_store %arg7[%swap3A_626, %swap3A_627, %swap3A_628], %swap3A_631 {strides = array<i32>} : memref<2x200x64xf32, #tpu.memory_space<vmem>>, vector<1x1x16xf32>,
        %get3A_632 = arith.index_cast %scan3A_555 : i32 to index
        %get3A_633 = arith.constant 32 : index
        %get3A_634 = tpu.vector_load %arg10[%get3A_632, %get3A_633] {strides = array<i32>} : memref<200x64xf32, #tpu.memory_space<vmem>>, vector<1x16xf32>,
        %get3A_635 = vector.shape_cast %get3A_634 : vector<1x16xf32> to vector<16xf32>
        %get3A_636 = arith.constant 0 : i32
        %get3A_637 = arith.index_cast %get3A_636 : i32 to index
        %get3A_638 = arith.index_cast %scan3A_555 : i32 to index
        %get3A_639 = arith.constant 32 : index
        %get3A_640 = tpu.vector_load %arg7[%get3A_637, %get3A_638, %get3A_639] {strides = array<i32>} : memref<2x200x64xf32, #tpu.memory_space<vmem>>, vector<1x1x16xf32>,
        %get3A_641 = vector.shape_cast %get3A_640 : vector<1x1x16xf32> to vector<16xf32>
        %mul3A_642 = arith.constant 8.000000e+00 : f32
        %mul3A_643 = vector.broadcast %mul3A_642 : f32 to vector<16xf32>
        %mul3A_644 = arith.mulf %get3A_641, %mul3A_643 : vector<16xf32>
        %add3A_645 = arith.addf %mul3A_644, %get3A_635 : vector<16xf32>
        %swap3A_646 = arith.constant 0 : i32
        %swap3A_647 = arith.index_cast %swap3A_646 : i32 to index
        %swap3A_648 = arith.index_cast %scan3A_555 : i32 to index
        %swap3A_649 = arith.constant 32 : index
        %swap3A_650 = tpu.vector_load %arg7[%swap3A_647, %swap3A_648, %swap3A_649] {strides = array<i32>} : memref<2x200x64xf32, #tpu.memory_space<vmem>>, vector<1x1x16xf32>,
        %swap3A_651 = vector.shape_cast %swap3A_650 : vector<1x1x16xf32> to vector<16xf32>
        %swap3A_652 = vector.shape_cast %add3A_645 : vector<16xf32> to vector<1x1x16xf32>
        tpu.vector_store %arg7[%swap3A_647, %swap3A_648, %swap3A_649], %swap3A_652 {strides = array<i32>} : memref<2x200x64xf32, #tpu.memory_space<vmem>>, vector<1x1x16xf32>,
        %get3A_653 = arith.constant 1 : i32
        %get3A_654 = arith.index_cast %get3A_653 : i32 to index
        %get3A_655 = arith.index_cast %scan3A_555 : i32 to index
        %get3A_656 = arith.constant 32 : index
        %get3A_657 = tpu.vector_load %arg7[%get3A_654, %get3A_655, %get3A_656] {strides = array<i32>} : memref<2x200x64xf32, #tpu.memory_space<vmem>>, vector<1x1x16xf32>,
        %get3A_658 = vector.shape_cast %get3A_657 : vector<1x1x16xf32> to vector<16xf32>
        %mul3A_659 = arith.constant 8.000000e+00 : f32
        %mul3A_660 = vector.broadcast %mul3A_659 : f32 to vector<16xf32>
        %mul3A_661 = arith.mulf %get3A_658, %mul3A_660 : vector<16xf32>
        %add3A_662 = arith.addf %mul3A_661, %get3A_635 : vector<16xf32>
        %swap3A_663 = arith.constant 1 : i32
        %swap3A_664 = arith.index_cast %swap3A_663 : i32 to index
        %swap3A_665 = arith.index_cast %scan3A_555 : i32 to index
        %swap3A_666 = arith.constant 32 : index
        %swap3A_667 = tpu.vector_load %arg7[%swap3A_664, %swap3A_665, %swap3A_666] {strides = array<i32>} : memref<2x200x64xf32, #tpu.memory_space<vmem>>, vector<1x1x16xf32>,
        %swap3A_668 = vector.shape_cast %swap3A_667 : vector<1x1x16xf32> to vector<16xf32>
        %swap3A_669 = vector.shape_cast %add3A_662 : vector<16xf32> to vector<1x1x16xf32>
        tpu.vector_store %arg7[%swap3A_664, %swap3A_665, %swap3A_666], %swap3A_669 {strides = array<i32>} : memref<2x200x64xf32, #tpu.memory_space<vmem>>, vector<1x1x16xf32>,
        %get3A_670 = arith.index_cast %scan3A_555 : i32 to index
        %get3A_671 = arith.constant 48 : index
        %get3A_672 = tpu.vector_load %arg10[%get3A_670, %get3A_671] {strides = array<i32>} : memref<200x64xf32, #tpu.memory_space<vmem>>, vector<1x16xf32>,
        %get3A_673 = vector.shape_cast %get3A_672 : vector<1x16xf32> to vector<16xf32>
        %get3A_674 = arith.constant 0 : i32
        %get3A_675 = arith.index_cast %get3A_674 : i32 to index
        %get3A_676 = arith.index_cast %scan3A_555 : i32 to index
        %get3A_677 = arith.constant 48 : index
        %get3A_678 = tpu.vector_load %arg7[%get3A_675, %get3A_676, %get3A_677] {strides = array<i32>} : memref<2x200x64xf32, #tpu.memory_space<vmem>>, vector<1x1x16xf32>,
        %get3A_679 = vector.shape_cast %get3A_678 : vector<1x1x16xf32> to vector<16xf32>
        %mul3A_680 = arith.constant 8.000000e+00 : f32
        %mul3A_681 = vector.broadcast %mul3A_680 : f32 to vector<16xf32>
        %mul3A_682 = arith.mulf %get3A_679, %mul3A_681 : vector<16xf32>
        %add3A_683 = arith.addf %mul3A_682, %get3A_673 : vector<16xf32>
        %swap3A_684 = arith.constant 0 : i32
        %swap3A_685 = arith.index_cast %swap3A_684 : i32 to index
        %swap3A_686 = arith.index_cast %scan3A_555 : i32 to index
        %swap3A_687 = arith.constant 48 : index
        %swap3A_688 = tpu.vector_load %arg7[%swap3A_685, %swap3A_686, %swap3A_687] {strides = array<i32>} : memref<2x200x64xf32, #tpu.memory_space<vmem>>, vector<1x1x16xf32>,
        %swap3A_689 = vector.shape_cast %swap3A_688 : vector<1x1x16xf32> to vector<16xf32>
        %swap3A_690 = vector.shape_cast %add3A_683 : vector<16xf32> to vector<1x1x16xf32>
        tpu.vector_store %arg7[%swap3A_685, %swap3A_686, %swap3A_687], %swap3A_690 {strides = array<i32>} : memref<2x200x64xf32, #tpu.memory_space<vmem>>, vector<1x1x16xf32>,
        %get3A_691 = arith.constant 1 : i32
        %get3A_692 = arith.index_cast %get3A_691 : i32 to index
        %get3A_693 = arith.index_cast %scan3A_555 : i32 to index
        %get3A_694 = arith.constant 48 : index
        %get3A_695 = tpu.vector_load %arg7[%get3A_692, %get3A_693, %get3A_694] {strides = array<i32>} : memref<2x200x64xf32, #tpu.memory_space<vmem>>, vector<1x1x16xf32>,
        %get3A_696 = vector.shape_cast %get3A_695 : vector<1x1x16xf32> to vector<16xf32>
        %mul3A_697 = arith.constant 8.000000e+00 : f32
        %mul3A_698 = vector.broadcast %mul3A_697 : f32 to vector<16xf32>
        %mul3A_699 = arith.mulf %get3A_696, %mul3A_698 : vector<16xf32>
        %add3A_700 = arith.addf %mul3A_699, %get3A_673 : vector<16xf32>
        %swap3A_701 = arith.constant 1 : i32
        %swap3A_702 = arith.index_cast %swap3A_701 : i32 to index
        %swap3A_703 = arith.index_cast %scan3A_555 : i32 to index
        %swap3A_704 = arith.constant 48 : index
        %swap3A_705 = tpu.vector_load %arg7[%swap3A_702, %swap3A_703, %swap3A_704] {strides = array<i32>} : memref<2x200x64xf32, #tpu.memory_space<vmem>>, vector<1x1x16xf32>,
        %swap3A_706 = vector.shape_cast %swap3A_705 : vector<1x1x16xf32> to vector<16xf32>
        %swap3A_707 = vector.shape_cast %add3A_700 : vector<16xf32> to vector<1x1x16xf32>
        tpu.vector_store %arg7[%swap3A_702, %swap3A_703, %swap3A_704], %swap3A_707 {strides = array<i32>} : memref<2x200x64xf32, #tpu.memory_space<vmem>>, vector<1x1x16xf32>,
        %scan3A_708 = arith.constant 2 : i32
        %scan3A_709 = arith.addi %scan3A_403, %scan3A_708 : i32
        %get3A_710 = arith.index_cast %scan3A_709 : i32 to index
        %get3A_711 = arith.constant 0 : index
        %get3A_712 = tpu.vector_load %arg10[%get3A_710, %get3A_711] {strides = array<i32>} : memref<200x64xf32, #tpu.memory_space<vmem>>, vector<1x16xf32>,
        %get3A_713 = vector.shape_cast %get3A_712 : vector<1x16xf32> to vector<16xf32>
        %get3A_714 = arith.constant 0 : i32
        %get3A_715 = arith.index_cast %get3A_714 : i32 to index
        %get3A_716 = arith.index_cast %scan3A_709 : i32 to index
        %get3A_717 = arith.constant 0 : index
        %get3A_718 = tpu.vector_load %arg7[%get3A_715, %get3A_716, %get3A_717] {strides = array<i32>} : memref<2x200x64xf32, #tpu.memory_space<vmem>>, vector<1x1x16xf32>,
        %get3A_719 = vector.shape_cast %get3A_718 : vector<1x1x16xf32> to vector<16xf32>
        %mul3A_720 = arith.constant 8.000000e+00 : f32
        %mul3A_721 = vector.broadcast %mul3A_720 : f32 to vector<16xf32>
        %mul3A_722 = arith.mulf %get3A_719, %mul3A_721 : vector<16xf32>
        %add3A_723 = arith.addf %mul3A_722, %get3A_713 : vector<16xf32>
        %swap3A_724 = arith.constant 0 : i32
        %swap3A_725 = arith.index_cast %swap3A_724 : i32 to index
        %swap3A_726 = arith.index_cast %scan3A_709 : i32 to index
        %swap3A_727 = arith.constant 0 : index
        %swap3A_728 = tpu.vector_load %arg7[%swap3A_725, %swap3A_726, %swap3A_727] {strides = array<i32>} : memref<2x200x64xf32, #tpu.memory_space<vmem>>, vector<1x1x16xf32>,
        %swap3A_729 = vector.shape_cast %swap3A_728 : vector<1x1x16xf32> to vector<16xf32>
        %swap3A_730 = vector.shape_cast %add3A_723 : vector<16xf32> to vector<1x1x16xf32>
        tpu.vector_store %arg7[%swap3A_725, %swap3A_726, %swap3A_727], %swap3A_730 {strides = array<i32>} : memref<2x200x64xf32, #tpu.memory_space<vmem>>, vector<1x1x16xf32>,
        %get3A_731 = arith.constant 1 : i32
        %get3A_732 = arith.index_cast %get3A_731 : i32 to index
        %get3A_733 = arith.index_cast %scan3A_709 : i32 to index
        %get3A_734 = arith.constant 0 : index
        %get3A_735 = tpu.vector_load %arg7[%get3A_732, %get3A_733, %get3A_734] {strides = array<i32>} : memref<2x200x64xf32, #tpu.memory_space<vmem>>, vector<1x1x16xf32>,
        %get3A_736 = vector.shape_cast %get3A_735 : vector<1x1x16xf32> to vector<16xf32>
        %mul3A_737 = arith.constant 8.000000e+00 : f32
        %mul3A_738 = vector.broadcast %mul3A_737 : f32 to vector<16xf32>
        %mul3A_739 = arith.mulf %get3A_736, %mul3A_738 : vector<16xf32>
        %add3A_740 = arith.addf %mul3A_739, %get3A_713 : vector<16xf32>
        %swap3A_741 = arith.constant 1 : i32
        %swap3A_742 = arith.index_cast %swap3A_741 : i32 to index
        %swap3A_743 = arith.index_cast %scan3A_709 : i32 to index
        %swap3A_744 = arith.constant 0 : index
        %swap3A_745 = tpu.vector_load %arg7[%swap3A_742, %swap3A_743, %swap3A_744] {strides = array<i32>} : memref<2x200x64xf32, #tpu.memory_space<vmem>>, vector<1x1x16xf32>,
        %swap3A_746 = vector.shape_cast %swap3A_745 : vector<1x1x16xf32> to vector<16xf32>
        %swap3A_747 = vector.shape_cast %add3A_740 : vector<16xf32> to vector<1x1x16xf32>
        tpu.vector_store %arg7[%swap3A_742, %swap3A_743, %swap3A_744], %swap3A_747 {strides = array<i32>} : memref<2x200x64xf32, #tpu.memory_space<vmem>>, vector<1x1x16xf32>,
        %get3A_748 = arith.index_cast %scan3A_709 : i32 to index
        %get3A_749 = arith.constant 16 : index
        %get3A_750 = tpu.vector_load %arg10[%get3A_748, %get3A_749] {strides = array<i32>} : memref<200x64xf32, #tpu.memory_space<vmem>>, vector<1x16xf32>,
        %get3A_751 = vector.shape_cast %get3A_750 : vector<1x16xf32> to vector<16xf32>
        %get3A_752 = arith.constant 0 : i32
        %get3A_753 = arith.index_cast %get3A_752 : i32 to index
        %get3A_754 = arith.index_cast %scan3A_709 : i32 to index
        %get3A_755 = arith.constant 16 : index
        %get3A_756 = tpu.vector_load %arg7[%get3A_753, %get3A_754, %get3A_755] {strides = array<i32>} : memref<2x200x64xf32, #tpu.memory_space<vmem>>, vector<1x1x16xf32>,
        %get3A_757 = vector.shape_cast %get3A_756 : vector<1x1x16xf32> to vector<16xf32>
        %mul3A_758 = arith.constant 8.000000e+00 : f32
        %mul3A_759 = vector.broadcast %mul3A_758 : f32 to vector<16xf32>
        %mul3A_760 = arith.mulf %get3A_757, %mul3A_759 : vector<16xf32>
        %add3A_761 = arith.addf %mul3A_760, %get3A_751 : vector<16xf32>
        %swap3A_762 = arith.constant 0 : i32
        %swap3A_763 = arith.index_cast %swap3A_762 : i32 to index
        %swap3A_764 = arith.index_cast %scan3A_709 : i32 to index
        %swap3A_765 = arith.constant 16 : index
        %swap3A_766 = tpu.vector_load %arg7[%swap3A_763, %swap3A_764, %swap3A_765] {strides = array<i32>} : memref<2x200x64xf32, #tpu.memory_space<vmem>>, vector<1x1x16xf32>,
        %swap3A_767 = vector.shape_cast %swap3A_766 : vector<1x1x16xf32> to vector<16xf32>
        %swap3A_768 = vector.shape_cast %add3A_761 : vector<16xf32> to vector<1x1x16xf32>
        tpu.vector_store %arg7[%swap3A_763, %swap3A_764, %swap3A_765], %swap3A_768 {strides = array<i32>} : memref<2x200x64xf32, #tpu.memory_space<vmem>>, vector<1x1x16xf32>,
        %get3A_769 = arith.constant 1 : i32
        %get3A_770 = arith.index_cast %get3A_769 : i32 to index
        %get3A_771 = arith.index_cast %scan3A_709 : i32 to index
        %get3A_772 = arith.constant 16 : index
        %get3A_773 = tpu.vector_load %arg7[%get3A_770, %get3A_771, %get3A_772] {strides = array<i32>} : memref<2x200x64xf32, #tpu.memory_space<vmem>>, vector<1x1x16xf32>,
        %get3A_774 = vector.shape_cast %get3A_773 : vector<1x1x16xf32> to vector<16xf32>
        %mul3A_775 = arith.constant 8.000000e+00 : f32
        %mul3A_776 = vector.broadcast %mul3A_775 : f32 to vector<16xf32>
        %mul3A_777 = arith.mulf %get3A_774, %mul3A_776 : vector<16xf32>
        %add3A_778 = arith.addf %mul3A_777, %get3A_751 : vector<16xf32>
        %swap3A_779 = arith.constant 1 : i32
        %swap3A_780 = arith.index_cast %swap3A_779 : i32 to index
        %swap3A_781 = arith.index_cast %scan3A_709 : i32 to index
        %swap3A_782 = arith.constant 16 : index
        %swap3A_783 = tpu.vector_load %arg7[%swap3A_780, %swap3A_781, %swap3A_782] {strides = array<i32>} : memref<2x200x64xf32, #tpu.memory_space<vmem>>, vector<1x1x16xf32>,
        %swap3A_784 = vector.shape_cast %swap3A_783 : vector<1x1x16xf32> to vector<16xf32>
        %swap3A_785 = vector.shape_cast %add3A_778 : vector<16xf32> to vector<1x1x16xf32>
        tpu.vector_store %arg7[%swap3A_780, %swap3A_781, %swap3A_782], %swap3A_785 {strides = array<i32>} : memref<2x200x64xf32, #tpu.memory_space<vmem>>, vector<1x1x16xf32>,
        %get3A_786 = arith.index_cast %scan3A_709 : i32 to index
        %get3A_787 = arith.constant 32 : index
        %get3A_788 = tpu.vector_load %arg10[%get3A_786, %get3A_787] {strides = array<i32>} : memref<200x64xf32, #tpu.memory_space<vmem>>, vector<1x16xf32>,
        %get3A_789 = vector.shape_cast %get3A_788 : vector<1x16xf32> to vector<16xf32>
        %get3A_790 = arith.constant 0 : i32
        %get3A_791 = arith.index_cast %get3A_790 : i32 to index
        %get3A_792 = arith.index_cast %scan3A_709 : i32 to index
        %get3A_793 = arith.constant 32 : index
        %get3A_794 = tpu.vector_load %arg7[%get3A_791, %get3A_792, %get3A_793] {strides = array<i32>} : memref<2x200x64xf32, #tpu.memory_space<vmem>>, vector<1x1x16xf32>,
        %get3A_795 = vector.shape_cast %get3A_794 : vector<1x1x16xf32> to vector<16xf32>
        %mul3A_796 = arith.constant 8.000000e+00 : f32
        %mul3A_797 = vector.broadcast %mul3A_796 : f32 to vector<16xf32>
        %mul3A_798 = arith.mulf %get3A_795, %mul3A_797 : vector<16xf32>
        %add3A_799 = arith.addf %mul3A_798, %get3A_789 : vector<16xf32>
        %swap3A_800 = arith.constant 0 : i32
        %swap3A_801 = arith.index_cast %swap3A_800 : i32 to index
        %swap3A_802 = arith.index_cast %scan3A_709 : i32 to index
        %swap3A_803 = arith.constant 32 : index
        %swap3A_804 = tpu.vector_load %arg7[%swap3A_801, %swap3A_802, %swap3A_803] {strides = array<i32>} : memref<2x200x64xf32, #tpu.memory_space<vmem>>, vector<1x1x16xf32>,
        %swap3A_805 = vector.shape_cast %swap3A_804 : vector<1x1x16xf32> to vector<16xf32>
        %swap3A_806 = vector.shape_cast %add3A_799 : vector<16xf32> to vector<1x1x16xf32>
        tpu.vector_store %arg7[%swap3A_801, %swap3A_802, %swap3A_803], %swap3A_806 {strides = array<i32>} : memref<2x200x64xf32, #tpu.memory_space<vmem>>, vector<1x1x16xf32>,
        %get3A_807 = arith.constant 1 : i32
        %get3A_808 = arith.index_cast %get3A_807 : i32 to index
        %get3A_809 = arith.index_cast %scan3A_709 : i32 to index
        %get3A_810 = arith.constant 32 : index
        %get3A_811 = tpu.vector_load %arg7[%get3A_808, %get3A_809, %get3A_810] {strides = array<i32>} : memref<2x200x64xf32, #tpu.memory_space<vmem>>, vector<1x1x16xf32>,
        %get3A_812 = vector.shape_cast %get3A_811 : vector<1x1x16xf32> to vector<16xf32>
        %mul3A_813 = arith.constant 8.000000e+00 : f32
        %mul3A_814 = vector.broadcast %mul3A_813 : f32 to vector<16xf32>
        %mul3A_815 = arith.mulf %get3A_812, %mul3A_814 : vector<16xf32>
        %add3A_816 = arith.addf %mul3A_815, %get3A_789 : vector<16xf32>
        %swap3A_817 = arith.constant 1 : i32
        %swap3A_818 = arith.index_cast %swap3A_817 : i32 to index
        %swap3A_819 = arith.index_cast %scan3A_709 : i32 to index
        %swap3A_820 = arith.constant 32 : index
        %swap3A_821 = tpu.vector_load %arg7[%swap3A_818, %swap3A_819, %swap3A_820] {strides = array<i32>} : memref<2x200x64xf32, #tpu.memory_space<vmem>>, vector<1x1x16xf32>,
        %swap3A_822 = vector.shape_cast %swap3A_821 : vector<1x1x16xf32> to vector<16xf32>
        %swap3A_823 = vector.shape_cast %add3A_816 : vector<16xf32> to vector<1x1x16xf32>
        tpu.vector_store %arg7[%swap3A_818, %swap3A_819, %swap3A_820], %swap3A_823 {strides = array<i32>} : memref<2x200x64xf32, #tpu.memory_space<vmem>>, vector<1x1x16xf32>,
        %get3A_824 = arith.index_cast %scan3A_709 : i32 to index
        %get3A_825 = arith.constant 48 : index
        %get3A_826 = tpu.vector_load %arg10[%get3A_824, %get3A_825] {strides = array<i32>} : memref<200x64xf32, #tpu.memory_space<vmem>>, vector<1x16xf32>,
        %get3A_827 = vector.shape_cast %get3A_826 : vector<1x16xf32> to vector<16xf32>
        %get3A_828 = arith.constant 0 : i32
        %get3A_829 = arith.index_cast %get3A_828 : i32 to index
        %get3A_830 = arith.index_cast %scan3A_709 : i32 to index
        %get3A_831 = arith.constant 48 : index
        %get3A_832 = tpu.vector_load %arg7[%get3A_829, %get3A_830, %get3A_831] {strides = array<i32>} : memref<2x200x64xf32, #tpu.memory_space<vmem>>, vector<1x1x16xf32>,
        %get3A_833 = vector.shape_cast %get3A_832 : vector<1x1x16xf32> to vector<16xf32>
        %mul3A_834 = arith.constant 8.000000e+00 : f32
        %mul3A_835 = vector.broadcast %mul3A_834 : f32 to vector<16xf32>
        %mul3A_836 = arith.mulf %get3A_833, %mul3A_835 : vector<16xf32>
        %add3A_837 = arith.addf %mul3A_836, %get3A_827 : vector<16xf32>
        %swap3A_838 = arith.constant 0 : i32
        %swap3A_839 = arith.index_cast %swap3A_838 : i32 to index
        %swap3A_840 = arith.index_cast %scan3A_709 : i32 to index
        %swap3A_841 = arith.constant 48 : index
        %swap3A_842 = tpu.vector_load %arg7[%swap3A_839, %swap3A_840, %swap3A_841] {strides = array<i32>} : memref<2x200x64xf32, #tpu.memory_space<vmem>>, vector<1x1x16xf32>,
        %swap3A_843 = vector.shape_cast %swap3A_842 : vector<1x1x16xf32> to vector<16xf32>
        %swap3A_844 = vector.shape_cast %add3A_837 : vector<16xf32> to vector<1x1x16xf32>
        tpu.vector_store %arg7[%swap3A_839, %swap3A_840, %swap3A_841], %swap3A_844 {strides = array<i32>} : memref<2x200x64xf32, #tpu.memory_space<vmem>>, vector<1x1x16xf32>,
        %get3A_845 = arith.constant 1 : i32
        %get3A_846 = arith.index_cast %get3A_845 : i32 to index
        %get3A_847 = arith.index_cast %scan3A_709 : i32 to index
        %get3A_848 = arith.constant 48 : index
        %get3A_849 = tpu.vector_load %arg7[%get3A_846, %get3A_847, %get3A_848] {strides = array<i32>} : memref<2x200x64xf32, #tpu.memory_space<vmem>>, vector<1x1x16xf32>,
        %get3A_850 = vector.shape_cast %get3A_849 : vector<1x1x16xf32> to vector<16xf32>
        %mul3A_851 = arith.constant 8.000000e+00 : f32
        %mul3A_852 = vector.broadcast %mul3A_851 : f32 to vector<16xf32>
        %mul3A_853 = arith.mulf %get3A_850, %mul3A_852 : vector<16xf32>
        %add3A_854 = arith.addf %mul3A_853, %get3A_827 : vector<16xf32>
        %swap3A_855 = arith.constant 1 : i32
        %swap3A_856 = arith.index_cast %swap3A_855 : i32 to index
        %swap3A_857 = arith.index_cast %scan3A_709 : i32 to index
        %swap3A_858 = arith.constant 48 : index
        %swap3A_859 = tpu.vector_load %arg7[%swap3A_856, %swap3A_857, %swap3A_858] {strides = array<i32>} : memref<2x200x64xf32, #tpu.memory_space<vmem>>, vector<1x1x16xf32>,
        %swap3A_860 = vector.shape_cast %swap3A_859 : vector<1x1x16xf32> to vector<16xf32>
        %swap3A_861 = vector.shape_cast %add3A_854 : vector<16xf32> to vector<1x1x16xf32>
        tpu.vector_store %arg7[%swap3A_856, %swap3A_857, %swap3A_858], %swap3A_861 {strides = array<i32>} : memref<2x200x64xf32, #tpu.memory_space<vmem>>, vector<1x1x16xf32>,
        %scan3A_862 = arith.constant 3 : i32
        %scan3A_863 = arith.addi %scan3A_403, %scan3A_862 : i32
        %get3A_864 = arith.index_cast %scan3A_863 : i32 to index
        %get3A_865 = arith.constant 0 : index
        %get3A_866 = tpu.vector_load %arg10[%get3A_864, %get3A_865] {strides = array<i32>} : memref<200x64xf32, #tpu.memory_space<vmem>>, vector<1x16xf32>,
        %get3A_867 = vector.shape_cast %get3A_866 : vector<1x16xf32> to vector<16xf32>
        %get3A_868 = arith.constant 0 : i32
        %get3A_869 = arith.index_cast %get3A_868 : i32 to index
        %get3A_870 = arith.index_cast %scan3A_863 : i32 to index
        %get3A_871 = arith.constant 0 : index
        %get3A_872 = tpu.vector_load %arg7[%get3A_869, %get3A_870, %get3A_871] {strides = array<i32>} : memref<2x200x64xf32, #tpu.memory_space<vmem>>, vector<1x1x16xf32>,
        %get3A_873 = vector.shape_cast %get3A_872 : vector<1x1x16xf32> to vector<16xf32>
        %mul3A_874 = arith.constant 8.000000e+00 : f32
        %mul3A_875 = vector.broadcast %mul3A_874 : f32 to vector<16xf32>
        %mul3A_876 = arith.mulf %get3A_873, %mul3A_875 : vector<16xf32>
        %add3A_877 = arith.addf %mul3A_876, %get3A_867 : vector<16xf32>
        %swap3A_878 = arith.constant 0 : i32
        %swap3A_879 = arith.index_cast %swap3A_878 : i32 to index
        %swap3A_880 = arith.index_cast %scan3A_863 : i32 to index
        %swap3A_881 = arith.constant 0 : index
        %swap3A_882 = tpu.vector_load %arg7[%swap3A_879, %swap3A_880, %swap3A_881] {strides = array<i32>} : memref<2x200x64xf32, #tpu.memory_space<vmem>>, vector<1x1x16xf32>,
        %swap3A_883 = vector.shape_cast %swap3A_882 : vector<1x1x16xf32> to vector<16xf32>
        %swap3A_884 = vector.shape_cast %add3A_877 : vector<16xf32> to vector<1x1x16xf32>
        tpu.vector_store %arg7[%swap3A_879, %swap3A_880, %swap3A_881], %swap3A_884 {strides = array<i32>} : memref<2x200x64xf32, #tpu.memory_space<vmem>>, vector<1x1x16xf32>,
        %get3A_885 = arith.constant 1 : i32
        %get3A_886 = arith.index_cast %get3A_885 : i32 to index
        %get3A_887 = arith.index_cast %scan3A_863 : i32 to index
        %get3A_888 = arith.constant 0 : index
        %get3A_889 = tpu.vector_load %arg7[%get3A_886, %get3A_887, %get3A_888] {strides = array<i32>} : memref<2x200x64xf32, #tpu.memory_space<vmem>>, vector<1x1x16xf32>,
        %get3A_890 = vector.shape_cast %get3A_889 : vector<1x1x16xf32> to vector<16xf32>
        %mul3A_891 = arith.constant 8.000000e+00 : f32
        %mul3A_892 = vector.broadcast %mul3A_891 : f32 to vector<16xf32>
        %mul3A_893 = arith.mulf %get3A_890, %mul3A_892 : vector<16xf32>
        %add3A_894 = arith.addf %mul3A_893, %get3A_867 : vector<16xf32>
        %swap3A_895 = arith.constant 1 : i32
        %swap3A_896 = arith.index_cast %swap3A_895 : i32 to index
        %swap3A_897 = arith.index_cast %scan3A_863 : i32 to index
        %swap3A_898 = arith.constant 0 : index
        %swap3A_899 = tpu.vector_load %arg7[%swap3A_896, %swap3A_897, %swap3A_898] {strides = array<i32>} : memref<2x200x64xf32, #tpu.memory_space<vmem>>, vector<1x1x16xf32>,
        %swap3A_900 = vector.shape_cast %swap3A_899 : vector<1x1x16xf32> to vector<16xf32>
        %swap3A_901 = vector.shape_cast %add3A_894 : vector<16xf32> to vector<1x1x16xf32>
        tpu.vector_store %arg7[%swap3A_896, %swap3A_897, %swap3A_898], %swap3A_901 {strides = array<i32>} : memref<2x200x64xf32, #tpu.memory_space<vmem>>, vector<1x1x16xf32>,
        %get3A_902 = arith.index_cast %scan3A_863 : i32 to index
        %get3A_903 = arith.constant 16 : index
        %get3A_904 = tpu.vector_load %arg10[%get3A_902, %get3A_903] {strides = array<i32>} : memref<200x64xf32, #tpu.memory_space<vmem>>, vector<1x16xf32>,
        %get3A_905 = vector.shape_cast %get3A_904 : vector<1x16xf32> to vector<16xf32>
        %get3A_906 = arith.constant 0 : i32
        %get3A_907 = arith.index_cast %get3A_906 : i32 to index
        %get3A_908 = arith.index_cast %scan3A_863 : i32 to index
        %get3A_909 = arith.constant 16 : index
        %get3A_910 = tpu.vector_load %arg7[%get3A_907, %get3A_908, %get3A_909] {strides = array<i32>} : memref<2x200x64xf32, #tpu.memory_space<vmem>>, vector<1x1x16xf32>,
        %get3A_911 = vector.shape_cast %get3A_910 : vector<1x1x16xf32> to vector<16xf32>
        %mul3A_912 = arith.constant 8.000000e+00 : f32
        %mul3A_913 = vector.broadcast %mul3A_912 : f32 to vector<16xf32>
        %mul3A_914 = arith.mulf %get3A_911, %mul3A_913 : vector<16xf32>
        %add3A_915 = arith.addf %mul3A_914, %get3A_905 : vector<16xf32>
        %swap3A_916 = arith.constant 0 : i32
        %swap3A_917 = arith.index_cast %swap3A_916 : i32 to index
        %swap3A_918 = arith.index_cast %scan3A_863 : i32 to index
        %swap3A_919 = arith.constant 16 : index
        %swap3A_920 = tpu.vector_load %arg7[%swap3A_917, %swap3A_918, %swap3A_919] {strides = array<i32>} : memref<2x200x64xf32, #tpu.memory_space<vmem>>, vector<1x1x16xf32>,
        %swap3A_921 = vector.shape_cast %swap3A_920 : vector<1x1x16xf32> to vector<16xf32>
        %swap3A_922 = vector.shape_cast %add3A_915 : vector<16xf32> to vector<1x1x16xf32>
        tpu.vector_store %arg7[%swap3A_917, %swap3A_918, %swap3A_919], %swap3A_922 {strides = array<i32>} : memref<2x200x64xf32, #tpu.memory_space<vmem>>, vector<1x1x16xf32>,
        %get3A_923 = arith.constant 1 : i32
        %get3A_924 = arith.index_cast %get3A_923 : i32 to index
        %get3A_925 = arith.index_cast %scan3A_863 : i32 to index
        %get3A_926 = arith.constant 16 : index
        %get3A_927 = tpu.vector_load %arg7[%get3A_924, %get3A_925, %get3A_926] {strides = array<i32>} : memref<2x200x64xf32, #tpu.memory_space<vmem>>, vector<1x1x16xf32>,
        %get3A_928 = vector.shape_cast %get3A_927 : vector<1x1x16xf32> to vector<16xf32>
        %mul3A_929 = arith.constant 8.000000e+00 : f32
        %mul3A_930 = vector.broadcast %mul3A_929 : f32 to vector<16xf32>
        %mul3A_931 = arith.mulf %get3A_928, %mul3A_930 : vector<16xf32>
        %add3A_932 = arith.addf %mul3A_931, %get3A_905 : vector<16xf32>
        %swap3A_933 = arith.constant 1 : i32
        %swap3A_934 = arith.index_cast %swap3A_933 : i32 to index
        %swap3A_935 = arith.index_cast %scan3A_863 : i32 to index
        %swap3A_936 = arith.constant 16 : index
        %swap3A_937 = tpu.vector_load %arg7[%swap3A_934, %swap3A_935, %swap3A_936] {strides = array<i32>} : memref<2x200x64xf32, #tpu.memory_space<vmem>>, vector<1x1x16xf32>,
        %swap3A_938 = vector.shape_cast %swap3A_937 : vector<1x1x16xf32> to vector<16xf32>
        %swap3A_939 = vector.shape_cast %add3A_932 : vector<16xf32> to vector<1x1x16xf32>
        tpu.vector_store %arg7[%swap3A_934, %swap3A_935, %swap3A_936], %swap3A_939 {strides = array<i32>} : memref<2x200x64xf32, #tpu.memory_space<vmem>>, vector<1x1x16xf32>,
        %get3A_940 = arith.index_cast %scan3A_863 : i32 to index
        %get3A_941 = arith.constant 32 : index
        %get3A_942 = tpu.vector_load %arg10[%get3A_940, %get3A_941] {strides = array<i32>} : memref<200x64xf32, #tpu.memory_space<vmem>>, vector<1x16xf32>,
        %get3A_943 = vector.shape_cast %get3A_942 : vector<1x16xf32> to vector<16xf32>
        %get3A_944 = arith.constant 0 : i32
        %get3A_945 = arith.index_cast %get3A_944 : i32 to index
        %get3A_946 = arith.index_cast %scan3A_863 : i32 to index
        %get3A_947 = arith.constant 32 : index
        %get3A_948 = tpu.vector_load %arg7[%get3A_945, %get3A_946, %get3A_947] {strides = array<i32>} : memref<2x200x64xf32, #tpu.memory_space<vmem>>, vector<1x1x16xf32>,
        %get3A_949 = vector.shape_cast %get3A_948 : vector<1x1x16xf32> to vector<16xf32>
        %mul3A_950 = arith.constant 8.000000e+00 : f32
        %mul3A_951 = vector.broadcast %mul3A_950 : f32 to vector<16xf32>
        %mul3A_952 = arith.mulf %get3A_949, %mul3A_951 : vector<16xf32>
        %add3A_953 = arith.addf %mul3A_952, %get3A_943 : vector<16xf32>
        %swap3A_954 = arith.constant 0 : i32
        %swap3A_955 = arith.index_cast %swap3A_954 : i32 to index
        %swap3A_956 = arith.index_cast %scan3A_863 : i32 to index
        %swap3A_957 = arith.constant 32 : index
        %swap3A_958 = tpu.vector_load %arg7[%swap3A_955, %swap3A_956, %swap3A_957] {strides = array<i32>} : memref<2x200x64xf32, #tpu.memory_space<vmem>>, vector<1x1x16xf32>,
        %swap3A_959 = vector.shape_cast %swap3A_958 : vector<1x1x16xf32> to vector<16xf32>
        %swap3A_960 = vector.shape_cast %add3A_953 : vector<16xf32> to vector<1x1x16xf32>
        tpu.vector_store %arg7[%swap3A_955, %swap3A_956, %swap3A_957], %swap3A_960 {strides = array<i32>} : memref<2x200x64xf32, #tpu.memory_space<vmem>>, vector<1x1x16xf32>,
        %get3A_961 = arith.constant 1 : i32
        %get3A_962 = arith.index_cast %get3A_961 : i32 to index
        %get3A_963 = arith.index_cast %scan3A_863 : i32 to index
        %get3A_964 = arith.constant 32 : index
        %get3A_965 = tpu.vector_load %arg7[%get3A_962, %get3A_963, %get3A_964] {strides = array<i32>} : memref<2x200x64xf32, #tpu.memory_space<vmem>>, vector<1x1x16xf32>,
        %get3A_966 = vector.shape_cast %get3A_965 : vector<1x1x16xf32> to vector<16xf32>
        %mul3A_967 = arith.constant 8.000000e+00 : f32
        %mul3A_968 = vector.broadcast %mul3A_967 : f32 to vector<16xf32>
        %mul3A_969 = arith.mulf %get3A_966, %mul3A_968 : vector<16xf32>
        %add3A_970 = arith.addf %mul3A_969, %get3A_943 : vector<16xf32>
        %swap3A_971 = arith.constant 1 : i32
        %swap3A_972 = arith.index_cast %swap3A_971 : i32 to index
        %swap3A_973 = arith.index_cast %scan3A_863 : i32 to index
        %swap3A_974 = arith.constant 32 : index
        %swap3A_975 = tpu.vector_load %arg7[%swap3A_972, %swap3A_973, %swap3A_974] {strides = array<i32>} : memref<2x200x64xf32, #tpu.memory_space<vmem>>, vector<1x1x16xf32>,
        %swap3A_976 = vector.shape_cast %swap3A_975 : vector<1x1x16xf32> to vector<16xf32>
        %swap3A_977 = vector.shape_cast %add3A_970 : vector<16xf32> to vector<1x1x16xf32>
        tpu.vector_store %arg7[%swap3A_972, %swap3A_973, %swap3A_974], %swap3A_977 {strides = array<i32>} : memref<2x200x64xf32, #tpu.memory_space<vmem>>, vector<1x1x16xf32>,
        %get3A_978 = arith.index_cast %scan3A_863 : i32 to index
        %get3A_979 = arith.constant 48 : index
        %get3A_980 = tpu.vector_load %arg10[%get3A_978, %get3A_979] {strides = array<i32>} : memref<200x64xf32, #tpu.memory_space<vmem>>, vector<1x16xf32>,
        %get3A_981 = vector.shape_cast %get3A_980 : vector<1x16xf32> to vector<16xf32>
        %get3A_982 = arith.constant 0 : i32
        %get3A_983 = arith.index_cast %get3A_982 : i32 to index
        %get3A_984 = arith.index_cast %scan3A_863 : i32 to index
        %get3A_985 = arith.constant 48 : index
        %get3A_986 = tpu.vector_load %arg7[%get3A_983, %get3A_984, %get3A_985] {strides = array<i32>} : memref<2x200x64xf32, #tpu.memory_space<vmem>>, vector<1x1x16xf32>,
        %get3A_987 = vector.shape_cast %get3A_986 : vector<1x1x16xf32> to vector<16xf32>
        %mul3A_988 = arith.constant 8.000000e+00 : f32
        %mul3A_989 = vector.broadcast %mul3A_988 : f32 to vector<16xf32>
        %mul3A_990 = arith.mulf %get3A_987, %mul3A_989 : vector<16xf32>
        %add3A_991 = arith.addf %mul3A_990, %get3A_981 : vector<16xf32>
        %swap3A_992 = arith.constant 0 : i32
        %swap3A_993 = arith.index_cast %swap3A_992 : i32 to index
        %swap3A_994 = arith.index_cast %scan3A_863 : i32 to index
        %swap3A_995 = arith.constant 48 : index
        %swap3A_996 = tpu.vector_load %arg7[%swap3A_993, %swap3A_994, %swap3A_995] {strides = array<i32>} : memref<2x200x64xf32, #tpu.memory_space<vmem>>, vector<1x1x16xf32>,
        %swap3A_997 = vector.shape_cast %swap3A_996 : vector<1x1x16xf32> to vector<16xf32>
        %swap3A_998 = vector.shape_cast %add3A_991 : vector<16xf32> to vector<1x1x16xf32>
        tpu.vector_store %arg7[%swap3A_993, %swap3A_994, %swap3A_995], %swap3A_998 {strides = array<i32>} : memref<2x200x64xf32, #tpu.memory_space<vmem>>, vector<1x1x16xf32>,
        %get3A_999 = arith.constant 1 : i32
        %get3A_1000 = arith.index_cast %get3A_999 : i32 to index
        %get3A_1001 = arith.index_cast %scan3A_863 : i32 to index
        %get3A_1002 = arith.constant 48 : index
        %get3A_1003 = tpu.vector_load %arg7[%get3A_1000, %get3A_1001, %get3A_1002] {strides = array<i32>} : memref<2x200x64xf32, #tpu.memory_space<vmem>>, vector<1x1x16xf32>,
        %get3A_1004 = vector.shape_cast %get3A_1003 : vector<1x1x16xf32> to vector<16xf32>
        %mul3A_1005 = arith.constant 8.000000e+00 : f32
        %mul3A_1006 = vector.broadcast %mul3A_1005 : f32 to vector<16xf32>
        %mul3A_1007 = arith.mulf %get3A_1004, %mul3A_1006 : vector<16xf32>
        %add3A_1008 = arith.addf %mul3A_1007, %get3A_981 : vector<16xf32>
        %swap3A_1009 = arith.constant 1 : i32
        %swap3A_1010 = arith.index_cast %swap3A_1009 : i32 to index
        %swap3A_1011 = arith.index_cast %scan3A_863 : i32 to index
        %swap3A_1012 = arith.constant 48 : index
        %swap3A_1013 = tpu.vector_load %arg7[%swap3A_1010, %swap3A_1011, %swap3A_1012] {strides = array<i32>} : memref<2x200x64xf32, #tpu.memory_space<vmem>>, vector<1x1x16xf32>,
        %swap3A_1014 = vector.shape_cast %swap3A_1013 : vector<1x1x16xf32> to vector<16xf32>
        %swap3A_1015 = vector.shape_cast %add3A_1008 : vector<16xf32> to vector<1x1x16xf32>
        tpu.vector_store %arg7[%swap3A_1010, %swap3A_1011, %swap3A_1012], %swap3A_1015 {strides = array<i32>} : memref<2x200x64xf32, #tpu.memory_space<vmem>>, vector<1x1x16xf32>,
      }
      %scan3A_217 = arith.constant 200 : i32
      %mul3A_218 = arith.constant 2 : i32
      %mul3A_219 = arith.muli %add3A_144, %mul3A_218 : i32
      %add3A_220 = arith.addi %mul3A_2, %mul3A_219 : i32
      %dma_start3A_221 = arith.constant 0 : i32
      %dma_start3A_222 = arith.constant 0 : i32
      %dma_start3A_223 = tpu.memref_slice %arg5[%add3A_220, %dma_start3A_221, %dma_start3A_222] : memref<4096x200x64xf32, #tpu.memory_space<hbm>> -> memref<2x200x64xf32, #tpu.memory_space<hbm>>
      %dma_start3A_224 = arith.constant 0 : i32
      %dma_start3A_225 = arith.constant 0 : i32
      %dma_start3A_226 = tpu.memref_slice %arg5[%add3A_220, %dma_start3A_224, %dma_start3A_225] : memref<4096x200x64xf32, #tpu.memory_space<hbm>> -> memref<2x200x64xf32, #tpu.memory_space<hbm>>
      tpu.enqueue_dma source(%arg7 : memref<2x200x64xf32, #tpu.memory_space<vmem>>) target(%dma_start3A_226 : memref<2x200x64xf32, #tpu.memory_space<hbm>>) target_semaphore(%arg14 : memref<!tpu.dma_semaphore, #tpu.memory_space<semaphore_mem>>)
      %add3A_227 = arith.constant 1 : i32
      %add3A_228 = arith.addi %mul3A_142, %add3A_227 : i32
      %ge3A_229 = arith.constant 2 : i32
      %ge3A_230 = arith.cmpi sge, %add3A_228, %ge3A_229 : i32
      %convert_element_type3A_231 = arith.extui %ge3A_230 : i1 to i32
      %cond3A_232 = arith.constant 0 : i32
      %cond3A_233 = arith.cmpi ne, %convert_element_type3A_231, %cond3A_232 : i32
      scf.if %cond3A_233 {
        %sub3A = arith.constant 2 : i32
        %sub3A_403 = arith.subi %add3A_228, %sub3A : i32
        %mul3A_404 = arith.constant 2 : i32
        %mul3A_405 = arith.muli %sub3A_403, %mul3A_404 : i32
        %add3A_406 = arith.addi %mul3A_2, %mul3A_405 : i32
        %dma_wait3A_407 = arith.constant 0 : i32
        %dma_wait3A_408 = arith.constant 0 : i32
        %dma_wait3A_409 = tpu.memref_slice %arg5[%add3A_406, %dma_wait3A_407, %dma_wait3A_408] : memref<4096x200x64xf32, #tpu.memory_space<hbm>> -> memref<2x200x64xf32, #tpu.memory_space<hbm>>
        %dma_wait3A_410 = arith.constant 0 : i32
        %dma_wait3A_411 = arith.constant 0 : i32
        %dma_wait3A_412 = tpu.memref_slice %arg5[%add3A_406, %dma_wait3A_410, %dma_wait3A_411] : memref<4096x200x64xf32, #tpu.memory_space<hbm>> -> memref<2x200x64xf32, #tpu.memory_space<hbm>>
        tpu.wait_dma2 semaphore(%arg16 : memref<!tpu.dma_semaphore, #tpu.memory_space<semaphore_mem>>) src(%arg9 : memref<2x200x64xf32, #tpu.memory_space<vmem>>) dst(%dma_wait3A_412 : memref<2x200x64xf32, #tpu.memory_space<hbm>>)
      } else {
      }
      %add3A_234 = arith.constant 1 : i32
      %add3A_235 = arith.addi %add3A_228, %add3A_234 : i32
      %lt3A_236 = arith.constant 64 : i32
      %lt3A_237 = arith.cmpi slt, %add3A_235, %lt3A_236 : i32
      %convert_element_type3A_238 = arith.extui %lt3A_237 : i1 to i32
      %cond3A_239 = arith.constant 0 : i32
      %cond3A_240 = arith.cmpi ne, %convert_element_type3A_238, %cond3A_239 : i32
      scf.if %cond3A_240 {
        %add3A_403 = arith.constant 1 : i32
        %add3A_404 = arith.addi %add3A_228, %add3A_403 : i32
        %mul3A_405 = arith.constant 4 : i32
        %mul3A_406 = arith.muli %add3A_404, %mul3A_405 : i32
        %add3A_407 = arith.constant 0 : i32
        %add3A_408 = arith.addi %mul3A_406, %add3A_407 : i32
        %dma_start3A_409 = arith.constant 0 : i32
        %dma_start3A_410 = arith.constant 0 : i32
        %dma_start3A_411 = arith.constant 0 : i32
        %dma_start3A_412 = tpu.memref_slice %arg9[%dma_start3A_409, %dma_start3A_410, %dma_start3A_411] : memref<2x200x64xf32, #tpu.memory_space<vmem>> -> memref<1x100x64xf32, #tpu.memory_space<vmem>>
        %dma_start3A_413 = tpu.memref_squeeze %dma_start3A_412 : memref<1x100x64xf32, #tpu.memory_space<vmem>> -> memref<100x64xf32, #tpu.memory_space<vmem>>
        %dma_start3A_414 = arith.constant 0 : i32
        %dma_start3A_415 = tpu.memref_slice %arg6[%add3A_408, %dma_start3A_414] : memref<256x100xi32, #tpu.memory_space<vmem>> -> memref<1x100xi32, #tpu.memory_space<vmem>>
        %dma_start3A_416 = tpu.memref_squeeze %dma_start3A_415 : memref<1x100xi32, #tpu.memory_space<vmem>> -> memref<100xi32, #tpu.memory_space<vmem>>
        %dma_start3A_417 = arith.constant 0 : i32
        %dma_start3A_418 = arith.constant 0 : i32
        %dma_start3A_419 = tpu.memref_slice %arg3[%dma_start3A_417, %dma_start3A_418] : memref<1000000x64xf32, #tpu.memory_space<hbm>> -> memref<1000000x64xf32, #tpu.memory_space<hbm>>
        tpu.enqueue_indirect_dma source(%dma_start3A_419 : memref<1000000x64xf32, #tpu.memory_space<hbm>>) target(%dma_start3A_413 : memref<100x64xf32, #tpu.memory_space<vmem>>) offsets(%dma_start3A_416 : memref<100xi32, #tpu.memory_space<vmem>>) semaphore(%arg13 : memref<!tpu.dma_semaphore, #tpu.memory_space<semaphore_mem>>)
        %mul3A_420 = arith.constant 4 : i32
        %mul3A_421 = arith.muli %add3A_404, %mul3A_420 : i32
        %add3A_422 = arith.constant 1 : i32
        %add3A_423 = arith.addi %mul3A_421, %add3A_422 : i32
        %dma_start3A_424 = arith.constant 0 : i32
        %dma_start3A_425 = arith.constant 100 : i32
        %dma_start3A_426 = arith.constant 0 : i32
        %dma_start3A_427 = tpu.memref_slice %arg9[%dma_start3A_424, %dma_start3A_425, %dma_start3A_426] : memref<2x200x64xf32, #tpu.memory_space<vmem>> -> memref<1x100x64xf32, #tpu.memory_space<vmem>>
        %dma_start3A_428 = tpu.memref_squeeze %dma_start3A_427 : memref<1x100x64xf32, #tpu.memory_space<vmem>> -> memref<100x64xf32, #tpu.memory_space<vmem>>
        %dma_start3A_429 = arith.constant 0 : i32
        %dma_start3A_430 = tpu.memref_slice %arg6[%add3A_423, %dma_start3A_429] : memref<256x100xi32, #tpu.memory_space<vmem>> -> memref<1x100xi32, #tpu.memory_space<vmem>>
        %dma_start3A_431 = tpu.memref_squeeze %dma_start3A_430 : memref<1x100xi32, #tpu.memory_space<vmem>> -> memref<100xi32, #tpu.memory_space<vmem>>
        %dma_start3A_432 = arith.constant 0 : i32
        %dma_start3A_433 = arith.constant 0 : i32
        %dma_start3A_434 = tpu.memref_slice %arg3[%dma_start3A_432, %dma_start3A_433] : memref<1000000x64xf32, #tpu.memory_space<hbm>> -> memref<1000000x64xf32, #tpu.memory_space<hbm>>
        tpu.enqueue_indirect_dma source(%dma_start3A_434 : memref<1000000x64xf32, #tpu.memory_space<hbm>>) target(%dma_start3A_428 : memref<100x64xf32, #tpu.memory_space<vmem>>) offsets(%dma_start3A_431 : memref<100xi32, #tpu.memory_space<vmem>>) semaphore(%arg13 : memref<!tpu.dma_semaphore, #tpu.memory_space<semaphore_mem>>)
        %mul3A_435 = arith.constant 4 : i32
        %mul3A_436 = arith.muli %add3A_404, %mul3A_435 : i32
        %add3A_437 = arith.constant 2 : i32
        %add3A_438 = arith.addi %mul3A_436, %add3A_437 : i32
        %dma_start3A_439 = arith.constant 1 : i32
        %dma_start3A_440 = arith.constant 0 : i32
        %dma_start3A_441 = arith.constant 0 : i32
        %dma_start3A_442 = tpu.memref_slice %arg9[%dma_start3A_439, %dma_start3A_440, %dma_start3A_441] : memref<2x200x64xf32, #tpu.memory_space<vmem>> -> memref<1x100x64xf32, #tpu.memory_space<vmem>>
        %dma_start3A_443 = tpu.memref_squeeze %dma_start3A_442 : memref<1x100x64xf32, #tpu.memory_space<vmem>> -> memref<100x64xf32, #tpu.memory_space<vmem>>
        %dma_start3A_444 = arith.constant 0 : i32
        %dma_start3A_445 = tpu.memref_slice %arg6[%add3A_438, %dma_start3A_444] : memref<256x100xi32, #tpu.memory_space<vmem>> -> memref<1x100xi32, #tpu.memory_space<vmem>>
        %dma_start3A_446 = tpu.memref_squeeze %dma_start3A_445 : memref<1x100xi32, #tpu.memory_space<vmem>> -> memref<100xi32, #tpu.memory_space<vmem>>
        %dma_start3A_447 = arith.constant 0 : i32
        %dma_start3A_448 = arith.constant 0 : i32
        %dma_start3A_449 = tpu.memref_slice %arg3[%dma_start3A_447, %dma_start3A_448] : memref<1000000x64xf32, #tpu.memory_space<hbm>> -> memref<1000000x64xf32, #tpu.memory_space<hbm>>
        tpu.enqueue_indirect_dma source(%dma_start3A_449 : memref<1000000x64xf32, #tpu.memory_space<hbm>>) target(%dma_start3A_443 : memref<100x64xf32, #tpu.memory_space<vmem>>) offsets(%dma_start3A_446 : memref<100xi32, #tpu.memory_space<vmem>>) semaphore(%arg13 : memref<!tpu.dma_semaphore, #tpu.memory_space<semaphore_mem>>)
        %mul3A_450 = arith.constant 4 : i32
        %mul3A_451 = arith.muli %add3A_404, %mul3A_450 : i32
        %add3A_452 = arith.constant 3 : i32
        %add3A_453 = arith.addi %mul3A_451, %add3A_452 : i32
        %dma_start3A_454 = arith.constant 1 : i32
        %dma_start3A_455 = arith.constant 100 : i32
        %dma_start3A_456 = arith.constant 0 : i32
        %dma_start3A_457 = tpu.memref_slice %arg9[%dma_start3A_454, %dma_start3A_455, %dma_start3A_456] : memref<2x200x64xf32, #tpu.memory_space<vmem>> -> memref<1x100x64xf32, #tpu.memory_space<vmem>>
        %dma_start3A_458 = tpu.memref_squeeze %dma_start3A_457 : memref<1x100x64xf32, #tpu.memory_space<vmem>> -> memref<100x64xf32, #tpu.memory_space<vmem>>
        %dma_start3A_459 = arith.constant 0 : i32
        %dma_start3A_460 = tpu.memref_slice %arg6[%add3A_453, %dma_start3A_459] : memref<256x100xi32, #tpu.memory_space<vmem>> -> memref<1x100xi32, #tpu.memory_space<vmem>>
        %dma_start3A_461 = tpu.memref_squeeze %dma_start3A_460 : memref<1x100xi32, #tpu.memory_space<vmem>> -> memref<100xi32, #tpu.memory_space<vmem>>
        %dma_start3A_462 = arith.constant 0 : i32
        %dma_start3A_463 = arith.constant 0 : i32
        %dma_start3A_464 = tpu.memref_slice %arg3[%dma_start3A_462, %dma_start3A_463] : memref<1000000x64xf32, #tpu.memory_space<hbm>> -> memref<1000000x64xf32, #tpu.memory_space<hbm>>
        tpu.enqueue_indirect_dma source(%dma_start3A_464 : memref<1000000x64xf32, #tpu.memory_space<hbm>>) target(%dma_start3A_458 : memref<100x64xf32, #tpu.memory_space<vmem>>) offsets(%dma_start3A_461 : memref<100xi32, #tpu.memory_space<vmem>>) semaphore(%arg13 : memref<!tpu.dma_semaphore, #tpu.memory_space<semaphore_mem>>)
      } else {
      }
      %mul3A_241 = arith.constant 4 : i32
      %mul3A_242 = arith.muli %add3A_228, %mul3A_241 : i32
      %add3A_243 = arith.constant 0 : i32
      %add3A_244 = arith.addi %mul3A_242, %add3A_243 : i32
      %dma_wait3A_245 = arith.constant 0 : i32
      %dma_wait3A_246 = arith.constant 0 : i32
      %dma_wait3A_247 = arith.constant 0 : i32
      %dma_wait3A_248 = tpu.memref_slice %arg8[%dma_wait3A_245, %dma_wait3A_246, %dma_wait3A_247] : memref<2x200x64xf32, #tpu.memory_space<vmem>> -> memref<1x100x64xf32, #tpu.memory_space<vmem>>
      %dma_wait3A_249 = tpu.memref_squeeze %dma_wait3A_248 : memref<1x100x64xf32, #tpu.memory_space<vmem>> -> memref<100x64xf32, #tpu.memory_space<vmem>>
      %dma_wait3A_250 = arith.constant 0 : i32
      %dma_wait3A_251 = tpu.memref_slice %arg6[%add3A_244, %dma_wait3A_250] : memref<256x100xi32, #tpu.memory_space<vmem>> -> memref<1x100xi32, #tpu.memory_space<vmem>>
      %dma_wait3A_252 = tpu.memref_squeeze %dma_wait3A_251 : memref<1x100xi32, #tpu.memory_space<vmem>> -> memref<100xi32, #tpu.memory_space<vmem>>
      %dma_wait3A_253 = arith.constant 0 : i32
      %dma_wait3A_254 = arith.constant 0 : i32
      %dma_wait3A_255 = tpu.memref_slice %arg3[%dma_wait3A_253, %dma_wait3A_254] : memref<1000000x64xf32, #tpu.memory_space<hbm>> -> memref<1000000x64xf32, #tpu.memory_space<hbm>>
      tpu.wait_indirect_dma semaphore(%arg12 : memref<!tpu.dma_semaphore, #tpu.memory_space<semaphore_mem>>) src(%dma_wait3A_255 : memref<1000000x64xf32, #tpu.memory_space<hbm>>) dst(%dma_wait3A_249 : memref<100x64xf32, #tpu.memory_space<vmem>>)
      %mul3A_256 = arith.constant 4 : i32
      %mul3A_257 = arith.muli %add3A_228, %mul3A_256 : i32
      %add3A_258 = arith.constant 1 : i32
      %add3A_259 = arith.addi %mul3A_257, %add3A_258 : i32
      %dma_wait3A_260 = arith.constant 0 : i32
      %dma_wait3A_261 = arith.constant 100 : i32
      %dma_wait3A_262 = arith.constant 0 : i32
      %dma_wait3A_263 = tpu.memref_slice %arg8[%dma_wait3A_260, %dma_wait3A_261, %dma_wait3A_262] : memref<2x200x64xf32, #tpu.memory_space<vmem>> -> memref<1x100x64xf32, #tpu.memory_space<vmem>>
      %dma_wait3A_264 = tpu.memref_squeeze %dma_wait3A_263 : memref<1x100x64xf32, #tpu.memory_space<vmem>> -> memref<100x64xf32, #tpu.memory_space<vmem>>
      %dma_wait3A_265 = arith.constant 0 : i32
      %dma_wait3A_266 = tpu.memref_slice %arg6[%add3A_259, %dma_wait3A_265] : memref<256x100xi32, #tpu.memory_space<vmem>> -> memref<1x100xi32, #tpu.memory_space<vmem>>
      %dma_wait3A_267 = tpu.memref_squeeze %dma_wait3A_266 : memref<1x100xi32, #tpu.memory_space<vmem>> -> memref<100xi32, #tpu.memory_space<vmem>>
      %dma_wait3A_268 = arith.constant 0 : i32
      %dma_wait3A_269 = arith.constant 0 : i32
      %dma_wait3A_270 = tpu.memref_slice %arg3[%dma_wait3A_268, %dma_wait3A_269] : memref<1000000x64xf32, #tpu.memory_space<hbm>> -> memref<1000000x64xf32, #tpu.memory_space<hbm>>
      tpu.wait_indirect_dma semaphore(%arg12 : memref<!tpu.dma_semaphore, #tpu.memory_space<semaphore_mem>>) src(%dma_wait3A_270 : memref<1000000x64xf32, #tpu.memory_space<hbm>>) dst(%dma_wait3A_264 : memref<100x64xf32, #tpu.memory_space<vmem>>)
      %mul3A_271 = arith.constant 4 : i32
      %mul3A_272 = arith.muli %add3A_228, %mul3A_271 : i32
      %add3A_273 = arith.constant 2 : i32
      %add3A_274 = arith.addi %mul3A_272, %add3A_273 : i32
      %dma_wait3A_275 = arith.constant 1 : i32
      %dma_wait3A_276 = arith.constant 0 : i32
      %dma_wait3A_277 = arith.constant 0 : i32
      %dma_wait3A_278 = tpu.memref_slice %arg8[%dma_wait3A_275, %dma_wait3A_276, %dma_wait3A_277] : memref<2x200x64xf32, #tpu.memory_space<vmem>> -> memref<1x100x64xf32, #tpu.memory_space<vmem>>
      %dma_wait3A_279 = tpu.memref_squeeze %dma_wait3A_278 : memref<1x100x64xf32, #tpu.memory_space<vmem>> -> memref<100x64xf32, #tpu.memory_space<vmem>>
      %dma_wait3A_280 = arith.constant 0 : i32
      %dma_wait3A_281 = tpu.memref_slice %arg6[%add3A_274, %dma_wait3A_280] : memref<256x100xi32, #tpu.memory_space<vmem>> -> memref<1x100xi32, #tpu.memory_space<vmem>>
      %dma_wait3A_282 = tpu.memref_squeeze %dma_wait3A_281 : memref<1x100xi32, #tpu.memory_space<vmem>> -> memref<100xi32, #tpu.memory_space<vmem>>
      %dma_wait3A_283 = arith.constant 0 : i32
      %dma_wait3A_284 = arith.constant 0 : i32
      %dma_wait3A_285 = tpu.memref_slice %arg3[%dma_wait3A_283, %dma_wait3A_284] : memref<1000000x64xf32, #tpu.memory_space<hbm>> -> memref<1000000x64xf32, #tpu.memory_space<hbm>>
      tpu.wait_indirect_dma semaphore(%arg12 : memref<!tpu.dma_semaphore, #tpu.memory_space<semaphore_mem>>) src(%dma_wait3A_285 : memref<1000000x64xf32, #tpu.memory_space<hbm>>) dst(%dma_wait3A_279 : memref<100x64xf32, #tpu.memory_space<vmem>>)
      %mul3A_286 = arith.constant 4 : i32
      %mul3A_287 = arith.muli %add3A_228, %mul3A_286 : i32
      %add3A_288 = arith.constant 3 : i32
      %add3A_289 = arith.addi %mul3A_287, %add3A_288 : i32
      %dma_wait3A_290 = arith.constant 1 : i32
      %dma_wait3A_291 = arith.constant 100 : i32
      %dma_wait3A_292 = arith.constant 0 : i32
      %dma_wait3A_293 = tpu.memref_slice %arg8[%dma_wait3A_290, %dma_wait3A_291, %dma_wait3A_292] : memref<2x200x64xf32, #tpu.memory_space<vmem>> -> memref<1x100x64xf32, #tpu.memory_space<vmem>>
      %dma_wait3A_294 = tpu.memref_squeeze %dma_wait3A_293 : memref<1x100x64xf32, #tpu.memory_space<vmem>> -> memref<100x64xf32, #tpu.memory_space<vmem>>
      %dma_wait3A_295 = arith.constant 0 : i32
      %dma_wait3A_296 = tpu.memref_slice %arg6[%add3A_289, %dma_wait3A_295] : memref<256x100xi32, #tpu.memory_space<vmem>> -> memref<1x100xi32, #tpu.memory_space<vmem>>
      %dma_wait3A_297 = tpu.memref_squeeze %dma_wait3A_296 : memref<1x100xi32, #tpu.memory_space<vmem>> -> memref<100xi32, #tpu.memory_space<vmem>>
      %dma_wait3A_298 = arith.constant 0 : i32
      %dma_wait3A_299 = arith.constant 0 : i32
      %dma_wait3A_300 = tpu.memref_slice %arg3[%dma_wait3A_298, %dma_wait3A_299] : memref<1000000x64xf32, #tpu.memory_space<hbm>> -> memref<1000000x64xf32, #tpu.memory_space<hbm>>
      tpu.wait_indirect_dma semaphore(%arg12 : memref<!tpu.dma_semaphore, #tpu.memory_space<semaphore_mem>>) src(%dma_wait3A_300 : memref<1000000x64xf32, #tpu.memory_space<hbm>>) dst(%dma_wait3A_294 : memref<100x64xf32, #tpu.memory_space<vmem>>)
      %scan3A_301 = arith.constant 0 : i32
      %scan3A_302 = arith.constant 200 : i32
      %scan3A_303 = arith.addi %scan3A_301, %scan3A_302 : i32
      %scan3A_304 = arith.constant 4 : i32
      scf.for %scan3A_403 = %scan3A_301 to %scan3A_303 step %scan3A_304  : i32 {
        %get3A = arith.index_cast %scan3A_403 : i32 to index
        %get3A_404 = arith.constant 0 : index
        %get3A_405 = tpu.vector_load %arg10[%get3A, %get3A_404] {strides = array<i32>} : memref<200x64xf32, #tpu.memory_space<vmem>>, vector<1x16xf32>,
        %get3A_406 = vector.shape_cast %get3A_405 : vector<1x16xf32> to vector<16xf32>
        %get3A_407 = arith.constant 0 : i32
        %get3A_408 = arith.index_cast %get3A_407 : i32 to index
        %get3A_409 = arith.index_cast %scan3A_403 : i32 to index
        %get3A_410 = arith.constant 0 : index
        %get3A_411 = tpu.vector_load %arg8[%get3A_408, %get3A_409, %get3A_410] {strides = array<i32>} : memref<2x200x64xf32, #tpu.memory_space<vmem>>, vector<1x1x16xf32>,
        %get3A_412 = vector.shape_cast %get3A_411 : vector<1x1x16xf32> to vector<16xf32>
        %mul3A_413 = arith.constant 8.000000e+00 : f32
        %mul3A_414 = vector.broadcast %mul3A_413 : f32 to vector<16xf32>
        %mul3A_415 = arith.mulf %get3A_412, %mul3A_414 : vector<16xf32>
        %add3A_416 = arith.addf %mul3A_415, %get3A_406 : vector<16xf32>
        %swap3A = arith.constant 0 : i32
        %swap3A_417 = arith.index_cast %swap3A : i32 to index
        %swap3A_418 = arith.index_cast %scan3A_403 : i32 to index
        %swap3A_419 = arith.constant 0 : index
        %swap3A_420 = tpu.vector_load %arg8[%swap3A_417, %swap3A_418, %swap3A_419] {strides = array<i32>} : memref<2x200x64xf32, #tpu.memory_space<vmem>>, vector<1x1x16xf32>,
        %swap3A_421 = vector.shape_cast %swap3A_420 : vector<1x1x16xf32> to vector<16xf32>
        %swap3A_422 = vector.shape_cast %add3A_416 : vector<16xf32> to vector<1x1x16xf32>
        tpu.vector_store %arg8[%swap3A_417, %swap3A_418, %swap3A_419], %swap3A_422 {strides = array<i32>} : memref<2x200x64xf32, #tpu.memory_space<vmem>>, vector<1x1x16xf32>,
        %get3A_423 = arith.constant 1 : i32
        %get3A_424 = arith.index_cast %get3A_423 : i32 to index
        %get3A_425 = arith.index_cast %scan3A_403 : i32 to index
        %get3A_426 = arith.constant 0 : index
        %get3A_427 = tpu.vector_load %arg8[%get3A_424, %get3A_425, %get3A_426] {strides = array<i32>} : memref<2x200x64xf32, #tpu.memory_space<vmem>>, vector<1x1x16xf32>,
        %get3A_428 = vector.shape_cast %get3A_427 : vector<1x1x16xf32> to vector<16xf32>
        %mul3A_429 = arith.constant 8.000000e+00 : f32
        %mul3A_430 = vector.broadcast %mul3A_429 : f32 to vector<16xf32>
        %mul3A_431 = arith.mulf %get3A_428, %mul3A_430 : vector<16xf32>
        %add3A_432 = arith.addf %mul3A_431, %get3A_406 : vector<16xf32>
        %swap3A_433 = arith.constant 1 : i32
        %swap3A_434 = arith.index_cast %swap3A_433 : i32 to index
        %swap3A_435 = arith.index_cast %scan3A_403 : i32 to index
        %swap3A_436 = arith.constant 0 : index
        %swap3A_437 = tpu.vector_load %arg8[%swap3A_434, %swap3A_435, %swap3A_436] {strides = array<i32>} : memref<2x200x64xf32, #tpu.memory_space<vmem>>, vector<1x1x16xf32>,
        %swap3A_438 = vector.shape_cast %swap3A_437 : vector<1x1x16xf32> to vector<16xf32>
        %swap3A_439 = vector.shape_cast %add3A_432 : vector<16xf32> to vector<1x1x16xf32>
        tpu.vector_store %arg8[%swap3A_434, %swap3A_435, %swap3A_436], %swap3A_439 {strides = array<i32>} : memref<2x200x64xf32, #tpu.memory_space<vmem>>, vector<1x1x16xf32>,
        %get3A_440 = arith.index_cast %scan3A_403 : i32 to index
        %get3A_441 = arith.constant 16 : index
        %get3A_442 = tpu.vector_load %arg10[%get3A_440, %get3A_441] {strides = array<i32>} : memref<200x64xf32, #tpu.memory_space<vmem>>, vector<1x16xf32>,
        %get3A_443 = vector.shape_cast %get3A_442 : vector<1x16xf32> to vector<16xf32>
        %get3A_444 = arith.constant 0 : i32
        %get3A_445 = arith.index_cast %get3A_444 : i32 to index
        %get3A_446 = arith.index_cast %scan3A_403 : i32 to index
        %get3A_447 = arith.constant 16 : index
        %get3A_448 = tpu.vector_load %arg8[%get3A_445, %get3A_446, %get3A_447] {strides = array<i32>} : memref<2x200x64xf32, #tpu.memory_space<vmem>>, vector<1x1x16xf32>,
        %get3A_449 = vector.shape_cast %get3A_448 : vector<1x1x16xf32> to vector<16xf32>
        %mul3A_450 = arith.constant 8.000000e+00 : f32
        %mul3A_451 = vector.broadcast %mul3A_450 : f32 to vector<16xf32>
        %mul3A_452 = arith.mulf %get3A_449, %mul3A_451 : vector<16xf32>
        %add3A_453 = arith.addf %mul3A_452, %get3A_443 : vector<16xf32>
        %swap3A_454 = arith.constant 0 : i32
        %swap3A_455 = arith.index_cast %swap3A_454 : i32 to index
        %swap3A_456 = arith.index_cast %scan3A_403 : i32 to index
        %swap3A_457 = arith.constant 16 : index
        %swap3A_458 = tpu.vector_load %arg8[%swap3A_455, %swap3A_456, %swap3A_457] {strides = array<i32>} : memref<2x200x64xf32, #tpu.memory_space<vmem>>, vector<1x1x16xf32>,
        %swap3A_459 = vector.shape_cast %swap3A_458 : vector<1x1x16xf32> to vector<16xf32>
        %swap3A_460 = vector.shape_cast %add3A_453 : vector<16xf32> to vector<1x1x16xf32>
        tpu.vector_store %arg8[%swap3A_455, %swap3A_456, %swap3A_457], %swap3A_460 {strides = array<i32>} : memref<2x200x64xf32, #tpu.memory_space<vmem>>, vector<1x1x16xf32>,
        %get3A_461 = arith.constant 1 : i32
        %get3A_462 = arith.index_cast %get3A_461 : i32 to index
        %get3A_463 = arith.index_cast %scan3A_403 : i32 to index
        %get3A_464 = arith.constant 16 : index
        %get3A_465 = tpu.vector_load %arg8[%get3A_462, %get3A_463, %get3A_464] {strides = array<i32>} : memref<2x200x64xf32, #tpu.memory_space<vmem>>, vector<1x1x16xf32>,
        %get3A_466 = vector.shape_cast %get3A_465 : vector<1x1x16xf32> to vector<16xf32>
        %mul3A_467 = arith.constant 8.000000e+00 : f32
        %mul3A_468 = vector.broadcast %mul3A_467 : f32 to vector<16xf32>
        %mul3A_469 = arith.mulf %get3A_466, %mul3A_468 : vector<16xf32>
        %add3A_470 = arith.addf %mul3A_469, %get3A_443 : vector<16xf32>
        %swap3A_471 = arith.constant 1 : i32
        %swap3A_472 = arith.index_cast %swap3A_471 : i32 to index
        %swap3A_473 = arith.index_cast %scan3A_403 : i32 to index
        %swap3A_474 = arith.constant 16 : index
        %swap3A_475 = tpu.vector_load %arg8[%swap3A_472, %swap3A_473, %swap3A_474] {strides = array<i32>} : memref<2x200x64xf32, #tpu.memory_space<vmem>>, vector<1x1x16xf32>,
        %swap3A_476 = vector.shape_cast %swap3A_475 : vector<1x1x16xf32> to vector<16xf32>
        %swap3A_477 = vector.shape_cast %add3A_470 : vector<16xf32> to vector<1x1x16xf32>
        tpu.vector_store %arg8[%swap3A_472, %swap3A_473, %swap3A_474], %swap3A_477 {strides = array<i32>} : memref<2x200x64xf32, #tpu.memory_space<vmem>>, vector<1x1x16xf32>,
        %get3A_478 = arith.index_cast %scan3A_403 : i32 to index
        %get3A_479 = arith.constant 32 : index
        %get3A_480 = tpu.vector_load %arg10[%get3A_478, %get3A_479] {strides = array<i32>} : memref<200x64xf32, #tpu.memory_space<vmem>>, vector<1x16xf32>,
        %get3A_481 = vector.shape_cast %get3A_480 : vector<1x16xf32> to vector<16xf32>
        %get3A_482 = arith.constant 0 : i32
        %get3A_483 = arith.index_cast %get3A_482 : i32 to index
        %get3A_484 = arith.index_cast %scan3A_403 : i32 to index
        %get3A_485 = arith.constant 32 : index
        %get3A_486 = tpu.vector_load %arg8[%get3A_483, %get3A_484, %get3A_485] {strides = array<i32>} : memref<2x200x64xf32, #tpu.memory_space<vmem>>, vector<1x1x16xf32>,
        %get3A_487 = vector.shape_cast %get3A_486 : vector<1x1x16xf32> to vector<16xf32>
        %mul3A_488 = arith.constant 8.000000e+00 : f32
        %mul3A_489 = vector.broadcast %mul3A_488 : f32 to vector<16xf32>
        %mul3A_490 = arith.mulf %get3A_487, %mul3A_489 : vector<16xf32>
        %add3A_491 = arith.addf %mul3A_490, %get3A_481 : vector<16xf32>
        %swap3A_492 = arith.constant 0 : i32
        %swap3A_493 = arith.index_cast %swap3A_492 : i32 to index
        %swap3A_494 = arith.index_cast %scan3A_403 : i32 to index
        %swap3A_495 = arith.constant 32 : index
        %swap3A_496 = tpu.vector_load %arg8[%swap3A_493, %swap3A_494, %swap3A_495] {strides = array<i32>} : memref<2x200x64xf32, #tpu.memory_space<vmem>>, vector<1x1x16xf32>,
        %swap3A_497 = vector.shape_cast %swap3A_496 : vector<1x1x16xf32> to vector<16xf32>
        %swap3A_498 = vector.shape_cast %add3A_491 : vector<16xf32> to vector<1x1x16xf32>
        tpu.vector_store %arg8[%swap3A_493, %swap3A_494, %swap3A_495], %swap3A_498 {strides = array<i32>} : memref<2x200x64xf32, #tpu.memory_space<vmem>>, vector<1x1x16xf32>,
        %get3A_499 = arith.constant 1 : i32
        %get3A_500 = arith.index_cast %get3A_499 : i32 to index
        %get3A_501 = arith.index_cast %scan3A_403 : i32 to index
        %get3A_502 = arith.constant 32 : index
        %get3A_503 = tpu.vector_load %arg8[%get3A_500, %get3A_501, %get3A_502] {strides = array<i32>} : memref<2x200x64xf32, #tpu.memory_space<vmem>>, vector<1x1x16xf32>,
        %get3A_504 = vector.shape_cast %get3A_503 : vector<1x1x16xf32> to vector<16xf32>
        %mul3A_505 = arith.constant 8.000000e+00 : f32
        %mul3A_506 = vector.broadcast %mul3A_505 : f32 to vector<16xf32>
        %mul3A_507 = arith.mulf %get3A_504, %mul3A_506 : vector<16xf32>
        %add3A_508 = arith.addf %mul3A_507, %get3A_481 : vector<16xf32>
        %swap3A_509 = arith.constant 1 : i32
        %swap3A_510 = arith.index_cast %swap3A_509 : i32 to index
        %swap3A_511 = arith.index_cast %scan3A_403 : i32 to index
        %swap3A_512 = arith.constant 32 : index
        %swap3A_513 = tpu.vector_load %arg8[%swap3A_510, %swap3A_511, %swap3A_512] {strides = array<i32>} : memref<2x200x64xf32, #tpu.memory_space<vmem>>, vector<1x1x16xf32>,
        %swap3A_514 = vector.shape_cast %swap3A_513 : vector<1x1x16xf32> to vector<16xf32>
        %swap3A_515 = vector.shape_cast %add3A_508 : vector<16xf32> to vector<1x1x16xf32>
        tpu.vector_store %arg8[%swap3A_510, %swap3A_511, %swap3A_512], %swap3A_515 {strides = array<i32>} : memref<2x200x64xf32, #tpu.memory_space<vmem>>, vector<1x1x16xf32>,
        %get3A_516 = arith.index_cast %scan3A_403 : i32 to index
        %get3A_517 = arith.constant 48 : index
        %get3A_518 = tpu.vector_load %arg10[%get3A_516, %get3A_517] {strides = array<i32>} : memref<200x64xf32, #tpu.memory_space<vmem>>, vector<1x16xf32>,
        %get3A_519 = vector.shape_cast %get3A_518 : vector<1x16xf32> to vector<16xf32>
        %get3A_520 = arith.constant 0 : i32
        %get3A_521 = arith.index_cast %get3A_520 : i32 to index
        %get3A_522 = arith.index_cast %scan3A_403 : i32 to index
        %get3A_523 = arith.constant 48 : index
        %get3A_524 = tpu.vector_load %arg8[%get3A_521, %get3A_522, %get3A_523] {strides = array<i32>} : memref<2x200x64xf32, #tpu.memory_space<vmem>>, vector<1x1x16xf32>,
        %get3A_525 = vector.shape_cast %get3A_524 : vector<1x1x16xf32> to vector<16xf32>
        %mul3A_526 = arith.constant 8.000000e+00 : f32
        %mul3A_527 = vector.broadcast %mul3A_526 : f32 to vector<16xf32>
        %mul3A_528 = arith.mulf %get3A_525, %mul3A_527 : vector<16xf32>
        %add3A_529 = arith.addf %mul3A_528, %get3A_519 : vector<16xf32>
        %swap3A_530 = arith.constant 0 : i32
        %swap3A_531 = arith.index_cast %swap3A_530 : i32 to index
        %swap3A_532 = arith.index_cast %scan3A_403 : i32 to index
        %swap3A_533 = arith.constant 48 : index
        %swap3A_534 = tpu.vector_load %arg8[%swap3A_531, %swap3A_532, %swap3A_533] {strides = array<i32>} : memref<2x200x64xf32, #tpu.memory_space<vmem>>, vector<1x1x16xf32>,
        %swap3A_535 = vector.shape_cast %swap3A_534 : vector<1x1x16xf32> to vector<16xf32>
        %swap3A_536 = vector.shape_cast %add3A_529 : vector<16xf32> to vector<1x1x16xf32>
        tpu.vector_store %arg8[%swap3A_531, %swap3A_532, %swap3A_533], %swap3A_536 {strides = array<i32>} : memref<2x200x64xf32, #tpu.memory_space<vmem>>, vector<1x1x16xf32>,
        %get3A_537 = arith.constant 1 : i32
        %get3A_538 = arith.index_cast %get3A_537 : i32 to index
        %get3A_539 = arith.index_cast %scan3A_403 : i32 to index
        %get3A_540 = arith.constant 48 : index
        %get3A_541 = tpu.vector_load %arg8[%get3A_538, %get3A_539, %get3A_540] {strides = array<i32>} : memref<2x200x64xf32, #tpu.memory_space<vmem>>, vector<1x1x16xf32>,
        %get3A_542 = vector.shape_cast %get3A_541 : vector<1x1x16xf32> to vector<16xf32>
        %mul3A_543 = arith.constant 8.000000e+00 : f32
        %mul3A_544 = vector.broadcast %mul3A_543 : f32 to vector<16xf32>
        %mul3A_545 = arith.mulf %get3A_542, %mul3A_544 : vector<16xf32>
        %add3A_546 = arith.addf %mul3A_545, %get3A_519 : vector<16xf32>
        %swap3A_547 = arith.constant 1 : i32
        %swap3A_548 = arith.index_cast %swap3A_547 : i32 to index
        %swap3A_549 = arith.index_cast %scan3A_403 : i32 to index
        %swap3A_550 = arith.constant 48 : index
        %swap3A_551 = tpu.vector_load %arg8[%swap3A_548, %swap3A_549, %swap3A_550] {strides = array<i32>} : memref<2x200x64xf32, #tpu.memory_space<vmem>>, vector<1x1x16xf32>,
        %swap3A_552 = vector.shape_cast %swap3A_551 : vector<1x1x16xf32> to vector<16xf32>
        %swap3A_553 = vector.shape_cast %add3A_546 : vector<16xf32> to vector<1x1x16xf32>
        tpu.vector_store %arg8[%swap3A_548, %swap3A_549, %swap3A_550], %swap3A_553 {strides = array<i32>} : memref<2x200x64xf32, #tpu.memory_space<vmem>>, vector<1x1x16xf32>,
        %scan3A_554 = arith.constant 1 : i32
        %scan3A_555 = arith.addi %scan3A_403, %scan3A_554 : i32
        %get3A_556 = arith.index_cast %scan3A_555 : i32 to index
        %get3A_557 = arith.constant 0 : index
        %get3A_558 = tpu.vector_load %arg10[%get3A_556, %get3A_557] {strides = array<i32>} : memref<200x64xf32, #tpu.memory_space<vmem>>, vector<1x16xf32>,
        %get3A_559 = vector.shape_cast %get3A_558 : vector<1x16xf32> to vector<16xf32>
        %get3A_560 = arith.constant 0 : i32
        %get3A_561 = arith.index_cast %get3A_560 : i32 to index
        %get3A_562 = arith.index_cast %scan3A_555 : i32 to index
        %get3A_563 = arith.constant 0 : index
        %get3A_564 = tpu.vector_load %arg8[%get3A_561, %get3A_562, %get3A_563] {strides = array<i32>} : memref<2x200x64xf32, #tpu.memory_space<vmem>>, vector<1x1x16xf32>,
        %get3A_565 = vector.shape_cast %get3A_564 : vector<1x1x16xf32> to vector<16xf32>
        %mul3A_566 = arith.constant 8.000000e+00 : f32
        %mul3A_567 = vector.broadcast %mul3A_566 : f32 to vector<16xf32>
        %mul3A_568 = arith.mulf %get3A_565, %mul3A_567 : vector<16xf32>
        %add3A_569 = arith.addf %mul3A_568, %get3A_559 : vector<16xf32>
        %swap3A_570 = arith.constant 0 : i32
        %swap3A_571 = arith.index_cast %swap3A_570 : i32 to index
        %swap3A_572 = arith.index_cast %scan3A_555 : i32 to index
        %swap3A_573 = arith.constant 0 : index
        %swap3A_574 = tpu.vector_load %arg8[%swap3A_571, %swap3A_572, %swap3A_573] {strides = array<i32>} : memref<2x200x64xf32, #tpu.memory_space<vmem>>, vector<1x1x16xf32>,
        %swap3A_575 = vector.shape_cast %swap3A_574 : vector<1x1x16xf32> to vector<16xf32>
        %swap3A_576 = vector.shape_cast %add3A_569 : vector<16xf32> to vector<1x1x16xf32>
        tpu.vector_store %arg8[%swap3A_571, %swap3A_572, %swap3A_573], %swap3A_576 {strides = array<i32>} : memref<2x200x64xf32, #tpu.memory_space<vmem>>, vector<1x1x16xf32>,
        %get3A_577 = arith.constant 1 : i32
        %get3A_578 = arith.index_cast %get3A_577 : i32 to index
        %get3A_579 = arith.index_cast %scan3A_555 : i32 to index
        %get3A_580 = arith.constant 0 : index
        %get3A_581 = tpu.vector_load %arg8[%get3A_578, %get3A_579, %get3A_580] {strides = array<i32>} : memref<2x200x64xf32, #tpu.memory_space<vmem>>, vector<1x1x16xf32>,
        %get3A_582 = vector.shape_cast %get3A_581 : vector<1x1x16xf32> to vector<16xf32>
        %mul3A_583 = arith.constant 8.000000e+00 : f32
        %mul3A_584 = vector.broadcast %mul3A_583 : f32 to vector<16xf32>
        %mul3A_585 = arith.mulf %get3A_582, %mul3A_584 : vector<16xf32>
        %add3A_586 = arith.addf %mul3A_585, %get3A_559 : vector<16xf32>
        %swap3A_587 = arith.constant 1 : i32
        %swap3A_588 = arith.index_cast %swap3A_587 : i32 to index
        %swap3A_589 = arith.index_cast %scan3A_555 : i32 to index
        %swap3A_590 = arith.constant 0 : index
        %swap3A_591 = tpu.vector_load %arg8[%swap3A_588, %swap3A_589, %swap3A_590] {strides = array<i32>} : memref<2x200x64xf32, #tpu.memory_space<vmem>>, vector<1x1x16xf32>,
        %swap3A_592 = vector.shape_cast %swap3A_591 : vector<1x1x16xf32> to vector<16xf32>
        %swap3A_593 = vector.shape_cast %add3A_586 : vector<16xf32> to vector<1x1x16xf32>
        tpu.vector_store %arg8[%swap3A_588, %swap3A_589, %swap3A_590], %swap3A_593 {strides = array<i32>} : memref<2x200x64xf32, #tpu.memory_space<vmem>>, vector<1x1x16xf32>,
        %get3A_594 = arith.index_cast %scan3A_555 : i32 to index
        %get3A_595 = arith.constant 16 : index
        %get3A_596 = tpu.vector_load %arg10[%get3A_594, %get3A_595] {strides = array<i32>} : memref<200x64xf32, #tpu.memory_space<vmem>>, vector<1x16xf32>,
        %get3A_597 = vector.shape_cast %get3A_596 : vector<1x16xf32> to vector<16xf32>
        %get3A_598 = arith.constant 0 : i32
        %get3A_599 = arith.index_cast %get3A_598 : i32 to index
        %get3A_600 = arith.index_cast %scan3A_555 : i32 to index
        %get3A_601 = arith.constant 16 : index
        %get3A_602 = tpu.vector_load %arg8[%get3A_599, %get3A_600, %get3A_601] {strides = array<i32>} : memref<2x200x64xf32, #tpu.memory_space<vmem>>, vector<1x1x16xf32>,
        %get3A_603 = vector.shape_cast %get3A_602 : vector<1x1x16xf32> to vector<16xf32>
        %mul3A_604 = arith.constant 8.000000e+00 : f32
        %mul3A_605 = vector.broadcast %mul3A_604 : f32 to vector<16xf32>
        %mul3A_606 = arith.mulf %get3A_603, %mul3A_605 : vector<16xf32>
        %add3A_607 = arith.addf %mul3A_606, %get3A_597 : vector<16xf32>
        %swap3A_608 = arith.constant 0 : i32
        %swap3A_609 = arith.index_cast %swap3A_608 : i32 to index
        %swap3A_610 = arith.index_cast %scan3A_555 : i32 to index
        %swap3A_611 = arith.constant 16 : index
        %swap3A_612 = tpu.vector_load %arg8[%swap3A_609, %swap3A_610, %swap3A_611] {strides = array<i32>} : memref<2x200x64xf32, #tpu.memory_space<vmem>>, vector<1x1x16xf32>,
        %swap3A_613 = vector.shape_cast %swap3A_612 : vector<1x1x16xf32> to vector<16xf32>
        %swap3A_614 = vector.shape_cast %add3A_607 : vector<16xf32> to vector<1x1x16xf32>
        tpu.vector_store %arg8[%swap3A_609, %swap3A_610, %swap3A_611], %swap3A_614 {strides = array<i32>} : memref<2x200x64xf32, #tpu.memory_space<vmem>>, vector<1x1x16xf32>,
        %get3A_615 = arith.constant 1 : i32
        %get3A_616 = arith.index_cast %get3A_615 : i32 to index
        %get3A_617 = arith.index_cast %scan3A_555 : i32 to index
        %get3A_618 = arith.constant 16 : index
        %get3A_619 = tpu.vector_load %arg8[%get3A_616, %get3A_617, %get3A_618] {strides = array<i32>} : memref<2x200x64xf32, #tpu.memory_space<vmem>>, vector<1x1x16xf32>,
        %get3A_620 = vector.shape_cast %get3A_619 : vector<1x1x16xf32> to vector<16xf32>
        %mul3A_621 = arith.constant 8.000000e+00 : f32
        %mul3A_622 = vector.broadcast %mul3A_621 : f32 to vector<16xf32>
        %mul3A_623 = arith.mulf %get3A_620, %mul3A_622 : vector<16xf32>
        %add3A_624 = arith.addf %mul3A_623, %get3A_597 : vector<16xf32>
        %swap3A_625 = arith.constant 1 : i32
        %swap3A_626 = arith.index_cast %swap3A_625 : i32 to index
        %swap3A_627 = arith.index_cast %scan3A_555 : i32 to index
        %swap3A_628 = arith.constant 16 : index
        %swap3A_629 = tpu.vector_load %arg8[%swap3A_626, %swap3A_627, %swap3A_628] {strides = array<i32>} : memref<2x200x64xf32, #tpu.memory_space<vmem>>, vector<1x1x16xf32>,
        %swap3A_630 = vector.shape_cast %swap3A_629 : vector<1x1x16xf32> to vector<16xf32>
        %swap3A_631 = vector.shape_cast %add3A_624 : vector<16xf32> to vector<1x1x16xf32>
        tpu.vector_store %arg8[%swap3A_626, %swap3A_627, %swap3A_628], %swap3A_631 {strides = array<i32>} : memref<2x200x64xf32, #tpu.memory_space<vmem>>, vector<1x1x16xf32>,
        %get3A_632 = arith.index_cast %scan3A_555 : i32 to index
        %get3A_633 = arith.constant 32 : index
        %get3A_634 = tpu.vector_load %arg10[%get3A_632, %get3A_633] {strides = array<i32>} : memref<200x64xf32, #tpu.memory_space<vmem>>, vector<1x16xf32>,
        %get3A_635 = vector.shape_cast %get3A_634 : vector<1x16xf32> to vector<16xf32>
        %get3A_636 = arith.constant 0 : i32
        %get3A_637 = arith.index_cast %get3A_636 : i32 to index
        %get3A_638 = arith.index_cast %scan3A_555 : i32 to index
        %get3A_639 = arith.constant 32 : index
        %get3A_640 = tpu.vector_load %arg8[%get3A_637, %get3A_638, %get3A_639] {strides = array<i32>} : memref<2x200x64xf32, #tpu.memory_space<vmem>>, vector<1x1x16xf32>,
        %get3A_641 = vector.shape_cast %get3A_640 : vector<1x1x16xf32> to vector<16xf32>
        %mul3A_642 = arith.constant 8.000000e+00 : f32
        %mul3A_643 = vector.broadcast %mul3A_642 : f32 to vector<16xf32>
        %mul3A_644 = arith.mulf %get3A_641, %mul3A_643 : vector<16xf32>
        %add3A_645 = arith.addf %mul3A_644, %get3A_635 : vector<16xf32>
        %swap3A_646 = arith.constant 0 : i32
        %swap3A_647 = arith.index_cast %swap3A_646 : i32 to index
        %swap3A_648 = arith.index_cast %scan3A_555 : i32 to index
        %swap3A_649 = arith.constant 32 : index
        %swap3A_650 = tpu.vector_load %arg8[%swap3A_647, %swap3A_648, %swap3A_649] {strides = array<i32>} : memref<2x200x64xf32, #tpu.memory_space<vmem>>, vector<1x1x16xf32>,
        %swap3A_651 = vector.shape_cast %swap3A_650 : vector<1x1x16xf32> to vector<16xf32>
        %swap3A_652 = vector.shape_cast %add3A_645 : vector<16xf32> to vector<1x1x16xf32>
        tpu.vector_store %arg8[%swap3A_647, %swap3A_648, %swap3A_649], %swap3A_652 {strides = array<i32>} : memref<2x200x64xf32, #tpu.memory_space<vmem>>, vector<1x1x16xf32>,
        %get3A_653 = arith.constant 1 : i32
        %get3A_654 = arith.index_cast %get3A_653 : i32 to index
        %get3A_655 = arith.index_cast %scan3A_555 : i32 to index
        %get3A_656 = arith.constant 32 : index
        %get3A_657 = tpu.vector_load %arg8[%get3A_654, %get3A_655, %get3A_656] {strides = array<i32>} : memref<2x200x64xf32, #tpu.memory_space<vmem>>, vector<1x1x16xf32>,
        %get3A_658 = vector.shape_cast %get3A_657 : vector<1x1x16xf32> to vector<16xf32>
        %mul3A_659 = arith.constant 8.000000e+00 : f32
        %mul3A_660 = vector.broadcast %mul3A_659 : f32 to vector<16xf32>
        %mul3A_661 = arith.mulf %get3A_658, %mul3A_660 : vector<16xf32>
        %add3A_662 = arith.addf %mul3A_661, %get3A_635 : vector<16xf32>
        %swap3A_663 = arith.constant 1 : i32
        %swap3A_664 = arith.index_cast %swap3A_663 : i32 to index
        %swap3A_665 = arith.index_cast %scan3A_555 : i32 to index
        %swap3A_666 = arith.constant 32 : index
        %swap3A_667 = tpu.vector_load %arg8[%swap3A_664, %swap3A_665, %swap3A_666] {strides = array<i32>} : memref<2x200x64xf32, #tpu.memory_space<vmem>>, vector<1x1x16xf32>,
        %swap3A_668 = vector.shape_cast %swap3A_667 : vector<1x1x16xf32> to vector<16xf32>
        %swap3A_669 = vector.shape_cast %add3A_662 : vector<16xf32> to vector<1x1x16xf32>
        tpu.vector_store %arg8[%swap3A_664, %swap3A_665, %swap3A_666], %swap3A_669 {strides = array<i32>} : memref<2x200x64xf32, #tpu.memory_space<vmem>>, vector<1x1x16xf32>,
        %get3A_670 = arith.index_cast %scan3A_555 : i32 to index
        %get3A_671 = arith.constant 48 : index
        %get3A_672 = tpu.vector_load %arg10[%get3A_670, %get3A_671] {strides = array<i32>} : memref<200x64xf32, #tpu.memory_space<vmem>>, vector<1x16xf32>,
        %get3A_673 = vector.shape_cast %get3A_672 : vector<1x16xf32> to vector<16xf32>
        %get3A_674 = arith.constant 0 : i32
        %get3A_675 = arith.index_cast %get3A_674 : i32 to index
        %get3A_676 = arith.index_cast %scan3A_555 : i32 to index
        %get3A_677 = arith.constant 48 : index
        %get3A_678 = tpu.vector_load %arg8[%get3A_675, %get3A_676, %get3A_677] {strides = array<i32>} : memref<2x200x64xf32, #tpu.memory_space<vmem>>, vector<1x1x16xf32>,
        %get3A_679 = vector.shape_cast %get3A_678 : vector<1x1x16xf32> to vector<16xf32>
        %mul3A_680 = arith.constant 8.000000e+00 : f32
        %mul3A_681 = vector.broadcast %mul3A_680 : f32 to vector<16xf32>
        %mul3A_682 = arith.mulf %get3A_679, %mul3A_681 : vector<16xf32>
        %add3A_683 = arith.addf %mul3A_682, %get3A_673 : vector<16xf32>
        %swap3A_684 = arith.constant 0 : i32
        %swap3A_685 = arith.index_cast %swap3A_684 : i32 to index
        %swap3A_686 = arith.index_cast %scan3A_555 : i32 to index
        %swap3A_687 = arith.constant 48 : index
        %swap3A_688 = tpu.vector_load %arg8[%swap3A_685, %swap3A_686, %swap3A_687] {strides = array<i32>} : memref<2x200x64xf32, #tpu.memory_space<vmem>>, vector<1x1x16xf32>,
        %swap3A_689 = vector.shape_cast %swap3A_688 : vector<1x1x16xf32> to vector<16xf32>
        %swap3A_690 = vector.shape_cast %add3A_683 : vector<16xf32> to vector<1x1x16xf32>
        tpu.vector_store %arg8[%swap3A_685, %swap3A_686, %swap3A_687], %swap3A_690 {strides = array<i32>} : memref<2x200x64xf32, #tpu.memory_space<vmem>>, vector<1x1x16xf32>,
        %get3A_691 = arith.constant 1 : i32
        %get3A_692 = arith.index_cast %get3A_691 : i32 to index
        %get3A_693 = arith.index_cast %scan3A_555 : i32 to index
        %get3A_694 = arith.constant 48 : index
        %get3A_695 = tpu.vector_load %arg8[%get3A_692, %get3A_693, %get3A_694] {strides = array<i32>} : memref<2x200x64xf32, #tpu.memory_space<vmem>>, vector<1x1x16xf32>,
        %get3A_696 = vector.shape_cast %get3A_695 : vector<1x1x16xf32> to vector<16xf32>
        %mul3A_697 = arith.constant 8.000000e+00 : f32
        %mul3A_698 = vector.broadcast %mul3A_697 : f32 to vector<16xf32>
        %mul3A_699 = arith.mulf %get3A_696, %mul3A_698 : vector<16xf32>
        %add3A_700 = arith.addf %mul3A_699, %get3A_673 : vector<16xf32>
        %swap3A_701 = arith.constant 1 : i32
        %swap3A_702 = arith.index_cast %swap3A_701 : i32 to index
        %swap3A_703 = arith.index_cast %scan3A_555 : i32 to index
        %swap3A_704 = arith.constant 48 : index
        %swap3A_705 = tpu.vector_load %arg8[%swap3A_702, %swap3A_703, %swap3A_704] {strides = array<i32>} : memref<2x200x64xf32, #tpu.memory_space<vmem>>, vector<1x1x16xf32>,
        %swap3A_706 = vector.shape_cast %swap3A_705 : vector<1x1x16xf32> to vector<16xf32>
        %swap3A_707 = vector.shape_cast %add3A_700 : vector<16xf32> to vector<1x1x16xf32>
        tpu.vector_store %arg8[%swap3A_702, %swap3A_703, %swap3A_704], %swap3A_707 {strides = array<i32>} : memref<2x200x64xf32, #tpu.memory_space<vmem>>, vector<1x1x16xf32>,
        %scan3A_708 = arith.constant 2 : i32
        %scan3A_709 = arith.addi %scan3A_403, %scan3A_708 : i32
        %get3A_710 = arith.index_cast %scan3A_709 : i32 to index
        %get3A_711 = arith.constant 0 : index
        %get3A_712 = tpu.vector_load %arg10[%get3A_710, %get3A_711] {strides = array<i32>} : memref<200x64xf32, #tpu.memory_space<vmem>>, vector<1x16xf32>,
        %get3A_713 = vector.shape_cast %get3A_712 : vector<1x16xf32> to vector<16xf32>
        %get3A_714 = arith.constant 0 : i32
        %get3A_715 = arith.index_cast %get3A_714 : i32 to index
        %get3A_716 = arith.index_cast %scan3A_709 : i32 to index
        %get3A_717 = arith.constant 0 : index
        %get3A_718 = tpu.vector_load %arg8[%get3A_715, %get3A_716, %get3A_717] {strides = array<i32>} : memref<2x200x64xf32, #tpu.memory_space<vmem>>, vector<1x1x16xf32>,
        %get3A_719 = vector.shape_cast %get3A_718 : vector<1x1x16xf32> to vector<16xf32>
        %mul3A_720 = arith.constant 8.000000e+00 : f32
        %mul3A_721 = vector.broadcast %mul3A_720 : f32 to vector<16xf32>
        %mul3A_722 = arith.mulf %get3A_719, %mul3A_721 : vector<16xf32>
        %add3A_723 = arith.addf %mul3A_722, %get3A_713 : vector<16xf32>
        %swap3A_724 = arith.constant 0 : i32
        %swap3A_725 = arith.index_cast %swap3A_724 : i32 to index
        %swap3A_726 = arith.index_cast %scan3A_709 : i32 to index
        %swap3A_727 = arith.constant 0 : index
        %swap3A_728 = tpu.vector_load %arg8[%swap3A_725, %swap3A_726, %swap3A_727] {strides = array<i32>} : memref<2x200x64xf32, #tpu.memory_space<vmem>>, vector<1x1x16xf32>,
        %swap3A_729 = vector.shape_cast %swap3A_728 : vector<1x1x16xf32> to vector<16xf32>
        %swap3A_730 = vector.shape_cast %add3A_723 : vector<16xf32> to vector<1x1x16xf32>
        tpu.vector_store %arg8[%swap3A_725, %swap3A_726, %swap3A_727], %swap3A_730 {strides = array<i32>} : memref<2x200x64xf32, #tpu.memory_space<vmem>>, vector<1x1x16xf32>,
        %get3A_731 = arith.constant 1 : i32
        %get3A_732 = arith.index_cast %get3A_731 : i32 to index
        %get3A_733 = arith.index_cast %scan3A_709 : i32 to index
        %get3A_734 = arith.constant 0 : index
        %get3A_735 = tpu.vector_load %arg8[%get3A_732, %get3A_733, %get3A_734] {strides = array<i32>} : memref<2x200x64xf32, #tpu.memory_space<vmem>>, vector<1x1x16xf32>,
        %get3A_736 = vector.shape_cast %get3A_735 : vector<1x1x16xf32> to vector<16xf32>
        %mul3A_737 = arith.constant 8.000000e+00 : f32
        %mul3A_738 = vector.broadcast %mul3A_737 : f32 to vector<16xf32>
        %mul3A_739 = arith.mulf %get3A_736, %mul3A_738 : vector<16xf32>
        %add3A_740 = arith.addf %mul3A_739, %get3A_713 : vector<16xf32>
        %swap3A_741 = arith.constant 1 : i32
        %swap3A_742 = arith.index_cast %swap3A_741 : i32 to index
        %swap3A_743 = arith.index_cast %scan3A_709 : i32 to index
        %swap3A_744 = arith.constant 0 : index
        %swap3A_745 = tpu.vector_load %arg8[%swap3A_742, %swap3A_743, %swap3A_744] {strides = array<i32>} : memref<2x200x64xf32, #tpu.memory_space<vmem>>, vector<1x1x16xf32>,
        %swap3A_746 = vector.shape_cast %swap3A_745 : vector<1x1x16xf32> to vector<16xf32>
        %swap3A_747 = vector.shape_cast %add3A_740 : vector<16xf32> to vector<1x1x16xf32>
        tpu.vector_store %arg8[%swap3A_742, %swap3A_743, %swap3A_744], %swap3A_747 {strides = array<i32>} : memref<2x200x64xf32, #tpu.memory_space<vmem>>, vector<1x1x16xf32>,
        %get3A_748 = arith.index_cast %scan3A_709 : i32 to index
        %get3A_749 = arith.constant 16 : index
        %get3A_750 = tpu.vector_load %arg10[%get3A_748, %get3A_749] {strides = array<i32>} : memref<200x64xf32, #tpu.memory_space<vmem>>, vector<1x16xf32>,
        %get3A_751 = vector.shape_cast %get3A_750 : vector<1x16xf32> to vector<16xf32>
        %get3A_752 = arith.constant 0 : i32
        %get3A_753 = arith.index_cast %get3A_752 : i32 to index
        %get3A_754 = arith.index_cast %scan3A_709 : i32 to index
        %get3A_755 = arith.constant 16 : index
        %get3A_756 = tpu.vector_load %arg8[%get3A_753, %get3A_754, %get3A_755] {strides = array<i32>} : memref<2x200x64xf32, #tpu.memory_space<vmem>>, vector<1x1x16xf32>,
        %get3A_757 = vector.shape_cast %get3A_756 : vector<1x1x16xf32> to vector<16xf32>
        %mul3A_758 = arith.constant 8.000000e+00 : f32
        %mul3A_759 = vector.broadcast %mul3A_758 : f32 to vector<16xf32>
        %mul3A_760 = arith.mulf %get3A_757, %mul3A_759 : vector<16xf32>
        %add3A_761 = arith.addf %mul3A_760, %get3A_751 : vector<16xf32>
        %swap3A_762 = arith.constant 0 : i32
        %swap3A_763 = arith.index_cast %swap3A_762 : i32 to index
        %swap3A_764 = arith.index_cast %scan3A_709 : i32 to index
        %swap3A_765 = arith.constant 16 : index
        %swap3A_766 = tpu.vector_load %arg8[%swap3A_763, %swap3A_764, %swap3A_765] {strides = array<i32>} : memref<2x200x64xf32, #tpu.memory_space<vmem>>, vector<1x1x16xf32>,
        %swap3A_767 = vector.shape_cast %swap3A_766 : vector<1x1x16xf32> to vector<16xf32>
        %swap3A_768 = vector.shape_cast %add3A_761 : vector<16xf32> to vector<1x1x16xf32>
        tpu.vector_store %arg8[%swap3A_763, %swap3A_764, %swap3A_765], %swap3A_768 {strides = array<i32>} : memref<2x200x64xf32, #tpu.memory_space<vmem>>, vector<1x1x16xf32>,
        %get3A_769 = arith.constant 1 : i32
        %get3A_770 = arith.index_cast %get3A_769 : i32 to index
        %get3A_771 = arith.index_cast %scan3A_709 : i32 to index
        %get3A_772 = arith.constant 16 : index
        %get3A_773 = tpu.vector_load %arg8[%get3A_770, %get3A_771, %get3A_772] {strides = array<i32>} : memref<2x200x64xf32, #tpu.memory_space<vmem>>, vector<1x1x16xf32>,
        %get3A_774 = vector.shape_cast %get3A_773 : vector<1x1x16xf32> to vector<16xf32>
        %mul3A_775 = arith.constant 8.000000e+00 : f32
        %mul3A_776 = vector.broadcast %mul3A_775 : f32 to vector<16xf32>
        %mul3A_777 = arith.mulf %get3A_774, %mul3A_776 : vector<16xf32>
        %add3A_778 = arith.addf %mul3A_777, %get3A_751 : vector<16xf32>
        %swap3A_779 = arith.constant 1 : i32
        %swap3A_780 = arith.index_cast %swap3A_779 : i32 to index
        %swap3A_781 = arith.index_cast %scan3A_709 : i32 to index
        %swap3A_782 = arith.constant 16 : index
        %swap3A_783 = tpu.vector_load %arg8[%swap3A_780, %swap3A_781, %swap3A_782] {strides = array<i32>} : memref<2x200x64xf32, #tpu.memory_space<vmem>>, vector<1x1x16xf32>,
        %swap3A_784 = vector.shape_cast %swap3A_783 : vector<1x1x16xf32> to vector<16xf32>
        %swap3A_785 = vector.shape_cast %add3A_778 : vector<16xf32> to vector<1x1x16xf32>
        tpu.vector_store %arg8[%swap3A_780, %swap3A_781, %swap3A_782], %swap3A_785 {strides = array<i32>} : memref<2x200x64xf32, #tpu.memory_space<vmem>>, vector<1x1x16xf32>,
        %get3A_786 = arith.index_cast %scan3A_709 : i32 to index
        %get3A_787 = arith.constant 32 : index
        %get3A_788 = tpu.vector_load %arg10[%get3A_786, %get3A_787] {strides = array<i32>} : memref<200x64xf32, #tpu.memory_space<vmem>>, vector<1x16xf32>,
        %get3A_789 = vector.shape_cast %get3A_788 : vector<1x16xf32> to vector<16xf32>
        %get3A_790 = arith.constant 0 : i32
        %get3A_791 = arith.index_cast %get3A_790 : i32 to index
        %get3A_792 = arith.index_cast %scan3A_709 : i32 to index
        %get3A_793 = arith.constant 32 : index
        %get3A_794 = tpu.vector_load %arg8[%get3A_791, %get3A_792, %get3A_793] {strides = array<i32>} : memref<2x200x64xf32, #tpu.memory_space<vmem>>, vector<1x1x16xf32>,
        %get3A_795 = vector.shape_cast %get3A_794 : vector<1x1x16xf32> to vector<16xf32>
        %mul3A_796 = arith.constant 8.000000e+00 : f32
        %mul3A_797 = vector.broadcast %mul3A_796 : f32 to vector<16xf32>
        %mul3A_798 = arith.mulf %get3A_795, %mul3A_797 : vector<16xf32>
        %add3A_799 = arith.addf %mul3A_798, %get3A_789 : vector<16xf32>
        %swap3A_800 = arith.constant 0 : i32
        %swap3A_801 = arith.index_cast %swap3A_800 : i32 to index
        %swap3A_802 = arith.index_cast %scan3A_709 : i32 to index
        %swap3A_803 = arith.constant 32 : index
        %swap3A_804 = tpu.vector_load %arg8[%swap3A_801, %swap3A_802, %swap3A_803] {strides = array<i32>} : memref<2x200x64xf32, #tpu.memory_space<vmem>>, vector<1x1x16xf32>,
        %swap3A_805 = vector.shape_cast %swap3A_804 : vector<1x1x16xf32> to vector<16xf32>
        %swap3A_806 = vector.shape_cast %add3A_799 : vector<16xf32> to vector<1x1x16xf32>
        tpu.vector_store %arg8[%swap3A_801, %swap3A_802, %swap3A_803], %swap3A_806 {strides = array<i32>} : memref<2x200x64xf32, #tpu.memory_space<vmem>>, vector<1x1x16xf32>,
        %get3A_807 = arith.constant 1 : i32
        %get3A_808 = arith.index_cast %get3A_807 : i32 to index
        %get3A_809 = arith.index_cast %scan3A_709 : i32 to index
        %get3A_810 = arith.constant 32 : index
        %get3A_811 = tpu.vector_load %arg8[%get3A_808, %get3A_809, %get3A_810] {strides = array<i32>} : memref<2x200x64xf32, #tpu.memory_space<vmem>>, vector<1x1x16xf32>,
        %get3A_812 = vector.shape_cast %get3A_811 : vector<1x1x16xf32> to vector<16xf32>
        %mul3A_813 = arith.constant 8.000000e+00 : f32
        %mul3A_814 = vector.broadcast %mul3A_813 : f32 to vector<16xf32>
        %mul3A_815 = arith.mulf %get3A_812, %mul3A_814 : vector<16xf32>
        %add3A_816 = arith.addf %mul3A_815, %get3A_789 : vector<16xf32>
        %swap3A_817 = arith.constant 1 : i32
        %swap3A_818 = arith.index_cast %swap3A_817 : i32 to index
        %swap3A_819 = arith.index_cast %scan3A_709 : i32 to index
        %swap3A_820 = arith.constant 32 : index
        %swap3A_821 = tpu.vector_load %arg8[%swap3A_818, %swap3A_819, %swap3A_820] {strides = array<i32>} : memref<2x200x64xf32, #tpu.memory_space<vmem>>, vector<1x1x16xf32>,
        %swap3A_822 = vector.shape_cast %swap3A_821 : vector<1x1x16xf32> to vector<16xf32>
        %swap3A_823 = vector.shape_cast %add3A_816 : vector<16xf32> to vector<1x1x16xf32>
        tpu.vector_store %arg8[%swap3A_818, %swap3A_819, %swap3A_820], %swap3A_823 {strides = array<i32>} : memref<2x200x64xf32, #tpu.memory_space<vmem>>, vector<1x1x16xf32>,
        %get3A_824 = arith.index_cast %scan3A_709 : i32 to index
        %get3A_825 = arith.constant 48 : index
        %get3A_826 = tpu.vector_load %arg10[%get3A_824, %get3A_825] {strides = array<i32>} : memref<200x64xf32, #tpu.memory_space<vmem>>, vector<1x16xf32>,
        %get3A_827 = vector.shape_cast %get3A_826 : vector<1x16xf32> to vector<16xf32>
        %get3A_828 = arith.constant 0 : i32
        %get3A_829 = arith.index_cast %get3A_828 : i32 to index
        %get3A_830 = arith.index_cast %scan3A_709 : i32 to index
        %get3A_831 = arith.constant 48 : index
        %get3A_832 = tpu.vector_load %arg8[%get3A_829, %get3A_830, %get3A_831] {strides = array<i32>} : memref<2x200x64xf32, #tpu.memory_space<vmem>>, vector<1x1x16xf32>,
        %get3A_833 = vector.shape_cast %get3A_832 : vector<1x1x16xf32> to vector<16xf32>
        %mul3A_834 = arith.constant 8.000000e+00 : f32
        %mul3A_835 = vector.broadcast %mul3A_834 : f32 to vector<16xf32>
        %mul3A_836 = arith.mulf %get3A_833, %mul3A_835 : vector<16xf32>
        %add3A_837 = arith.addf %mul3A_836, %get3A_827 : vector<16xf32>
        %swap3A_838 = arith.constant 0 : i32
        %swap3A_839 = arith.index_cast %swap3A_838 : i32 to index
        %swap3A_840 = arith.index_cast %scan3A_709 : i32 to index
        %swap3A_841 = arith.constant 48 : index
        %swap3A_842 = tpu.vector_load %arg8[%swap3A_839, %swap3A_840, %swap3A_841] {strides = array<i32>} : memref<2x200x64xf32, #tpu.memory_space<vmem>>, vector<1x1x16xf32>,
        %swap3A_843 = vector.shape_cast %swap3A_842 : vector<1x1x16xf32> to vector<16xf32>
        %swap3A_844 = vector.shape_cast %add3A_837 : vector<16xf32> to vector<1x1x16xf32>
        tpu.vector_store %arg8[%swap3A_839, %swap3A_840, %swap3A_841], %swap3A_844 {strides = array<i32>} : memref<2x200x64xf32, #tpu.memory_space<vmem>>, vector<1x1x16xf32>,
        %get3A_845 = arith.constant 1 : i32
        %get3A_846 = arith.index_cast %get3A_845 : i32 to index
        %get3A_847 = arith.index_cast %scan3A_709 : i32 to index
        %get3A_848 = arith.constant 48 : index
        %get3A_849 = tpu.vector_load %arg8[%get3A_846, %get3A_847, %get3A_848] {strides = array<i32>} : memref<2x200x64xf32, #tpu.memory_space<vmem>>, vector<1x1x16xf32>,
        %get3A_850 = vector.shape_cast %get3A_849 : vector<1x1x16xf32> to vector<16xf32>
        %mul3A_851 = arith.constant 8.000000e+00 : f32
        %mul3A_852 = vector.broadcast %mul3A_851 : f32 to vector<16xf32>
        %mul3A_853 = arith.mulf %get3A_850, %mul3A_852 : vector<16xf32>
        %add3A_854 = arith.addf %mul3A_853, %get3A_827 : vector<16xf32>
        %swap3A_855 = arith.constant 1 : i32
        %swap3A_856 = arith.index_cast %swap3A_855 : i32 to index
        %swap3A_857 = arith.index_cast %scan3A_709 : i32 to index
        %swap3A_858 = arith.constant 48 : index
        %swap3A_859 = tpu.vector_load %arg8[%swap3A_856, %swap3A_857, %swap3A_858] {strides = array<i32>} : memref<2x200x64xf32, #tpu.memory_space<vmem>>, vector<1x1x16xf32>,
        %swap3A_860 = vector.shape_cast %swap3A_859 : vector<1x1x16xf32> to vector<16xf32>
        %swap3A_861 = vector.shape_cast %add3A_854 : vector<16xf32> to vector<1x1x16xf32>
        tpu.vector_store %arg8[%swap3A_856, %swap3A_857, %swap3A_858], %swap3A_861 {strides = array<i32>} : memref<2x200x64xf32, #tpu.memory_space<vmem>>, vector<1x1x16xf32>,
        %scan3A_862 = arith.constant 3 : i32
        %scan3A_863 = arith.addi %scan3A_403, %scan3A_862 : i32
        %get3A_864 = arith.index_cast %scan3A_863 : i32 to index
        %get3A_865 = arith.constant 0 : index
        %get3A_866 = tpu.vector_load %arg10[%get3A_864, %get3A_865] {strides = array<i32>} : memref<200x64xf32, #tpu.memory_space<vmem>>, vector<1x16xf32>,
        %get3A_867 = vector.shape_cast %get3A_866 : vector<1x16xf32> to vector<16xf32>
        %get3A_868 = arith.constant 0 : i32
        %get3A_869 = arith.index_cast %get3A_868 : i32 to index
        %get3A_870 = arith.index_cast %scan3A_863 : i32 to index
        %get3A_871 = arith.constant 0 : index
        %get3A_872 = tpu.vector_load %arg8[%get3A_869, %get3A_870, %get3A_871] {strides = array<i32>} : memref<2x200x64xf32, #tpu.memory_space<vmem>>, vector<1x1x16xf32>,
        %get3A_873 = vector.shape_cast %get3A_872 : vector<1x1x16xf32> to vector<16xf32>
        %mul3A_874 = arith.constant 8.000000e+00 : f32
        %mul3A_875 = vector.broadcast %mul3A_874 : f32 to vector<16xf32>
        %mul3A_876 = arith.mulf %get3A_873, %mul3A_875 : vector<16xf32>
        %add3A_877 = arith.addf %mul3A_876, %get3A_867 : vector<16xf32>
        %swap3A_878 = arith.constant 0 : i32
        %swap3A_879 = arith.index_cast %swap3A_878 : i32 to index
        %swap3A_880 = arith.index_cast %scan3A_863 : i32 to index
        %swap3A_881 = arith.constant 0 : index
        %swap3A_882 = tpu.vector_load %arg8[%swap3A_879, %swap3A_880, %swap3A_881] {strides = array<i32>} : memref<2x200x64xf32, #tpu.memory_space<vmem>>, vector<1x1x16xf32>,
        %swap3A_883 = vector.shape_cast %swap3A_882 : vector<1x1x16xf32> to vector<16xf32>
        %swap3A_884 = vector.shape_cast %add3A_877 : vector<16xf32> to vector<1x1x16xf32>
        tpu.vector_store %arg8[%swap3A_879, %swap3A_880, %swap3A_881], %swap3A_884 {strides = array<i32>} : memref<2x200x64xf32, #tpu.memory_space<vmem>>, vector<1x1x16xf32>,
        %get3A_885 = arith.constant 1 : i32
        %get3A_886 = arith.index_cast %get3A_885 : i32 to index
        %get3A_887 = arith.index_cast %scan3A_863 : i32 to index
        %get3A_888 = arith.constant 0 : index
        %get3A_889 = tpu.vector_load %arg8[%get3A_886, %get3A_887, %get3A_888] {strides = array<i32>} : memref<2x200x64xf32, #tpu.memory_space<vmem>>, vector<1x1x16xf32>,
        %get3A_890 = vector.shape_cast %get3A_889 : vector<1x1x16xf32> to vector<16xf32>
        %mul3A_891 = arith.constant 8.000000e+00 : f32
        %mul3A_892 = vector.broadcast %mul3A_891 : f32 to vector<16xf32>
        %mul3A_893 = arith.mulf %get3A_890, %mul3A_892 : vector<16xf32>
        %add3A_894 = arith.addf %mul3A_893, %get3A_867 : vector<16xf32>
        %swap3A_895 = arith.constant 1 : i32
        %swap3A_896 = arith.index_cast %swap3A_895 : i32 to index
        %swap3A_897 = arith.index_cast %scan3A_863 : i32 to index
        %swap3A_898 = arith.constant 0 : index
        %swap3A_899 = tpu.vector_load %arg8[%swap3A_896, %swap3A_897, %swap3A_898] {strides = array<i32>} : memref<2x200x64xf32, #tpu.memory_space<vmem>>, vector<1x1x16xf32>,
        %swap3A_900 = vector.shape_cast %swap3A_899 : vector<1x1x16xf32> to vector<16xf32>
        %swap3A_901 = vector.shape_cast %add3A_894 : vector<16xf32> to vector<1x1x16xf32>
        tpu.vector_store %arg8[%swap3A_896, %swap3A_897, %swap3A_898], %swap3A_901 {strides = array<i32>} : memref<2x200x64xf32, #tpu.memory_space<vmem>>, vector<1x1x16xf32>,
        %get3A_902 = arith.index_cast %scan3A_863 : i32 to index
        %get3A_903 = arith.constant 16 : index
        %get3A_904 = tpu.vector_load %arg10[%get3A_902, %get3A_903] {strides = array<i32>} : memref<200x64xf32, #tpu.memory_space<vmem>>, vector<1x16xf32>,
        %get3A_905 = vector.shape_cast %get3A_904 : vector<1x16xf32> to vector<16xf32>
        %get3A_906 = arith.constant 0 : i32
        %get3A_907 = arith.index_cast %get3A_906 : i32 to index
        %get3A_908 = arith.index_cast %scan3A_863 : i32 to index
        %get3A_909 = arith.constant 16 : index
        %get3A_910 = tpu.vector_load %arg8[%get3A_907, %get3A_908, %get3A_909] {strides = array<i32>} : memref<2x200x64xf32, #tpu.memory_space<vmem>>, vector<1x1x16xf32>,
        %get3A_911 = vector.shape_cast %get3A_910 : vector<1x1x16xf32> to vector<16xf32>
        %mul3A_912 = arith.constant 8.000000e+00 : f32
        %mul3A_913 = vector.broadcast %mul3A_912 : f32 to vector<16xf32>
        %mul3A_914 = arith.mulf %get3A_911, %mul3A_913 : vector<16xf32>
        %add3A_915 = arith.addf %mul3A_914, %get3A_905 : vector<16xf32>
        %swap3A_916 = arith.constant 0 : i32
        %swap3A_917 = arith.index_cast %swap3A_916 : i32 to index
        %swap3A_918 = arith.index_cast %scan3A_863 : i32 to index
        %swap3A_919 = arith.constant 16 : index
        %swap3A_920 = tpu.vector_load %arg8[%swap3A_917, %swap3A_918, %swap3A_919] {strides = array<i32>} : memref<2x200x64xf32, #tpu.memory_space<vmem>>, vector<1x1x16xf32>,
        %swap3A_921 = vector.shape_cast %swap3A_920 : vector<1x1x16xf32> to vector<16xf32>
        %swap3A_922 = vector.shape_cast %add3A_915 : vector<16xf32> to vector<1x1x16xf32>
        tpu.vector_store %arg8[%swap3A_917, %swap3A_918, %swap3A_919], %swap3A_922 {strides = array<i32>} : memref<2x200x64xf32, #tpu.memory_space<vmem>>, vector<1x1x16xf32>,
        %get3A_923 = arith.constant 1 : i32
        %get3A_924 = arith.index_cast %get3A_923 : i32 to index
        %get3A_925 = arith.index_cast %scan3A_863 : i32 to index
        %get3A_926 = arith.constant 16 : index
        %get3A_927 = tpu.vector_load %arg8[%get3A_924, %get3A_925, %get3A_926] {strides = array<i32>} : memref<2x200x64xf32, #tpu.memory_space<vmem>>, vector<1x1x16xf32>,
        %get3A_928 = vector.shape_cast %get3A_927 : vector<1x1x16xf32> to vector<16xf32>
        %mul3A_929 = arith.constant 8.000000e+00 : f32
        %mul3A_930 = vector.broadcast %mul3A_929 : f32 to vector<16xf32>
        %mul3A_931 = arith.mulf %get3A_928, %mul3A_930 : vector<16xf32>
        %add3A_932 = arith.addf %mul3A_931, %get3A_905 : vector<16xf32>
        %swap3A_933 = arith.constant 1 : i32
        %swap3A_934 = arith.index_cast %swap3A_933 : i32 to index
        %swap3A_935 = arith.index_cast %scan3A_863 : i32 to index
        %swap3A_936 = arith.constant 16 : index
        %swap3A_937 = tpu.vector_load %arg8[%swap3A_934, %swap3A_935, %swap3A_936] {strides = array<i32>} : memref<2x200x64xf32, #tpu.memory_space<vmem>>, vector<1x1x16xf32>,
        %swap3A_938 = vector.shape_cast %swap3A_937 : vector<1x1x16xf32> to vector<16xf32>
        %swap3A_939 = vector.shape_cast %add3A_932 : vector<16xf32> to vector<1x1x16xf32>
        tpu.vector_store %arg8[%swap3A_934, %swap3A_935, %swap3A_936], %swap3A_939 {strides = array<i32>} : memref<2x200x64xf32, #tpu.memory_space<vmem>>, vector<1x1x16xf32>,
        %get3A_940 = arith.index_cast %scan3A_863 : i32 to index
        %get3A_941 = arith.constant 32 : index
        %get3A_942 = tpu.vector_load %arg10[%get3A_940, %get3A_941] {strides = array<i32>} : memref<200x64xf32, #tpu.memory_space<vmem>>, vector<1x16xf32>,
        %get3A_943 = vector.shape_cast %get3A_942 : vector<1x16xf32> to vector<16xf32>
        %get3A_944 = arith.constant 0 : i32
        %get3A_945 = arith.index_cast %get3A_944 : i32 to index
        %get3A_946 = arith.index_cast %scan3A_863 : i32 to index
        %get3A_947 = arith.constant 32 : index
        %get3A_948 = tpu.vector_load %arg8[%get3A_945, %get3A_946, %get3A_947] {strides = array<i32>} : memref<2x200x64xf32, #tpu.memory_space<vmem>>, vector<1x1x16xf32>,
        %get3A_949 = vector.shape_cast %get3A_948 : vector<1x1x16xf32> to vector<16xf32>
        %mul3A_950 = arith.constant 8.000000e+00 : f32
        %mul3A_951 = vector.broadcast %mul3A_950 : f32 to vector<16xf32>
        %mul3A_952 = arith.mulf %get3A_949, %mul3A_951 : vector<16xf32>
        %add3A_953 = arith.addf %mul3A_952, %get3A_943 : vector<16xf32>
        %swap3A_954 = arith.constant 0 : i32
        %swap3A_955 = arith.index_cast %swap3A_954 : i32 to index
        %swap3A_956 = arith.index_cast %scan3A_863 : i32 to index
        %swap3A_957 = arith.constant 32 : index
        %swap3A_958 = tpu.vector_load %arg8[%swap3A_955, %swap3A_956, %swap3A_957] {strides = array<i32>} : memref<2x200x64xf32, #tpu.memory_space<vmem>>, vector<1x1x16xf32>,
        %swap3A_959 = vector.shape_cast %swap3A_958 : vector<1x1x16xf32> to vector<16xf32>
        %swap3A_960 = vector.shape_cast %add3A_953 : vector<16xf32> to vector<1x1x16xf32>
        tpu.vector_store %arg8[%swap3A_955, %swap3A_956, %swap3A_957], %swap3A_960 {strides = array<i32>} : memref<2x200x64xf32, #tpu.memory_space<vmem>>, vector<1x1x16xf32>,
        %get3A_961 = arith.constant 1 : i32
        %get3A_962 = arith.index_cast %get3A_961 : i32 to index
        %get3A_963 = arith.index_cast %scan3A_863 : i32 to index
        %get3A_964 = arith.constant 32 : index
        %get3A_965 = tpu.vector_load %arg8[%get3A_962, %get3A_963, %get3A_964] {strides = array<i32>} : memref<2x200x64xf32, #tpu.memory_space<vmem>>, vector<1x1x16xf32>,
        %get3A_966 = vector.shape_cast %get3A_965 : vector<1x1x16xf32> to vector<16xf32>
        %mul3A_967 = arith.constant 8.000000e+00 : f32
        %mul3A_968 = vector.broadcast %mul3A_967 : f32 to vector<16xf32>
        %mul3A_969 = arith.mulf %get3A_966, %mul3A_968 : vector<16xf32>
        %add3A_970 = arith.addf %mul3A_969, %get3A_943 : vector<16xf32>
        %swap3A_971 = arith.constant 1 : i32
        %swap3A_972 = arith.index_cast %swap3A_971 : i32 to index
        %swap3A_973 = arith.index_cast %scan3A_863 : i32 to index
        %swap3A_974 = arith.constant 32 : index
        %swap3A_975 = tpu.vector_load %arg8[%swap3A_972, %swap3A_973, %swap3A_974] {strides = array<i32>} : memref<2x200x64xf32, #tpu.memory_space<vmem>>, vector<1x1x16xf32>,
        %swap3A_976 = vector.shape_cast %swap3A_975 : vector<1x1x16xf32> to vector<16xf32>
        %swap3A_977 = vector.shape_cast %add3A_970 : vector<16xf32> to vector<1x1x16xf32>
        tpu.vector_store %arg8[%swap3A_972, %swap3A_973, %swap3A_974], %swap3A_977 {strides = array<i32>} : memref<2x200x64xf32, #tpu.memory_space<vmem>>, vector<1x1x16xf32>,
        %get3A_978 = arith.index_cast %scan3A_863 : i32 to index
        %get3A_979 = arith.constant 48 : index
        %get3A_980 = tpu.vector_load %arg10[%get3A_978, %get3A_979] {strides = array<i32>} : memref<200x64xf32, #tpu.memory_space<vmem>>, vector<1x16xf32>,
        %get3A_981 = vector.shape_cast %get3A_980 : vector<1x16xf32> to vector<16xf32>
        %get3A_982 = arith.constant 0 : i32
        %get3A_983 = arith.index_cast %get3A_982 : i32 to index
        %get3A_984 = arith.index_cast %scan3A_863 : i32 to index
        %get3A_985 = arith.constant 48 : index
        %get3A_986 = tpu.vector_load %arg8[%get3A_983, %get3A_984, %get3A_985] {strides = array<i32>} : memref<2x200x64xf32, #tpu.memory_space<vmem>>, vector<1x1x16xf32>,
        %get3A_987 = vector.shape_cast %get3A_986 : vector<1x1x16xf32> to vector<16xf32>
        %mul3A_988 = arith.constant 8.000000e+00 : f32
        %mul3A_989 = vector.broadcast %mul3A_988 : f32 to vector<16xf32>
        %mul3A_990 = arith.mulf %get3A_987, %mul3A_989 : vector<16xf32>
        %add3A_991 = arith.addf %mul3A_990, %get3A_981 : vector<16xf32>
        %swap3A_992 = arith.constant 0 : i32
        %swap3A_993 = arith.index_cast %swap3A_992 : i32 to index
        %swap3A_994 = arith.index_cast %scan3A_863 : i32 to index
        %swap3A_995 = arith.constant 48 : index
        %swap3A_996 = tpu.vector_load %arg8[%swap3A_993, %swap3A_994, %swap3A_995] {strides = array<i32>} : memref<2x200x64xf32, #tpu.memory_space<vmem>>, vector<1x1x16xf32>,
        %swap3A_997 = vector.shape_cast %swap3A_996 : vector<1x1x16xf32> to vector<16xf32>
        %swap3A_998 = vector.shape_cast %add3A_991 : vector<16xf32> to vector<1x1x16xf32>
        tpu.vector_store %arg8[%swap3A_993, %swap3A_994, %swap3A_995], %swap3A_998 {strides = array<i32>} : memref<2x200x64xf32, #tpu.memory_space<vmem>>, vector<1x1x16xf32>,
        %get3A_999 = arith.constant 1 : i32
        %get3A_1000 = arith.index_cast %get3A_999 : i32 to index
        %get3A_1001 = arith.index_cast %scan3A_863 : i32 to index
        %get3A_1002 = arith.constant 48 : index
        %get3A_1003 = tpu.vector_load %arg8[%get3A_1000, %get3A_1001, %get3A_1002] {strides = array<i32>} : memref<2x200x64xf32, #tpu.memory_space<vmem>>, vector<1x1x16xf32>,
        %get3A_1004 = vector.shape_cast %get3A_1003 : vector<1x1x16xf32> to vector<16xf32>
        %mul3A_1005 = arith.constant 8.000000e+00 : f32
        %mul3A_1006 = vector.broadcast %mul3A_1005 : f32 to vector<16xf32>
        %mul3A_1007 = arith.mulf %get3A_1004, %mul3A_1006 : vector<16xf32>
        %add3A_1008 = arith.addf %mul3A_1007, %get3A_981 : vector<16xf32>
        %swap3A_1009 = arith.constant 1 : i32
        %swap3A_1010 = arith.index_cast %swap3A_1009 : i32 to index
        %swap3A_1011 = arith.index_cast %scan3A_863 : i32 to index
        %swap3A_1012 = arith.constant 48 : index
        %swap3A_1013 = tpu.vector_load %arg8[%swap3A_1010, %swap3A_1011, %swap3A_1012] {strides = array<i32>} : memref<2x200x64xf32, #tpu.memory_space<vmem>>, vector<1x1x16xf32>,
        %swap3A_1014 = vector.shape_cast %swap3A_1013 : vector<1x1x16xf32> to vector<16xf32>
        %swap3A_1015 = vector.shape_cast %add3A_1008 : vector<16xf32> to vector<1x1x16xf32>
        tpu.vector_store %arg8[%swap3A_1010, %swap3A_1011, %swap3A_1012], %swap3A_1015 {strides = array<i32>} : memref<2x200x64xf32, #tpu.memory_space<vmem>>, vector<1x1x16xf32>,
      }
      %scan3A_305 = arith.constant 200 : i32
      %mul3A_306 = arith.constant 2 : i32
      %mul3A_307 = arith.muli %add3A_228, %mul3A_306 : i32
      %add3A_308 = arith.addi %mul3A_2, %mul3A_307 : i32
      %dma_start3A_309 = arith.constant 0 : i32
      %dma_start3A_310 = arith.constant 0 : i32
      %dma_start3A_311 = tpu.memref_slice %arg5[%add3A_308, %dma_start3A_309, %dma_start3A_310] : memref<4096x200x64xf32, #tpu.memory_space<hbm>> -> memref<2x200x64xf32, #tpu.memory_space<hbm>>
      %dma_start3A_312 = arith.constant 0 : i32
      %dma_start3A_313 = arith.constant 0 : i32
      %dma_start3A_314 = tpu.memref_slice %arg5[%add3A_308, %dma_start3A_312, %dma_start3A_313] : memref<4096x200x64xf32, #tpu.memory_space<hbm>> -> memref<2x200x64xf32, #tpu.memory_space<hbm>>
      tpu.enqueue_dma source(%arg8 : memref<2x200x64xf32, #tpu.memory_space<vmem>>) target(%dma_start3A_314 : memref<2x200x64xf32, #tpu.memory_space<hbm>>) target_semaphore(%arg15 : memref<!tpu.dma_semaphore, #tpu.memory_space<semaphore_mem>>)
      %add3A_315 = arith.constant 2 : i32
      %add3A_316 = arith.addi %mul3A_142, %add3A_315 : i32
      %ge3A_317 = arith.constant 2 : i32
      %ge3A_318 = arith.cmpi sge, %add3A_316, %ge3A_317 : i32
      %convert_element_type3A_319 = arith.extui %ge3A_318 : i1 to i32
      %cond3A_320 = arith.constant 0 : i32
      %cond3A_321 = arith.cmpi ne, %convert_element_type3A_319, %cond3A_320 : i32
      scf.if %cond3A_321 {
        %sub3A = arith.constant 2 : i32
        %sub3A_403 = arith.subi %add3A_316, %sub3A : i32
        %mul3A_404 = arith.constant 2 : i32
        %mul3A_405 = arith.muli %sub3A_403, %mul3A_404 : i32
        %add3A_406 = arith.addi %mul3A_2, %mul3A_405 : i32
        %dma_wait3A_407 = arith.constant 0 : i32
        %dma_wait3A_408 = arith.constant 0 : i32
        %dma_wait3A_409 = tpu.memref_slice %arg5[%add3A_406, %dma_wait3A_407, %dma_wait3A_408] : memref<4096x200x64xf32, #tpu.memory_space<hbm>> -> memref<2x200x64xf32, #tpu.memory_space<hbm>>
        %dma_wait3A_410 = arith.constant 0 : i32
        %dma_wait3A_411 = arith.constant 0 : i32
        %dma_wait3A_412 = tpu.memref_slice %arg5[%add3A_406, %dma_wait3A_410, %dma_wait3A_411] : memref<4096x200x64xf32, #tpu.memory_space<hbm>> -> memref<2x200x64xf32, #tpu.memory_space<hbm>>
        tpu.wait_dma2 semaphore(%arg14 : memref<!tpu.dma_semaphore, #tpu.memory_space<semaphore_mem>>) src(%arg7 : memref<2x200x64xf32, #tpu.memory_space<vmem>>) dst(%dma_wait3A_412 : memref<2x200x64xf32, #tpu.memory_space<hbm>>)
      } else {
      }
      %add3A_322 = arith.constant 1 : i32
      %add3A_323 = arith.addi %add3A_316, %add3A_322 : i32
      %lt3A_324 = arith.constant 64 : i32
      %lt3A_325 = arith.cmpi slt, %add3A_323, %lt3A_324 : i32
      %convert_element_type3A_326 = arith.extui %lt3A_325 : i1 to i32
      %cond3A_327 = arith.constant 0 : i32
      %cond3A_328 = arith.cmpi ne, %convert_element_type3A_326, %cond3A_327 : i32
      scf.if %cond3A_328 {
        %add3A_403 = arith.constant 1 : i32
        %add3A_404 = arith.addi %add3A_316, %add3A_403 : i32
        %mul3A_405 = arith.constant 4 : i32
        %mul3A_406 = arith.muli %add3A_404, %mul3A_405 : i32
        %add3A_407 = arith.constant 0 : i32
        %add3A_408 = arith.addi %mul3A_406, %add3A_407 : i32
        %dma_start3A_409 = arith.constant 0 : i32
        %dma_start3A_410 = arith.constant 0 : i32
        %dma_start3A_411 = arith.constant 0 : i32
        %dma_start3A_412 = tpu.memref_slice %arg7[%dma_start3A_409, %dma_start3A_410, %dma_start3A_411] : memref<2x200x64xf32, #tpu.memory_space<vmem>> -> memref<1x100x64xf32, #tpu.memory_space<vmem>>
        %dma_start3A_413 = tpu.memref_squeeze %dma_start3A_412 : memref<1x100x64xf32, #tpu.memory_space<vmem>> -> memref<100x64xf32, #tpu.memory_space<vmem>>
        %dma_start3A_414 = arith.constant 0 : i32
        %dma_start3A_415 = tpu.memref_slice %arg6[%add3A_408, %dma_start3A_414] : memref<256x100xi32, #tpu.memory_space<vmem>> -> memref<1x100xi32, #tpu.memory_space<vmem>>
        %dma_start3A_416 = tpu.memref_squeeze %dma_start3A_415 : memref<1x100xi32, #tpu.memory_space<vmem>> -> memref<100xi32, #tpu.memory_space<vmem>>
        %dma_start3A_417 = arith.constant 0 : i32
        %dma_start3A_418 = arith.constant 0 : i32
        %dma_start3A_419 = tpu.memref_slice %arg3[%dma_start3A_417, %dma_start3A_418] : memref<1000000x64xf32, #tpu.memory_space<hbm>> -> memref<1000000x64xf32, #tpu.memory_space<hbm>>
        tpu.enqueue_indirect_dma source(%dma_start3A_419 : memref<1000000x64xf32, #tpu.memory_space<hbm>>) target(%dma_start3A_413 : memref<100x64xf32, #tpu.memory_space<vmem>>) offsets(%dma_start3A_416 : memref<100xi32, #tpu.memory_space<vmem>>) semaphore(%arg11 : memref<!tpu.dma_semaphore, #tpu.memory_space<semaphore_mem>>)
        %mul3A_420 = arith.constant 4 : i32
        %mul3A_421 = arith.muli %add3A_404, %mul3A_420 : i32
        %add3A_422 = arith.constant 1 : i32
        %add3A_423 = arith.addi %mul3A_421, %add3A_422 : i32
        %dma_start3A_424 = arith.constant 0 : i32
        %dma_start3A_425 = arith.constant 100 : i32
        %dma_start3A_426 = arith.constant 0 : i32
        %dma_start3A_427 = tpu.memref_slice %arg7[%dma_start3A_424, %dma_start3A_425, %dma_start3A_426] : memref<2x200x64xf32, #tpu.memory_space<vmem>> -> memref<1x100x64xf32, #tpu.memory_space<vmem>>
        %dma_start3A_428 = tpu.memref_squeeze %dma_start3A_427 : memref<1x100x64xf32, #tpu.memory_space<vmem>> -> memref<100x64xf32, #tpu.memory_space<vmem>>
        %dma_start3A_429 = arith.constant 0 : i32
        %dma_start3A_430 = tpu.memref_slice %arg6[%add3A_423, %dma_start3A_429] : memref<256x100xi32, #tpu.memory_space<vmem>> -> memref<1x100xi32, #tpu.memory_space<vmem>>
        %dma_start3A_431 = tpu.memref_squeeze %dma_start3A_430 : memref<1x100xi32, #tpu.memory_space<vmem>> -> memref<100xi32, #tpu.memory_space<vmem>>
        %dma_start3A_432 = arith.constant 0 : i32
        %dma_start3A_433 = arith.constant 0 : i32
        %dma_start3A_434 = tpu.memref_slice %arg3[%dma_start3A_432, %dma_start3A_433] : memref<1000000x64xf32, #tpu.memory_space<hbm>> -> memref<1000000x64xf32, #tpu.memory_space<hbm>>
        tpu.enqueue_indirect_dma source(%dma_start3A_434 : memref<1000000x64xf32, #tpu.memory_space<hbm>>) target(%dma_start3A_428 : memref<100x64xf32, #tpu.memory_space<vmem>>) offsets(%dma_start3A_431 : memref<100xi32, #tpu.memory_space<vmem>>) semaphore(%arg11 : memref<!tpu.dma_semaphore, #tpu.memory_space<semaphore_mem>>)
        %mul3A_435 = arith.constant 4 : i32
        %mul3A_436 = arith.muli %add3A_404, %mul3A_435 : i32
        %add3A_437 = arith.constant 2 : i32
        %add3A_438 = arith.addi %mul3A_436, %add3A_437 : i32
        %dma_start3A_439 = arith.constant 1 : i32
        %dma_start3A_440 = arith.constant 0 : i32
        %dma_start3A_441 = arith.constant 0 : i32
        %dma_start3A_442 = tpu.memref_slice %arg7[%dma_start3A_439, %dma_start3A_440, %dma_start3A_441] : memref<2x200x64xf32, #tpu.memory_space<vmem>> -> memref<1x100x64xf32, #tpu.memory_space<vmem>>
        %dma_start3A_443 = tpu.memref_squeeze %dma_start3A_442 : memref<1x100x64xf32, #tpu.memory_space<vmem>> -> memref<100x64xf32, #tpu.memory_space<vmem>>
        %dma_start3A_444 = arith.constant 0 : i32
        %dma_start3A_445 = tpu.memref_slice %arg6[%add3A_438, %dma_start3A_444] : memref<256x100xi32, #tpu.memory_space<vmem>> -> memref<1x100xi32, #tpu.memory_space<vmem>>
        %dma_start3A_446 = tpu.memref_squeeze %dma_start3A_445 : memref<1x100xi32, #tpu.memory_space<vmem>> -> memref<100xi32, #tpu.memory_space<vmem>>
        %dma_start3A_447 = arith.constant 0 : i32
        %dma_start3A_448 = arith.constant 0 : i32
        %dma_start3A_449 = tpu.memref_slice %arg3[%dma_start3A_447, %dma_start3A_448] : memref<1000000x64xf32, #tpu.memory_space<hbm>> -> memref<1000000x64xf32, #tpu.memory_space<hbm>>
        tpu.enqueue_indirect_dma source(%dma_start3A_449 : memref<1000000x64xf32, #tpu.memory_space<hbm>>) target(%dma_start3A_443 : memref<100x64xf32, #tpu.memory_space<vmem>>) offsets(%dma_start3A_446 : memref<100xi32, #tpu.memory_space<vmem>>) semaphore(%arg11 : memref<!tpu.dma_semaphore, #tpu.memory_space<semaphore_mem>>)
        %mul3A_450 = arith.constant 4 : i32
        %mul3A_451 = arith.muli %add3A_404, %mul3A_450 : i32
        %add3A_452 = arith.constant 3 : i32
        %add3A_453 = arith.addi %mul3A_451, %add3A_452 : i32
        %dma_start3A_454 = arith.constant 1 : i32
        %dma_start3A_455 = arith.constant 100 : i32
        %dma_start3A_456 = arith.constant 0 : i32
        %dma_start3A_457 = tpu.memref_slice %arg7[%dma_start3A_454, %dma_start3A_455, %dma_start3A_456] : memref<2x200x64xf32, #tpu.memory_space<vmem>> -> memref<1x100x64xf32, #tpu.memory_space<vmem>>
        %dma_start3A_458 = tpu.memref_squeeze %dma_start3A_457 : memref<1x100x64xf32, #tpu.memory_space<vmem>> -> memref<100x64xf32, #tpu.memory_space<vmem>>
        %dma_start3A_459 = arith.constant 0 : i32
        %dma_start3A_460 = tpu.memref_slice %arg6[%add3A_453, %dma_start3A_459] : memref<256x100xi32, #tpu.memory_space<vmem>> -> memref<1x100xi32, #tpu.memory_space<vmem>>
        %dma_start3A_461 = tpu.memref_squeeze %dma_start3A_460 : memref<1x100xi32, #tpu.memory_space<vmem>> -> memref<100xi32, #tpu.memory_space<vmem>>
        %dma_start3A_462 = arith.constant 0 : i32
        %dma_start3A_463 = arith.constant 0 : i32
        %dma_start3A_464 = tpu.memref_slice %arg3[%dma_start3A_462, %dma_start3A_463] : memref<1000000x64xf32, #tpu.memory_space<hbm>> -> memref<1000000x64xf32, #tpu.memory_space<hbm>>
        tpu.enqueue_indirect_dma source(%dma_start3A_464 : memref<1000000x64xf32, #tpu.memory_space<hbm>>) target(%dma_start3A_458 : memref<100x64xf32, #tpu.memory_space<vmem>>) offsets(%dma_start3A_461 : memref<100xi32, #tpu.memory_space<vmem>>) semaphore(%arg11 : memref<!tpu.dma_semaphore, #tpu.memory_space<semaphore_mem>>)
      } else {
      }
      %mul3A_329 = arith.constant 4 : i32
      %mul3A_330 = arith.muli %add3A_316, %mul3A_329 : i32
      %add3A_331 = arith.constant 0 : i32
      %add3A_332 = arith.addi %mul3A_330, %add3A_331 : i32
      %dma_wait3A_333 = arith.constant 0 : i32
      %dma_wait3A_334 = arith.constant 0 : i32
      %dma_wait3A_335 = arith.constant 0 : i32
      %dma_wait3A_336 = tpu.memref_slice %arg9[%dma_wait3A_333, %dma_wait3A_334, %dma_wait3A_335] : memref<2x200x64xf32, #tpu.memory_space<vmem>> -> memref<1x100x64xf32, #tpu.memory_space<vmem>>
      %dma_wait3A_337 = tpu.memref_squeeze %dma_wait3A_336 : memref<1x100x64xf32, #tpu.memory_space<vmem>> -> memref<100x64xf32, #tpu.memory_space<vmem>>
      %dma_wait3A_338 = arith.constant 0 : i32
      %dma_wait3A_339 = tpu.memref_slice %arg6[%add3A_332, %dma_wait3A_338] : memref<256x100xi32, #tpu.memory_space<vmem>> -> memref<1x100xi32, #tpu.memory_space<vmem>>
      %dma_wait3A_340 = tpu.memref_squeeze %dma_wait3A_339 : memref<1x100xi32, #tpu.memory_space<vmem>> -> memref<100xi32, #tpu.memory_space<vmem>>
      %dma_wait3A_341 = arith.constant 0 : i32
      %dma_wait3A_342 = arith.constant 0 : i32
      %dma_wait3A_343 = tpu.memref_slice %arg3[%dma_wait3A_341, %dma_wait3A_342] : memref<1000000x64xf32, #tpu.memory_space<hbm>> -> memref<1000000x64xf32, #tpu.memory_space<hbm>>
      tpu.wait_indirect_dma semaphore(%arg13 : memref<!tpu.dma_semaphore, #tpu.memory_space<semaphore_mem>>) src(%dma_wait3A_343 : memref<1000000x64xf32, #tpu.memory_space<hbm>>) dst(%dma_wait3A_337 : memref<100x64xf32, #tpu.memory_space<vmem>>)
      %mul3A_344 = arith.constant 4 : i32
      %mul3A_345 = arith.muli %add3A_316, %mul3A_344 : i32
      %add3A_346 = arith.constant 1 : i32
      %add3A_347 = arith.addi %mul3A_345, %add3A_346 : i32
      %dma_wait3A_348 = arith.constant 0 : i32
      %dma_wait3A_349 = arith.constant 100 : i32
      %dma_wait3A_350 = arith.constant 0 : i32
      %dma_wait3A_351 = tpu.memref_slice %arg9[%dma_wait3A_348, %dma_wait3A_349, %dma_wait3A_350] : memref<2x200x64xf32, #tpu.memory_space<vmem>> -> memref<1x100x64xf32, #tpu.memory_space<vmem>>
      %dma_wait3A_352 = tpu.memref_squeeze %dma_wait3A_351 : memref<1x100x64xf32, #tpu.memory_space<vmem>> -> memref<100x64xf32, #tpu.memory_space<vmem>>
      %dma_wait3A_353 = arith.constant 0 : i32
      %dma_wait3A_354 = tpu.memref_slice %arg6[%add3A_347, %dma_wait3A_353] : memref<256x100xi32, #tpu.memory_space<vmem>> -> memref<1x100xi32, #tpu.memory_space<vmem>>
      %dma_wait3A_355 = tpu.memref_squeeze %dma_wait3A_354 : memref<1x100xi32, #tpu.memory_space<vmem>> -> memref<100xi32, #tpu.memory_space<vmem>>
      %dma_wait3A_356 = arith.constant 0 : i32
      %dma_wait3A_357 = arith.constant 0 : i32
      %dma_wait3A_358 = tpu.memref_slice %arg3[%dma_wait3A_356, %dma_wait3A_357] : memref<1000000x64xf32, #tpu.memory_space<hbm>> -> memref<1000000x64xf32, #tpu.memory_space<hbm>>
      tpu.wait_indirect_dma semaphore(%arg13 : memref<!tpu.dma_semaphore, #tpu.memory_space<semaphore_mem>>) src(%dma_wait3A_358 : memref<1000000x64xf32, #tpu.memory_space<hbm>>) dst(%dma_wait3A_352 : memref<100x64xf32, #tpu.memory_space<vmem>>)
      %mul3A_359 = arith.constant 4 : i32
      %mul3A_360 = arith.muli %add3A_316, %mul3A_359 : i32
      %add3A_361 = arith.constant 2 : i32
      %add3A_362 = arith.addi %mul3A_360, %add3A_361 : i32
      %dma_wait3A_363 = arith.constant 1 : i32
      %dma_wait3A_364 = arith.constant 0 : i32
      %dma_wait3A_365 = arith.constant 0 : i32
      %dma_wait3A_366 = tpu.memref_slice %arg9[%dma_wait3A_363, %dma_wait3A_364, %dma_wait3A_365] : memref<2x200x64xf32, #tpu.memory_space<vmem>> -> memref<1x100x64xf32, #tpu.memory_space<vmem>>
      %dma_wait3A_367 = tpu.memref_squeeze %dma_wait3A_366 : memref<1x100x64xf32, #tpu.memory_space<vmem>> -> memref<100x64xf32, #tpu.memory_space<vmem>>
      %dma_wait3A_368 = arith.constant 0 : i32
      %dma_wait3A_369 = tpu.memref_slice %arg6[%add3A_362, %dma_wait3A_368] : memref<256x100xi32, #tpu.memory_space<vmem>> -> memref<1x100xi32, #tpu.memory_space<vmem>>
      %dma_wait3A_370 = tpu.memref_squeeze %dma_wait3A_369 : memref<1x100xi32, #tpu.memory_space<vmem>> -> memref<100xi32, #tpu.memory_space<vmem>>
      %dma_wait3A_371 = arith.constant 0 : i32
      %dma_wait3A_372 = arith.constant 0 : i32
      %dma_wait3A_373 = tpu.memref_slice %arg3[%dma_wait3A_371, %dma_wait3A_372] : memref<1000000x64xf32, #tpu.memory_space<hbm>> -> memref<1000000x64xf32, #tpu.memory_space<hbm>>
      tpu.wait_indirect_dma semaphore(%arg13 : memref<!tpu.dma_semaphore, #tpu.memory_space<semaphore_mem>>) src(%dma_wait3A_373 : memref<1000000x64xf32, #tpu.memory_space<hbm>>) dst(%dma_wait3A_367 : memref<100x64xf32, #tpu.memory_space<vmem>>)
      %mul3A_374 = arith.constant 4 : i32
      %mul3A_375 = arith.muli %add3A_316, %mul3A_374 : i32
      %add3A_376 = arith.constant 3 : i32
      %add3A_377 = arith.addi %mul3A_375, %add3A_376 : i32
      %dma_wait3A_378 = arith.constant 1 : i32
      %dma_wait3A_379 = arith.constant 100 : i32
      %dma_wait3A_380 = arith.constant 0 : i32
      %dma_wait3A_381 = tpu.memref_slice %arg9[%dma_wait3A_378, %dma_wait3A_379, %dma_wait3A_380] : memref<2x200x64xf32, #tpu.memory_space<vmem>> -> memref<1x100x64xf32, #tpu.memory_space<vmem>>
      %dma_wait3A_382 = tpu.memref_squeeze %dma_wait3A_381 : memref<1x100x64xf32, #tpu.memory_space<vmem>> -> memref<100x64xf32, #tpu.memory_space<vmem>>
      %dma_wait3A_383 = arith.constant 0 : i32
      %dma_wait3A_384 = tpu.memref_slice %arg6[%add3A_377, %dma_wait3A_383] : memref<256x100xi32, #tpu.memory_space<vmem>> -> memref<1x100xi32, #tpu.memory_space<vmem>>
      %dma_wait3A_385 = tpu.memref_squeeze %dma_wait3A_384 : memref<1x100xi32, #tpu.memory_space<vmem>> -> memref<100xi32, #tpu.memory_space<vmem>>
      %dma_wait3A_386 = arith.constant 0 : i32
      %dma_wait3A_387 = arith.constant 0 : i32
      %dma_wait3A_388 = tpu.memref_slice %arg3[%dma_wait3A_386, %dma_wait3A_387] : memref<1000000x64xf32, #tpu.memory_space<hbm>> -> memref<1000000x64xf32, #tpu.memory_space<hbm>>
      tpu.wait_indirect_dma semaphore(%arg13 : memref<!tpu.dma_semaphore, #tpu.memory_space<semaphore_mem>>) src(%dma_wait3A_388 : memref<1000000x64xf32, #tpu.memory_space<hbm>>) dst(%dma_wait3A_382 : memref<100x64xf32, #tpu.memory_space<vmem>>)
      %scan3A_389 = arith.constant 0 : i32
      %scan3A_390 = arith.constant 200 : i32
      %scan3A_391 = arith.addi %scan3A_389, %scan3A_390 : i32
      %scan3A_392 = arith.constant 4 : i32
      scf.for %scan3A_403 = %scan3A_389 to %scan3A_391 step %scan3A_392  : i32 {
        %get3A = arith.index_cast %scan3A_403 : i32 to index
        %get3A_404 = arith.constant 0 : index
        %get3A_405 = tpu.vector_load %arg10[%get3A, %get3A_404] {strides = array<i32>} : memref<200x64xf32, #tpu.memory_space<vmem>>, vector<1x16xf32>,
        %get3A_406 = vector.shape_cast %get3A_405 : vector<1x16xf32> to vector<16xf32>
        %get3A_407 = arith.constant 0 : i32
        %get3A_408 = arith.index_cast %get3A_407 : i32 to index
        %get3A_409 = arith.index_cast %scan3A_403 : i32 to index
        %get3A_410 = arith.constant 0 : index
        %get3A_411 = tpu.vector_load %arg9[%get3A_408, %get3A_409, %get3A_410] {strides = array<i32>} : memref<2x200x64xf32, #tpu.memory_space<vmem>>, vector<1x1x16xf32>,
        %get3A_412 = vector.shape_cast %get3A_411 : vector<1x1x16xf32> to vector<16xf32>
        %mul3A_413 = arith.constant 8.000000e+00 : f32
        %mul3A_414 = vector.broadcast %mul3A_413 : f32 to vector<16xf32>
        %mul3A_415 = arith.mulf %get3A_412, %mul3A_414 : vector<16xf32>
        %add3A_416 = arith.addf %mul3A_415, %get3A_406 : vector<16xf32>
        %swap3A = arith.constant 0 : i32
        %swap3A_417 = arith.index_cast %swap3A : i32 to index
        %swap3A_418 = arith.index_cast %scan3A_403 : i32 to index
        %swap3A_419 = arith.constant 0 : index
        %swap3A_420 = tpu.vector_load %arg9[%swap3A_417, %swap3A_418, %swap3A_419] {strides = array<i32>} : memref<2x200x64xf32, #tpu.memory_space<vmem>>, vector<1x1x16xf32>,
        %swap3A_421 = vector.shape_cast %swap3A_420 : vector<1x1x16xf32> to vector<16xf32>
        %swap3A_422 = vector.shape_cast %add3A_416 : vector<16xf32> to vector<1x1x16xf32>
        tpu.vector_store %arg9[%swap3A_417, %swap3A_418, %swap3A_419], %swap3A_422 {strides = array<i32>} : memref<2x200x64xf32, #tpu.memory_space<vmem>>, vector<1x1x16xf32>,
        %get3A_423 = arith.constant 1 : i32
        %get3A_424 = arith.index_cast %get3A_423 : i32 to index
        %get3A_425 = arith.index_cast %scan3A_403 : i32 to index
        %get3A_426 = arith.constant 0 : index
        %get3A_427 = tpu.vector_load %arg9[%get3A_424, %get3A_425, %get3A_426] {strides = array<i32>} : memref<2x200x64xf32, #tpu.memory_space<vmem>>, vector<1x1x16xf32>,
        %get3A_428 = vector.shape_cast %get3A_427 : vector<1x1x16xf32> to vector<16xf32>
        %mul3A_429 = arith.constant 8.000000e+00 : f32
        %mul3A_430 = vector.broadcast %mul3A_429 : f32 to vector<16xf32>
        %mul3A_431 = arith.mulf %get3A_428, %mul3A_430 : vector<16xf32>
        %add3A_432 = arith.addf %mul3A_431, %get3A_406 : vector<16xf32>
        %swap3A_433 = arith.constant 1 : i32
        %swap3A_434 = arith.index_cast %swap3A_433 : i32 to index
        %swap3A_435 = arith.index_cast %scan3A_403 : i32 to index
        %swap3A_436 = arith.constant 0 : index
        %swap3A_437 = tpu.vector_load %arg9[%swap3A_434, %swap3A_435, %swap3A_436] {strides = array<i32>} : memref<2x200x64xf32, #tpu.memory_space<vmem>>, vector<1x1x16xf32>,
        %swap3A_438 = vector.shape_cast %swap3A_437 : vector<1x1x16xf32> to vector<16xf32>
        %swap3A_439 = vector.shape_cast %add3A_432 : vector<16xf32> to vector<1x1x16xf32>
        tpu.vector_store %arg9[%swap3A_434, %swap3A_435, %swap3A_436], %swap3A_439 {strides = array<i32>} : memref<2x200x64xf32, #tpu.memory_space<vmem>>, vector<1x1x16xf32>,
        %get3A_440 = arith.index_cast %scan3A_403 : i32 to index
        %get3A_441 = arith.constant 16 : index
        %get3A_442 = tpu.vector_load %arg10[%get3A_440, %get3A_441] {strides = array<i32>} : memref<200x64xf32, #tpu.memory_space<vmem>>, vector<1x16xf32>,
        %get3A_443 = vector.shape_cast %get3A_442 : vector<1x16xf32> to vector<16xf32>
        %get3A_444 = arith.constant 0 : i32
        %get3A_445 = arith.index_cast %get3A_444 : i32 to index
        %get3A_446 = arith.index_cast %scan3A_403 : i32 to index
        %get3A_447 = arith.constant 16 : index
        %get3A_448 = tpu.vector_load %arg9[%get3A_445, %get3A_446, %get3A_447] {strides = array<i32>} : memref<2x200x64xf32, #tpu.memory_space<vmem>>, vector<1x1x16xf32>,
        %get3A_449 = vector.shape_cast %get3A_448 : vector<1x1x16xf32> to vector<16xf32>
        %mul3A_450 = arith.constant 8.000000e+00 : f32
        %mul3A_451 = vector.broadcast %mul3A_450 : f32 to vector<16xf32>
        %mul3A_452 = arith.mulf %get3A_449, %mul3A_451 : vector<16xf32>
        %add3A_453 = arith.addf %mul3A_452, %get3A_443 : vector<16xf32>
        %swap3A_454 = arith.constant 0 : i32
        %swap3A_455 = arith.index_cast %swap3A_454 : i32 to index
        %swap3A_456 = arith.index_cast %scan3A_403 : i32 to index
        %swap3A_457 = arith.constant 16 : index
        %swap3A_458 = tpu.vector_load %arg9[%swap3A_455, %swap3A_456, %swap3A_457] {strides = array<i32>} : memref<2x200x64xf32, #tpu.memory_space<vmem>>, vector<1x1x16xf32>,
        %swap3A_459 = vector.shape_cast %swap3A_458 : vector<1x1x16xf32> to vector<16xf32>
        %swap3A_460 = vector.shape_cast %add3A_453 : vector<16xf32> to vector<1x1x16xf32>
        tpu.vector_store %arg9[%swap3A_455, %swap3A_456, %swap3A_457], %swap3A_460 {strides = array<i32>} : memref<2x200x64xf32, #tpu.memory_space<vmem>>, vector<1x1x16xf32>,
        %get3A_461 = arith.constant 1 : i32
        %get3A_462 = arith.index_cast %get3A_461 : i32 to index
        %get3A_463 = arith.index_cast %scan3A_403 : i32 to index
        %get3A_464 = arith.constant 16 : index
        %get3A_465 = tpu.vector_load %arg9[%get3A_462, %get3A_463, %get3A_464] {strides = array<i32>} : memref<2x200x64xf32, #tpu.memory_space<vmem>>, vector<1x1x16xf32>,
        %get3A_466 = vector.shape_cast %get3A_465 : vector<1x1x16xf32> to vector<16xf32>
        %mul3A_467 = arith.constant 8.000000e+00 : f32
        %mul3A_468 = vector.broadcast %mul3A_467 : f32 to vector<16xf32>
        %mul3A_469 = arith.mulf %get3A_466, %mul3A_468 : vector<16xf32>
        %add3A_470 = arith.addf %mul3A_469, %get3A_443 : vector<16xf32>
        %swap3A_471 = arith.constant 1 : i32
        %swap3A_472 = arith.index_cast %swap3A_471 : i32 to index
        %swap3A_473 = arith.index_cast %scan3A_403 : i32 to index
        %swap3A_474 = arith.constant 16 : index
        %swap3A_475 = tpu.vector_load %arg9[%swap3A_472, %swap3A_473, %swap3A_474] {strides = array<i32>} : memref<2x200x64xf32, #tpu.memory_space<vmem>>, vector<1x1x16xf32>,
        %swap3A_476 = vector.shape_cast %swap3A_475 : vector<1x1x16xf32> to vector<16xf32>
        %swap3A_477 = vector.shape_cast %add3A_470 : vector<16xf32> to vector<1x1x16xf32>
        tpu.vector_store %arg9[%swap3A_472, %swap3A_473, %swap3A_474], %swap3A_477 {strides = array<i32>} : memref<2x200x64xf32, #tpu.memory_space<vmem>>, vector<1x1x16xf32>,
        %get3A_478 = arith.index_cast %scan3A_403 : i32 to index
        %get3A_479 = arith.constant 32 : index
        %get3A_480 = tpu.vector_load %arg10[%get3A_478, %get3A_479] {strides = array<i32>} : memref<200x64xf32, #tpu.memory_space<vmem>>, vector<1x16xf32>,
        %get3A_481 = vector.shape_cast %get3A_480 : vector<1x16xf32> to vector<16xf32>
        %get3A_482 = arith.constant 0 : i32
        %get3A_483 = arith.index_cast %get3A_482 : i32 to index
        %get3A_484 = arith.index_cast %scan3A_403 : i32 to index
        %get3A_485 = arith.constant 32 : index
        %get3A_486 = tpu.vector_load %arg9[%get3A_483, %get3A_484, %get3A_485] {strides = array<i32>} : memref<2x200x64xf32, #tpu.memory_space<vmem>>, vector<1x1x16xf32>,
        %get3A_487 = vector.shape_cast %get3A_486 : vector<1x1x16xf32> to vector<16xf32>
        %mul3A_488 = arith.constant 8.000000e+00 : f32
        %mul3A_489 = vector.broadcast %mul3A_488 : f32 to vector<16xf32>
        %mul3A_490 = arith.mulf %get3A_487, %mul3A_489 : vector<16xf32>
        %add3A_491 = arith.addf %mul3A_490, %get3A_481 : vector<16xf32>
        %swap3A_492 = arith.constant 0 : i32
        %swap3A_493 = arith.index_cast %swap3A_492 : i32 to index
        %swap3A_494 = arith.index_cast %scan3A_403 : i32 to index
        %swap3A_495 = arith.constant 32 : index
        %swap3A_496 = tpu.vector_load %arg9[%swap3A_493, %swap3A_494, %swap3A_495] {strides = array<i32>} : memref<2x200x64xf32, #tpu.memory_space<vmem>>, vector<1x1x16xf32>,
        %swap3A_497 = vector.shape_cast %swap3A_496 : vector<1x1x16xf32> to vector<16xf32>
        %swap3A_498 = vector.shape_cast %add3A_491 : vector<16xf32> to vector<1x1x16xf32>
        tpu.vector_store %arg9[%swap3A_493, %swap3A_494, %swap3A_495], %swap3A_498 {strides = array<i32>} : memref<2x200x64xf32, #tpu.memory_space<vmem>>, vector<1x1x16xf32>,
        %get3A_499 = arith.constant 1 : i32
        %get3A_500 = arith.index_cast %get3A_499 : i32 to index
        %get3A_501 = arith.index_cast %scan3A_403 : i32 to index
        %get3A_502 = arith.constant 32 : index
        %get3A_503 = tpu.vector_load %arg9[%get3A_500, %get3A_501, %get3A_502] {strides = array<i32>} : memref<2x200x64xf32, #tpu.memory_space<vmem>>, vector<1x1x16xf32>,
        %get3A_504 = vector.shape_cast %get3A_503 : vector<1x1x16xf32> to vector<16xf32>
        %mul3A_505 = arith.constant 8.000000e+00 : f32
        %mul3A_506 = vector.broadcast %mul3A_505 : f32 to vector<16xf32>
        %mul3A_507 = arith.mulf %get3A_504, %mul3A_506 : vector<16xf32>
        %add3A_508 = arith.addf %mul3A_507, %get3A_481 : vector<16xf32>
        %swap3A_509 = arith.constant 1 : i32
        %swap3A_510 = arith.index_cast %swap3A_509 : i32 to index
        %swap3A_511 = arith.index_cast %scan3A_403 : i32 to index
        %swap3A_512 = arith.constant 32 : index
        %swap3A_513 = tpu.vector_load %arg9[%swap3A_510, %swap3A_511, %swap3A_512] {strides = array<i32>} : memref<2x200x64xf32, #tpu.memory_space<vmem>>, vector<1x1x16xf32>,
        %swap3A_514 = vector.shape_cast %swap3A_513 : vector<1x1x16xf32> to vector<16xf32>
        %swap3A_515 = vector.shape_cast %add3A_508 : vector<16xf32> to vector<1x1x16xf32>
        tpu.vector_store %arg9[%swap3A_510, %swap3A_511, %swap3A_512], %swap3A_515 {strides = array<i32>} : memref<2x200x64xf32, #tpu.memory_space<vmem>>, vector<1x1x16xf32>,
        %get3A_516 = arith.index_cast %scan3A_403 : i32 to index
        %get3A_517 = arith.constant 48 : index
        %get3A_518 = tpu.vector_load %arg10[%get3A_516, %get3A_517] {strides = array<i32>} : memref<200x64xf32, #tpu.memory_space<vmem>>, vector<1x16xf32>,
        %get3A_519 = vector.shape_cast %get3A_518 : vector<1x16xf32> to vector<16xf32>
        %get3A_520 = arith.constant 0 : i32
        %get3A_521 = arith.index_cast %get3A_520 : i32 to index
        %get3A_522 = arith.index_cast %scan3A_403 : i32 to index
        %get3A_523 = arith.constant 48 : index
        %get3A_524 = tpu.vector_load %arg9[%get3A_521, %get3A_522, %get3A_523] {strides = array<i32>} : memref<2x200x64xf32, #tpu.memory_space<vmem>>, vector<1x1x16xf32>,
        %get3A_525 = vector.shape_cast %get3A_524 : vector<1x1x16xf32> to vector<16xf32>
        %mul3A_526 = arith.constant 8.000000e+00 : f32
        %mul3A_527 = vector.broadcast %mul3A_526 : f32 to vector<16xf32>
        %mul3A_528 = arith.mulf %get3A_525, %mul3A_527 : vector<16xf32>
        %add3A_529 = arith.addf %mul3A_528, %get3A_519 : vector<16xf32>
        %swap3A_530 = arith.constant 0 : i32
        %swap3A_531 = arith.index_cast %swap3A_530 : i32 to index
        %swap3A_532 = arith.index_cast %scan3A_403 : i32 to index
        %swap3A_533 = arith.constant 48 : index
        %swap3A_534 = tpu.vector_load %arg9[%swap3A_531, %swap3A_532, %swap3A_533] {strides = array<i32>} : memref<2x200x64xf32, #tpu.memory_space<vmem>>, vector<1x1x16xf32>,
        %swap3A_535 = vector.shape_cast %swap3A_534 : vector<1x1x16xf32> to vector<16xf32>
        %swap3A_536 = vector.shape_cast %add3A_529 : vector<16xf32> to vector<1x1x16xf32>
        tpu.vector_store %arg9[%swap3A_531, %swap3A_532, %swap3A_533], %swap3A_536 {strides = array<i32>} : memref<2x200x64xf32, #tpu.memory_space<vmem>>, vector<1x1x16xf32>,
        %get3A_537 = arith.constant 1 : i32
        %get3A_538 = arith.index_cast %get3A_537 : i32 to index
        %get3A_539 = arith.index_cast %scan3A_403 : i32 to index
        %get3A_540 = arith.constant 48 : index
        %get3A_541 = tpu.vector_load %arg9[%get3A_538, %get3A_539, %get3A_540] {strides = array<i32>} : memref<2x200x64xf32, #tpu.memory_space<vmem>>, vector<1x1x16xf32>,
        %get3A_542 = vector.shape_cast %get3A_541 : vector<1x1x16xf32> to vector<16xf32>
        %mul3A_543 = arith.constant 8.000000e+00 : f32
        %mul3A_544 = vector.broadcast %mul3A_543 : f32 to vector<16xf32>
        %mul3A_545 = arith.mulf %get3A_542, %mul3A_544 : vector<16xf32>
        %add3A_546 = arith.addf %mul3A_545, %get3A_519 : vector<16xf32>
        %swap3A_547 = arith.constant 1 : i32
        %swap3A_548 = arith.index_cast %swap3A_547 : i32 to index
        %swap3A_549 = arith.index_cast %scan3A_403 : i32 to index
        %swap3A_550 = arith.constant 48 : index
        %swap3A_551 = tpu.vector_load %arg9[%swap3A_548, %swap3A_549, %swap3A_550] {strides = array<i32>} : memref<2x200x64xf32, #tpu.memory_space<vmem>>, vector<1x1x16xf32>,
        %swap3A_552 = vector.shape_cast %swap3A_551 : vector<1x1x16xf32> to vector<16xf32>
        %swap3A_553 = vector.shape_cast %add3A_546 : vector<16xf32> to vector<1x1x16xf32>
        tpu.vector_store %arg9[%swap3A_548, %swap3A_549, %swap3A_550], %swap3A_553 {strides = array<i32>} : memref<2x200x64xf32, #tpu.memory_space<vmem>>, vector<1x1x16xf32>,
        %scan3A_554 = arith.constant 1 : i32
        %scan3A_555 = arith.addi %scan3A_403, %scan3A_554 : i32
        %get3A_556 = arith.index_cast %scan3A_555 : i32 to index
        %get3A_557 = arith.constant 0 : index
        %get3A_558 = tpu.vector_load %arg10[%get3A_556, %get3A_557] {strides = array<i32>} : memref<200x64xf32, #tpu.memory_space<vmem>>, vector<1x16xf32>,
        %get3A_559 = vector.shape_cast %get3A_558 : vector<1x16xf32> to vector<16xf32>
        %get3A_560 = arith.constant 0 : i32
        %get3A_561 = arith.index_cast %get3A_560 : i32 to index
        %get3A_562 = arith.index_cast %scan3A_555 : i32 to index
        %get3A_563 = arith.constant 0 : index
        %get3A_564 = tpu.vector_load %arg9[%get3A_561, %get3A_562, %get3A_563] {strides = array<i32>} : memref<2x200x64xf32, #tpu.memory_space<vmem>>, vector<1x1x16xf32>,
        %get3A_565 = vector.shape_cast %get3A_564 : vector<1x1x16xf32> to vector<16xf32>
        %mul3A_566 = arith.constant 8.000000e+00 : f32
        %mul3A_567 = vector.broadcast %mul3A_566 : f32 to vector<16xf32>
        %mul3A_568 = arith.mulf %get3A_565, %mul3A_567 : vector<16xf32>
        %add3A_569 = arith.addf %mul3A_568, %get3A_559 : vector<16xf32>
        %swap3A_570 = arith.constant 0 : i32
        %swap3A_571 = arith.index_cast %swap3A_570 : i32 to index
        %swap3A_572 = arith.index_cast %scan3A_555 : i32 to index
        %swap3A_573 = arith.constant 0 : index
        %swap3A_574 = tpu.vector_load %arg9[%swap3A_571, %swap3A_572, %swap3A_573] {strides = array<i32>} : memref<2x200x64xf32, #tpu.memory_space<vmem>>, vector<1x1x16xf32>,
        %swap3A_575 = vector.shape_cast %swap3A_574 : vector<1x1x16xf32> to vector<16xf32>
        %swap3A_576 = vector.shape_cast %add3A_569 : vector<16xf32> to vector<1x1x16xf32>
        tpu.vector_store %arg9[%swap3A_571, %swap3A_572, %swap3A_573], %swap3A_576 {strides = array<i32>} : memref<2x200x64xf32, #tpu.memory_space<vmem>>, vector<1x1x16xf32>,
        %get3A_577 = arith.constant 1 : i32
        %get3A_578 = arith.index_cast %get3A_577 : i32 to index
        %get3A_579 = arith.index_cast %scan3A_555 : i32 to index
        %get3A_580 = arith.constant 0 : index
        %get3A_581 = tpu.vector_load %arg9[%get3A_578, %get3A_579, %get3A_580] {strides = array<i32>} : memref<2x200x64xf32, #tpu.memory_space<vmem>>, vector<1x1x16xf32>,
        %get3A_582 = vector.shape_cast %get3A_581 : vector<1x1x16xf32> to vector<16xf32>
        %mul3A_583 = arith.constant 8.000000e+00 : f32
        %mul3A_584 = vector.broadcast %mul3A_583 : f32 to vector<16xf32>
        %mul3A_585 = arith.mulf %get3A_582, %mul3A_584 : vector<16xf32>
        %add3A_586 = arith.addf %mul3A_585, %get3A_559 : vector<16xf32>
        %swap3A_587 = arith.constant 1 : i32
        %swap3A_588 = arith.index_cast %swap3A_587 : i32 to index
        %swap3A_589 = arith.index_cast %scan3A_555 : i32 to index
        %swap3A_590 = arith.constant 0 : index
        %swap3A_591 = tpu.vector_load %arg9[%swap3A_588, %swap3A_589, %swap3A_590] {strides = array<i32>} : memref<2x200x64xf32, #tpu.memory_space<vmem>>, vector<1x1x16xf32>,
        %swap3A_592 = vector.shape_cast %swap3A_591 : vector<1x1x16xf32> to vector<16xf32>
        %swap3A_593 = vector.shape_cast %add3A_586 : vector<16xf32> to vector<1x1x16xf32>
        tpu.vector_store %arg9[%swap3A_588, %swap3A_589, %swap3A_590], %swap3A_593 {strides = array<i32>} : memref<2x200x64xf32, #tpu.memory_space<vmem>>, vector<1x1x16xf32>,
        %get3A_594 = arith.index_cast %scan3A_555 : i32 to index
        %get3A_595 = arith.constant 16 : index
        %get3A_596 = tpu.vector_load %arg10[%get3A_594, %get3A_595] {strides = array<i32>} : memref<200x64xf32, #tpu.memory_space<vmem>>, vector<1x16xf32>,
        %get3A_597 = vector.shape_cast %get3A_596 : vector<1x16xf32> to vector<16xf32>
        %get3A_598 = arith.constant 0 : i32
        %get3A_599 = arith.index_cast %get3A_598 : i32 to index
        %get3A_600 = arith.index_cast %scan3A_555 : i32 to index
        %get3A_601 = arith.constant 16 : index
        %get3A_602 = tpu.vector_load %arg9[%get3A_599, %get3A_600, %get3A_601] {strides = array<i32>} : memref<2x200x64xf32, #tpu.memory_space<vmem>>, vector<1x1x16xf32>,
        %get3A_603 = vector.shape_cast %get3A_602 : vector<1x1x16xf32> to vector<16xf32>
        %mul3A_604 = arith.constant 8.000000e+00 : f32
        %mul3A_605 = vector.broadcast %mul3A_604 : f32 to vector<16xf32>
        %mul3A_606 = arith.mulf %get3A_603, %mul3A_605 : vector<16xf32>
        %add3A_607 = arith.addf %mul3A_606, %get3A_597 : vector<16xf32>
        %swap3A_608 = arith.constant 0 : i32
        %swap3A_609 = arith.index_cast %swap3A_608 : i32 to index
        %swap3A_610 = arith.index_cast %scan3A_555 : i32 to index
        %swap3A_611 = arith.constant 16 : index
        %swap3A_612 = tpu.vector_load %arg9[%swap3A_609, %swap3A_610, %swap3A_611] {strides = array<i32>} : memref<2x200x64xf32, #tpu.memory_space<vmem>>, vector<1x1x16xf32>,
        %swap3A_613 = vector.shape_cast %swap3A_612 : vector<1x1x16xf32> to vector<16xf32>
        %swap3A_614 = vector.shape_cast %add3A_607 : vector<16xf32> to vector<1x1x16xf32>
        tpu.vector_store %arg9[%swap3A_609, %swap3A_610, %swap3A_611], %swap3A_614 {strides = array<i32>} : memref<2x200x64xf32, #tpu.memory_space<vmem>>, vector<1x1x16xf32>,
        %get3A_615 = arith.constant 1 : i32
        %get3A_616 = arith.index_cast %get3A_615 : i32 to index
        %get3A_617 = arith.index_cast %scan3A_555 : i32 to index
        %get3A_618 = arith.constant 16 : index
        %get3A_619 = tpu.vector_load %arg9[%get3A_616, %get3A_617, %get3A_618] {strides = array<i32>} : memref<2x200x64xf32, #tpu.memory_space<vmem>>, vector<1x1x16xf32>,
        %get3A_620 = vector.shape_cast %get3A_619 : vector<1x1x16xf32> to vector<16xf32>
        %mul3A_621 = arith.constant 8.000000e+00 : f32
        %mul3A_622 = vector.broadcast %mul3A_621 : f32 to vector<16xf32>
        %mul3A_623 = arith.mulf %get3A_620, %mul3A_622 : vector<16xf32>
        %add3A_624 = arith.addf %mul3A_623, %get3A_597 : vector<16xf32>
        %swap3A_625 = arith.constant 1 : i32
        %swap3A_626 = arith.index_cast %swap3A_625 : i32 to index
        %swap3A_627 = arith.index_cast %scan3A_555 : i32 to index
        %swap3A_628 = arith.constant 16 : index
        %swap3A_629 = tpu.vector_load %arg9[%swap3A_626, %swap3A_627, %swap3A_628] {strides = array<i32>} : memref<2x200x64xf32, #tpu.memory_space<vmem>>, vector<1x1x16xf32>,
        %swap3A_630 = vector.shape_cast %swap3A_629 : vector<1x1x16xf32> to vector<16xf32>
        %swap3A_631 = vector.shape_cast %add3A_624 : vector<16xf32> to vector<1x1x16xf32>
        tpu.vector_store %arg9[%swap3A_626, %swap3A_627, %swap3A_628], %swap3A_631 {strides = array<i32>} : memref<2x200x64xf32, #tpu.memory_space<vmem>>, vector<1x1x16xf32>,
        %get3A_632 = arith.index_cast %scan3A_555 : i32 to index
        %get3A_633 = arith.constant 32 : index
        %get3A_634 = tpu.vector_load %arg10[%get3A_632, %get3A_633] {strides = array<i32>} : memref<200x64xf32, #tpu.memory_space<vmem>>, vector<1x16xf32>,
        %get3A_635 = vector.shape_cast %get3A_634 : vector<1x16xf32> to vector<16xf32>
        %get3A_636 = arith.constant 0 : i32
        %get3A_637 = arith.index_cast %get3A_636 : i32 to index
        %get3A_638 = arith.index_cast %scan3A_555 : i32 to index
        %get3A_639 = arith.constant 32 : index
        %get3A_640 = tpu.vector_load %arg9[%get3A_637, %get3A_638, %get3A_639] {strides = array<i32>} : memref<2x200x64xf32, #tpu.memory_space<vmem>>, vector<1x1x16xf32>,
        %get3A_641 = vector.shape_cast %get3A_640 : vector<1x1x16xf32> to vector<16xf32>
        %mul3A_642 = arith.constant 8.000000e+00 : f32
        %mul3A_643 = vector.broadcast %mul3A_642 : f32 to vector<16xf32>
        %mul3A_644 = arith.mulf %get3A_641, %mul3A_643 : vector<16xf32>
        %add3A_645 = arith.addf %mul3A_644, %get3A_635 : vector<16xf32>
        %swap3A_646 = arith.constant 0 : i32
        %swap3A_647 = arith.index_cast %swap3A_646 : i32 to index
        %swap3A_648 = arith.index_cast %scan3A_555 : i32 to index
        %swap3A_649 = arith.constant 32 : index
        %swap3A_650 = tpu.vector_load %arg9[%swap3A_647, %swap3A_648, %swap3A_649] {strides = array<i32>} : memref<2x200x64xf32, #tpu.memory_space<vmem>>, vector<1x1x16xf32>,
        %swap3A_651 = vector.shape_cast %swap3A_650 : vector<1x1x16xf32> to vector<16xf32>
        %swap3A_652 = vector.shape_cast %add3A_645 : vector<16xf32> to vector<1x1x16xf32>
        tpu.vector_store %arg9[%swap3A_647, %swap3A_648, %swap3A_649], %swap3A_652 {strides = array<i32>} : memref<2x200x64xf32, #tpu.memory_space<vmem>>, vector<1x1x16xf32>,
        %get3A_653 = arith.constant 1 : i32
        %get3A_654 = arith.index_cast %get3A_653 : i32 to index
        %get3A_655 = arith.index_cast %scan3A_555 : i32 to index
        %get3A_656 = arith.constant 32 : index
        %get3A_657 = tpu.vector_load %arg9[%get3A_654, %get3A_655, %get3A_656] {strides = array<i32>} : memref<2x200x64xf32, #tpu.memory_space<vmem>>, vector<1x1x16xf32>,
        %get3A_658 = vector.shape_cast %get3A_657 : vector<1x1x16xf32> to vector<16xf32>
        %mul3A_659 = arith.constant 8.000000e+00 : f32
        %mul3A_660 = vector.broadcast %mul3A_659 : f32 to vector<16xf32>
        %mul3A_661 = arith.mulf %get3A_658, %mul3A_660 : vector<16xf32>
        %add3A_662 = arith.addf %mul3A_661, %get3A_635 : vector<16xf32>
        %swap3A_663 = arith.constant 1 : i32
        %swap3A_664 = arith.index_cast %swap3A_663 : i32 to index
        %swap3A_665 = arith.index_cast %scan3A_555 : i32 to index
        %swap3A_666 = arith.constant 32 : index
        %swap3A_667 = tpu.vector_load %arg9[%swap3A_664, %swap3A_665, %swap3A_666] {strides = array<i32>} : memref<2x200x64xf32, #tpu.memory_space<vmem>>, vector<1x1x16xf32>,
        %swap3A_668 = vector.shape_cast %swap3A_667 : vector<1x1x16xf32> to vector<16xf32>
        %swap3A_669 = vector.shape_cast %add3A_662 : vector<16xf32> to vector<1x1x16xf32>
        tpu.vector_store %arg9[%swap3A_664, %swap3A_665, %swap3A_666], %swap3A_669 {strides = array<i32>} : memref<2x200x64xf32, #tpu.memory_space<vmem>>, vector<1x1x16xf32>,
        %get3A_670 = arith.index_cast %scan3A_555 : i32 to index
        %get3A_671 = arith.constant 48 : index
        %get3A_672 = tpu.vector_load %arg10[%get3A_670, %get3A_671] {strides = array<i32>} : memref<200x64xf32, #tpu.memory_space<vmem>>, vector<1x16xf32>,
        %get3A_673 = vector.shape_cast %get3A_672 : vector<1x16xf32> to vector<16xf32>
        %get3A_674 = arith.constant 0 : i32
        %get3A_675 = arith.index_cast %get3A_674 : i32 to index
        %get3A_676 = arith.index_cast %scan3A_555 : i32 to index
        %get3A_677 = arith.constant 48 : index
        %get3A_678 = tpu.vector_load %arg9[%get3A_675, %get3A_676, %get3A_677] {strides = array<i32>} : memref<2x200x64xf32, #tpu.memory_space<vmem>>, vector<1x1x16xf32>,
        %get3A_679 = vector.shape_cast %get3A_678 : vector<1x1x16xf32> to vector<16xf32>
        %mul3A_680 = arith.constant 8.000000e+00 : f32
        %mul3A_681 = vector.broadcast %mul3A_680 : f32 to vector<16xf32>
        %mul3A_682 = arith.mulf %get3A_679, %mul3A_681 : vector<16xf32>
        %add3A_683 = arith.addf %mul3A_682, %get3A_673 : vector<16xf32>
        %swap3A_684 = arith.constant 0 : i32
        %swap3A_685 = arith.index_cast %swap3A_684 : i32 to index
        %swap3A_686 = arith.index_cast %scan3A_555 : i32 to index
        %swap3A_687 = arith.constant 48 : index
        %swap3A_688 = tpu.vector_load %arg9[%swap3A_685, %swap3A_686, %swap3A_687] {strides = array<i32>} : memref<2x200x64xf32, #tpu.memory_space<vmem>>, vector<1x1x16xf32>,
        %swap3A_689 = vector.shape_cast %swap3A_688 : vector<1x1x16xf32> to vector<16xf32>
        %swap3A_690 = vector.shape_cast %add3A_683 : vector<16xf32> to vector<1x1x16xf32>
        tpu.vector_store %arg9[%swap3A_685, %swap3A_686, %swap3A_687], %swap3A_690 {strides = array<i32>} : memref<2x200x64xf32, #tpu.memory_space<vmem>>, vector<1x1x16xf32>,
        %get3A_691 = arith.constant 1 : i32
        %get3A_692 = arith.index_cast %get3A_691 : i32 to index
        %get3A_693 = arith.index_cast %scan3A_555 : i32 to index
        %get3A_694 = arith.constant 48 : index
        %get3A_695 = tpu.vector_load %arg9[%get3A_692, %get3A_693, %get3A_694] {strides = array<i32>} : memref<2x200x64xf32, #tpu.memory_space<vmem>>, vector<1x1x16xf32>,
        %get3A_696 = vector.shape_cast %get3A_695 : vector<1x1x16xf32> to vector<16xf32>
        %mul3A_697 = arith.constant 8.000000e+00 : f32
        %mul3A_698 = vector.broadcast %mul3A_697 : f32 to vector<16xf32>
        %mul3A_699 = arith.mulf %get3A_696, %mul3A_698 : vector<16xf32>
        %add3A_700 = arith.addf %mul3A_699, %get3A_673 : vector<16xf32>
        %swap3A_701 = arith.constant 1 : i32
        %swap3A_702 = arith.index_cast %swap3A_701 : i32 to index
        %swap3A_703 = arith.index_cast %scan3A_555 : i32 to index
        %swap3A_704 = arith.constant 48 : index
        %swap3A_705 = tpu.vector_load %arg9[%swap3A_702, %swap3A_703, %swap3A_704] {strides = array<i32>} : memref<2x200x64xf32, #tpu.memory_space<vmem>>, vector<1x1x16xf32>,
        %swap3A_706 = vector.shape_cast %swap3A_705 : vector<1x1x16xf32> to vector<16xf32>
        %swap3A_707 = vector.shape_cast %add3A_700 : vector<16xf32> to vector<1x1x16xf32>
        tpu.vector_store %arg9[%swap3A_702, %swap3A_703, %swap3A_704], %swap3A_707 {strides = array<i32>} : memref<2x200x64xf32, #tpu.memory_space<vmem>>, vector<1x1x16xf32>,
        %scan3A_708 = arith.constant 2 : i32
        %scan3A_709 = arith.addi %scan3A_403, %scan3A_708 : i32
        %get3A_710 = arith.index_cast %scan3A_709 : i32 to index
        %get3A_711 = arith.constant 0 : index
        %get3A_712 = tpu.vector_load %arg10[%get3A_710, %get3A_711] {strides = array<i32>} : memref<200x64xf32, #tpu.memory_space<vmem>>, vector<1x16xf32>,
        %get3A_713 = vector.shape_cast %get3A_712 : vector<1x16xf32> to vector<16xf32>
        %get3A_714 = arith.constant 0 : i32
        %get3A_715 = arith.index_cast %get3A_714 : i32 to index
        %get3A_716 = arith.index_cast %scan3A_709 : i32 to index
        %get3A_717 = arith.constant 0 : index
        %get3A_718 = tpu.vector_load %arg9[%get3A_715, %get3A_716, %get3A_717] {strides = array<i32>} : memref<2x200x64xf32, #tpu.memory_space<vmem>>, vector<1x1x16xf32>,
        %get3A_719 = vector.shape_cast %get3A_718 : vector<1x1x16xf32> to vector<16xf32>
        %mul3A_720 = arith.constant 8.000000e+00 : f32
        %mul3A_721 = vector.broadcast %mul3A_720 : f32 to vector<16xf32>
        %mul3A_722 = arith.mulf %get3A_719, %mul3A_721 : vector<16xf32>
        %add3A_723 = arith.addf %mul3A_722, %get3A_713 : vector<16xf32>
        %swap3A_724 = arith.constant 0 : i32
        %swap3A_725 = arith.index_cast %swap3A_724 : i32 to index
        %swap3A_726 = arith.index_cast %scan3A_709 : i32 to index
        %swap3A_727 = arith.constant 0 : index
        %swap3A_728 = tpu.vector_load %arg9[%swap3A_725, %swap3A_726, %swap3A_727] {strides = array<i32>} : memref<2x200x64xf32, #tpu.memory_space<vmem>>, vector<1x1x16xf32>,
        %swap3A_729 = vector.shape_cast %swap3A_728 : vector<1x1x16xf32> to vector<16xf32>
        %swap3A_730 = vector.shape_cast %add3A_723 : vector<16xf32> to vector<1x1x16xf32>
        tpu.vector_store %arg9[%swap3A_725, %swap3A_726, %swap3A_727], %swap3A_730 {strides = array<i32>} : memref<2x200x64xf32, #tpu.memory_space<vmem>>, vector<1x1x16xf32>,
        %get3A_731 = arith.constant 1 : i32
        %get3A_732 = arith.index_cast %get3A_731 : i32 to index
        %get3A_733 = arith.index_cast %scan3A_709 : i32 to index
        %get3A_734 = arith.constant 0 : index
        %get3A_735 = tpu.vector_load %arg9[%get3A_732, %get3A_733, %get3A_734] {strides = array<i32>} : memref<2x200x64xf32, #tpu.memory_space<vmem>>, vector<1x1x16xf32>,
        %get3A_736 = vector.shape_cast %get3A_735 : vector<1x1x16xf32> to vector<16xf32>
        %mul3A_737 = arith.constant 8.000000e+00 : f32
        %mul3A_738 = vector.broadcast %mul3A_737 : f32 to vector<16xf32>
        %mul3A_739 = arith.mulf %get3A_736, %mul3A_738 : vector<16xf32>
        %add3A_740 = arith.addf %mul3A_739, %get3A_713 : vector<16xf32>
        %swap3A_741 = arith.constant 1 : i32
        %swap3A_742 = arith.index_cast %swap3A_741 : i32 to index
        %swap3A_743 = arith.index_cast %scan3A_709 : i32 to index
        %swap3A_744 = arith.constant 0 : index
        %swap3A_745 = tpu.vector_load %arg9[%swap3A_742, %swap3A_743, %swap3A_744] {strides = array<i32>} : memref<2x200x64xf32, #tpu.memory_space<vmem>>, vector<1x1x16xf32>,
        %swap3A_746 = vector.shape_cast %swap3A_745 : vector<1x1x16xf32> to vector<16xf32>
        %swap3A_747 = vector.shape_cast %add3A_740 : vector<16xf32> to vector<1x1x16xf32>
        tpu.vector_store %arg9[%swap3A_742, %swap3A_743, %swap3A_744], %swap3A_747 {strides = array<i32>} : memref<2x200x64xf32, #tpu.memory_space<vmem>>, vector<1x1x16xf32>,
        %get3A_748 = arith.index_cast %scan3A_709 : i32 to index
        %get3A_749 = arith.constant 16 : index
        %get3A_750 = tpu.vector_load %arg10[%get3A_748, %get3A_749] {strides = array<i32>} : memref<200x64xf32, #tpu.memory_space<vmem>>, vector<1x16xf32>,
        %get3A_751 = vector.shape_cast %get3A_750 : vector<1x16xf32> to vector<16xf32>
        %get3A_752 = arith.constant 0 : i32
        %get3A_753 = arith.index_cast %get3A_752 : i32 to index
        %get3A_754 = arith.index_cast %scan3A_709 : i32 to index
        %get3A_755 = arith.constant 16 : index
        %get3A_756 = tpu.vector_load %arg9[%get3A_753, %get3A_754, %get3A_755] {strides = array<i32>} : memref<2x200x64xf32, #tpu.memory_space<vmem>>, vector<1x1x16xf32>,
        %get3A_757 = vector.shape_cast %get3A_756 : vector<1x1x16xf32> to vector<16xf32>
        %mul3A_758 = arith.constant 8.000000e+00 : f32
        %mul3A_759 = vector.broadcast %mul3A_758 : f32 to vector<16xf32>
        %mul3A_760 = arith.mulf %get3A_757, %mul3A_759 : vector<16xf32>
        %add3A_761 = arith.addf %mul3A_760, %get3A_751 : vector<16xf32>
        %swap3A_762 = arith.constant 0 : i32
        %swap3A_763 = arith.index_cast %swap3A_762 : i32 to index
        %swap3A_764 = arith.index_cast %scan3A_709 : i32 to index
        %swap3A_765 = arith.constant 16 : index
        %swap3A_766 = tpu.vector_load %arg9[%swap3A_763, %swap3A_764, %swap3A_765] {strides = array<i32>} : memref<2x200x64xf32, #tpu.memory_space<vmem>>, vector<1x1x16xf32>,
        %swap3A_767 = vector.shape_cast %swap3A_766 : vector<1x1x16xf32> to vector<16xf32>
        %swap3A_768 = vector.shape_cast %add3A_761 : vector<16xf32> to vector<1x1x16xf32>
        tpu.vector_store %arg9[%swap3A_763, %swap3A_764, %swap3A_765], %swap3A_768 {strides = array<i32>} : memref<2x200x64xf32, #tpu.memory_space<vmem>>, vector<1x1x16xf32>,
        %get3A_769 = arith.constant 1 : i32
        %get3A_770 = arith.index_cast %get3A_769 : i32 to index
        %get3A_771 = arith.index_cast %scan3A_709 : i32 to index
        %get3A_772 = arith.constant 16 : index
        %get3A_773 = tpu.vector_load %arg9[%get3A_770, %get3A_771, %get3A_772] {strides = array<i32>} : memref<2x200x64xf32, #tpu.memory_space<vmem>>, vector<1x1x16xf32>,
        %get3A_774 = vector.shape_cast %get3A_773 : vector<1x1x16xf32> to vector<16xf32>
        %mul3A_775 = arith.constant 8.000000e+00 : f32
        %mul3A_776 = vector.broadcast %mul3A_775 : f32 to vector<16xf32>
        %mul3A_777 = arith.mulf %get3A_774, %mul3A_776 : vector<16xf32>
        %add3A_778 = arith.addf %mul3A_777, %get3A_751 : vector<16xf32>
        %swap3A_779 = arith.constant 1 : i32
        %swap3A_780 = arith.index_cast %swap3A_779 : i32 to index
        %swap3A_781 = arith.index_cast %scan3A_709 : i32 to index
        %swap3A_782 = arith.constant 16 : index
        %swap3A_783 = tpu.vector_load %arg9[%swap3A_780, %swap3A_781, %swap3A_782] {strides = array<i32>} : memref<2x200x64xf32, #tpu.memory_space<vmem>>, vector<1x1x16xf32>,
        %swap3A_784 = vector.shape_cast %swap3A_783 : vector<1x1x16xf32> to vector<16xf32>
        %swap3A_785 = vector.shape_cast %add3A_778 : vector<16xf32> to vector<1x1x16xf32>
        tpu.vector_store %arg9[%swap3A_780, %swap3A_781, %swap3A_782], %swap3A_785 {strides = array<i32>} : memref<2x200x64xf32, #tpu.memory_space<vmem>>, vector<1x1x16xf32>,
        %get3A_786 = arith.index_cast %scan3A_709 : i32 to index
        %get3A_787 = arith.constant 32 : index
        %get3A_788 = tpu.vector_load %arg10[%get3A_786, %get3A_787] {strides = array<i32>} : memref<200x64xf32, #tpu.memory_space<vmem>>, vector<1x16xf32>,
        %get3A_789 = vector.shape_cast %get3A_788 : vector<1x16xf32> to vector<16xf32>
        %get3A_790 = arith.constant 0 : i32
        %get3A_791 = arith.index_cast %get3A_790 : i32 to index
        %get3A_792 = arith.index_cast %scan3A_709 : i32 to index
        %get3A_793 = arith.constant 32 : index
        %get3A_794 = tpu.vector_load %arg9[%get3A_791, %get3A_792, %get3A_793] {strides = array<i32>} : memref<2x200x64xf32, #tpu.memory_space<vmem>>, vector<1x1x16xf32>,
        %get3A_795 = vector.shape_cast %get3A_794 : vector<1x1x16xf32> to vector<16xf32>
        %mul3A_796 = arith.constant 8.000000e+00 : f32
        %mul3A_797 = vector.broadcast %mul3A_796 : f32 to vector<16xf32>
        %mul3A_798 = arith.mulf %get3A_795, %mul3A_797 : vector<16xf32>
        %add3A_799 = arith.addf %mul3A_798, %get3A_789 : vector<16xf32>
        %swap3A_800 = arith.constant 0 : i32
        %swap3A_801 = arith.index_cast %swap3A_800 : i32 to index
        %swap3A_802 = arith.index_cast %scan3A_709 : i32 to index
        %swap3A_803 = arith.constant 32 : index
        %swap3A_804 = tpu.vector_load %arg9[%swap3A_801, %swap3A_802, %swap3A_803] {strides = array<i32>} : memref<2x200x64xf32, #tpu.memory_space<vmem>>, vector<1x1x16xf32>,
        %swap3A_805 = vector.shape_cast %swap3A_804 : vector<1x1x16xf32> to vector<16xf32>
        %swap3A_806 = vector.shape_cast %add3A_799 : vector<16xf32> to vector<1x1x16xf32>
        tpu.vector_store %arg9[%swap3A_801, %swap3A_802, %swap3A_803], %swap3A_806 {strides = array<i32>} : memref<2x200x64xf32, #tpu.memory_space<vmem>>, vector<1x1x16xf32>,
        %get3A_807 = arith.constant 1 : i32
        %get3A_808 = arith.index_cast %get3A_807 : i32 to index
        %get3A_809 = arith.index_cast %scan3A_709 : i32 to index
        %get3A_810 = arith.constant 32 : index
        %get3A_811 = tpu.vector_load %arg9[%get3A_808, %get3A_809, %get3A_810] {strides = array<i32>} : memref<2x200x64xf32, #tpu.memory_space<vmem>>, vector<1x1x16xf32>,
        %get3A_812 = vector.shape_cast %get3A_811 : vector<1x1x16xf32> to vector<16xf32>
        %mul3A_813 = arith.constant 8.000000e+00 : f32
        %mul3A_814 = vector.broadcast %mul3A_813 : f32 to vector<16xf32>
        %mul3A_815 = arith.mulf %get3A_812, %mul3A_814 : vector<16xf32>
        %add3A_816 = arith.addf %mul3A_815, %get3A_789 : vector<16xf32>
        %swap3A_817 = arith.constant 1 : i32
        %swap3A_818 = arith.index_cast %swap3A_817 : i32 to index
        %swap3A_819 = arith.index_cast %scan3A_709 : i32 to index
        %swap3A_820 = arith.constant 32 : index
        %swap3A_821 = tpu.vector_load %arg9[%swap3A_818, %swap3A_819, %swap3A_820] {strides = array<i32>} : memref<2x200x64xf32, #tpu.memory_space<vmem>>, vector<1x1x16xf32>,
        %swap3A_822 = vector.shape_cast %swap3A_821 : vector<1x1x16xf32> to vector<16xf32>
        %swap3A_823 = vector.shape_cast %add3A_816 : vector<16xf32> to vector<1x1x16xf32>
        tpu.vector_store %arg9[%swap3A_818, %swap3A_819, %swap3A_820], %swap3A_823 {strides = array<i32>} : memref<2x200x64xf32, #tpu.memory_space<vmem>>, vector<1x1x16xf32>,
        %get3A_824 = arith.index_cast %scan3A_709 : i32 to index
        %get3A_825 = arith.constant 48 : index
        %get3A_826 = tpu.vector_load %arg10[%get3A_824, %get3A_825] {strides = array<i32>} : memref<200x64xf32, #tpu.memory_space<vmem>>, vector<1x16xf32>,
        %get3A_827 = vector.shape_cast %get3A_826 : vector<1x16xf32> to vector<16xf32>
        %get3A_828 = arith.constant 0 : i32
        %get3A_829 = arith.index_cast %get3A_828 : i32 to index
        %get3A_830 = arith.index_cast %scan3A_709 : i32 to index
        %get3A_831 = arith.constant 48 : index
        %get3A_832 = tpu.vector_load %arg9[%get3A_829, %get3A_830, %get3A_831] {strides = array<i32>} : memref<2x200x64xf32, #tpu.memory_space<vmem>>, vector<1x1x16xf32>,
        %get3A_833 = vector.shape_cast %get3A_832 : vector<1x1x16xf32> to vector<16xf32>
        %mul3A_834 = arith.constant 8.000000e+00 : f32
        %mul3A_835 = vector.broadcast %mul3A_834 : f32 to vector<16xf32>
        %mul3A_836 = arith.mulf %get3A_833, %mul3A_835 : vector<16xf32>
        %add3A_837 = arith.addf %mul3A_836, %get3A_827 : vector<16xf32>
        %swap3A_838 = arith.constant 0 : i32
        %swap3A_839 = arith.index_cast %swap3A_838 : i32 to index
        %swap3A_840 = arith.index_cast %scan3A_709 : i32 to index
        %swap3A_841 = arith.constant 48 : index
        %swap3A_842 = tpu.vector_load %arg9[%swap3A_839, %swap3A_840, %swap3A_841] {strides = array<i32>} : memref<2x200x64xf32, #tpu.memory_space<vmem>>, vector<1x1x16xf32>,
        %swap3A_843 = vector.shape_cast %swap3A_842 : vector<1x1x16xf32> to vector<16xf32>
        %swap3A_844 = vector.shape_cast %add3A_837 : vector<16xf32> to vector<1x1x16xf32>
        tpu.vector_store %arg9[%swap3A_839, %swap3A_840, %swap3A_841], %swap3A_844 {strides = array<i32>} : memref<2x200x64xf32, #tpu.memory_space<vmem>>, vector<1x1x16xf32>,
        %get3A_845 = arith.constant 1 : i32
        %get3A_846 = arith.index_cast %get3A_845 : i32 to index
        %get3A_847 = arith.index_cast %scan3A_709 : i32 to index
        %get3A_848 = arith.constant 48 : index
        %get3A_849 = tpu.vector_load %arg9[%get3A_846, %get3A_847, %get3A_848] {strides = array<i32>} : memref<2x200x64xf32, #tpu.memory_space<vmem>>, vector<1x1x16xf32>,
        %get3A_850 = vector.shape_cast %get3A_849 : vector<1x1x16xf32> to vector<16xf32>
        %mul3A_851 = arith.constant 8.000000e+00 : f32
        %mul3A_852 = vector.broadcast %mul3A_851 : f32 to vector<16xf32>
        %mul3A_853 = arith.mulf %get3A_850, %mul3A_852 : vector<16xf32>
        %add3A_854 = arith.addf %mul3A_853, %get3A_827 : vector<16xf32>
        %swap3A_855 = arith.constant 1 : i32
        %swap3A_856 = arith.index_cast %swap3A_855 : i32 to index
        %swap3A_857 = arith.index_cast %scan3A_709 : i32 to index
        %swap3A_858 = arith.constant 48 : index
        %swap3A_859 = tpu.vector_load %arg9[%swap3A_856, %swap3A_857, %swap3A_858] {strides = array<i32>} : memref<2x200x64xf32, #tpu.memory_space<vmem>>, vector<1x1x16xf32>,
        %swap3A_860 = vector.shape_cast %swap3A_859 : vector<1x1x16xf32> to vector<16xf32>
        %swap3A_861 = vector.shape_cast %add3A_854 : vector<16xf32> to vector<1x1x16xf32>
        tpu.vector_store %arg9[%swap3A_856, %swap3A_857, %swap3A_858], %swap3A_861 {strides = array<i32>} : memref<2x200x64xf32, #tpu.memory_space<vmem>>, vector<1x1x16xf32>,
        %scan3A_862 = arith.constant 3 : i32
        %scan3A_863 = arith.addi %scan3A_403, %scan3A_862 : i32
        %get3A_864 = arith.index_cast %scan3A_863 : i32 to index
        %get3A_865 = arith.constant 0 : index
        %get3A_866 = tpu.vector_load %arg10[%get3A_864, %get3A_865] {strides = array<i32>} : memref<200x64xf32, #tpu.memory_space<vmem>>, vector<1x16xf32>,
        %get3A_867 = vector.shape_cast %get3A_866 : vector<1x16xf32> to vector<16xf32>
        %get3A_868 = arith.constant 0 : i32
        %get3A_869 = arith.index_cast %get3A_868 : i32 to index
        %get3A_870 = arith.index_cast %scan3A_863 : i32 to index
        %get3A_871 = arith.constant 0 : index
        %get3A_872 = tpu.vector_load %arg9[%get3A_869, %get3A_870, %get3A_871] {strides = array<i32>} : memref<2x200x64xf32, #tpu.memory_space<vmem>>, vector<1x1x16xf32>,
        %get3A_873 = vector.shape_cast %get3A_872 : vector<1x1x16xf32> to vector<16xf32>
        %mul3A_874 = arith.constant 8.000000e+00 : f32
        %mul3A_875 = vector.broadcast %mul3A_874 : f32 to vector<16xf32>
        %mul3A_876 = arith.mulf %get3A_873, %mul3A_875 : vector<16xf32>
        %add3A_877 = arith.addf %mul3A_876, %get3A_867 : vector<16xf32>
        %swap3A_878 = arith.constant 0 : i32
        %swap3A_879 = arith.index_cast %swap3A_878 : i32 to index
        %swap3A_880 = arith.index_cast %scan3A_863 : i32 to index
        %swap3A_881 = arith.constant 0 : index
        %swap3A_882 = tpu.vector_load %arg9[%swap3A_879, %swap3A_880, %swap3A_881] {strides = array<i32>} : memref<2x200x64xf32, #tpu.memory_space<vmem>>, vector<1x1x16xf32>,
        %swap3A_883 = vector.shape_cast %swap3A_882 : vector<1x1x16xf32> to vector<16xf32>
        %swap3A_884 = vector.shape_cast %add3A_877 : vector<16xf32> to vector<1x1x16xf32>
        tpu.vector_store %arg9[%swap3A_879, %swap3A_880, %swap3A_881], %swap3A_884 {strides = array<i32>} : memref<2x200x64xf32, #tpu.memory_space<vmem>>, vector<1x1x16xf32>,
        %get3A_885 = arith.constant 1 : i32
        %get3A_886 = arith.index_cast %get3A_885 : i32 to index
        %get3A_887 = arith.index_cast %scan3A_863 : i32 to index
        %get3A_888 = arith.constant 0 : index
        %get3A_889 = tpu.vector_load %arg9[%get3A_886, %get3A_887, %get3A_888] {strides = array<i32>} : memref<2x200x64xf32, #tpu.memory_space<vmem>>, vector<1x1x16xf32>,
        %get3A_890 = vector.shape_cast %get3A_889 : vector<1x1x16xf32> to vector<16xf32>
        %mul3A_891 = arith.constant 8.000000e+00 : f32
        %mul3A_892 = vector.broadcast %mul3A_891 : f32 to vector<16xf32>
        %mul3A_893 = arith.mulf %get3A_890, %mul3A_892 : vector<16xf32>
        %add3A_894 = arith.addf %mul3A_893, %get3A_867 : vector<16xf32>
        %swap3A_895 = arith.constant 1 : i32
        %swap3A_896 = arith.index_cast %swap3A_895 : i32 to index
        %swap3A_897 = arith.index_cast %scan3A_863 : i32 to index
        %swap3A_898 = arith.constant 0 : index
        %swap3A_899 = tpu.vector_load %arg9[%swap3A_896, %swap3A_897, %swap3A_898] {strides = array<i32>} : memref<2x200x64xf32, #tpu.memory_space<vmem>>, vector<1x1x16xf32>,
        %swap3A_900 = vector.shape_cast %swap3A_899 : vector<1x1x16xf32> to vector<16xf32>
        %swap3A_901 = vector.shape_cast %add3A_894 : vector<16xf32> to vector<1x1x16xf32>
        tpu.vector_store %arg9[%swap3A_896, %swap3A_897, %swap3A_898], %swap3A_901 {strides = array<i32>} : memref<2x200x64xf32, #tpu.memory_space<vmem>>, vector<1x1x16xf32>,
        %get3A_902 = arith.index_cast %scan3A_863 : i32 to index
        %get3A_903 = arith.constant 16 : index
        %get3A_904 = tpu.vector_load %arg10[%get3A_902, %get3A_903] {strides = array<i32>} : memref<200x64xf32, #tpu.memory_space<vmem>>, vector<1x16xf32>,
        %get3A_905 = vector.shape_cast %get3A_904 : vector<1x16xf32> to vector<16xf32>
        %get3A_906 = arith.constant 0 : i32
        %get3A_907 = arith.index_cast %get3A_906 : i32 to index
        %get3A_908 = arith.index_cast %scan3A_863 : i32 to index
        %get3A_909 = arith.constant 16 : index
        %get3A_910 = tpu.vector_load %arg9[%get3A_907, %get3A_908, %get3A_909] {strides = array<i32>} : memref<2x200x64xf32, #tpu.memory_space<vmem>>, vector<1x1x16xf32>,
        %get3A_911 = vector.shape_cast %get3A_910 : vector<1x1x16xf32> to vector<16xf32>
        %mul3A_912 = arith.constant 8.000000e+00 : f32
        %mul3A_913 = vector.broadcast %mul3A_912 : f32 to vector<16xf32>
        %mul3A_914 = arith.mulf %get3A_911, %mul3A_913 : vector<16xf32>
        %add3A_915 = arith.addf %mul3A_914, %get3A_905 : vector<16xf32>
        %swap3A_916 = arith.constant 0 : i32
        %swap3A_917 = arith.index_cast %swap3A_916 : i32 to index
        %swap3A_918 = arith.index_cast %scan3A_863 : i32 to index
        %swap3A_919 = arith.constant 16 : index
        %swap3A_920 = tpu.vector_load %arg9[%swap3A_917, %swap3A_918, %swap3A_919] {strides = array<i32>} : memref<2x200x64xf32, #tpu.memory_space<vmem>>, vector<1x1x16xf32>,
        %swap3A_921 = vector.shape_cast %swap3A_920 : vector<1x1x16xf32> to vector<16xf32>
        %swap3A_922 = vector.shape_cast %add3A_915 : vector<16xf32> to vector<1x1x16xf32>
        tpu.vector_store %arg9[%swap3A_917, %swap3A_918, %swap3A_919], %swap3A_922 {strides = array<i32>} : memref<2x200x64xf32, #tpu.memory_space<vmem>>, vector<1x1x16xf32>,
        %get3A_923 = arith.constant 1 : i32
        %get3A_924 = arith.index_cast %get3A_923 : i32 to index
        %get3A_925 = arith.index_cast %scan3A_863 : i32 to index
        %get3A_926 = arith.constant 16 : index
        %get3A_927 = tpu.vector_load %arg9[%get3A_924, %get3A_925, %get3A_926] {strides = array<i32>} : memref<2x200x64xf32, #tpu.memory_space<vmem>>, vector<1x1x16xf32>,
        %get3A_928 = vector.shape_cast %get3A_927 : vector<1x1x16xf32> to vector<16xf32>
        %mul3A_929 = arith.constant 8.000000e+00 : f32
        %mul3A_930 = vector.broadcast %mul3A_929 : f32 to vector<16xf32>
        %mul3A_931 = arith.mulf %get3A_928, %mul3A_930 : vector<16xf32>
        %add3A_932 = arith.addf %mul3A_931, %get3A_905 : vector<16xf32>
        %swap3A_933 = arith.constant 1 : i32
        %swap3A_934 = arith.index_cast %swap3A_933 : i32 to index
        %swap3A_935 = arith.index_cast %scan3A_863 : i32 to index
        %swap3A_936 = arith.constant 16 : index
        %swap3A_937 = tpu.vector_load %arg9[%swap3A_934, %swap3A_935, %swap3A_936] {strides = array<i32>} : memref<2x200x64xf32, #tpu.memory_space<vmem>>, vector<1x1x16xf32>,
        %swap3A_938 = vector.shape_cast %swap3A_937 : vector<1x1x16xf32> to vector<16xf32>
        %swap3A_939 = vector.shape_cast %add3A_932 : vector<16xf32> to vector<1x1x16xf32>
        tpu.vector_store %arg9[%swap3A_934, %swap3A_935, %swap3A_936], %swap3A_939 {strides = array<i32>} : memref<2x200x64xf32, #tpu.memory_space<vmem>>, vector<1x1x16xf32>,
        %get3A_940 = arith.index_cast %scan3A_863 : i32 to index
        %get3A_941 = arith.constant 32 : index
        %get3A_942 = tpu.vector_load %arg10[%get3A_940, %get3A_941] {strides = array<i32>} : memref<200x64xf32, #tpu.memory_space<vmem>>, vector<1x16xf32>,
        %get3A_943 = vector.shape_cast %get3A_942 : vector<1x16xf32> to vector<16xf32>
        %get3A_944 = arith.constant 0 : i32
        %get3A_945 = arith.index_cast %get3A_944 : i32 to index
        %get3A_946 = arith.index_cast %scan3A_863 : i32 to index
        %get3A_947 = arith.constant 32 : index
        %get3A_948 = tpu.vector_load %arg9[%get3A_945, %get3A_946, %get3A_947] {strides = array<i32>} : memref<2x200x64xf32, #tpu.memory_space<vmem>>, vector<1x1x16xf32>,
        %get3A_949 = vector.shape_cast %get3A_948 : vector<1x1x16xf32> to vector<16xf32>
        %mul3A_950 = arith.constant 8.000000e+00 : f32
        %mul3A_951 = vector.broadcast %mul3A_950 : f32 to vector<16xf32>
        %mul3A_952 = arith.mulf %get3A_949, %mul3A_951 : vector<16xf32>
        %add3A_953 = arith.addf %mul3A_952, %get3A_943 : vector<16xf32>
        %swap3A_954 = arith.constant 0 : i32
        %swap3A_955 = arith.index_cast %swap3A_954 : i32 to index
        %swap3A_956 = arith.index_cast %scan3A_863 : i32 to index
        %swap3A_957 = arith.constant 32 : index
        %swap3A_958 = tpu.vector_load %arg9[%swap3A_955, %swap3A_956, %swap3A_957] {strides = array<i32>} : memref<2x200x64xf32, #tpu.memory_space<vmem>>, vector<1x1x16xf32>,
        %swap3A_959 = vector.shape_cast %swap3A_958 : vector<1x1x16xf32> to vector<16xf32>
        %swap3A_960 = vector.shape_cast %add3A_953 : vector<16xf32> to vector<1x1x16xf32>
        tpu.vector_store %arg9[%swap3A_955, %swap3A_956, %swap3A_957], %swap3A_960 {strides = array<i32>} : memref<2x200x64xf32, #tpu.memory_space<vmem>>, vector<1x1x16xf32>,
        %get3A_961 = arith.constant 1 : i32
        %get3A_962 = arith.index_cast %get3A_961 : i32 to index
        %get3A_963 = arith.index_cast %scan3A_863 : i32 to index
        %get3A_964 = arith.constant 32 : index
        %get3A_965 = tpu.vector_load %arg9[%get3A_962, %get3A_963, %get3A_964] {strides = array<i32>} : memref<2x200x64xf32, #tpu.memory_space<vmem>>, vector<1x1x16xf32>,
        %get3A_966 = vector.shape_cast %get3A_965 : vector<1x1x16xf32> to vector<16xf32>
        %mul3A_967 = arith.constant 8.000000e+00 : f32
        %mul3A_968 = vector.broadcast %mul3A_967 : f32 to vector<16xf32>
        %mul3A_969 = arith.mulf %get3A_966, %mul3A_968 : vector<16xf32>
        %add3A_970 = arith.addf %mul3A_969, %get3A_943 : vector<16xf32>
        %swap3A_971 = arith.constant 1 : i32
        %swap3A_972 = arith.index_cast %swap3A_971 : i32 to index
        %swap3A_973 = arith.index_cast %scan3A_863 : i32 to index
        %swap3A_974 = arith.constant 32 : index
        %swap3A_975 = tpu.vector_load %arg9[%swap3A_972, %swap3A_973, %swap3A_974] {strides = array<i32>} : memref<2x200x64xf32, #tpu.memory_space<vmem>>, vector<1x1x16xf32>,
        %swap3A_976 = vector.shape_cast %swap3A_975 : vector<1x1x16xf32> to vector<16xf32>
        %swap3A_977 = vector.shape_cast %add3A_970 : vector<16xf32> to vector<1x1x16xf32>
        tpu.vector_store %arg9[%swap3A_972, %swap3A_973, %swap3A_974], %swap3A_977 {strides = array<i32>} : memref<2x200x64xf32, #tpu.memory_space<vmem>>, vector<1x1x16xf32>,
        %get3A_978 = arith.index_cast %scan3A_863 : i32 to index
        %get3A_979 = arith.constant 48 : index
        %get3A_980 = tpu.vector_load %arg10[%get3A_978, %get3A_979] {strides = array<i32>} : memref<200x64xf32, #tpu.memory_space<vmem>>, vector<1x16xf32>,
        %get3A_981 = vector.shape_cast %get3A_980 : vector<1x16xf32> to vector<16xf32>
        %get3A_982 = arith.constant 0 : i32
        %get3A_983 = arith.index_cast %get3A_982 : i32 to index
        %get3A_984 = arith.index_cast %scan3A_863 : i32 to index
        %get3A_985 = arith.constant 48 : index
        %get3A_986 = tpu.vector_load %arg9[%get3A_983, %get3A_984, %get3A_985] {strides = array<i32>} : memref<2x200x64xf32, #tpu.memory_space<vmem>>, vector<1x1x16xf32>,
        %get3A_987 = vector.shape_cast %get3A_986 : vector<1x1x16xf32> to vector<16xf32>
        %mul3A_988 = arith.constant 8.000000e+00 : f32
        %mul3A_989 = vector.broadcast %mul3A_988 : f32 to vector<16xf32>
        %mul3A_990 = arith.mulf %get3A_987, %mul3A_989 : vector<16xf32>
        %add3A_991 = arith.addf %mul3A_990, %get3A_981 : vector<16xf32>
        %swap3A_992 = arith.constant 0 : i32
        %swap3A_993 = arith.index_cast %swap3A_992 : i32 to index
        %swap3A_994 = arith.index_cast %scan3A_863 : i32 to index
        %swap3A_995 = arith.constant 48 : index
        %swap3A_996 = tpu.vector_load %arg9[%swap3A_993, %swap3A_994, %swap3A_995] {strides = array<i32>} : memref<2x200x64xf32, #tpu.memory_space<vmem>>, vector<1x1x16xf32>,
        %swap3A_997 = vector.shape_cast %swap3A_996 : vector<1x1x16xf32> to vector<16xf32>
        %swap3A_998 = vector.shape_cast %add3A_991 : vector<16xf32> to vector<1x1x16xf32>
        tpu.vector_store %arg9[%swap3A_993, %swap3A_994, %swap3A_995], %swap3A_998 {strides = array<i32>} : memref<2x200x64xf32, #tpu.memory_space<vmem>>, vector<1x1x16xf32>,
        %get3A_999 = arith.constant 1 : i32
        %get3A_1000 = arith.index_cast %get3A_999 : i32 to index
        %get3A_1001 = arith.index_cast %scan3A_863 : i32 to index
        %get3A_1002 = arith.constant 48 : index
        %get3A_1003 = tpu.vector_load %arg9[%get3A_1000, %get3A_1001, %get3A_1002] {strides = array<i32>} : memref<2x200x64xf32, #tpu.memory_space<vmem>>, vector<1x1x16xf32>,
        %get3A_1004 = vector.shape_cast %get3A_1003 : vector<1x1x16xf32> to vector<16xf32>
        %mul3A_1005 = arith.constant 8.000000e+00 : f32
        %mul3A_1006 = vector.broadcast %mul3A_1005 : f32 to vector<16xf32>
        %mul3A_1007 = arith.mulf %get3A_1004, %mul3A_1006 : vector<16xf32>
        %add3A_1008 = arith.addf %mul3A_1007, %get3A_981 : vector<16xf32>
        %swap3A_1009 = arith.constant 1 : i32
        %swap3A_1010 = arith.index_cast %swap3A_1009 : i32 to index
        %swap3A_1011 = arith.index_cast %scan3A_863 : i32 to index
        %swap3A_1012 = arith.constant 48 : index
        %swap3A_1013 = tpu.vector_load %arg9[%swap3A_1010, %swap3A_1011, %swap3A_1012] {strides = array<i32>} : memref<2x200x64xf32, #tpu.memory_space<vmem>>, vector<1x1x16xf32>,
        %swap3A_1014 = vector.shape_cast %swap3A_1013 : vector<1x1x16xf32> to vector<16xf32>
        %swap3A_1015 = vector.shape_cast %add3A_1008 : vector<16xf32> to vector<1x1x16xf32>
        tpu.vector_store %arg9[%swap3A_1010, %swap3A_1011, %swap3A_1012], %swap3A_1015 {strides = array<i32>} : memref<2x200x64xf32, #tpu.memory_space<vmem>>, vector<1x1x16xf32>,
      }
      %scan3A_393 = arith.constant 200 : i32
      %mul3A_394 = arith.constant 2 : i32
      %mul3A_395 = arith.muli %add3A_316, %mul3A_394 : i32
      %add3A_396 = arith.addi %mul3A_2, %mul3A_395 : i32
      %dma_start3A_397 = arith.constant 0 : i32
      %dma_start3A_398 = arith.constant 0 : i32
      %dma_start3A_399 = tpu.memref_slice %arg5[%add3A_396, %dma_start3A_397, %dma_start3A_398] : memref<4096x200x64xf32, #tpu.memory_space<hbm>> -> memref<2x200x64xf32, #tpu.memory_space<hbm>>
      %dma_start3A_400 = arith.constant 0 : i32
      %dma_start3A_401 = arith.constant 0 : i32
      %dma_start3A_402 = tpu.memref_slice %arg5[%add3A_396, %dma_start3A_400, %dma_start3A_401] : memref<4096x200x64xf32, #tpu.memory_space<hbm>> -> memref<2x200x64xf32, #tpu.memory_space<hbm>>
      tpu.enqueue_dma source(%arg9 : memref<2x200x64xf32, #tpu.memory_space<vmem>>) target(%dma_start3A_402 : memref<2x200x64xf32, #tpu.memory_space<hbm>>) target_semaphore(%arg16 : memref<!tpu.dma_semaphore, #tpu.memory_space<semaphore_mem>>)
    }
    %scan3A_55 = arith.constant 21 : i32
    %add3A_56 = arith.constant 122 : i32
    %add3A_57 = arith.addi %mul3A_2, %add3A_56 : i32
    %dma_wait3A = arith.constant 0 : i32
    %dma_wait3A_58 = arith.constant 0 : i32
    %dma_wait3A_59 = tpu.memref_slice %arg5[%add3A_57, %dma_wait3A, %dma_wait3A_58] : memref<4096x200x64xf32, #tpu.memory_space<hbm>> -> memref<2x200x64xf32, #tpu.memory_space<hbm>>
    %dma_wait3A_60 = arith.constant 0 : i32
    %dma_wait3A_61 = arith.constant 0 : i32
    %dma_wait3A_62 = tpu.memref_slice %arg5[%add3A_57, %dma_wait3A_60, %dma_wait3A_61] : memref<4096x200x64xf32, #tpu.memory_space<hbm>> -> memref<2x200x64xf32, #tpu.memory_space<hbm>>
    tpu.wait_dma2 semaphore(%arg15 : memref<!tpu.dma_semaphore, #tpu.memory_space<semaphore_mem>>) src(%arg8 : memref<2x200x64xf32, #tpu.memory_space<vmem>>) dst(%dma_wait3A_62 : memref<2x200x64xf32, #tpu.memory_space<hbm>>)
    %dma_wait3A_63 = arith.constant 252 : i32
    %dma_wait3A_64 = arith.constant 0 : i32
    %dma_wait3A_65 = arith.constant 0 : i32
    %dma_wait3A_66 = arith.constant 0 : i32
    %dma_wait3A_67 = tpu.memref_slice %arg7[%dma_wait3A_64, %dma_wait3A_65, %dma_wait3A_66] : memref<2x200x64xf32, #tpu.memory_space<vmem>> -> memref<1x100x64xf32, #tpu.memory_space<vmem>>
    %dma_wait3A_68 = tpu.memref_squeeze %dma_wait3A_67 : memref<1x100x64xf32, #tpu.memory_space<vmem>> -> memref<100x64xf32, #tpu.memory_space<vmem>>
    %dma_wait3A_69 = arith.constant 0 : i32
    %dma_wait3A_70 = tpu.memref_slice %arg6[%dma_wait3A_63, %dma_wait3A_69] : memref<256x100xi32, #tpu.memory_space<vmem>> -> memref<1x100xi32, #tpu.memory_space<vmem>>
    %dma_wait3A_71 = tpu.memref_squeeze %dma_wait3A_70 : memref<1x100xi32, #tpu.memory_space<vmem>> -> memref<100xi32, #tpu.memory_space<vmem>>
    %dma_wait3A_72 = arith.constant 0 : i32
    %dma_wait3A_73 = arith.constant 0 : i32
    %dma_wait3A_74 = tpu.memref_slice %arg3[%dma_wait3A_72, %dma_wait3A_73] : memref<1000000x64xf32, #tpu.memory_space<hbm>> -> memref<1000000x64xf32, #tpu.memory_space<hbm>>
    tpu.wait_indirect_dma semaphore(%arg11 : memref<!tpu.dma_semaphore, #tpu.memory_space<semaphore_mem>>) src(%dma_wait3A_74 : memref<1000000x64xf32, #tpu.memory_space<hbm>>) dst(%dma_wait3A_68 : memref<100x64xf32, #tpu.memory_space<vmem>>)
    %dma_wait3A_75 = arith.constant 253 : i32
    %dma_wait3A_76 = arith.constant 0 : i32
    %dma_wait3A_77 = arith.constant 100 : i32
    %dma_wait3A_78 = arith.constant 0 : i32
    %dma_wait3A_79 = tpu.memref_slice %arg7[%dma_wait3A_76, %dma_wait3A_77, %dma_wait3A_78] : memref<2x200x64xf32, #tpu.memory_space<vmem>> -> memref<1x100x64xf32, #tpu.memory_space<vmem>>
    %dma_wait3A_80 = tpu.memref_squeeze %dma_wait3A_79 : memref<1x100x64xf32, #tpu.memory_space<vmem>> -> memref<100x64xf32, #tpu.memory_space<vmem>>
    %dma_wait3A_81 = arith.constant 0 : i32
    %dma_wait3A_82 = tpu.memref_slice %arg6[%dma_wait3A_75, %dma_wait3A_81] : memref<256x100xi32, #tpu.memory_space<vmem>> -> memref<1x100xi32, #tpu.memory_space<vmem>>
    %dma_wait3A_83 = tpu.memref_squeeze %dma_wait3A_82 : memref<1x100xi32, #tpu.memory_space<vmem>> -> memref<100xi32, #tpu.memory_space<vmem>>
    %dma_wait3A_84 = arith.constant 0 : i32
    %dma_wait3A_85 = arith.constant 0 : i32
    %dma_wait3A_86 = tpu.memref_slice %arg3[%dma_wait3A_84, %dma_wait3A_85] : memref<1000000x64xf32, #tpu.memory_space<hbm>> -> memref<1000000x64xf32, #tpu.memory_space<hbm>>
    tpu.wait_indirect_dma semaphore(%arg11 : memref<!tpu.dma_semaphore, #tpu.memory_space<semaphore_mem>>) src(%dma_wait3A_86 : memref<1000000x64xf32, #tpu.memory_space<hbm>>) dst(%dma_wait3A_80 : memref<100x64xf32, #tpu.memory_space<vmem>>)
    %dma_wait3A_87 = arith.constant 254 : i32
    %dma_wait3A_88 = arith.constant 1 : i32
    %dma_wait3A_89 = arith.constant 0 : i32
    %dma_wait3A_90 = arith.constant 0 : i32
    %dma_wait3A_91 = tpu.memref_slice %arg7[%dma_wait3A_88, %dma_wait3A_89, %dma_wait3A_90] : memref<2x200x64xf32, #tpu.memory_space<vmem>> -> memref<1x100x64xf32, #tpu.memory_space<vmem>>
    %dma_wait3A_92 = tpu.memref_squeeze %dma_wait3A_91 : memref<1x100x64xf32, #tpu.memory_space<vmem>> -> memref<100x64xf32, #tpu.memory_space<vmem>>
    %dma_wait3A_93 = arith.constant 0 : i32
    %dma_wait3A_94 = tpu.memref_slice %arg6[%dma_wait3A_87, %dma_wait3A_93] : memref<256x100xi32, #tpu.memory_space<vmem>> -> memref<1x100xi32, #tpu.memory_space<vmem>>
    %dma_wait3A_95 = tpu.memref_squeeze %dma_wait3A_94 : memref<1x100xi32, #tpu.memory_space<vmem>> -> memref<100xi32, #tpu.memory_space<vmem>>
    %dma_wait3A_96 = arith.constant 0 : i32
    %dma_wait3A_97 = arith.constant 0 : i32
    %dma_wait3A_98 = tpu.memref_slice %arg3[%dma_wait3A_96, %dma_wait3A_97] : memref<1000000x64xf32, #tpu.memory_space<hbm>> -> memref<1000000x64xf32, #tpu.memory_space<hbm>>
    tpu.wait_indirect_dma semaphore(%arg11 : memref<!tpu.dma_semaphore, #tpu.memory_space<semaphore_mem>>) src(%dma_wait3A_98 : memref<1000000x64xf32, #tpu.memory_space<hbm>>) dst(%dma_wait3A_92 : memref<100x64xf32, #tpu.memory_space<vmem>>)
    %dma_wait3A_99 = arith.constant 255 : i32
    %dma_wait3A_100 = arith.constant 1 : i32
    %dma_wait3A_101 = arith.constant 100 : i32
    %dma_wait3A_102 = arith.constant 0 : i32
    %dma_wait3A_103 = tpu.memref_slice %arg7[%dma_wait3A_100, %dma_wait3A_101, %dma_wait3A_102] : memref<2x200x64xf32, #tpu.memory_space<vmem>> -> memref<1x100x64xf32, #tpu.memory_space<vmem>>
    %dma_wait3A_104 = tpu.memref_squeeze %dma_wait3A_103 : memref<1x100x64xf32, #tpu.memory_space<vmem>> -> memref<100x64xf32, #tpu.memory_space<vmem>>
    %dma_wait3A_105 = arith.constant 0 : i32
    %dma_wait3A_106 = tpu.memref_slice %arg6[%dma_wait3A_99, %dma_wait3A_105] : memref<256x100xi32, #tpu.memory_space<vmem>> -> memref<1x100xi32, #tpu.memory_space<vmem>>
    %dma_wait3A_107 = tpu.memref_squeeze %dma_wait3A_106 : memref<1x100xi32, #tpu.memory_space<vmem>> -> memref<100xi32, #tpu.memory_space<vmem>>
    %dma_wait3A_108 = arith.constant 0 : i32
    %dma_wait3A_109 = arith.constant 0 : i32
    %dma_wait3A_110 = tpu.memref_slice %arg3[%dma_wait3A_108, %dma_wait3A_109] : memref<1000000x64xf32, #tpu.memory_space<hbm>> -> memref<1000000x64xf32, #tpu.memory_space<hbm>>
    tpu.wait_indirect_dma semaphore(%arg11 : memref<!tpu.dma_semaphore, #tpu.memory_space<semaphore_mem>>) src(%dma_wait3A_110 : memref<1000000x64xf32, #tpu.memory_space<hbm>>) dst(%dma_wait3A_104 : memref<100x64xf32, #tpu.memory_space<vmem>>)
    %scan3A_111 = arith.constant 0 : i32
    %scan3A_112 = arith.constant 200 : i32
    %scan3A_113 = arith.addi %scan3A_111, %scan3A_112 : i32
    %scan3A_114 = arith.constant 4 : i32
    scf.for %scan3A_140 = %scan3A_111 to %scan3A_113 step %scan3A_114  : i32 {
      %get3A = arith.index_cast %scan3A_140 : i32 to index
      %get3A_141 = arith.constant 0 : index
      %get3A_142 = tpu.vector_load %arg10[%get3A, %get3A_141] {strides = array<i32>} : memref<200x64xf32, #tpu.memory_space<vmem>>, vector<1x16xf32>,
      %get3A_143 = vector.shape_cast %get3A_142 : vector<1x16xf32> to vector<16xf32>
      %get3A_144 = arith.constant 0 : i32
      %get3A_145 = arith.index_cast %get3A_144 : i32 to index
      %get3A_146 = arith.index_cast %scan3A_140 : i32 to index
      %get3A_147 = arith.constant 0 : index
      %get3A_148 = tpu.vector_load %arg7[%get3A_145, %get3A_146, %get3A_147] {strides = array<i32>} : memref<2x200x64xf32, #tpu.memory_space<vmem>>, vector<1x1x16xf32>,
      %get3A_149 = vector.shape_cast %get3A_148 : vector<1x1x16xf32> to vector<16xf32>
      %mul3A_150 = arith.constant 8.000000e+00 : f32
      %mul3A_151 = vector.broadcast %mul3A_150 : f32 to vector<16xf32>
      %mul3A_152 = arith.mulf %get3A_149, %mul3A_151 : vector<16xf32>
      %add3A_153 = arith.addf %mul3A_152, %get3A_143 : vector<16xf32>
      %swap3A = arith.constant 0 : i32
      %swap3A_154 = arith.index_cast %swap3A : i32 to index
      %swap3A_155 = arith.index_cast %scan3A_140 : i32 to index
      %swap3A_156 = arith.constant 0 : index
      %swap3A_157 = tpu.vector_load %arg7[%swap3A_154, %swap3A_155, %swap3A_156] {strides = array<i32>} : memref<2x200x64xf32, #tpu.memory_space<vmem>>, vector<1x1x16xf32>,
      %swap3A_158 = vector.shape_cast %swap3A_157 : vector<1x1x16xf32> to vector<16xf32>
      %swap3A_159 = vector.shape_cast %add3A_153 : vector<16xf32> to vector<1x1x16xf32>
      tpu.vector_store %arg7[%swap3A_154, %swap3A_155, %swap3A_156], %swap3A_159 {strides = array<i32>} : memref<2x200x64xf32, #tpu.memory_space<vmem>>, vector<1x1x16xf32>,
      %get3A_160 = arith.constant 1 : i32
      %get3A_161 = arith.index_cast %get3A_160 : i32 to index
      %get3A_162 = arith.index_cast %scan3A_140 : i32 to index
      %get3A_163 = arith.constant 0 : index
      %get3A_164 = tpu.vector_load %arg7[%get3A_161, %get3A_162, %get3A_163] {strides = array<i32>} : memref<2x200x64xf32, #tpu.memory_space<vmem>>, vector<1x1x16xf32>,
      %get3A_165 = vector.shape_cast %get3A_164 : vector<1x1x16xf32> to vector<16xf32>
      %mul3A_166 = arith.constant 8.000000e+00 : f32
      %mul3A_167 = vector.broadcast %mul3A_166 : f32 to vector<16xf32>
      %mul3A_168 = arith.mulf %get3A_165, %mul3A_167 : vector<16xf32>
      %add3A_169 = arith.addf %mul3A_168, %get3A_143 : vector<16xf32>
      %swap3A_170 = arith.constant 1 : i32
      %swap3A_171 = arith.index_cast %swap3A_170 : i32 to index
      %swap3A_172 = arith.index_cast %scan3A_140 : i32 to index
      %swap3A_173 = arith.constant 0 : index
      %swap3A_174 = tpu.vector_load %arg7[%swap3A_171, %swap3A_172, %swap3A_173] {strides = array<i32>} : memref<2x200x64xf32, #tpu.memory_space<vmem>>, vector<1x1x16xf32>,
      %swap3A_175 = vector.shape_cast %swap3A_174 : vector<1x1x16xf32> to vector<16xf32>
      %swap3A_176 = vector.shape_cast %add3A_169 : vector<16xf32> to vector<1x1x16xf32>
      tpu.vector_store %arg7[%swap3A_171, %swap3A_172, %swap3A_173], %swap3A_176 {strides = array<i32>} : memref<2x200x64xf32, #tpu.memory_space<vmem>>, vector<1x1x16xf32>,
      %get3A_177 = arith.index_cast %scan3A_140 : i32 to index
      %get3A_178 = arith.constant 16 : index
      %get3A_179 = tpu.vector_load %arg10[%get3A_177, %get3A_178] {strides = array<i32>} : memref<200x64xf32, #tpu.memory_space<vmem>>, vector<1x16xf32>,
      %get3A_180 = vector.shape_cast %get3A_179 : vector<1x16xf32> to vector<16xf32>
      %get3A_181 = arith.constant 0 : i32
      %get3A_182 = arith.index_cast %get3A_181 : i32 to index
      %get3A_183 = arith.index_cast %scan3A_140 : i32 to index
      %get3A_184 = arith.constant 16 : index
      %get3A_185 = tpu.vector_load %arg7[%get3A_182, %get3A_183, %get3A_184] {strides = array<i32>} : memref<2x200x64xf32, #tpu.memory_space<vmem>>, vector<1x1x16xf32>,
      %get3A_186 = vector.shape_cast %get3A_185 : vector<1x1x16xf32> to vector<16xf32>
      %mul3A_187 = arith.constant 8.000000e+00 : f32
      %mul3A_188 = vector.broadcast %mul3A_187 : f32 to vector<16xf32>
      %mul3A_189 = arith.mulf %get3A_186, %mul3A_188 : vector<16xf32>
      %add3A_190 = arith.addf %mul3A_189, %get3A_180 : vector<16xf32>
      %swap3A_191 = arith.constant 0 : i32
      %swap3A_192 = arith.index_cast %swap3A_191 : i32 to index
      %swap3A_193 = arith.index_cast %scan3A_140 : i32 to index
      %swap3A_194 = arith.constant 16 : index
      %swap3A_195 = tpu.vector_load %arg7[%swap3A_192, %swap3A_193, %swap3A_194] {strides = array<i32>} : memref<2x200x64xf32, #tpu.memory_space<vmem>>, vector<1x1x16xf32>,
      %swap3A_196 = vector.shape_cast %swap3A_195 : vector<1x1x16xf32> to vector<16xf32>
      %swap3A_197 = vector.shape_cast %add3A_190 : vector<16xf32> to vector<1x1x16xf32>
      tpu.vector_store %arg7[%swap3A_192, %swap3A_193, %swap3A_194], %swap3A_197 {strides = array<i32>} : memref<2x200x64xf32, #tpu.memory_space<vmem>>, vector<1x1x16xf32>,
      %get3A_198 = arith.constant 1 : i32
      %get3A_199 = arith.index_cast %get3A_198 : i32 to index
      %get3A_200 = arith.index_cast %scan3A_140 : i32 to index
      %get3A_201 = arith.constant 16 : index
      %get3A_202 = tpu.vector_load %arg7[%get3A_199, %get3A_200, %get3A_201] {strides = array<i32>} : memref<2x200x64xf32, #tpu.memory_space<vmem>>, vector<1x1x16xf32>,
      %get3A_203 = vector.shape_cast %get3A_202 : vector<1x1x16xf32> to vector<16xf32>
      %mul3A_204 = arith.constant 8.000000e+00 : f32
      %mul3A_205 = vector.broadcast %mul3A_204 : f32 to vector<16xf32>
      %mul3A_206 = arith.mulf %get3A_203, %mul3A_205 : vector<16xf32>
      %add3A_207 = arith.addf %mul3A_206, %get3A_180 : vector<16xf32>
      %swap3A_208 = arith.constant 1 : i32
      %swap3A_209 = arith.index_cast %swap3A_208 : i32 to index
      %swap3A_210 = arith.index_cast %scan3A_140 : i32 to index
      %swap3A_211 = arith.constant 16 : index
      %swap3A_212 = tpu.vector_load %arg7[%swap3A_209, %swap3A_210, %swap3A_211] {strides = array<i32>} : memref<2x200x64xf32, #tpu.memory_space<vmem>>, vector<1x1x16xf32>,
      %swap3A_213 = vector.shape_cast %swap3A_212 : vector<1x1x16xf32> to vector<16xf32>
      %swap3A_214 = vector.shape_cast %add3A_207 : vector<16xf32> to vector<1x1x16xf32>
      tpu.vector_store %arg7[%swap3A_209, %swap3A_210, %swap3A_211], %swap3A_214 {strides = array<i32>} : memref<2x200x64xf32, #tpu.memory_space<vmem>>, vector<1x1x16xf32>,
      %get3A_215 = arith.index_cast %scan3A_140 : i32 to index
      %get3A_216 = arith.constant 32 : index
      %get3A_217 = tpu.vector_load %arg10[%get3A_215, %get3A_216] {strides = array<i32>} : memref<200x64xf32, #tpu.memory_space<vmem>>, vector<1x16xf32>,
      %get3A_218 = vector.shape_cast %get3A_217 : vector<1x16xf32> to vector<16xf32>
      %get3A_219 = arith.constant 0 : i32
      %get3A_220 = arith.index_cast %get3A_219 : i32 to index
      %get3A_221 = arith.index_cast %scan3A_140 : i32 to index
      %get3A_222 = arith.constant 32 : index
      %get3A_223 = tpu.vector_load %arg7[%get3A_220, %get3A_221, %get3A_222] {strides = array<i32>} : memref<2x200x64xf32, #tpu.memory_space<vmem>>, vector<1x1x16xf32>,
      %get3A_224 = vector.shape_cast %get3A_223 : vector<1x1x16xf32> to vector<16xf32>
      %mul3A_225 = arith.constant 8.000000e+00 : f32
      %mul3A_226 = vector.broadcast %mul3A_225 : f32 to vector<16xf32>
      %mul3A_227 = arith.mulf %get3A_224, %mul3A_226 : vector<16xf32>
      %add3A_228 = arith.addf %mul3A_227, %get3A_218 : vector<16xf32>
      %swap3A_229 = arith.constant 0 : i32
      %swap3A_230 = arith.index_cast %swap3A_229 : i32 to index
      %swap3A_231 = arith.index_cast %scan3A_140 : i32 to index
      %swap3A_232 = arith.constant 32 : index
      %swap3A_233 = tpu.vector_load %arg7[%swap3A_230, %swap3A_231, %swap3A_232] {strides = array<i32>} : memref<2x200x64xf32, #tpu.memory_space<vmem>>, vector<1x1x16xf32>,
      %swap3A_234 = vector.shape_cast %swap3A_233 : vector<1x1x16xf32> to vector<16xf32>
      %swap3A_235 = vector.shape_cast %add3A_228 : vector<16xf32> to vector<1x1x16xf32>
      tpu.vector_store %arg7[%swap3A_230, %swap3A_231, %swap3A_232], %swap3A_235 {strides = array<i32>} : memref<2x200x64xf32, #tpu.memory_space<vmem>>, vector<1x1x16xf32>,
      %get3A_236 = arith.constant 1 : i32
      %get3A_237 = arith.index_cast %get3A_236 : i32 to index
      %get3A_238 = arith.index_cast %scan3A_140 : i32 to index
      %get3A_239 = arith.constant 32 : index
      %get3A_240 = tpu.vector_load %arg7[%get3A_237, %get3A_238, %get3A_239] {strides = array<i32>} : memref<2x200x64xf32, #tpu.memory_space<vmem>>, vector<1x1x16xf32>,
      %get3A_241 = vector.shape_cast %get3A_240 : vector<1x1x16xf32> to vector<16xf32>
      %mul3A_242 = arith.constant 8.000000e+00 : f32
      %mul3A_243 = vector.broadcast %mul3A_242 : f32 to vector<16xf32>
      %mul3A_244 = arith.mulf %get3A_241, %mul3A_243 : vector<16xf32>
      %add3A_245 = arith.addf %mul3A_244, %get3A_218 : vector<16xf32>
      %swap3A_246 = arith.constant 1 : i32
      %swap3A_247 = arith.index_cast %swap3A_246 : i32 to index
      %swap3A_248 = arith.index_cast %scan3A_140 : i32 to index
      %swap3A_249 = arith.constant 32 : index
      %swap3A_250 = tpu.vector_load %arg7[%swap3A_247, %swap3A_248, %swap3A_249] {strides = array<i32>} : memref<2x200x64xf32, #tpu.memory_space<vmem>>, vector<1x1x16xf32>,
      %swap3A_251 = vector.shape_cast %swap3A_250 : vector<1x1x16xf32> to vector<16xf32>
      %swap3A_252 = vector.shape_cast %add3A_245 : vector<16xf32> to vector<1x1x16xf32>
      tpu.vector_store %arg7[%swap3A_247, %swap3A_248, %swap3A_249], %swap3A_252 {strides = array<i32>} : memref<2x200x64xf32, #tpu.memory_space<vmem>>, vector<1x1x16xf32>,
      %get3A_253 = arith.index_cast %scan3A_140 : i32 to index
      %get3A_254 = arith.constant 48 : index
      %get3A_255 = tpu.vector_load %arg10[%get3A_253, %get3A_254] {strides = array<i32>} : memref<200x64xf32, #tpu.memory_space<vmem>>, vector<1x16xf32>,
      %get3A_256 = vector.shape_cast %get3A_255 : vector<1x16xf32> to vector<16xf32>
      %get3A_257 = arith.constant 0 : i32
      %get3A_258 = arith.index_cast %get3A_257 : i32 to index
      %get3A_259 = arith.index_cast %scan3A_140 : i32 to index
      %get3A_260 = arith.constant 48 : index
      %get3A_261 = tpu.vector_load %arg7[%get3A_258, %get3A_259, %get3A_260] {strides = array<i32>} : memref<2x200x64xf32, #tpu.memory_space<vmem>>, vector<1x1x16xf32>,
      %get3A_262 = vector.shape_cast %get3A_261 : vector<1x1x16xf32> to vector<16xf32>
      %mul3A_263 = arith.constant 8.000000e+00 : f32
      %mul3A_264 = vector.broadcast %mul3A_263 : f32 to vector<16xf32>
      %mul3A_265 = arith.mulf %get3A_262, %mul3A_264 : vector<16xf32>
      %add3A_266 = arith.addf %mul3A_265, %get3A_256 : vector<16xf32>
      %swap3A_267 = arith.constant 0 : i32
      %swap3A_268 = arith.index_cast %swap3A_267 : i32 to index
      %swap3A_269 = arith.index_cast %scan3A_140 : i32 to index
      %swap3A_270 = arith.constant 48 : index
      %swap3A_271 = tpu.vector_load %arg7[%swap3A_268, %swap3A_269, %swap3A_270] {strides = array<i32>} : memref<2x200x64xf32, #tpu.memory_space<vmem>>, vector<1x1x16xf32>,
      %swap3A_272 = vector.shape_cast %swap3A_271 : vector<1x1x16xf32> to vector<16xf32>
      %swap3A_273 = vector.shape_cast %add3A_266 : vector<16xf32> to vector<1x1x16xf32>
      tpu.vector_store %arg7[%swap3A_268, %swap3A_269, %swap3A_270], %swap3A_273 {strides = array<i32>} : memref<2x200x64xf32, #tpu.memory_space<vmem>>, vector<1x1x16xf32>,
      %get3A_274 = arith.constant 1 : i32
      %get3A_275 = arith.index_cast %get3A_274 : i32 to index
      %get3A_276 = arith.index_cast %scan3A_140 : i32 to index
      %get3A_277 = arith.constant 48 : index
      %get3A_278 = tpu.vector_load %arg7[%get3A_275, %get3A_276, %get3A_277] {strides = array<i32>} : memref<2x200x64xf32, #tpu.memory_space<vmem>>, vector<1x1x16xf32>,
      %get3A_279 = vector.shape_cast %get3A_278 : vector<1x1x16xf32> to vector<16xf32>
      %mul3A_280 = arith.constant 8.000000e+00 : f32
      %mul3A_281 = vector.broadcast %mul3A_280 : f32 to vector<16xf32>
      %mul3A_282 = arith.mulf %get3A_279, %mul3A_281 : vector<16xf32>
      %add3A_283 = arith.addf %mul3A_282, %get3A_256 : vector<16xf32>
      %swap3A_284 = arith.constant 1 : i32
      %swap3A_285 = arith.index_cast %swap3A_284 : i32 to index
      %swap3A_286 = arith.index_cast %scan3A_140 : i32 to index
      %swap3A_287 = arith.constant 48 : index
      %swap3A_288 = tpu.vector_load %arg7[%swap3A_285, %swap3A_286, %swap3A_287] {strides = array<i32>} : memref<2x200x64xf32, #tpu.memory_space<vmem>>, vector<1x1x16xf32>,
      %swap3A_289 = vector.shape_cast %swap3A_288 : vector<1x1x16xf32> to vector<16xf32>
      %swap3A_290 = vector.shape_cast %add3A_283 : vector<16xf32> to vector<1x1x16xf32>
      tpu.vector_store %arg7[%swap3A_285, %swap3A_286, %swap3A_287], %swap3A_290 {strides = array<i32>} : memref<2x200x64xf32, #tpu.memory_space<vmem>>, vector<1x1x16xf32>,
      %scan3A_291 = arith.constant 1 : i32
      %scan3A_292 = arith.addi %scan3A_140, %scan3A_291 : i32
      %get3A_293 = arith.index_cast %scan3A_292 : i32 to index
      %get3A_294 = arith.constant 0 : index
      %get3A_295 = tpu.vector_load %arg10[%get3A_293, %get3A_294] {strides = array<i32>} : memref<200x64xf32, #tpu.memory_space<vmem>>, vector<1x16xf32>,
      %get3A_296 = vector.shape_cast %get3A_295 : vector<1x16xf32> to vector<16xf32>
      %get3A_297 = arith.constant 0 : i32
      %get3A_298 = arith.index_cast %get3A_297 : i32 to index
      %get3A_299 = arith.index_cast %scan3A_292 : i32 to index
      %get3A_300 = arith.constant 0 : index
      %get3A_301 = tpu.vector_load %arg7[%get3A_298, %get3A_299, %get3A_300] {strides = array<i32>} : memref<2x200x64xf32, #tpu.memory_space<vmem>>, vector<1x1x16xf32>,
      %get3A_302 = vector.shape_cast %get3A_301 : vector<1x1x16xf32> to vector<16xf32>
      %mul3A_303 = arith.constant 8.000000e+00 : f32
      %mul3A_304 = vector.broadcast %mul3A_303 : f32 to vector<16xf32>
      %mul3A_305 = arith.mulf %get3A_302, %mul3A_304 : vector<16xf32>
      %add3A_306 = arith.addf %mul3A_305, %get3A_296 : vector<16xf32>
      %swap3A_307 = arith.constant 0 : i32
      %swap3A_308 = arith.index_cast %swap3A_307 : i32 to index
      %swap3A_309 = arith.index_cast %scan3A_292 : i32 to index
      %swap3A_310 = arith.constant 0 : index
      %swap3A_311 = tpu.vector_load %arg7[%swap3A_308, %swap3A_309, %swap3A_310] {strides = array<i32>} : memref<2x200x64xf32, #tpu.memory_space<vmem>>, vector<1x1x16xf32>,
      %swap3A_312 = vector.shape_cast %swap3A_311 : vector<1x1x16xf32> to vector<16xf32>
      %swap3A_313 = vector.shape_cast %add3A_306 : vector<16xf32> to vector<1x1x16xf32>
      tpu.vector_store %arg7[%swap3A_308, %swap3A_309, %swap3A_310], %swap3A_313 {strides = array<i32>} : memref<2x200x64xf32, #tpu.memory_space<vmem>>, vector<1x1x16xf32>,
      %get3A_314 = arith.constant 1 : i32
      %get3A_315 = arith.index_cast %get3A_314 : i32 to index
      %get3A_316 = arith.index_cast %scan3A_292 : i32 to index
      %get3A_317 = arith.constant 0 : index
      %get3A_318 = tpu.vector_load %arg7[%get3A_315, %get3A_316, %get3A_317] {strides = array<i32>} : memref<2x200x64xf32, #tpu.memory_space<vmem>>, vector<1x1x16xf32>,
      %get3A_319 = vector.shape_cast %get3A_318 : vector<1x1x16xf32> to vector<16xf32>
      %mul3A_320 = arith.constant 8.000000e+00 : f32
      %mul3A_321 = vector.broadcast %mul3A_320 : f32 to vector<16xf32>
      %mul3A_322 = arith.mulf %get3A_319, %mul3A_321 : vector<16xf32>
      %add3A_323 = arith.addf %mul3A_322, %get3A_296 : vector<16xf32>
      %swap3A_324 = arith.constant 1 : i32
      %swap3A_325 = arith.index_cast %swap3A_324 : i32 to index
      %swap3A_326 = arith.index_cast %scan3A_292 : i32 to index
      %swap3A_327 = arith.constant 0 : index
      %swap3A_328 = tpu.vector_load %arg7[%swap3A_325, %swap3A_326, %swap3A_327] {strides = array<i32>} : memref<2x200x64xf32, #tpu.memory_space<vmem>>, vector<1x1x16xf32>,
      %swap3A_329 = vector.shape_cast %swap3A_328 : vector<1x1x16xf32> to vector<16xf32>
      %swap3A_330 = vector.shape_cast %add3A_323 : vector<16xf32> to vector<1x1x16xf32>
      tpu.vector_store %arg7[%swap3A_325, %swap3A_326, %swap3A_327], %swap3A_330 {strides = array<i32>} : memref<2x200x64xf32, #tpu.memory_space<vmem>>, vector<1x1x16xf32>,
      %get3A_331 = arith.index_cast %scan3A_292 : i32 to index
      %get3A_332 = arith.constant 16 : index
      %get3A_333 = tpu.vector_load %arg10[%get3A_331, %get3A_332] {strides = array<i32>} : memref<200x64xf32, #tpu.memory_space<vmem>>, vector<1x16xf32>,
      %get3A_334 = vector.shape_cast %get3A_333 : vector<1x16xf32> to vector<16xf32>
      %get3A_335 = arith.constant 0 : i32
      %get3A_336 = arith.index_cast %get3A_335 : i32 to index
      %get3A_337 = arith.index_cast %scan3A_292 : i32 to index
      %get3A_338 = arith.constant 16 : index
      %get3A_339 = tpu.vector_load %arg7[%get3A_336, %get3A_337, %get3A_338] {strides = array<i32>} : memref<2x200x64xf32, #tpu.memory_space<vmem>>, vector<1x1x16xf32>,
      %get3A_340 = vector.shape_cast %get3A_339 : vector<1x1x16xf32> to vector<16xf32>
      %mul3A_341 = arith.constant 8.000000e+00 : f32
      %mul3A_342 = vector.broadcast %mul3A_341 : f32 to vector<16xf32>
      %mul3A_343 = arith.mulf %get3A_340, %mul3A_342 : vector<16xf32>
      %add3A_344 = arith.addf %mul3A_343, %get3A_334 : vector<16xf32>
      %swap3A_345 = arith.constant 0 : i32
      %swap3A_346 = arith.index_cast %swap3A_345 : i32 to index
      %swap3A_347 = arith.index_cast %scan3A_292 : i32 to index
      %swap3A_348 = arith.constant 16 : index
      %swap3A_349 = tpu.vector_load %arg7[%swap3A_346, %swap3A_347, %swap3A_348] {strides = array<i32>} : memref<2x200x64xf32, #tpu.memory_space<vmem>>, vector<1x1x16xf32>,
      %swap3A_350 = vector.shape_cast %swap3A_349 : vector<1x1x16xf32> to vector<16xf32>
      %swap3A_351 = vector.shape_cast %add3A_344 : vector<16xf32> to vector<1x1x16xf32>
      tpu.vector_store %arg7[%swap3A_346, %swap3A_347, %swap3A_348], %swap3A_351 {strides = array<i32>} : memref<2x200x64xf32, #tpu.memory_space<vmem>>, vector<1x1x16xf32>,
      %get3A_352 = arith.constant 1 : i32
      %get3A_353 = arith.index_cast %get3A_352 : i32 to index
      %get3A_354 = arith.index_cast %scan3A_292 : i32 to index
      %get3A_355 = arith.constant 16 : index
      %get3A_356 = tpu.vector_load %arg7[%get3A_353, %get3A_354, %get3A_355] {strides = array<i32>} : memref<2x200x64xf32, #tpu.memory_space<vmem>>, vector<1x1x16xf32>,
      %get3A_357 = vector.shape_cast %get3A_356 : vector<1x1x16xf32> to vector<16xf32>
      %mul3A_358 = arith.constant 8.000000e+00 : f32
      %mul3A_359 = vector.broadcast %mul3A_358 : f32 to vector<16xf32>
      %mul3A_360 = arith.mulf %get3A_357, %mul3A_359 : vector<16xf32>
      %add3A_361 = arith.addf %mul3A_360, %get3A_334 : vector<16xf32>
      %swap3A_362 = arith.constant 1 : i32
      %swap3A_363 = arith.index_cast %swap3A_362 : i32 to index
      %swap3A_364 = arith.index_cast %scan3A_292 : i32 to index
      %swap3A_365 = arith.constant 16 : index
      %swap3A_366 = tpu.vector_load %arg7[%swap3A_363, %swap3A_364, %swap3A_365] {strides = array<i32>} : memref<2x200x64xf32, #tpu.memory_space<vmem>>, vector<1x1x16xf32>,
      %swap3A_367 = vector.shape_cast %swap3A_366 : vector<1x1x16xf32> to vector<16xf32>
      %swap3A_368 = vector.shape_cast %add3A_361 : vector<16xf32> to vector<1x1x16xf32>
      tpu.vector_store %arg7[%swap3A_363, %swap3A_364, %swap3A_365], %swap3A_368 {strides = array<i32>} : memref<2x200x64xf32, #tpu.memory_space<vmem>>, vector<1x1x16xf32>,
      %get3A_369 = arith.index_cast %scan3A_292 : i32 to index
      %get3A_370 = arith.constant 32 : index
      %get3A_371 = tpu.vector_load %arg10[%get3A_369, %get3A_370] {strides = array<i32>} : memref<200x64xf32, #tpu.memory_space<vmem>>, vector<1x16xf32>,
      %get3A_372 = vector.shape_cast %get3A_371 : vector<1x16xf32> to vector<16xf32>
      %get3A_373 = arith.constant 0 : i32
      %get3A_374 = arith.index_cast %get3A_373 : i32 to index
      %get3A_375 = arith.index_cast %scan3A_292 : i32 to index
      %get3A_376 = arith.constant 32 : index
      %get3A_377 = tpu.vector_load %arg7[%get3A_374, %get3A_375, %get3A_376] {strides = array<i32>} : memref<2x200x64xf32, #tpu.memory_space<vmem>>, vector<1x1x16xf32>,
      %get3A_378 = vector.shape_cast %get3A_377 : vector<1x1x16xf32> to vector<16xf32>
      %mul3A_379 = arith.constant 8.000000e+00 : f32
      %mul3A_380 = vector.broadcast %mul3A_379 : f32 to vector<16xf32>
      %mul3A_381 = arith.mulf %get3A_378, %mul3A_380 : vector<16xf32>
      %add3A_382 = arith.addf %mul3A_381, %get3A_372 : vector<16xf32>
      %swap3A_383 = arith.constant 0 : i32
      %swap3A_384 = arith.index_cast %swap3A_383 : i32 to index
      %swap3A_385 = arith.index_cast %scan3A_292 : i32 to index
      %swap3A_386 = arith.constant 32 : index
      %swap3A_387 = tpu.vector_load %arg7[%swap3A_384, %swap3A_385, %swap3A_386] {strides = array<i32>} : memref<2x200x64xf32, #tpu.memory_space<vmem>>, vector<1x1x16xf32>,
      %swap3A_388 = vector.shape_cast %swap3A_387 : vector<1x1x16xf32> to vector<16xf32>
      %swap3A_389 = vector.shape_cast %add3A_382 : vector<16xf32> to vector<1x1x16xf32>
      tpu.vector_store %arg7[%swap3A_384, %swap3A_385, %swap3A_386], %swap3A_389 {strides = array<i32>} : memref<2x200x64xf32, #tpu.memory_space<vmem>>, vector<1x1x16xf32>,
      %get3A_390 = arith.constant 1 : i32
      %get3A_391 = arith.index_cast %get3A_390 : i32 to index
      %get3A_392 = arith.index_cast %scan3A_292 : i32 to index
      %get3A_393 = arith.constant 32 : index
      %get3A_394 = tpu.vector_load %arg7[%get3A_391, %get3A_392, %get3A_393] {strides = array<i32>} : memref<2x200x64xf32, #tpu.memory_space<vmem>>, vector<1x1x16xf32>,
      %get3A_395 = vector.shape_cast %get3A_394 : vector<1x1x16xf32> to vector<16xf32>
      %mul3A_396 = arith.constant 8.000000e+00 : f32
      %mul3A_397 = vector.broadcast %mul3A_396 : f32 to vector<16xf32>
      %mul3A_398 = arith.mulf %get3A_395, %mul3A_397 : vector<16xf32>
      %add3A_399 = arith.addf %mul3A_398, %get3A_372 : vector<16xf32>
      %swap3A_400 = arith.constant 1 : i32
      %swap3A_401 = arith.index_cast %swap3A_400 : i32 to index
      %swap3A_402 = arith.index_cast %scan3A_292 : i32 to index
      %swap3A_403 = arith.constant 32 : index
      %swap3A_404 = tpu.vector_load %arg7[%swap3A_401, %swap3A_402, %swap3A_403] {strides = array<i32>} : memref<2x200x64xf32, #tpu.memory_space<vmem>>, vector<1x1x16xf32>,
      %swap3A_405 = vector.shape_cast %swap3A_404 : vector<1x1x16xf32> to vector<16xf32>
      %swap3A_406 = vector.shape_cast %add3A_399 : vector<16xf32> to vector<1x1x16xf32>
      tpu.vector_store %arg7[%swap3A_401, %swap3A_402, %swap3A_403], %swap3A_406 {strides = array<i32>} : memref<2x200x64xf32, #tpu.memory_space<vmem>>, vector<1x1x16xf32>,
      %get3A_407 = arith.index_cast %scan3A_292 : i32 to index
      %get3A_408 = arith.constant 48 : index
      %get3A_409 = tpu.vector_load %arg10[%get3A_407, %get3A_408] {strides = array<i32>} : memref<200x64xf32, #tpu.memory_space<vmem>>, vector<1x16xf32>,
      %get3A_410 = vector.shape_cast %get3A_409 : vector<1x16xf32> to vector<16xf32>
      %get3A_411 = arith.constant 0 : i32
      %get3A_412 = arith.index_cast %get3A_411 : i32 to index
      %get3A_413 = arith.index_cast %scan3A_292 : i32 to index
      %get3A_414 = arith.constant 48 : index
      %get3A_415 = tpu.vector_load %arg7[%get3A_412, %get3A_413, %get3A_414] {strides = array<i32>} : memref<2x200x64xf32, #tpu.memory_space<vmem>>, vector<1x1x16xf32>,
      %get3A_416 = vector.shape_cast %get3A_415 : vector<1x1x16xf32> to vector<16xf32>
      %mul3A_417 = arith.constant 8.000000e+00 : f32
      %mul3A_418 = vector.broadcast %mul3A_417 : f32 to vector<16xf32>
      %mul3A_419 = arith.mulf %get3A_416, %mul3A_418 : vector<16xf32>
      %add3A_420 = arith.addf %mul3A_419, %get3A_410 : vector<16xf32>
      %swap3A_421 = arith.constant 0 : i32
      %swap3A_422 = arith.index_cast %swap3A_421 : i32 to index
      %swap3A_423 = arith.index_cast %scan3A_292 : i32 to index
      %swap3A_424 = arith.constant 48 : index
      %swap3A_425 = tpu.vector_load %arg7[%swap3A_422, %swap3A_423, %swap3A_424] {strides = array<i32>} : memref<2x200x64xf32, #tpu.memory_space<vmem>>, vector<1x1x16xf32>,
      %swap3A_426 = vector.shape_cast %swap3A_425 : vector<1x1x16xf32> to vector<16xf32>
      %swap3A_427 = vector.shape_cast %add3A_420 : vector<16xf32> to vector<1x1x16xf32>
      tpu.vector_store %arg7[%swap3A_422, %swap3A_423, %swap3A_424], %swap3A_427 {strides = array<i32>} : memref<2x200x64xf32, #tpu.memory_space<vmem>>, vector<1x1x16xf32>,
      %get3A_428 = arith.constant 1 : i32
      %get3A_429 = arith.index_cast %get3A_428 : i32 to index
      %get3A_430 = arith.index_cast %scan3A_292 : i32 to index
      %get3A_431 = arith.constant 48 : index
      %get3A_432 = tpu.vector_load %arg7[%get3A_429, %get3A_430, %get3A_431] {strides = array<i32>} : memref<2x200x64xf32, #tpu.memory_space<vmem>>, vector<1x1x16xf32>,
      %get3A_433 = vector.shape_cast %get3A_432 : vector<1x1x16xf32> to vector<16xf32>
      %mul3A_434 = arith.constant 8.000000e+00 : f32
      %mul3A_435 = vector.broadcast %mul3A_434 : f32 to vector<16xf32>
      %mul3A_436 = arith.mulf %get3A_433, %mul3A_435 : vector<16xf32>
      %add3A_437 = arith.addf %mul3A_436, %get3A_410 : vector<16xf32>
      %swap3A_438 = arith.constant 1 : i32
      %swap3A_439 = arith.index_cast %swap3A_438 : i32 to index
      %swap3A_440 = arith.index_cast %scan3A_292 : i32 to index
      %swap3A_441 = arith.constant 48 : index
      %swap3A_442 = tpu.vector_load %arg7[%swap3A_439, %swap3A_440, %swap3A_441] {strides = array<i32>} : memref<2x200x64xf32, #tpu.memory_space<vmem>>, vector<1x1x16xf32>,
      %swap3A_443 = vector.shape_cast %swap3A_442 : vector<1x1x16xf32> to vector<16xf32>
      %swap3A_444 = vector.shape_cast %add3A_437 : vector<16xf32> to vector<1x1x16xf32>
      tpu.vector_store %arg7[%swap3A_439, %swap3A_440, %swap3A_441], %swap3A_444 {strides = array<i32>} : memref<2x200x64xf32, #tpu.memory_space<vmem>>, vector<1x1x16xf32>,
      %scan3A_445 = arith.constant 2 : i32
      %scan3A_446 = arith.addi %scan3A_140, %scan3A_445 : i32
      %get3A_447 = arith.index_cast %scan3A_446 : i32 to index
      %get3A_448 = arith.constant 0 : index
      %get3A_449 = tpu.vector_load %arg10[%get3A_447, %get3A_448] {strides = array<i32>} : memref<200x64xf32, #tpu.memory_space<vmem>>, vector<1x16xf32>,
      %get3A_450 = vector.shape_cast %get3A_449 : vector<1x16xf32> to vector<16xf32>
      %get3A_451 = arith.constant 0 : i32
      %get3A_452 = arith.index_cast %get3A_451 : i32 to index
      %get3A_453 = arith.index_cast %scan3A_446 : i32 to index
      %get3A_454 = arith.constant 0 : index
      %get3A_455 = tpu.vector_load %arg7[%get3A_452, %get3A_453, %get3A_454] {strides = array<i32>} : memref<2x200x64xf32, #tpu.memory_space<vmem>>, vector<1x1x16xf32>,
      %get3A_456 = vector.shape_cast %get3A_455 : vector<1x1x16xf32> to vector<16xf32>
      %mul3A_457 = arith.constant 8.000000e+00 : f32
      %mul3A_458 = vector.broadcast %mul3A_457 : f32 to vector<16xf32>
      %mul3A_459 = arith.mulf %get3A_456, %mul3A_458 : vector<16xf32>
      %add3A_460 = arith.addf %mul3A_459, %get3A_450 : vector<16xf32>
      %swap3A_461 = arith.constant 0 : i32
      %swap3A_462 = arith.index_cast %swap3A_461 : i32 to index
      %swap3A_463 = arith.index_cast %scan3A_446 : i32 to index
      %swap3A_464 = arith.constant 0 : index
      %swap3A_465 = tpu.vector_load %arg7[%swap3A_462, %swap3A_463, %swap3A_464] {strides = array<i32>} : memref<2x200x64xf32, #tpu.memory_space<vmem>>, vector<1x1x16xf32>,
      %swap3A_466 = vector.shape_cast %swap3A_465 : vector<1x1x16xf32> to vector<16xf32>
      %swap3A_467 = vector.shape_cast %add3A_460 : vector<16xf32> to vector<1x1x16xf32>
      tpu.vector_store %arg7[%swap3A_462, %swap3A_463, %swap3A_464], %swap3A_467 {strides = array<i32>} : memref<2x200x64xf32, #tpu.memory_space<vmem>>, vector<1x1x16xf32>,
      %get3A_468 = arith.constant 1 : i32
      %get3A_469 = arith.index_cast %get3A_468 : i32 to index
      %get3A_470 = arith.index_cast %scan3A_446 : i32 to index
      %get3A_471 = arith.constant 0 : index
      %get3A_472 = tpu.vector_load %arg7[%get3A_469, %get3A_470, %get3A_471] {strides = array<i32>} : memref<2x200x64xf32, #tpu.memory_space<vmem>>, vector<1x1x16xf32>,
      %get3A_473 = vector.shape_cast %get3A_472 : vector<1x1x16xf32> to vector<16xf32>
      %mul3A_474 = arith.constant 8.000000e+00 : f32
      %mul3A_475 = vector.broadcast %mul3A_474 : f32 to vector<16xf32>
      %mul3A_476 = arith.mulf %get3A_473, %mul3A_475 : vector<16xf32>
      %add3A_477 = arith.addf %mul3A_476, %get3A_450 : vector<16xf32>
      %swap3A_478 = arith.constant 1 : i32
      %swap3A_479 = arith.index_cast %swap3A_478 : i32 to index
      %swap3A_480 = arith.index_cast %scan3A_446 : i32 to index
      %swap3A_481 = arith.constant 0 : index
      %swap3A_482 = tpu.vector_load %arg7[%swap3A_479, %swap3A_480, %swap3A_481] {strides = array<i32>} : memref<2x200x64xf32, #tpu.memory_space<vmem>>, vector<1x1x16xf32>,
      %swap3A_483 = vector.shape_cast %swap3A_482 : vector<1x1x16xf32> to vector<16xf32>
      %swap3A_484 = vector.shape_cast %add3A_477 : vector<16xf32> to vector<1x1x16xf32>
      tpu.vector_store %arg7[%swap3A_479, %swap3A_480, %swap3A_481], %swap3A_484 {strides = array<i32>} : memref<2x200x64xf32, #tpu.memory_space<vmem>>, vector<1x1x16xf32>,
      %get3A_485 = arith.index_cast %scan3A_446 : i32 to index
      %get3A_486 = arith.constant 16 : index
      %get3A_487 = tpu.vector_load %arg10[%get3A_485, %get3A_486] {strides = array<i32>} : memref<200x64xf32, #tpu.memory_space<vmem>>, vector<1x16xf32>,
      %get3A_488 = vector.shape_cast %get3A_487 : vector<1x16xf32> to vector<16xf32>
      %get3A_489 = arith.constant 0 : i32
      %get3A_490 = arith.index_cast %get3A_489 : i32 to index
      %get3A_491 = arith.index_cast %scan3A_446 : i32 to index
      %get3A_492 = arith.constant 16 : index
      %get3A_493 = tpu.vector_load %arg7[%get3A_490, %get3A_491, %get3A_492] {strides = array<i32>} : memref<2x200x64xf32, #tpu.memory_space<vmem>>, vector<1x1x16xf32>,
      %get3A_494 = vector.shape_cast %get3A_493 : vector<1x1x16xf32> to vector<16xf32>
      %mul3A_495 = arith.constant 8.000000e+00 : f32
      %mul3A_496 = vector.broadcast %mul3A_495 : f32 to vector<16xf32>
      %mul3A_497 = arith.mulf %get3A_494, %mul3A_496 : vector<16xf32>
      %add3A_498 = arith.addf %mul3A_497, %get3A_488 : vector<16xf32>
      %swap3A_499 = arith.constant 0 : i32
      %swap3A_500 = arith.index_cast %swap3A_499 : i32 to index
      %swap3A_501 = arith.index_cast %scan3A_446 : i32 to index
      %swap3A_502 = arith.constant 16 : index
      %swap3A_503 = tpu.vector_load %arg7[%swap3A_500, %swap3A_501, %swap3A_502] {strides = array<i32>} : memref<2x200x64xf32, #tpu.memory_space<vmem>>, vector<1x1x16xf32>,
      %swap3A_504 = vector.shape_cast %swap3A_503 : vector<1x1x16xf32> to vector<16xf32>
      %swap3A_505 = vector.shape_cast %add3A_498 : vector<16xf32> to vector<1x1x16xf32>
      tpu.vector_store %arg7[%swap3A_500, %swap3A_501, %swap3A_502], %swap3A_505 {strides = array<i32>} : memref<2x200x64xf32, #tpu.memory_space<vmem>>, vector<1x1x16xf32>,
      %get3A_506 = arith.constant 1 : i32
      %get3A_507 = arith.index_cast %get3A_506 : i32 to index
      %get3A_508 = arith.index_cast %scan3A_446 : i32 to index
      %get3A_509 = arith.constant 16 : index
      %get3A_510 = tpu.vector_load %arg7[%get3A_507, %get3A_508, %get3A_509] {strides = array<i32>} : memref<2x200x64xf32, #tpu.memory_space<vmem>>, vector<1x1x16xf32>,
      %get3A_511 = vector.shape_cast %get3A_510 : vector<1x1x16xf32> to vector<16xf32>
      %mul3A_512 = arith.constant 8.000000e+00 : f32
      %mul3A_513 = vector.broadcast %mul3A_512 : f32 to vector<16xf32>
      %mul3A_514 = arith.mulf %get3A_511, %mul3A_513 : vector<16xf32>
      %add3A_515 = arith.addf %mul3A_514, %get3A_488 : vector<16xf32>
      %swap3A_516 = arith.constant 1 : i32
      %swap3A_517 = arith.index_cast %swap3A_516 : i32 to index
      %swap3A_518 = arith.index_cast %scan3A_446 : i32 to index
      %swap3A_519 = arith.constant 16 : index
      %swap3A_520 = tpu.vector_load %arg7[%swap3A_517, %swap3A_518, %swap3A_519] {strides = array<i32>} : memref<2x200x64xf32, #tpu.memory_space<vmem>>, vector<1x1x16xf32>,
      %swap3A_521 = vector.shape_cast %swap3A_520 : vector<1x1x16xf32> to vector<16xf32>
      %swap3A_522 = vector.shape_cast %add3A_515 : vector<16xf32> to vector<1x1x16xf32>
      tpu.vector_store %arg7[%swap3A_517, %swap3A_518, %swap3A_519], %swap3A_522 {strides = array<i32>} : memref<2x200x64xf32, #tpu.memory_space<vmem>>, vector<1x1x16xf32>,
      %get3A_523 = arith.index_cast %scan3A_446 : i32 to index
      %get3A_524 = arith.constant 32 : index
      %get3A_525 = tpu.vector_load %arg10[%get3A_523, %get3A_524] {strides = array<i32>} : memref<200x64xf32, #tpu.memory_space<vmem>>, vector<1x16xf32>,
      %get3A_526 = vector.shape_cast %get3A_525 : vector<1x16xf32> to vector<16xf32>
      %get3A_527 = arith.constant 0 : i32
      %get3A_528 = arith.index_cast %get3A_527 : i32 to index
      %get3A_529 = arith.index_cast %scan3A_446 : i32 to index
      %get3A_530 = arith.constant 32 : index
      %get3A_531 = tpu.vector_load %arg7[%get3A_528, %get3A_529, %get3A_530] {strides = array<i32>} : memref<2x200x64xf32, #tpu.memory_space<vmem>>, vector<1x1x16xf32>,
      %get3A_532 = vector.shape_cast %get3A_531 : vector<1x1x16xf32> to vector<16xf32>
      %mul3A_533 = arith.constant 8.000000e+00 : f32
      %mul3A_534 = vector.broadcast %mul3A_533 : f32 to vector<16xf32>
      %mul3A_535 = arith.mulf %get3A_532, %mul3A_534 : vector<16xf32>
      %add3A_536 = arith.addf %mul3A_535, %get3A_526 : vector<16xf32>
      %swap3A_537 = arith.constant 0 : i32
      %swap3A_538 = arith.index_cast %swap3A_537 : i32 to index
      %swap3A_539 = arith.index_cast %scan3A_446 : i32 to index
      %swap3A_540 = arith.constant 32 : index
      %swap3A_541 = tpu.vector_load %arg7[%swap3A_538, %swap3A_539, %swap3A_540] {strides = array<i32>} : memref<2x200x64xf32, #tpu.memory_space<vmem>>, vector<1x1x16xf32>,
      %swap3A_542 = vector.shape_cast %swap3A_541 : vector<1x1x16xf32> to vector<16xf32>
      %swap3A_543 = vector.shape_cast %add3A_536 : vector<16xf32> to vector<1x1x16xf32>
      tpu.vector_store %arg7[%swap3A_538, %swap3A_539, %swap3A_540], %swap3A_543 {strides = array<i32>} : memref<2x200x64xf32, #tpu.memory_space<vmem>>, vector<1x1x16xf32>,
      %get3A_544 = arith.constant 1 : i32
      %get3A_545 = arith.index_cast %get3A_544 : i32 to index
      %get3A_546 = arith.index_cast %scan3A_446 : i32 to index
      %get3A_547 = arith.constant 32 : index
      %get3A_548 = tpu.vector_load %arg7[%get3A_545, %get3A_546, %get3A_547] {strides = array<i32>} : memref<2x200x64xf32, #tpu.memory_space<vmem>>, vector<1x1x16xf32>,
      %get3A_549 = vector.shape_cast %get3A_548 : vector<1x1x16xf32> to vector<16xf32>
      %mul3A_550 = arith.constant 8.000000e+00 : f32
      %mul3A_551 = vector.broadcast %mul3A_550 : f32 to vector<16xf32>
      %mul3A_552 = arith.mulf %get3A_549, %mul3A_551 : vector<16xf32>
      %add3A_553 = arith.addf %mul3A_552, %get3A_526 : vector<16xf32>
      %swap3A_554 = arith.constant 1 : i32
      %swap3A_555 = arith.index_cast %swap3A_554 : i32 to index
      %swap3A_556 = arith.index_cast %scan3A_446 : i32 to index
      %swap3A_557 = arith.constant 32 : index
      %swap3A_558 = tpu.vector_load %arg7[%swap3A_555, %swap3A_556, %swap3A_557] {strides = array<i32>} : memref<2x200x64xf32, #tpu.memory_space<vmem>>, vector<1x1x16xf32>,
      %swap3A_559 = vector.shape_cast %swap3A_558 : vector<1x1x16xf32> to vector<16xf32>
      %swap3A_560 = vector.shape_cast %add3A_553 : vector<16xf32> to vector<1x1x16xf32>
      tpu.vector_store %arg7[%swap3A_555, %swap3A_556, %swap3A_557], %swap3A_560 {strides = array<i32>} : memref<2x200x64xf32, #tpu.memory_space<vmem>>, vector<1x1x16xf32>,
      %get3A_561 = arith.index_cast %scan3A_446 : i32 to index
      %get3A_562 = arith.constant 48 : index
      %get3A_563 = tpu.vector_load %arg10[%get3A_561, %get3A_562] {strides = array<i32>} : memref<200x64xf32, #tpu.memory_space<vmem>>, vector<1x16xf32>,
      %get3A_564 = vector.shape_cast %get3A_563 : vector<1x16xf32> to vector<16xf32>
      %get3A_565 = arith.constant 0 : i32
      %get3A_566 = arith.index_cast %get3A_565 : i32 to index
      %get3A_567 = arith.index_cast %scan3A_446 : i32 to index
      %get3A_568 = arith.constant 48 : index
      %get3A_569 = tpu.vector_load %arg7[%get3A_566, %get3A_567, %get3A_568] {strides = array<i32>} : memref<2x200x64xf32, #tpu.memory_space<vmem>>, vector<1x1x16xf32>,
      %get3A_570 = vector.shape_cast %get3A_569 : vector<1x1x16xf32> to vector<16xf32>
      %mul3A_571 = arith.constant 8.000000e+00 : f32
      %mul3A_572 = vector.broadcast %mul3A_571 : f32 to vector<16xf32>
      %mul3A_573 = arith.mulf %get3A_570, %mul3A_572 : vector<16xf32>
      %add3A_574 = arith.addf %mul3A_573, %get3A_564 : vector<16xf32>
      %swap3A_575 = arith.constant 0 : i32
      %swap3A_576 = arith.index_cast %swap3A_575 : i32 to index
      %swap3A_577 = arith.index_cast %scan3A_446 : i32 to index
      %swap3A_578 = arith.constant 48 : index
      %swap3A_579 = tpu.vector_load %arg7[%swap3A_576, %swap3A_577, %swap3A_578] {strides = array<i32>} : memref<2x200x64xf32, #tpu.memory_space<vmem>>, vector<1x1x16xf32>,
      %swap3A_580 = vector.shape_cast %swap3A_579 : vector<1x1x16xf32> to vector<16xf32>
      %swap3A_581 = vector.shape_cast %add3A_574 : vector<16xf32> to vector<1x1x16xf32>
      tpu.vector_store %arg7[%swap3A_576, %swap3A_577, %swap3A_578], %swap3A_581 {strides = array<i32>} : memref<2x200x64xf32, #tpu.memory_space<vmem>>, vector<1x1x16xf32>,
      %get3A_582 = arith.constant 1 : i32
      %get3A_583 = arith.index_cast %get3A_582 : i32 to index
      %get3A_584 = arith.index_cast %scan3A_446 : i32 to index
      %get3A_585 = arith.constant 48 : index
      %get3A_586 = tpu.vector_load %arg7[%get3A_583, %get3A_584, %get3A_585] {strides = array<i32>} : memref<2x200x64xf32, #tpu.memory_space<vmem>>, vector<1x1x16xf32>,
      %get3A_587 = vector.shape_cast %get3A_586 : vector<1x1x16xf32> to vector<16xf32>
      %mul3A_588 = arith.constant 8.000000e+00 : f32
      %mul3A_589 = vector.broadcast %mul3A_588 : f32 to vector<16xf32>
      %mul3A_590 = arith.mulf %get3A_587, %mul3A_589 : vector<16xf32>
      %add3A_591 = arith.addf %mul3A_590, %get3A_564 : vector<16xf32>
      %swap3A_592 = arith.constant 1 : i32
      %swap3A_593 = arith.index_cast %swap3A_592 : i32 to index
      %swap3A_594 = arith.index_cast %scan3A_446 : i32 to index
      %swap3A_595 = arith.constant 48 : index
      %swap3A_596 = tpu.vector_load %arg7[%swap3A_593, %swap3A_594, %swap3A_595] {strides = array<i32>} : memref<2x200x64xf32, #tpu.memory_space<vmem>>, vector<1x1x16xf32>,
      %swap3A_597 = vector.shape_cast %swap3A_596 : vector<1x1x16xf32> to vector<16xf32>
      %swap3A_598 = vector.shape_cast %add3A_591 : vector<16xf32> to vector<1x1x16xf32>
      tpu.vector_store %arg7[%swap3A_593, %swap3A_594, %swap3A_595], %swap3A_598 {strides = array<i32>} : memref<2x200x64xf32, #tpu.memory_space<vmem>>, vector<1x1x16xf32>,
      %scan3A_599 = arith.constant 3 : i32
      %scan3A_600 = arith.addi %scan3A_140, %scan3A_599 : i32
      %get3A_601 = arith.index_cast %scan3A_600 : i32 to index
      %get3A_602 = arith.constant 0 : index
      %get3A_603 = tpu.vector_load %arg10[%get3A_601, %get3A_602] {strides = array<i32>} : memref<200x64xf32, #tpu.memory_space<vmem>>, vector<1x16xf32>,
      %get3A_604 = vector.shape_cast %get3A_603 : vector<1x16xf32> to vector<16xf32>
      %get3A_605 = arith.constant 0 : i32
      %get3A_606 = arith.index_cast %get3A_605 : i32 to index
      %get3A_607 = arith.index_cast %scan3A_600 : i32 to index
      %get3A_608 = arith.constant 0 : index
      %get3A_609 = tpu.vector_load %arg7[%get3A_606, %get3A_607, %get3A_608] {strides = array<i32>} : memref<2x200x64xf32, #tpu.memory_space<vmem>>, vector<1x1x16xf32>,
      %get3A_610 = vector.shape_cast %get3A_609 : vector<1x1x16xf32> to vector<16xf32>
      %mul3A_611 = arith.constant 8.000000e+00 : f32
      %mul3A_612 = vector.broadcast %mul3A_611 : f32 to vector<16xf32>
      %mul3A_613 = arith.mulf %get3A_610, %mul3A_612 : vector<16xf32>
      %add3A_614 = arith.addf %mul3A_613, %get3A_604 : vector<16xf32>
      %swap3A_615 = arith.constant 0 : i32
      %swap3A_616 = arith.index_cast %swap3A_615 : i32 to index
      %swap3A_617 = arith.index_cast %scan3A_600 : i32 to index
      %swap3A_618 = arith.constant 0 : index
      %swap3A_619 = tpu.vector_load %arg7[%swap3A_616, %swap3A_617, %swap3A_618] {strides = array<i32>} : memref<2x200x64xf32, #tpu.memory_space<vmem>>, vector<1x1x16xf32>,
      %swap3A_620 = vector.shape_cast %swap3A_619 : vector<1x1x16xf32> to vector<16xf32>
      %swap3A_621 = vector.shape_cast %add3A_614 : vector<16xf32> to vector<1x1x16xf32>
      tpu.vector_store %arg7[%swap3A_616, %swap3A_617, %swap3A_618], %swap3A_621 {strides = array<i32>} : memref<2x200x64xf32, #tpu.memory_space<vmem>>, vector<1x1x16xf32>,
      %get3A_622 = arith.constant 1 : i32
      %get3A_623 = arith.index_cast %get3A_622 : i32 to index
      %get3A_624 = arith.index_cast %scan3A_600 : i32 to index
      %get3A_625 = arith.constant 0 : index
      %get3A_626 = tpu.vector_load %arg7[%get3A_623, %get3A_624, %get3A_625] {strides = array<i32>} : memref<2x200x64xf32, #tpu.memory_space<vmem>>, vector<1x1x16xf32>,
      %get3A_627 = vector.shape_cast %get3A_626 : vector<1x1x16xf32> to vector<16xf32>
      %mul3A_628 = arith.constant 8.000000e+00 : f32
      %mul3A_629 = vector.broadcast %mul3A_628 : f32 to vector<16xf32>
      %mul3A_630 = arith.mulf %get3A_627, %mul3A_629 : vector<16xf32>
      %add3A_631 = arith.addf %mul3A_630, %get3A_604 : vector<16xf32>
      %swap3A_632 = arith.constant 1 : i32
      %swap3A_633 = arith.index_cast %swap3A_632 : i32 to index
      %swap3A_634 = arith.index_cast %scan3A_600 : i32 to index
      %swap3A_635 = arith.constant 0 : index
      %swap3A_636 = tpu.vector_load %arg7[%swap3A_633, %swap3A_634, %swap3A_635] {strides = array<i32>} : memref<2x200x64xf32, #tpu.memory_space<vmem>>, vector<1x1x16xf32>,
      %swap3A_637 = vector.shape_cast %swap3A_636 : vector<1x1x16xf32> to vector<16xf32>
      %swap3A_638 = vector.shape_cast %add3A_631 : vector<16xf32> to vector<1x1x16xf32>
      tpu.vector_store %arg7[%swap3A_633, %swap3A_634, %swap3A_635], %swap3A_638 {strides = array<i32>} : memref<2x200x64xf32, #tpu.memory_space<vmem>>, vector<1x1x16xf32>,
      %get3A_639 = arith.index_cast %scan3A_600 : i32 to index
      %get3A_640 = arith.constant 16 : index
      %get3A_641 = tpu.vector_load %arg10[%get3A_639, %get3A_640] {strides = array<i32>} : memref<200x64xf32, #tpu.memory_space<vmem>>, vector<1x16xf32>,
      %get3A_642 = vector.shape_cast %get3A_641 : vector<1x16xf32> to vector<16xf32>
      %get3A_643 = arith.constant 0 : i32
      %get3A_644 = arith.index_cast %get3A_643 : i32 to index
      %get3A_645 = arith.index_cast %scan3A_600 : i32 to index
      %get3A_646 = arith.constant 16 : index
      %get3A_647 = tpu.vector_load %arg7[%get3A_644, %get3A_645, %get3A_646] {strides = array<i32>} : memref<2x200x64xf32, #tpu.memory_space<vmem>>, vector<1x1x16xf32>,
      %get3A_648 = vector.shape_cast %get3A_647 : vector<1x1x16xf32> to vector<16xf32>
      %mul3A_649 = arith.constant 8.000000e+00 : f32
      %mul3A_650 = vector.broadcast %mul3A_649 : f32 to vector<16xf32>
      %mul3A_651 = arith.mulf %get3A_648, %mul3A_650 : vector<16xf32>
      %add3A_652 = arith.addf %mul3A_651, %get3A_642 : vector<16xf32>
      %swap3A_653 = arith.constant 0 : i32
      %swap3A_654 = arith.index_cast %swap3A_653 : i32 to index
      %swap3A_655 = arith.index_cast %scan3A_600 : i32 to index
      %swap3A_656 = arith.constant 16 : index
      %swap3A_657 = tpu.vector_load %arg7[%swap3A_654, %swap3A_655, %swap3A_656] {strides = array<i32>} : memref<2x200x64xf32, #tpu.memory_space<vmem>>, vector<1x1x16xf32>,
      %swap3A_658 = vector.shape_cast %swap3A_657 : vector<1x1x16xf32> to vector<16xf32>
      %swap3A_659 = vector.shape_cast %add3A_652 : vector<16xf32> to vector<1x1x16xf32>
      tpu.vector_store %arg7[%swap3A_654, %swap3A_655, %swap3A_656], %swap3A_659 {strides = array<i32>} : memref<2x200x64xf32, #tpu.memory_space<vmem>>, vector<1x1x16xf32>,
      %get3A_660 = arith.constant 1 : i32
      %get3A_661 = arith.index_cast %get3A_660 : i32 to index
      %get3A_662 = arith.index_cast %scan3A_600 : i32 to index
      %get3A_663 = arith.constant 16 : index
      %get3A_664 = tpu.vector_load %arg7[%get3A_661, %get3A_662, %get3A_663] {strides = array<i32>} : memref<2x200x64xf32, #tpu.memory_space<vmem>>, vector<1x1x16xf32>,
      %get3A_665 = vector.shape_cast %get3A_664 : vector<1x1x16xf32> to vector<16xf32>
      %mul3A_666 = arith.constant 8.000000e+00 : f32
      %mul3A_667 = vector.broadcast %mul3A_666 : f32 to vector<16xf32>
      %mul3A_668 = arith.mulf %get3A_665, %mul3A_667 : vector<16xf32>
      %add3A_669 = arith.addf %mul3A_668, %get3A_642 : vector<16xf32>
      %swap3A_670 = arith.constant 1 : i32
      %swap3A_671 = arith.index_cast %swap3A_670 : i32 to index
      %swap3A_672 = arith.index_cast %scan3A_600 : i32 to index
      %swap3A_673 = arith.constant 16 : index
      %swap3A_674 = tpu.vector_load %arg7[%swap3A_671, %swap3A_672, %swap3A_673] {strides = array<i32>} : memref<2x200x64xf32, #tpu.memory_space<vmem>>, vector<1x1x16xf32>,
      %swap3A_675 = vector.shape_cast %swap3A_674 : vector<1x1x16xf32> to vector<16xf32>
      %swap3A_676 = vector.shape_cast %add3A_669 : vector<16xf32> to vector<1x1x16xf32>
      tpu.vector_store %arg7[%swap3A_671, %swap3A_672, %swap3A_673], %swap3A_676 {strides = array<i32>} : memref<2x200x64xf32, #tpu.memory_space<vmem>>, vector<1x1x16xf32>,
      %get3A_677 = arith.index_cast %scan3A_600 : i32 to index
      %get3A_678 = arith.constant 32 : index
      %get3A_679 = tpu.vector_load %arg10[%get3A_677, %get3A_678] {strides = array<i32>} : memref<200x64xf32, #tpu.memory_space<vmem>>, vector<1x16xf32>,
      %get3A_680 = vector.shape_cast %get3A_679 : vector<1x16xf32> to vector<16xf32>
      %get3A_681 = arith.constant 0 : i32
      %get3A_682 = arith.index_cast %get3A_681 : i32 to index
      %get3A_683 = arith.index_cast %scan3A_600 : i32 to index
      %get3A_684 = arith.constant 32 : index
      %get3A_685 = tpu.vector_load %arg7[%get3A_682, %get3A_683, %get3A_684] {strides = array<i32>} : memref<2x200x64xf32, #tpu.memory_space<vmem>>, vector<1x1x16xf32>,
      %get3A_686 = vector.shape_cast %get3A_685 : vector<1x1x16xf32> to vector<16xf32>
      %mul3A_687 = arith.constant 8.000000e+00 : f32
      %mul3A_688 = vector.broadcast %mul3A_687 : f32 to vector<16xf32>
      %mul3A_689 = arith.mulf %get3A_686, %mul3A_688 : vector<16xf32>
      %add3A_690 = arith.addf %mul3A_689, %get3A_680 : vector<16xf32>
      %swap3A_691 = arith.constant 0 : i32
      %swap3A_692 = arith.index_cast %swap3A_691 : i32 to index
      %swap3A_693 = arith.index_cast %scan3A_600 : i32 to index
      %swap3A_694 = arith.constant 32 : index
      %swap3A_695 = tpu.vector_load %arg7[%swap3A_692, %swap3A_693, %swap3A_694] {strides = array<i32>} : memref<2x200x64xf32, #tpu.memory_space<vmem>>, vector<1x1x16xf32>,
      %swap3A_696 = vector.shape_cast %swap3A_695 : vector<1x1x16xf32> to vector<16xf32>
      %swap3A_697 = vector.shape_cast %add3A_690 : vector<16xf32> to vector<1x1x16xf32>
      tpu.vector_store %arg7[%swap3A_692, %swap3A_693, %swap3A_694], %swap3A_697 {strides = array<i32>} : memref<2x200x64xf32, #tpu.memory_space<vmem>>, vector<1x1x16xf32>,
      %get3A_698 = arith.constant 1 : i32
      %get3A_699 = arith.index_cast %get3A_698 : i32 to index
      %get3A_700 = arith.index_cast %scan3A_600 : i32 to index
      %get3A_701 = arith.constant 32 : index
      %get3A_702 = tpu.vector_load %arg7[%get3A_699, %get3A_700, %get3A_701] {strides = array<i32>} : memref<2x200x64xf32, #tpu.memory_space<vmem>>, vector<1x1x16xf32>,
      %get3A_703 = vector.shape_cast %get3A_702 : vector<1x1x16xf32> to vector<16xf32>
      %mul3A_704 = arith.constant 8.000000e+00 : f32
      %mul3A_705 = vector.broadcast %mul3A_704 : f32 to vector<16xf32>
      %mul3A_706 = arith.mulf %get3A_703, %mul3A_705 : vector<16xf32>
      %add3A_707 = arith.addf %mul3A_706, %get3A_680 : vector<16xf32>
      %swap3A_708 = arith.constant 1 : i32
      %swap3A_709 = arith.index_cast %swap3A_708 : i32 to index
      %swap3A_710 = arith.index_cast %scan3A_600 : i32 to index
      %swap3A_711 = arith.constant 32 : index
      %swap3A_712 = tpu.vector_load %arg7[%swap3A_709, %swap3A_710, %swap3A_711] {strides = array<i32>} : memref<2x200x64xf32, #tpu.memory_space<vmem>>, vector<1x1x16xf32>,
      %swap3A_713 = vector.shape_cast %swap3A_712 : vector<1x1x16xf32> to vector<16xf32>
      %swap3A_714 = vector.shape_cast %add3A_707 : vector<16xf32> to vector<1x1x16xf32>
      tpu.vector_store %arg7[%swap3A_709, %swap3A_710, %swap3A_711], %swap3A_714 {strides = array<i32>} : memref<2x200x64xf32, #tpu.memory_space<vmem>>, vector<1x1x16xf32>,
      %get3A_715 = arith.index_cast %scan3A_600 : i32 to index
      %get3A_716 = arith.constant 48 : index
      %get3A_717 = tpu.vector_load %arg10[%get3A_715, %get3A_716] {strides = array<i32>} : memref<200x64xf32, #tpu.memory_space<vmem>>, vector<1x16xf32>,
      %get3A_718 = vector.shape_cast %get3A_717 : vector<1x16xf32> to vector<16xf32>
      %get3A_719 = arith.constant 0 : i32
      %get3A_720 = arith.index_cast %get3A_719 : i32 to index
      %get3A_721 = arith.index_cast %scan3A_600 : i32 to index
      %get3A_722 = arith.constant 48 : index
      %get3A_723 = tpu.vector_load %arg7[%get3A_720, %get3A_721, %get3A_722] {strides = array<i32>} : memref<2x200x64xf32, #tpu.memory_space<vmem>>, vector<1x1x16xf32>,
      %get3A_724 = vector.shape_cast %get3A_723 : vector<1x1x16xf32> to vector<16xf32>
      %mul3A_725 = arith.constant 8.000000e+00 : f32
      %mul3A_726 = vector.broadcast %mul3A_725 : f32 to vector<16xf32>
      %mul3A_727 = arith.mulf %get3A_724, %mul3A_726 : vector<16xf32>
      %add3A_728 = arith.addf %mul3A_727, %get3A_718 : vector<16xf32>
      %swap3A_729 = arith.constant 0 : i32
      %swap3A_730 = arith.index_cast %swap3A_729 : i32 to index
      %swap3A_731 = arith.index_cast %scan3A_600 : i32 to index
      %swap3A_732 = arith.constant 48 : index
      %swap3A_733 = tpu.vector_load %arg7[%swap3A_730, %swap3A_731, %swap3A_732] {strides = array<i32>} : memref<2x200x64xf32, #tpu.memory_space<vmem>>, vector<1x1x16xf32>,
      %swap3A_734 = vector.shape_cast %swap3A_733 : vector<1x1x16xf32> to vector<16xf32>
      %swap3A_735 = vector.shape_cast %add3A_728 : vector<16xf32> to vector<1x1x16xf32>
      tpu.vector_store %arg7[%swap3A_730, %swap3A_731, %swap3A_732], %swap3A_735 {strides = array<i32>} : memref<2x200x64xf32, #tpu.memory_space<vmem>>, vector<1x1x16xf32>,
      %get3A_736 = arith.constant 1 : i32
      %get3A_737 = arith.index_cast %get3A_736 : i32 to index
      %get3A_738 = arith.index_cast %scan3A_600 : i32 to index
      %get3A_739 = arith.constant 48 : index
      %get3A_740 = tpu.vector_load %arg7[%get3A_737, %get3A_738, %get3A_739] {strides = array<i32>} : memref<2x200x64xf32, #tpu.memory_space<vmem>>, vector<1x1x16xf32>,
      %get3A_741 = vector.shape_cast %get3A_740 : vector<1x1x16xf32> to vector<16xf32>
      %mul3A_742 = arith.constant 8.000000e+00 : f32
      %mul3A_743 = vector.broadcast %mul3A_742 : f32 to vector<16xf32>
      %mul3A_744 = arith.mulf %get3A_741, %mul3A_743 : vector<16xf32>
      %add3A_745 = arith.addf %mul3A_744, %get3A_718 : vector<16xf32>
      %swap3A_746 = arith.constant 1 : i32
      %swap3A_747 = arith.index_cast %swap3A_746 : i32 to index
      %swap3A_748 = arith.index_cast %scan3A_600 : i32 to index
      %swap3A_749 = arith.constant 48 : index
      %swap3A_750 = tpu.vector_load %arg7[%swap3A_747, %swap3A_748, %swap3A_749] {strides = array<i32>} : memref<2x200x64xf32, #tpu.memory_space<vmem>>, vector<1x1x16xf32>,
      %swap3A_751 = vector.shape_cast %swap3A_750 : vector<1x1x16xf32> to vector<16xf32>
      %swap3A_752 = vector.shape_cast %add3A_745 : vector<16xf32> to vector<1x1x16xf32>
      tpu.vector_store %arg7[%swap3A_747, %swap3A_748, %swap3A_749], %swap3A_752 {strides = array<i32>} : memref<2x200x64xf32, #tpu.memory_space<vmem>>, vector<1x1x16xf32>,
    }
    %scan3A_115 = arith.constant 200 : i32
    %add3A_116 = arith.constant 126 : i32
    %add3A_117 = arith.addi %mul3A_2, %add3A_116 : i32
    %dma_start3A_118 = arith.constant 0 : i32
    %dma_start3A_119 = arith.constant 0 : i32
    %dma_start3A_120 = tpu.memref_slice %arg5[%add3A_117, %dma_start3A_118, %dma_start3A_119] : memref<4096x200x64xf32, #tpu.memory_space<hbm>> -> memref<2x200x64xf32, #tpu.memory_space<hbm>>
    %dma_start3A_121 = arith.constant 0 : i32
    %dma_start3A_122 = arith.constant 0 : i32
    %dma_start3A_123 = tpu.memref_slice %arg5[%add3A_117, %dma_start3A_121, %dma_start3A_122] : memref<4096x200x64xf32, #tpu.memory_space<hbm>> -> memref<2x200x64xf32, #tpu.memory_space<hbm>>
    tpu.enqueue_dma source(%arg7 : memref<2x200x64xf32, #tpu.memory_space<vmem>>) target(%dma_start3A_123 : memref<2x200x64xf32, #tpu.memory_space<hbm>>) target_semaphore(%arg14 : memref<!tpu.dma_semaphore, #tpu.memory_space<semaphore_mem>>)
    %add3A_124 = arith.constant 124 : i32
    %add3A_125 = arith.addi %mul3A_2, %add3A_124 : i32
    %dma_wait3A_126 = arith.constant 0 : i32
    %dma_wait3A_127 = arith.constant 0 : i32
    %dma_wait3A_128 = tpu.memref_slice %arg5[%add3A_125, %dma_wait3A_126, %dma_wait3A_127] : memref<4096x200x64xf32, #tpu.memory_space<hbm>> -> memref<2x200x64xf32, #tpu.memory_space<hbm>>
    %dma_wait3A_129 = arith.constant 0 : i32
    %dma_wait3A_130 = arith.constant 0 : i32
    %dma_wait3A_131 = tpu.memref_slice %arg5[%add3A_125, %dma_wait3A_129, %dma_wait3A_130] : memref<4096x200x64xf32, #tpu.memory_space<hbm>> -> memref<2x200x64xf32, #tpu.memory_space<hbm>>
    tpu.wait_dma2 semaphore(%arg16 : memref<!tpu.dma_semaphore, #tpu.memory_space<semaphore_mem>>) src(%arg9 : memref<2x200x64xf32, #tpu.memory_space<vmem>>) dst(%dma_wait3A_131 : memref<2x200x64xf32, #tpu.memory_space<hbm>>)
    %add3A_132 = arith.constant 126 : i32
    %add3A_133 = arith.addi %mul3A_2, %add3A_132 : i32
    %dma_wait3A_134 = arith.constant 0 : i32
    %dma_wait3A_135 = arith.constant 0 : i32
    %dma_wait3A_136 = tpu.memref_slice %arg5[%add3A_133, %dma_wait3A_134, %dma_wait3A_135] : memref<4096x200x64xf32, #tpu.memory_space<hbm>> -> memref<2x200x64xf32, #tpu.memory_space<hbm>>
    %dma_wait3A_137 = arith.constant 0 : i32
    %dma_wait3A_138 = arith.constant 0 : i32
    %dma_wait3A_139 = tpu.memref_slice %arg5[%add3A_133, %dma_wait3A_137, %dma_wait3A_138] : memref<4096x200x64xf32, #tpu.memory_space<hbm>> -> memref<2x200x64xf32, #tpu.memory_space<hbm>>
    tpu.wait_dma2 semaphore(%arg14 : memref<!tpu.dma_semaphore, #tpu.memory_space<semaphore_mem>>) src(%arg7 : memref<2x200x64xf32, #tpu.memory_space<vmem>>) dst(%dma_wait3A_139 : memref<2x200x64xf32, #tpu.memory_space<hbm>>)
    return
  }
}

</mosaic_0001>

<sc_bundles>
// kernel: kernel.3.cloned.1.call-start
scs
__scs_entry_jumppad:
0x0: {  	(pc) =	sbr.rel $0x88, $3  }
0x1: {  	(tag) =	ssettag $0x0;
	lr =	simm.s32 $0x1  }
0x2: {  	[smem:$0x3F9F] =	sst lr;
	_ =	strace $0xD0000000  }
0x3: {  	_ = 	snop  }
0x4: {  	_ = 	snop  }
0x5: {  	_ = 	snop  }
0x6: {  	_ = 	snop  }
0x7: {  	_ = 	snop  }
__scs_overlays_trampoline_lowered:
0x8: {  	[smem:$0x3FAE] =	sst s0  }
0x9: {  	[smem:$0x3FAF] =	sst s1  }
0xa: {  	[smem:$0x3FB0] =	sst s2  }
0xb: {  	[smem:$0x3FB1] =	sst s3  }
0xc: {  	[smem:$0x3FB2] =	sst s4  }
0xd: {  	[smem:$0x3FB3] =	sst s5  }
0xe: {  	[smem:$0x3FB4] =	sst s6  }
0xf: {  	[smem:$0x3FB5] =	sst s7  }
0x10: {  	[smem:$0x3FB6] =	sst s8  }
0x11: {  	[smem:$0x3FB7] =	sst s9;
	s0 =	simm.s32 @!p0 $0x0  }
0x12: {  	s1 =	sld [smem:$0x3F9D];
	s0 =	simm.s32 @p0 $0x1  }
0x13: {  	[smem:$0x3FB8] =	sst s0;
	s0 =	simm.s32 @!p1 $0x0  }
0x14: {  	s2 =	sld [smem:$0x3F9C];
	s0 =	simm.s32 @p1 $0x1  }
0x15: {  	[smem:$0x3FB9] =	sst s0;
	s0 =	simm.s32 @!p2 $0x0  }
0x16: {  	s3 =	sld [smem:$0x3FDB];
	s0 =	simm.s32 @p2 $0x1  }
0x17: {  	s4 =	simm.s32 $0x1BF5;
	[smem:$0x3FBB] =	sst s0  }
0x18: {  	s0 =	sld [smem:$0x3F9E];
	_ =	swait.ge [sflag:s4], $0x0  }
0x19: {  	s7 =	sld [smem:$0x3F9F]  }
0x1a: {  	s8 =	sadd.s32 $0xFFFFE003, lr  }
0x1b: {  	s9 =	sadd.s32 $0xFFFFFEF7, lr;
	s5 =	simm.s32 $0xFFFFFFFF;
	p2 =	slt.u32 s8, $0xFFFFF086  }
0x1c: {  	p1 =	slt.u32 s9, $0xF7A;
	s5 =	simm.s32 @!p2 $0x0  }
0x1d: {  	s5 =	simm.s32 @p1 $0x1;
	p0 =	seq.s32 s7, s2  }
0x1e: {  	s7 =	smul.u32 @!p0 $0xF7A, s2;
	p2 =	seq.s32 @!p0 s5, $0x0  }
0x1f: {  	s9 =	smul.u32 $0xF7A, s1;
	s8 =	simm.s32 @!p0 $0x1BF5;
	p2 =	por !p2, p0  }
0x20: {  	[sflag:s8] =	ssyncset.s32 @!p0 $0xFFFFF086;
	s6 =	sadd.s32 @!p0 s3, s7;
	s7 =	simm.s32 @!p0 $0x108  }
0x21: {  	s3 =	sadd.s32 s3, s9;
	s6 =	sadd.s32 @!p0 $0x88, s6;
	s7 =	simm.s32 @p2 $0x1082  }
0x22: {  	[simem:s7], [sflag:s8] =	dma.local @!p0 [hbm:s6], $0xF7A  }
0x23: {  	s9 =	sor.u32 $0xD0000000, s2;
	s6 =	simm.s32 $0x108;
	_ =	swait.ge @!p0 [sflag:s8], $0x0  }
0x24: {  	s3 =	sadd.s32 $0x88, s3;
	s6 =	simm.s32 @!p1 $0x1082;
	[sflag:s4] =	ssyncset.s32 $0xFFFFF086  }
0x25: {  	[simem:s6], [sflag:s4] =	dma.local [hbm:s3], $0xF7A  }
0x26: {  	[smem:$0x3F9F] =	sst s1;
	(tag) =	ssettag s2;
	_ =	strace s9  }
0x27: {  	s1 =	sld [smem:$0x3FAF]  }
0x28: {  	s2 =	sld [smem:$0x3FB0]  }
0x29: {  	s4 =	sld [smem:$0x3FB2]  }
0x2a: {  	p0 =	seq.s32 s5, $0x0;
	s5 =	sld [smem:$0x3FB3]  }
0x2b: {  	s6 =	sld [smem:$0x3FB4]  }
0x2c: {  	s7 =	sld [smem:$0x3FB5]  }
0x2d: {  	s3 =	simm.s32 $0x108;
	s8 =	sld [smem:$0x3FB6]  }
0x2e: {  	s3 =	simm.s32 @!p0 $0x1082;
	s9 =	sld [smem:$0x3FB7]  }
0x2f: {  	lr =	sadd.s32 s0, s3;
	s0 =	sld [smem:$0x3FAE]  }
0x30: {  	s3 =	sld [smem:$0x3FB1]  }
0x31: {  	[smem:$0x3FBA] =	sst s10  }
0x32: {  	s10 =	sld [smem:$0x3FB8];
	_ =	sdelay $0x3  }
0x33: {  	p0 =	seq.s32 s10, $0x1;
	s10 =	sld [smem:$0x3FBA];
	_ =	sdelay $0x3  }
0x34: {  	[smem:$0x3FBA] =	sst s10  }
0x35: {  	s10 =	sld [smem:$0x3FB9];
	_ =	sdelay $0x3  }
0x36: {  	p1 =	seq.s32 s10, $0x1;
	s10 =	sld [smem:$0x3FBA];
	_ =	sdelay $0x3  }
0x37: {  	[smem:$0x3FBA] =	sst s10  }
0x38: {  	s10 =	sld [smem:$0x3FBB]  }
0x39: {  	_ = 	snop;
	(pc) =	sbr.ind lr, $3  }
0x3a: {  	_ = 	snop  }
0x3b: {  	_ = 	snop  }
0x3c: {  	p2 =	seq.s32 s10, $0x1;
	s10 =	sld [smem:$0x3FBA]  }
0x3d: {  	_ =	shalt  }
0x3e: {  	_ =	shalt  }
0x3f: {  	_ =	shalt  }
0x40: {  	_ =	shalt  }
0x41: {  	_ =	shalt  }
0x42: {  	_ =	shalt  }
0x43: {  	_ =	shalt  }
0x44: {  	_ =	shalt  }
0x45: {  	_ =	shalt  }
0x46: {  	_ =	shalt  }
0x47: {  	_ =	shalt  }
0x48: {  	_ =	shalt  }
0x49: {  	_ =	shalt  }
0x4a: {  	_ =	shalt  }
0x4b: {  	_ =	shalt  }
0x4c: {  	_ =	shalt  }
0x4d: {  	_ =	shalt  }
0x4e: {  	_ =	shalt  }
0x4f: {  	_ =	shalt  }
0x50: {  	_ =	shalt  }
0x51: {  	_ =	shalt  }
0x52: {  	_ =	shalt  }
0x53: {  	_ =	shalt  }
0x54: {  	_ =	shalt  }
0x55: {  	_ =	shalt  }
0x56: {  	_ =	shalt  }
0x57: {  	_ =	shalt  }
0x58: {  	_ =	shalt  }
0x59: {  	_ =	shalt  }
0x5a: {  	_ =	shalt  }
0x5b: {  	_ =	shalt  }
0x5c: {  	_ =	shalt  }
0x5d: {  	_ =	shalt  }
0x5e: {  	_ =	shalt  }
0x5f: {  	_ =	shalt  }
0x60: {  	_ =	shalt  }
0x61: {  	_ =	shalt  }
0x62: {  	_ =	shalt  }
0x63: {  	_ =	shalt  }
0x64: {  	_ =	shalt  }
0x65: {  	_ =	shalt  }
0x66: {  	_ =	shalt  }
0x67: {  	_ =	shalt  }
0x68: {  	_ =	shalt  }
0x69: {  	_ =	shalt  }
0x6a: {  	_ =	shalt  }
0x6b: {  	_ =	shalt  }
0x6c: {  	_ =	shalt  }
0x6d: {  	_ =	shalt  }
0x6e: {  	_ =	shalt  }
0x6f: {  	_ =	shalt  }
0x70: {  	_ =	shalt  }
0x71: {  	_ =	shalt  }
0x72: {  	_ =	shalt  }
0x73: {  	_ =	shalt  }
0x74: {  	_ =	shalt  }
0x75: {  	_ =	shalt  }
0x76: {  	_ =	shalt  }
0x77: {  	_ =	shalt  }
0x78: {  	_ =	shalt  }
0x79: {  	_ =	shalt  }
0x7a: {  	_ =	shalt  }
0x7b: {  	_ =	shalt  }
0x7c: {  	_ =	shalt  }
0x7d: {  	_ =	shalt  }
0x7e: {  	_ =	shalt  }
0x7f: {  	_ =	shalt  }
0x80: {  	_ =	shalt  }
0x81: {  	_ =	shalt  }
0x82: {  	_ =	shalt  }
0x83: {  	_ =	shalt  }
0x84: {  	_ =	shalt  }
0x85: {  	_ =	shalt  }
0x86: {  	_ =	shalt  }
0x87: {  	_ =	shalt  }
.Lfunc_end0:
.L_simem_size_0:
called_computation.1_lowered:
.L_overlay_start_0:
0x88: {  	s2 =	sld [smem:$0x3FD9]  }
0x89: {  	s3 =	sld [smem:$0x3FFE];
	_ =	sdelay $0x1  }
0x8a: {  	s1 =	srdreg.scid  }
0x8b: {  	s0 =	sand.u32 $0x1, s1  }
0x8c: {  	s17 =	sshll.u32 s0, $0xA;
	s2 =	sadd.s32 s3, s2  }
0x8d: {  	s2 =	sadd.s32 s2, s17  }
0x8e: {  	[smem:$0x3FC6] =	sst s2  }
0x8f: {  	_ = 	snop  }
0x90: {  	s2 =	sld [smem:$0x3FD0];
	(tm) =	ssettm $0x1  }
0x91: {  	s18 =	sld [smem:$0x3FFB];
	_ =	sdelay $0x3  }
0x92: {  	_ =	strace s18  }
0x93: {  	s3 =	sld [smem:$0x3FFC];
	_ =	sdelay $0x3  }
0x94: {  	_ =	strace s3  }
0x95: {  	s3 =	sld [smem:$0x3FFD];
	_ =	sdelay $0x3  }
0x96: {  	_ =	strace s3  }
0x97: {  	_ =	strace $0x8FFFFFFF  }
0x98: {  	s19 =	sld [smem:$0x3FDB];
	_ =	sdelay $0x1  }
0x99: {  	s4 =	simm.s32 $_scs_section_size  }
0x9a: {  	s5 =	simm.s32 $_size__tile_overlayer_lowered;
	s6 =	simm.s32 $_tile_overlayer_lowered  }
0x9b: {  	s22 =	simm.s32 $0x1BFF;
	s21 =	sshll.u32 s6, $0x1;
	s3 =	sadd.s32 s4, s19  }
0x9c: {  	s7 =	simm.s32 $0x0;
	s20 =	sshll.u32 s5, $0x1;
	s5 =	sadd.s32 s21, s3  }
0x9d: {  	[timem:s7], [sflag:s22] =	dma.local [hbm:s5], s20  }
0x9e: {  	_ =	swait.ge [sflag:s22], s20  }
0x9f: {  	s4 =	ssub.s32 $0x0, s20;
	[sflag:s22] =	ssyncset.done $0x0  }
0xa0: {  	[sflag:s22] =	ssyncadd.s32 s4;
	_ =	sdelay $0x1  }
0xa1: {  	s23 =	simm.s32 $0x1B8B  }
0xa2: {  	_ =	swait.ge [sflag:s23], $0x1  }
0xa3: {  	[sflag:s23] =	ssyncset.done $0x0  }
0xa4: {  	s25 =	simm.s32 $0x1B8E;
	s24 =	sld [smem:$0x3FFE];
	[sflag:s23] =	ssyncadd.s32 $0xFFFFFFFF  }
0xa5: {  	s26 =	simm.s32 $execute0_lowered;
	[smem:$0x3FD2] =	sst s25  }
0xa6: {  	s5 =	sshll.u32 s26, $0x1;
	_ =	strace $0x80000046;
	[dreg:$0x1] =	wrdreg $0xFFFFFFFF  }
0xa7: {  	s28 =	simm.s32 $_size_execute0_lowered;
	s3 =	sadd.s32 s3, s5;
	[dreg:$0x0] =	wrdreg $0x0  }
0xa8: {  	s5 =	sshll.u32 s28, $0x1;
	[dreg:$0x2] =	wrdreg s3  }
0xa9: {  	[dreg:$0x3] =	wrdreg s5  }
0xaa: {  	[dreg:$0x4] =	wrdreg $0xC0  }
0xab: {  	_ =	task [dreg:s7], $0x5FFFF  }
0xac: {  	[dreg:$0x1] =	wrdreg $0xFFFFFFFF  }
0xad: {  	[dreg:$0x0] =	wrdreg $0x60  }
0xae: {  	[dreg:$0x2] =	wrdreg s24  }
0xaf: {  	[dreg:$0x3] =	wrdreg s2  }
0xb0: {  	[dreg:$0x4] =	wrdreg $0x9  }
0xb1: {  	_ =	task.clear_ibuf [dreg:s7], $0x5FFFF;
	_ =	strace $0x90000046  }
0xb2: {  	s29 =	simm.s32 $0x9;
	_ =	strace $0x80000048  }
0xb3: {  	_ =	swait.ge [sflag:s29], $0x1  }
0xb4: {  	[sflag:s29] =	ssyncadd.s32 $0xFFFFFFFF  }
0xb5: {  	_ =	strace $0x90000048  }
0xb6: {  	_ =	sfence  }
0xb7: {  	s30 =	sld [smem:$0x0];
	_ =	sdelay $0x2  }
0xb8: {  	s31 =	sshll.u32 s1, $0xD;
	s1 =	sshrl.u32 s1, $0x2  }
0xb9: {  	s3 =	sand.u32 $0x4000, s31;
	s1 =	sadd.s32 s1, s30  }
0xba: {  	s0 =	sor.u32 s3, s0;
	s1 =	sshll.u32 s1, $0x11  }
0xbb: {  	s0 =	sor.u32 s1, s0  }
0xbc: {  	s0 =	sadd.s32 $0x8F2B, s0  }
0xbd: {  	[sflag:s0] =	ssyncadd.remote.s32 $0x1  }
0xbe: {  	_ =	sfence.sel $0xFFFF  }
0xbf: {  	[dreg:$0x0] =	wrdreg $0xFFFFFFFF;
	(pc) =	sbr.abs _section_cstart, $3  }
0xc0: {  	[dreg:$0x1] =	wrdreg $0xFFFFFFFF  }
0xc1: {  	_ =	task.clear_ibuf [dreg:s7], $0x2FFFF;
	_ =	strace $0x9FFFFFFF  }
0xc2: {  	(tm) =	ssettm $0x7FFFFFFF  }
0xc3: {  	_ =	shalt  }
tec
execute0_lowered:
.L_overlay_start_1:
0x0: {  	(tag) =	ssettag $0x1  }
0x1: {  	s0 =	rddreg [dreg:$0x0];
	s1 =	srdreg.scid  }
0x2: {  	s3 =	stileid.u32;
	s2 =	rddreg [dreg:$0x1];
	s11 =	simm.s32 $0x7  }
0x3: {  	s12 =	simm.s32 $0x64;
	s13 =	simm.s32 $0x6800;
	s15 =	simm.s32 $0x8100  }
0x4: {  	s17 =	simm.s32 $0x9A00;
	s19 =	simm.s32 $0xB300;
	s20 =	simm.s32 $0xCC00  }
0x5: {  	s21 =	simm.s32 $0xE500;
	s22 =	simm.s32 $0xFE00;
	s23 =	simm.s32 $0x11700  }
0x6: {  	s28 =	simm.s32 $0x16200;
	s29 =	simm.s32 $0x17B00;
	s30 =	simm.s32 $0x2  }
0x7: {  	s31 =	simm.s32 $0x4;
	s1 =	sand.u32 $0x1, s1;
	s4 =	sshll.u32 s3, $0x1  }
0x8: {  	s14 =	simm.s32 $0x0;
	s3 =	simm.s32 $0x0;
	s5 =	sor.u32 s1, s4  }
0x9: {  	[smem:$0x7FF] =	sst s3;
	s1 =	ssub.s32 $0x2, s1;
	s4 =	smul.u32 $0xD00, s5  }
0xa: {  	_ =	strace $0x80000047;
	s6 =	smul.u32 $0x190000, s5;
	s8 =	sshrl.u32 s1, $0x1  }
0xb: {  	s24 =	ssub.s32 s1, s8;
	s7 =	sadd.s32 s4, s0;
	s4 =	sadd.s32 $0xF43000, s0  }
0xc: {  	s0 =	sadd.s32 $0x1AC00, s0;
	s25 =	sshrl.u32 s6, $0x3;
	s6 =	sshll.u32 s5, $0x7  }
0xd: {  	[dreg:$0x3] =	wrdreg s0;
	s26 =	sadd.s32 $0xC00, s7;
	s1 =	sadd.s32 s2, s25  }
0xe: {  	s0 =	smax.u32 s24, $0x1;
	s24 =	simm.s32 $0x1;
	[dreg:$0x4] =	wrdreg s26  }
0xf: {  	s25 =	simm.s32 $0x13000;
	s1 =	sadd.s32 $0x31380, s1;
	[dreg:$0x6] =	wrdreg s0  }
0x10: {  	s26 =	simm.s32 $0x14900;
	[dreg:$0x5] =	wrdreg s1;
	s1 =	simm.s32 $0x3  }
.LBB2_1:
0x11: {  	s0 =	rddreg [dreg:$0x3];
	s5 =	simm.s32 $0x19400  }
0x12: {  	[tilespmem:s5], [sflag:$0x7] =	stream.linear.gather [hbm4b:s0+s3], $0x3200, $0x38;
	[tilespmem:$0x1C600] =	vst v63  }
0x13: {  	_ =	swait.ge [sflag:s11], $0x3200  }
0x14: {  	[sflag:s11] =	ssyncset.done $0x0  }
0x15: {  	s9 =	rddreg [dreg:$0x4];
	[sflag:s11] =	ssyncadd.s32 $0xFFFFCE00  }
0x16: {  	[tilespmem:s3], [sflag:$0x7] =	stream.linear.gather [hbm4b:s9+s3], $0x6800, $0x38;
	[tilespmem:$0x1C600] =	vst v63  }
0x17: {  	_ =	swait.ge [sflag:s11], $0x6800  }
0x18: {  	[sflag:s11] =	ssyncset.done $0x0  }
0x19: {  	[sflag:s11] =	ssyncadd.s32 $0xFFFF9800  }
0x1a: {  	[tilespmem:s13], [sflag:$0x1] =	stream.indirect.gather [hbm4b:s4+s12], $0x40, s3, s12, $0xb8;
	[tilespmem:$0x1C600] =	vst v63  }
0x1b: {  	s10 =	simm.s32 $0x68  }
0x1c: {  	[tilespmem:s15], [sflag:$0x1] =	stream.indirect.gather [hbm4b:s4+s12], $0x40, s10, s12, $0xb8;
	[tilespmem:$0x1C600] =	vst v63  }
0x1d: {  	s16 =	simm.s32 $0xD0  }
0x1e: {  	[tilespmem:s17], [sflag:$0x1] =	stream.indirect.gather [hbm4b:s4+s12], $0x40, s16, s12, $0xb8;
	[tilespmem:$0x1C600] =	vst v63  }
0x1f: {  	s18 =	simm.s32 $0x138;
	s16 =	simm.s32 $0x0  }
0x20: {  	[tilespmem:s19], [sflag:$0x1] =	stream.indirect.gather [hbm4b:s4+s12], $0x40, s18, s12, $0xb8;
	[tilespmem:$0x1C600] =	vst v63  }
.LBB2_2:
0x21: {  	s5 =	smul.u32 $0x3, s16  }
0x22: {  	p0 =	seq.s32 s16, $0x0  }
0x23: {  	s0 =	simm.s32 @!p0 $0x5;
	s18 =	sadd.s32 $0x1, s5  }
0x24: {  	_ =	swait.ge @!p0 [sflag:s0], $0x6400;
	s7 =	smul.u32 $0x680, s18  }
0x25: {  	[sflag:s0] =	ssyncset.done @!p0 $0x0  }
0x26: {  	[sflag:s0] =	ssyncadd.s32 @!p0 $0xFFFF9C00;
	s9 =	sshra.s32 s7, $0x2  }
0x27: {  	[tilespmem:s20], [sflag:$0x2] =	stream.indirect.gather [hbm4b:s4+s12], $0x40, s9, s12, $0xb8;
	[tilespmem:$0x1C600] =	vst v63  }
0x28: {  	s7 =	sadd.s32 $0x68, s9  }
0x29: {  	[tilespmem:s21], [sflag:$0x2] =	stream.indirect.gather [hbm4b:s4+s12], $0x40, s7, s12, $0xb8;
	[tilespmem:$0x1C600] =	vst v63  }
0x2a: {  	s10 =	sadd.s32 $0xD0, s9  }
0x2b: {  	[tilespmem:s22], [sflag:$0x2] =	stream.indirect.gather [hbm4b:s4+s12], $0x40, s10, s12, $0xb8;
	[tilespmem:$0x1C600] =	vst v63  }
0x2c: {  	s0 =	sadd.s32 $0x138, s9  }
0x2d: {  	[tilespmem:s23], [sflag:$0x2] =	stream.indirect.gather [hbm4b:s4+s12], $0x40, s0, s12, $0xb8;
	[tilespmem:$0x1C600] =	vst v63  }
0x2e: {  	_ =	swait.ge [sflag:s24], $0x1900  }
0x2f: {  	[sflag:s24] =	ssyncset.done $0x0  }
0x30: {  	[sflag:s24] =	ssyncadd.s32 $0xFFFFE700  }
0x31: {  	_ =	swait.ge [sflag:s24], $0x1900  }
0x32: {  	[sflag:s24] =	ssyncset.done $0x0  }
0x33: {  	[sflag:s24] =	ssyncadd.s32 $0xFFFFE700  }
0x34: {  	_ =	swait.ge [sflag:s24], $0x1900  }
0x35: {  	[sflag:s24] =	ssyncset.done $0x0  }
0x36: {  	[sflag:s24] =	ssyncadd.s32 $0xFFFFE700  }
0x37: {  	_ =	swait.ge [sflag:s24], $0x1900  }
0x38: {  	[sflag:s24] =	ssyncset.done $0x0  }
0x39: {  	s7 =	simm.s32 $0x9AF0;
	[sflag:s24] =	ssyncadd.s32 $0xFFFFE700  }
0x3a: {  	v0 =	vld [tilespmem:s7+$0xFFFFCD10]  }
0x3b: {  	s8 =	simm.s32 $0x19480;
	v1 =	vld [tilespmem:s7+$0xFFFFFF10]  }
0x3c: {  	v2 =	vld [tilespmem:s8+$0xFFFFFF80];
	_ =	sdelay $0x2  }
0x3d: {  	v0 =	vmul.f32 $8.000000000e+00, v0  }
0x3e: {  	v1 =	vmul.f32 $8.000000000e+00, v1  }
0x3f: {  	v0 =	vadd.f32 v0, v2  }
0x40: {  	v1 =	vadd.f32 v1, v2  }
0x41: {  	[tilespmem:s7+$0xFFFFCD10] =	vst v0;
	v0 =	vld [tilespmem:s7+$0xFFFFCD20]  }
0x42: {  	v2 =	vld [tilespmem:s7+$0xFFFFFF20];
	[tilespmem:s7+$0xFFFFFF10] =	vst v1  }
0x43: {  	v1 =	vld [tilespmem:s8+$0xFFFFFF90];
	_ =	sdelay $0x2  }
0x44: {  	v0 =	vmul.f32 $8.000000000e+00, v0  }
0x45: {  	v2 =	vmul.f32 $8.000000000e+00, v2  }
0x46: {  	v0 =	vadd.f32 v0, v1  }
0x47: {  	v1 =	vadd.f32 v2, v1  }
0x48: {  	[tilespmem:s7+$0xFFFFCD20] =	vst v0;
	v0 =	vld [tilespmem:s7+$0xFFFFCD30]  }
0x49: {  	v2 =	vld [tilespmem:s7+$0xFFFFFF30];
	[tilespmem:s7+$0xFFFFFF20] =	vst v1  }
0x4a: {  	v1 =	vld [tilespmem:s8+$0xFFFFFFA0];
	_ =	sdelay $0x2  }
0x4b: {  	v0 =	vmul.f32 $8.000000000e+00, v0  }
0x4c: {  	v2 =	vmul.f32 $8.000000000e+00, v2  }
0x4d: {  	v0 =	vadd.f32 v0, v1  }
0x4e: {  	v1 =	vadd.f32 v2, v1  }
0x4f: {  	[tilespmem:s7+$0xFFFFCD30] =	vst v0;
	v0 =	vld [tilespmem:s7+$0xFFFFCD40]  }
0x50: {  	v2 =	vld [tilespmem:s7+$0xFFFFFF40];
	[tilespmem:s7+$0xFFFFFF30] =	vst v1  }
0x51: {  	v1 =	vld [tilespmem:s8+$0xFFFFFFB0];
	_ =	sdelay $0x2  }
0x52: {  	v0 =	vmul.f32 $8.000000000e+00, v0  }
0x53: {  	v2 =	vmul.f32 $8.000000000e+00, v2  }
0x54: {  	v0 =	vadd.f32 v0, v1  }
0x55: {  	v1 =	vadd.f32 v2, v1  }
0x56: {  	[tilespmem:s7+$0xFFFFCD40] =	vst v0;
	v0 =	vld [tilespmem:s7+$0xFFFFCD50]  }
0x57: {  	v2 =	vld [tilespmem:s7+$0xFFFFFF50];
	[tilespmem:s7+$0xFFFFFF40] =	vst v1  }
0x58: {  	v1 =	vld [tilespmem:s8+$0xFFFFFFC0];
	_ =	sdelay $0x2  }
0x59: {  	v0 =	vmul.f32 $8.000000000e+00, v0  }
0x5a: {  	v2 =	vmul.f32 $8.000000000e+00, v2  }
0x5b: {  	v0 =	vadd.f32 v0, v1  }
0x5c: {  	v1 =	vadd.f32 v2, v1  }
0x5d: {  	[tilespmem:s7+$0xFFFFCD50] =	vst v0;
	v0 =	vld [tilespmem:s7+$0xFFFFCD60]  }
0x5e: {  	v2 =	vld [tilespmem:s7+$0xFFFFFF60];
	[tilespmem:s7+$0xFFFFFF50] =	vst v1  }
0x5f: {  	v1 =	vld [tilespmem:s8+$0xFFFFFFD0];
	_ =	sdelay $0x2  }
0x60: {  	v0 =	vmul.f32 $8.000000000e+00, v0  }
0x61: {  	v2 =	vmul.f32 $8.000000000e+00, v2  }
0x62: {  	v0 =	vadd.f32 v0, v1  }
0x63: {  	v1 =	vadd.f32 v2, v1  }
0x64: {  	[tilespmem:s7+$0xFFFFCD60] =	vst v0;
	v0 =	vld [tilespmem:s7+$0xFFFFCD70]  }
0x65: {  	v2 =	vld [tilespmem:s7+$0xFFFFFF70];
	[tilespmem:s7+$0xFFFFFF60] =	vst v1  }
0x66: {  	v1 =	vld [tilespmem:s8+$0xFFFFFFE0];
	_ =	sdelay $0x2  }
0x67: {  	v0 =	vmul.f32 $8.000000000e+00, v0  }
0x68: {  	v2 =	vmul.f32 $8.000000000e+00, v2  }
0x69: {  	v0 =	vadd.f32 v0, v1  }
0x6a: {  	v1 =	vadd.f32 v2, v1  }
0x6b: {  	[tilespmem:s7+$0xFFFFCD70] =	vst v0;
	v0 =	vld [tilespmem:s7+$0xFFFFCD80]  }
0x6c: {  	v2 =	vld [tilespmem:s7+$0xFFFFFF80];
	[tilespmem:s7+$0xFFFFFF70] =	vst v1  }
0x6d: {  	v1 =	vld [tilespmem:s8+$0xFFFFFFF0];
	_ =	sdelay $0x2  }
0x6e: {  	v0 =	vmul.f32 $8.000000000e+00, v0  }
0x6f: {  	v2 =	vmul.f32 $8.000000000e+00, v2  }
0x70: {  	v0 =	vadd.f32 v0, v1  }
0x71: {  	v1 =	vadd.f32 v2, v1  }
0x72: {  	[tilespmem:s7+$0xFFFFCD80] =	vst v0;
	v0 =	vld [tilespmem:s7+$0xFFFFCD90]  }
0x73: {  	v2 =	vld [tilespmem:s7+$0xFFFFFF90];
	[tilespmem:s7+$0xFFFFFF80] =	vst v1  }
0x74: {  	v1 =	vld [tilespmem:s8+$0x0];
	_ =	sdelay $0x2  }
0x75: {  	v0 =	vmul.f32 $8.000000000e+00, v0  }
0x76: {  	v2 =	vmul.f32 $8.000000000e+00, v2  }
0x77: {  	v0 =	vadd.f32 v0, v1  }
0x78: {  	v1 =	vadd.f32 v2, v1  }
0x79: {  	[tilespmem:s7+$0xFFFFCD90] =	vst v0;
	v0 =	vld [tilespmem:s7+$0xFFFFCDA0]  }
0x7a: {  	v2 =	vld [tilespmem:s7+$0xFFFFFFA0];
	[tilespmem:s7+$0xFFFFFF90] =	vst v1  }
0x7b: {  	v1 =	vld [tilespmem:s8+$0x10];
	_ =	sdelay $0x2  }
0x7c: {  	v0 =	vmul.f32 $8.000000000e+00, v0  }
0x7d: {  	v2 =	vmul.f32 $8.000000000e+00, v2  }
0x7e: {  	v0 =	vadd.f32 v0, v1  }
0x7f: {  	v1 =	vadd.f32 v2, v1  }
0x80: {  	[tilespmem:s7+$0xFFFFCDA0] =	vst v0;
	v0 =	vld [tilespmem:s7+$0xFFFFCDB0]  }
0x81: {  	v2 =	vld [tilespmem:s7+$0xFFFFFFB0];
	[tilespmem:s7+$0xFFFFFFA0] =	vst v1  }
0x82: {  	v1 =	vld [tilespmem:s8+$0x20];
	_ =	sdelay $0x2  }
0x83: {  	v0 =	vmul.f32 $8.000000000e+00, v0  }
0x84: {  	v2 =	vmul.f32 $8.000000000e+00, v2  }
0x85: {  	v0 =	vadd.f32 v0, v1  }
0x86: {  	v1 =	vadd.f32 v2, v1  }
0x87: {  	[tilespmem:s7+$0xFFFFCDB0] =	vst v0;
	v0 =	vld [tilespmem:s7+$0xFFFFCDC0]  }
0x88: {  	v2 =	vld [tilespmem:s7+$0xFFFFFFC0];
	[tilespmem:s7+$0xFFFFFFB0] =	vst v1  }
0x89: {  	v1 =	vld [tilespmem:s8+$0x30];
	_ =	sdelay $0x2  }
0x8a: {  	v0 =	vmul.f32 $8.000000000e+00, v0  }
0x8b: {  	v2 =	vmul.f32 $8.000000000e+00, v2  }
0x8c: {  	v0 =	vadd.f32 v0, v1  }
0x8d: {  	v1 =	vadd.f32 v2, v1  }
0x8e: {  	[tilespmem:s7+$0xFFFFCDC0] =	vst v0;
	v0 =	vld [tilespmem:s7+$0xFFFFCDD0]  }
0x8f: {  	v2 =	vld [tilespmem:s7+$0xFFFFFFD0];
	[tilespmem:s7+$0xFFFFFFC0] =	vst v1  }
0x90: {  	v1 =	vld [tilespmem:s8+$0x40];
	_ =	sdelay $0x2  }
0x91: {  	v0 =	vmul.f32 $8.000000000e+00, v0  }
0x92: {  	v2 =	vmul.f32 $8.000000000e+00, v2  }
0x93: {  	v0 =	vadd.f32 v0, v1  }
0x94: {  	v1 =	vadd.f32 v2, v1  }
0x95: {  	[tilespmem:s7+$0xFFFFCDD0] =	vst v0;
	v0 =	vld [tilespmem:s7+$0xFFFFCDE0]  }
0x96: {  	v2 =	vld [tilespmem:s7+$0xFFFFFFE0];
	[tilespmem:s7+$0xFFFFFFD0] =	vst v1  }
0x97: {  	v1 =	vld [tilespmem:s8+$0x50];
	_ =	sdelay $0x2  }
0x98: {  	v0 =	vmul.f32 $8.000000000e+00, v0  }
0x99: {  	v2 =	vmul.f32 $8.000000000e+00, v2  }
0x9a: {  	v3 =	vadd.f32 v0, v1  }
0x9b: {  	v1 =	vadd.f32 v2, v1;
	v0 =	vld [tilespmem:s7+$0xFFFFFFF0]  }
0x9c: {  	v2 =	vld [tilespmem:s7+$0xFFFFCDF0];
	[tilespmem:s7+$0xFFFFCDE0] =	vst v3  }
0x9d: {  	[tilespmem:s7+$0xFFFFFFE0] =	vst v1  }
0x9e: {  	s9 =	simm.s32 $0x9AF0;
	s10 =	simm.s32 $0x0;
	s0 =	simm.s32 $0x19480;
	v1 =	vld [tilespmem:s8+$0x60]  }
.LBB2_3:
0x9f: {  	s10 =	sadd.s32 $0x4, s10;
	s7 =	sadd.s32 $0x100, s7;
	s8 =	sadd.s32 $0x100, s8  }
0xa0: {  	p1 =	slt.u32 s10, $0xC4  }
0xa1: {  	v0 =	vmul.f32 $8.000000000e+00, v0;
	v2 =	vmul.f32 $8.000000000e+00, v2;
	_ =	sdelay $0x1  }
0xa2: {  	v2 =	vadd.f32 v2, v1;
	v0 =	vadd.f32 v0, v1  }
0xa3: {  	v1 =	vld [tilespmem:s9+$0xFFFFCE00]  }
0xa4: {  	[tilespmem:s9+$0xFFFFCDF0] =	vst v2;
	v2 =	vld [tilespmem:s9+$0x0]  }
0xa5: {  	[tilespmem:s9+$0xFFFFFFF0] =	vst v0  }
0xa6: {  	v0 =	vld [tilespmem:s0+$0x70];
	s0 =	smov.u32 s8;
	_ =	sdelay $0x2  }
0xa7: {  	v1 =	vmul.f32 $8.000000000e+00, v1;
	v2 =	vmul.f32 $8.000000000e+00, v2;
	_ =	sdelay $0x1  }
0xa8: {  	v1 =	vadd.f32 v1, v0;
	v0 =	vadd.f32 v2, v0  }
0xa9: {  	v2 =	vld [tilespmem:s7+$0xFFFFFF10]  }
0xaa: {  	v3 =	vld [tilespmem:s7+$0xFFFFCD10];
	[tilespmem:s9+$0xFFFFCE00] =	vst v1  }
0xab: {  	[tilespmem:s9+$0x0] =	vst v0;
	s9 =	smov.u32 s7  }
0xac: {  	v0 =	vld [tilespmem:s8+$0xFFFFFF80];
	_ =	sdelay $0x2  }
0xad: {  	v2 =	vmul.f32 $8.000000000e+00, v2;
	v1 =	vmul.f32 $8.000000000e+00, v3;
	_ =	sdelay $0x1  }
0xae: {  	v1 =	vadd.f32 v1, v0;
	v0 =	vadd.f32 v2, v0  }
0xaf: {  	v2 =	vld [tilespmem:s7+$0xFFFFFF20]  }
0xb0: {  	[tilespmem:s7+$0xFFFFCD10] =	vst v1;
	v1 =	vld [tilespmem:s7+$0xFFFFCD20]  }
0xb1: {  	[tilespmem:s7+$0xFFFFFF10] =	vst v0  }
0xb2: {  	v0 =	vld [tilespmem:s8+$0xFFFFFF90];
	_ =	sdelay $0x2  }
0xb3: {  	v2 =	vmul.f32 $8.000000000e+00, v2;
	v1 =	vmul.f32 $8.000000000e+00, v1;
	_ =	sdelay $0x1  }
0xb4: {  	v1 =	vadd.f32 v1, v0;
	v0 =	vadd.f32 v2, v0  }
0xb5: {  	v2 =	vld [tilespmem:s7+$0xFFFFFF30]  }
0xb6: {  	[tilespmem:s7+$0xFFFFCD20] =	vst v1;
	v1 =	vld [tilespmem:s7+$0xFFFFCD30]  }
0xb7: {  	[tilespmem:s7+$0xFFFFFF20] =	vst v0  }
0xb8: {  	v0 =	vld [tilespmem:s8+$0xFFFFFFA0];
	_ =	sdelay $0x2  }
0xb9: {  	v2 =	vmul.f32 $8.000000000e+00, v2;
	v1 =	vmul.f32 $8.000000000e+00, v1;
	_ =	sdelay $0x1  }
0xba: {  	v1 =	vadd.f32 v1, v0;
	v0 =	vadd.f32 v2, v0  }
0xbb: {  	v2 =	vld [tilespmem:s7+$0xFFFFFF40]  }
0xbc: {  	[tilespmem:s7+$0xFFFFCD30] =	vst v1;
	v1 =	vld [tilespmem:s7+$0xFFFFCD40]  }
0xbd: {  	[tilespmem:s7+$0xFFFFFF30] =	vst v0  }
0xbe: {  	v0 =	vld [tilespmem:s8+$0xFFFFFFB0];
	_ =	sdelay $0x2  }
0xbf: {  	v2 =	vmul.f32 $8.000000000e+00, v2;
	v1 =	vmul.f32 $8.000000000e+00, v1;
	_ =	sdelay $0x1  }
0xc0: {  	v1 =	vadd.f32 v1, v0;
	v0 =	vadd.f32 v2, v0  }
0xc1: {  	v2 =	vld [tilespmem:s7+$0xFFFFFF50]  }
0xc2: {  	[tilespmem:s7+$0xFFFFCD40] =	vst v1;
	v1 =	vld [tilespmem:s7+$0xFFFFCD50]  }
0xc3: {  	[tilespmem:s7+$0xFFFFFF40] =	vst v0  }
0xc4: {  	v0 =	vld [tilespmem:s8+$0xFFFFFFC0];
	_ =	sdelay $0x2  }
0xc5: {  	v2 =	vmul.f32 $8.000000000e+00, v2;
	v1 =	vmul.f32 $8.000000000e+00, v1;
	_ =	sdelay $0x1  }
0xc6: {  	v1 =	vadd.f32 v1, v0;
	v0 =	vadd.f32 v2, v0  }
0xc7: {  	v2 =	vld [tilespmem:s7+$0xFFFFFF60]  }
0xc8: {  	[tilespmem:s7+$0xFFFFCD50] =	vst v1;
	v1 =	vld [tilespmem:s7+$0xFFFFCD60]  }
0xc9: {  	[tilespmem:s7+$0xFFFFFF50] =	vst v0  }
0xca: {  	v0 =	vld [tilespmem:s8+$0xFFFFFFD0];
	_ =	sdelay $0x2  }
0xcb: {  	v2 =	vmul.f32 $8.000000000e+00, v2;
	v1 =	vmul.f32 $8.000000000e+00, v1;
	_ =	sdelay $0x1  }
0xcc: {  	v1 =	vadd.f32 v1, v0;
	v0 =	vadd.f32 v2, v0  }
0xcd: {  	v2 =	vld [tilespmem:s7+$0xFFFFFF70]  }
0xce: {  	[tilespmem:s7+$0xFFFFCD60] =	vst v1;
	v1 =	vld [tilespmem:s7+$0xFFFFCD70]  }
0xcf: {  	[tilespmem:s7+$0xFFFFFF60] =	vst v0  }
0xd0: {  	v0 =	vld [tilespmem:s8+$0xFFFFFFE0];
	_ =	sdelay $0x2  }
0xd1: {  	v2 =	vmul.f32 $8.000000000e+00, v2;
	v1 =	vmul.f32 $8.000000000e+00, v1;
	_ =	sdelay $0x1  }
0xd2: {  	v1 =	vadd.f32 v1, v0;
	v0 =	vadd.f32 v2, v0  }
0xd3: {  	v2 =	vld [tilespmem:s7+$0xFFFFFF80]  }
0xd4: {  	[tilespmem:s7+$0xFFFFCD70] =	vst v1;
	v1 =	vld [tilespmem:s7+$0xFFFFCD80]  }
0xd5: {  	[tilespmem:s7+$0xFFFFFF70] =	vst v0  }
0xd6: {  	v0 =	vld [tilespmem:s8+$0xFFFFFFF0];
	_ =	sdelay $0x2  }
0xd7: {  	v2 =	vmul.f32 $8.000000000e+00, v2;
	v1 =	vmul.f32 $8.000000000e+00, v1;
	_ =	sdelay $0x1  }
0xd8: {  	v1 =	vadd.f32 v1, v0;
	v0 =	vadd.f32 v2, v0  }
0xd9: {  	v2 =	vld [tilespmem:s7+$0xFFFFFF90]  }
0xda: {  	[tilespmem:s7+$0xFFFFCD80] =	vst v1;
	v1 =	vld [tilespmem:s7+$0xFFFFCD90]  }
0xdb: {  	[tilespmem:s7+$0xFFFFFF80] =	vst v0  }
0xdc: {  	v0 =	vld [tilespmem:s8+$0x0];
	_ =	sdelay $0x2  }
0xdd: {  	v2 =	vmul.f32 $8.000000000e+00, v2;
	v1 =	vmul.f32 $8.000000000e+00, v1;
	_ =	sdelay $0x1  }
0xde: {  	v1 =	vadd.f32 v1, v0;
	v0 =	vadd.f32 v2, v0  }
0xdf: {  	v2 =	vld [tilespmem:s7+$0xFFFFFFA0]  }
0xe0: {  	[tilespmem:s7+$0xFFFFCD90] =	vst v1;
	v1 =	vld [tilespmem:s7+$0xFFFFCDA0]  }
0xe1: {  	[tilespmem:s7+$0xFFFFFF90] =	vst v0  }
0xe2: {  	v0 =	vld [tilespmem:s8+$0x10];
	_ =	sdelay $0x2  }
0xe3: {  	v2 =	vmul.f32 $8.000000000e+00, v2;
	v1 =	vmul.f32 $8.000000000e+00, v1;
	_ =	sdelay $0x1  }
0xe4: {  	v1 =	vadd.f32 v1, v0;
	v0 =	vadd.f32 v2, v0  }
0xe5: {  	v2 =	vld [tilespmem:s7+$0xFFFFFFB0]  }
0xe6: {  	[tilespmem:s7+$0xFFFFCDA0] =	vst v1;
	v1 =	vld [tilespmem:s7+$0xFFFFCDB0]  }
0xe7: {  	[tilespmem:s7+$0xFFFFFFA0] =	vst v0  }
0xe8: {  	v0 =	vld [tilespmem:s8+$0x20];
	_ =	sdelay $0x2  }
0xe9: {  	v2 =	vmul.f32 $8.000000000e+00, v2;
	v1 =	vmul.f32 $8.000000000e+00, v1;
	_ =	sdelay $0x1  }
0xea: {  	v1 =	vadd.f32 v1, v0;
	v0 =	vadd.f32 v2, v0  }
0xeb: {  	v2 =	vld [tilespmem:s7+$0xFFFFFFC0]  }
0xec: {  	[tilespmem:s7+$0xFFFFCDB0] =	vst v1;
	v1 =	vld [tilespmem:s7+$0xFFFFCDC0]  }
0xed: {  	[tilespmem:s7+$0xFFFFFFB0] =	vst v0  }
0xee: {  	v0 =	vld [tilespmem:s8+$0x30];
	_ =	sdelay $0x2  }
0xef: {  	v2 =	vmul.f32 $8.000000000e+00, v2;
	v1 =	vmul.f32 $8.000000000e+00, v1;
	_ =	sdelay $0x1  }
0xf0: {  	v1 =	vadd.f32 v1, v0;
	v0 =	vadd.f32 v2, v0  }
0xf1: {  	v2 =	vld [tilespmem:s7+$0xFFFFFFD0]  }
0xf2: {  	[tilespmem:s7+$0xFFFFCDC0] =	vst v1;
	v1 =	vld [tilespmem:s7+$0xFFFFCDD0]  }
0xf3: {  	[tilespmem:s7+$0xFFFFFFC0] =	vst v0  }
0xf4: {  	v0 =	vld [tilespmem:s8+$0x40];
	_ =	sdelay $0x2  }
0xf5: {  	v2 =	vmul.f32 $8.000000000e+00, v2;
	v1 =	vmul.f32 $8.000000000e+00, v1;
	_ =	sdelay $0x1  }
0xf6: {  	v1 =	vadd.f32 v1, v0;
	v0 =	vadd.f32 v2, v0  }
0xf7: {  	v2 =	vld [tilespmem:s7+$0xFFFFFFE0]  }
0xf8: {  	[tilespmem:s7+$0xFFFFCDD0] =	vst v1;
	v1 =	vld [tilespmem:s7+$0xFFFFCDE0]  }
0xf9: {  	[tilespmem:s7+$0xFFFFFFD0] =	vst v0  }
0xfa: {  	v0 =	vld [tilespmem:s8+$0x50];
	_ =	sdelay $0x2  }
0xfb: {  	v2 =	vmul.f32 $8.000000000e+00, v2;
	v1 =	vmul.f32 $8.000000000e+00, v1;
	_ =	sdelay $0x1  }
.Ltmp0:
0xfc: {  	v1 =	vadd.f32 v1, v0;
	v3 =	vadd.f32 v2, v0;
	(pc) =	sbr.rel @p1 .LBB2_3-.Ltmp0, $4  }
0xfd: {  	v0 =	vld [tilespmem:s7+$0xFFFFFFF0]  }
0xfe: {  	[tilespmem:s7+$0xFFFFCDE0] =	vst v1;
	v2 =	vld [tilespmem:s7+$0xFFFFCDF0]  }
0xff: {  	[tilespmem:s7+$0xFFFFFFE0] =	vst v3  }
0x100: {  	v1 =	vld [tilespmem:s8+$0x60]  }
0x101: {  	_ =	sdelay $0x1  }
0x102: {  	v2 =	vmul.f32 $8.000000000e+00, v2  }
0x103: {  	v0 =	vmul.f32 $8.000000000e+00, v0  }
0x104: {  	v2 =	vadd.f32 v2, v1  }
0x105: {  	v0 =	vadd.f32 v0, v1  }
0x106: {  	v1 =	vld [tilespmem:s9+$0xFFFFCE00];
	[tilespmem:s9+$0xFFFFCDF0] =	vst v2  }
0x107: {  	v2 =	vld [tilespmem:s9+$0x0];
	[tilespmem:s9+$0xFFFFFFF0] =	vst v0  }
0x108: {  	v0 =	vld [tilespmem:s0+$0x70];
	_ =	sdelay $0x2  }
0x109: {  	s8 =	smul.u32 $0x6, s16;
	v1 =	vmul.f32 $8.000000000e+00, v1  }
0x10a: {  	v2 =	vmul.f32 $8.000000000e+00, v2  }
0x10b: {  	s0 =	sadd.s32 s6, s8;
	v1 =	vadd.f32 v1, v0  }
0x10c: {  	s0 =	smul.u32 $0x640, s0;
	v0 =	vadd.f32 v2, v0  }
0x10d: {  	[tilespmem:s9+$0xFFFFCE00] =	vst v1  }
0x10e: {  	s0 =	sadd.s32 s2, s0;
	[tilespmem:s9+$0x0] =	vst v0  }
0x10f: {  	[hbm4b:s0+s3] =	stream.linear.scatter [tilespmem:s13], [sflag:$0x4], $0x6400, $0x38;
	[tilespmem:$0x1C600] =	vst v63  }
0x110: {  	s5 =	sadd.s32 $0x2, s5;
	s0 =	simm.s32 @!p0 $0x6  }
0x111: {  	s7 =	smul.u32 $0x680, s5;
	_ =	swait.ge @!p0 [sflag:s0], $0x6400  }
0x112: {  	[sflag:s0] =	ssyncset.done @!p0 $0x0  }
0x113: {  	s9 =	sshra.s32 s7, $0x2;
	[sflag:s0] =	ssyncadd.s32 @!p0 $0xFFFF9C00  }
0x114: {  	[tilespmem:s25], [sflag:$0x3] =	stream.indirect.gather [hbm4b:s4+s12], $0x40, s9, s12, $0xb8;
	[tilespmem:$0x1C600] =	vst v63  }
0x115: {  	s7 =	sadd.s32 $0x68, s9  }
0x116: {  	[tilespmem:s26], [sflag:$0x3] =	stream.indirect.gather [hbm4b:s4+s12], $0x40, s7, s12, $0xb8;
	[tilespmem:$0x1C600] =	vst v63  }
0x117: {  	s10 =	sadd.s32 $0xD0, s9  }
0x118: {  	[tilespmem:s28], [sflag:$0x3] =	stream.indirect.gather [hbm4b:s4+s12], $0x40, s10, s12, $0xb8;
	[tilespmem:$0x1C600] =	vst v63  }
0x119: {  	s0 =	sadd.s32 $0x138, s9  }
0x11a: {  	[tilespmem:s29], [sflag:$0x3] =	stream.indirect.gather [hbm4b:s4+s12], $0x40, s0, s12, $0xb8;
	[tilespmem:$0x1C600] =	vst v63  }
0x11b: {  	_ =	swait.ge [sflag:s30], $0x1900  }
0x11c: {  	[sflag:s30] =	ssyncset.done $0x0  }
0x11d: {  	[sflag:s30] =	ssyncadd.s32 $0xFFFFE700  }
0x11e: {  	_ =	swait.ge [sflag:s30], $0x1900  }
0x11f: {  	[sflag:s30] =	ssyncset.done $0x0  }
0x120: {  	[sflag:s30] =	ssyncadd.s32 $0xFFFFE700  }
0x121: {  	_ =	swait.ge [sflag:s30], $0x1900  }
0x122: {  	[sflag:s30] =	ssyncset.done $0x0  }
0x123: {  	[sflag:s30] =	ssyncadd.s32 $0xFFFFE700  }
0x124: {  	_ =	swait.ge [sflag:s30], $0x1900  }
0x125: {  	[sflag:s30] =	ssyncset.done $0x0  }
0x126: {  	s7 =	simm.s32 $0xFEF0;
	[sflag:s30] =	ssyncadd.s32 $0xFFFFE700  }
0x127: {  	v0 =	vld [tilespmem:s7+$0xFFFFCD10]  }
0x128: {  	s8 =	simm.s32 $0x19480;
	v1 =	vld [tilespmem:s7+$0xFFFFFF10]  }
0x129: {  	v2 =	vld [tilespmem:s8+$0xFFFFFF80];
	_ =	sdelay $0x2  }
0x12a: {  	v0 =	vmul.f32 $8.000000000e+00, v0  }
0x12b: {  	v1 =	vmul.f32 $8.000000000e+00, v1  }
0x12c: {  	v0 =	vadd.f32 v0, v2  }
0x12d: {  	v1 =	vadd.f32 v1, v2  }
0x12e: {  	[tilespmem:s7+$0xFFFFCD10] =	vst v0;
	v0 =	vld [tilespmem:s7+$0xFFFFCD20]  }
0x12f: {  	v2 =	vld [tilespmem:s7+$0xFFFFFF20];
	[tilespmem:s7+$0xFFFFFF10] =	vst v1  }
0x130: {  	v1 =	vld [tilespmem:s8+$0xFFFFFF90];
	_ =	sdelay $0x2  }
0x131: {  	v0 =	vmul.f32 $8.000000000e+00, v0  }
0x132: {  	v2 =	vmul.f32 $8.000000000e+00, v2  }
0x133: {  	v0 =	vadd.f32 v0, v1  }
0x134: {  	v1 =	vadd.f32 v2, v1  }
0x135: {  	[tilespmem:s7+$0xFFFFCD20] =	vst v0;
	v0 =	vld [tilespmem:s7+$0xFFFFCD30]  }
0x136: {  	v2 =	vld [tilespmem:s7+$0xFFFFFF30];
	[tilespmem:s7+$0xFFFFFF20] =	vst v1  }
0x137: {  	v1 =	vld [tilespmem:s8+$0xFFFFFFA0];
	_ =	sdelay $0x2  }
0x138: {  	v0 =	vmul.f32 $8.000000000e+00, v0  }
0x139: {  	v2 =	vmul.f32 $8.000000000e+00, v2  }
0x13a: {  	v0 =	vadd.f32 v0, v1  }
0x13b: {  	v1 =	vadd.f32 v2, v1  }
0x13c: {  	[tilespmem:s7+$0xFFFFCD30] =	vst v0;
	v0 =	vld [tilespmem:s7+$0xFFFFCD40]  }
0x13d: {  	v2 =	vld [tilespmem:s7+$0xFFFFFF40];
	[tilespmem:s7+$0xFFFFFF30] =	vst v1  }
0x13e: {  	v1 =	vld [tilespmem:s8+$0xFFFFFFB0];
	_ =	sdelay $0x2  }
0x13f: {  	v0 =	vmul.f32 $8.000000000e+00, v0  }
0x140: {  	v2 =	vmul.f32 $8.000000000e+00, v2  }
0x141: {  	v0 =	vadd.f32 v0, v1  }
0x142: {  	v1 =	vadd.f32 v2, v1  }
0x143: {  	[tilespmem:s7+$0xFFFFCD40] =	vst v0;
	v0 =	vld [tilespmem:s7+$0xFFFFCD50]  }
0x144: {  	v2 =	vld [tilespmem:s7+$0xFFFFFF50];
	[tilespmem:s7+$0xFFFFFF40] =	vst v1  }
0x145: {  	v1 =	vld [tilespmem:s8+$0xFFFFFFC0];
	_ =	sdelay $0x2  }
0x146: {  	v0 =	vmul.f32 $8.000000000e+00, v0  }
0x147: {  	v2 =	vmul.f32 $8.000000000e+00, v2  }
0x148: {  	v0 =	vadd.f32 v0, v1  }
0x149: {  	v1 =	vadd.f32 v2, v1  }
0x14a: {  	[tilespmem:s7+$0xFFFFCD50] =	vst v0;
	v0 =	vld [tilespmem:s7+$0xFFFFCD60]  }
0x14b: {  	v2 =	vld [tilespmem:s7+$0xFFFFFF60];
	[tilespmem:s7+$0xFFFFFF50] =	vst v1  }
0x14c: {  	v1 =	vld [tilespmem:s8+$0xFFFFFFD0];
	_ =	sdelay $0x2  }
0x14d: {  	v0 =	vmul.f32 $8.000000000e+00, v0  }
0x14e: {  	v2 =	vmul.f32 $8.000000000e+00, v2  }
0x14f: {  	v0 =	vadd.f32 v0, v1  }
0x150: {  	v1 =	vadd.f32 v2, v1  }
0x151: {  	[tilespmem:s7+$0xFFFFCD60] =	vst v0;
	v0 =	vld [tilespmem:s7+$0xFFFFCD70]  }
0x152: {  	v2 =	vld [tilespmem:s7+$0xFFFFFF70];
	[tilespmem:s7+$0xFFFFFF60] =	vst v1  }
0x153: {  	v1 =	vld [tilespmem:s8+$0xFFFFFFE0];
	_ =	sdelay $0x2  }
0x154: {  	v0 =	vmul.f32 $8.000000000e+00, v0  }
0x155: {  	v2 =	vmul.f32 $8.000000000e+00, v2  }
0x156: {  	v0 =	vadd.f32 v0, v1  }
0x157: {  	v1 =	vadd.f32 v2, v1  }
0x158: {  	[tilespmem:s7+$0xFFFFCD70] =	vst v0;
	v0 =	vld [tilespmem:s7+$0xFFFFCD80]  }
0x159: {  	v2 =	vld [tilespmem:s7+$0xFFFFFF80];
	[tilespmem:s7+$0xFFFFFF70] =	vst v1  }
0x15a: {  	v1 =	vld [tilespmem:s8+$0xFFFFFFF0];
	_ =	sdelay $0x2  }
0x15b: {  	v0 =	vmul.f32 $8.000000000e+00, v0  }
0x15c: {  	v2 =	vmul.f32 $8.000000000e+00, v2  }
0x15d: {  	v0 =	vadd.f32 v0, v1  }
0x15e: {  	v1 =	vadd.f32 v2, v1  }
0x15f: {  	[tilespmem:s7+$0xFFFFCD80] =	vst v0;
	v0 =	vld [tilespmem:s7+$0xFFFFCD90]  }
0x160: {  	v2 =	vld [tilespmem:s7+$0xFFFFFF90];
	[tilespmem:s7+$0xFFFFFF80] =	vst v1  }
0x161: {  	v1 =	vld [tilespmem:s8+$0x0];
	_ =	sdelay $0x2  }
0x162: {  	v0 =	vmul.f32 $8.000000000e+00, v0  }
0x163: {  	v2 =	vmul.f32 $8.000000000e+00, v2  }
0x164: {  	v0 =	vadd.f32 v0, v1  }
0x165: {  	v1 =	vadd.f32 v2, v1  }
0x166: {  	[tilespmem:s7+$0xFFFFCD90] =	vst v0;
	v0 =	vld [tilespmem:s7+$0xFFFFCDA0]  }
0x167: {  	v2 =	vld [tilespmem:s7+$0xFFFFFFA0];
	[tilespmem:s7+$0xFFFFFF90] =	vst v1  }
0x168: {  	v1 =	vld [tilespmem:s8+$0x10];
	_ =	sdelay $0x2  }
0x169: {  	v0 =	vmul.f32 $8.000000000e+00, v0  }
0x16a: {  	v2 =	vmul.f32 $8.000000000e+00, v2  }
0x16b: {  	v0 =	vadd.f32 v0, v1  }
0x16c: {  	v1 =	vadd.f32 v2, v1  }
0x16d: {  	[tilespmem:s7+$0xFFFFCDA0] =	vst v0;
	v0 =	vld [tilespmem:s7+$0xFFFFCDB0]  }
0x16e: {  	v2 =	vld [tilespmem:s7+$0xFFFFFFB0];
	[tilespmem:s7+$0xFFFFFFA0] =	vst v1  }
0x16f: {  	v1 =	vld [tilespmem:s8+$0x20];
	_ =	sdelay $0x2  }
0x170: {  	v0 =	vmul.f32 $8.000000000e+00, v0  }
0x171: {  	v2 =	vmul.f32 $8.000000000e+00, v2  }
0x172: {  	v0 =	vadd.f32 v0, v1  }
0x173: {  	v1 =	vadd.f32 v2, v1  }
0x174: {  	[tilespmem:s7+$0xFFFFCDB0] =	vst v0;
	v0 =	vld [tilespmem:s7+$0xFFFFCDC0]  }
0x175: {  	v2 =	vld [tilespmem:s7+$0xFFFFFFC0];
	[tilespmem:s7+$0xFFFFFFB0] =	vst v1  }
0x176: {  	v1 =	vld [tilespmem:s8+$0x30];
	_ =	sdelay $0x2  }
0x177: {  	v0 =	vmul.f32 $8.000000000e+00, v0  }
0x178: {  	v2 =	vmul.f32 $8.000000000e+00, v2  }
0x179: {  	v0 =	vadd.f32 v0, v1  }
0x17a: {  	v1 =	vadd.f32 v2, v1  }
0x17b: {  	[tilespmem:s7+$0xFFFFCDC0] =	vst v0;
	v0 =	vld [tilespmem:s7+$0xFFFFCDD0]  }
0x17c: {  	v2 =	vld [tilespmem:s7+$0xFFFFFFD0];
	[tilespmem:s7+$0xFFFFFFC0] =	vst v1  }
0x17d: {  	v1 =	vld [tilespmem:s8+$0x40];
	_ =	sdelay $0x2  }
0x17e: {  	v0 =	vmul.f32 $8.000000000e+00, v0  }
0x17f: {  	v2 =	vmul.f32 $8.000000000e+00, v2  }
0x180: {  	v0 =	vadd.f32 v0, v1  }
0x181: {  	v1 =	vadd.f32 v2, v1  }
0x182: {  	[tilespmem:s7+$0xFFFFCDD0] =	vst v0;
	v0 =	vld [tilespmem:s7+$0xFFFFCDE0]  }
0x183: {  	v2 =	vld [tilespmem:s7+$0xFFFFFFE0];
	[tilespmem:s7+$0xFFFFFFD0] =	vst v1  }
0x184: {  	v1 =	vld [tilespmem:s8+$0x50];
	_ =	sdelay $0x2  }
0x185: {  	v0 =	vmul.f32 $8.000000000e+00, v0  }
0x186: {  	v2 =	vmul.f32 $8.000000000e+00, v2  }
0x187: {  	v3 =	vadd.f32 v0, v1  }
0x188: {  	v1 =	vadd.f32 v2, v1;
	v0 =	vld [tilespmem:s7+$0xFFFFFFF0]  }
0x189: {  	v2 =	vld [tilespmem:s7+$0xFFFFCDF0];
	[tilespmem:s7+$0xFFFFCDE0] =	vst v3  }
0x18a: {  	[tilespmem:s7+$0xFFFFFFE0] =	vst v1  }
0x18b: {  	s9 =	simm.s32 $0xFEF0;
	s10 =	simm.s32 $0x0;
	s0 =	simm.s32 $0x19480;
	v1 =	vld [tilespmem:s8+$0x60]  }
.LBB2_5:
0x18c: {  	s10 =	sadd.s32 $0x4, s10;
	s7 =	sadd.s32 $0x100, s7;
	s8 =	sadd.s32 $0x100, s8  }
0x18d: {  	p0 =	slt.u32 s10, $0xC4  }
0x18e: {  	v0 =	vmul.f32 $8.000000000e+00, v0;
	v2 =	vmul.f32 $8.000000000e+00, v2;
	_ =	sdelay $0x1  }
0x18f: {  	v2 =	vadd.f32 v2, v1;
	v0 =	vadd.f32 v0, v1  }
0x190: {  	v1 =	vld [tilespmem:s9+$0xFFFFCE00]  }
0x191: {  	[tilespmem:s9+$0xFFFFCDF0] =	vst v2;
	v2 =	vld [tilespmem:s9+$0x0]  }
0x192: {  	[tilespmem:s9+$0xFFFFFFF0] =	vst v0  }
0x193: {  	v0 =	vld [tilespmem:s0+$0x70];
	s0 =	smov.u32 s8;
	_ =	sdelay $0x2  }
0x194: {  	v1 =	vmul.f32 $8.000000000e+00, v1;
	v2 =	vmul.f32 $8.000000000e+00, v2;
	_ =	sdelay $0x1  }
0x195: {  	v1 =	vadd.f32 v1, v0;
	v0 =	vadd.f32 v2, v0  }
0x196: {  	v2 =	vld [tilespmem:s7+$0xFFFFFF10]  }
0x197: {  	v3 =	vld [tilespmem:s7+$0xFFFFCD10];
	[tilespmem:s9+$0xFFFFCE00] =	vst v1  }
0x198: {  	[tilespmem:s9+$0x0] =	vst v0;
	s9 =	smov.u32 s7  }
0x199: {  	v0 =	vld [tilespmem:s8+$0xFFFFFF80];
	_ =	sdelay $0x2  }
0x19a: {  	v2 =	vmul.f32 $8.000000000e+00, v2;
	v1 =	vmul.f32 $8.000000000e+00, v3;
	_ =	sdelay $0x1  }
0x19b: {  	v1 =	vadd.f32 v1, v0;
	v0 =	vadd.f32 v2, v0  }
0x19c: {  	v2 =	vld [tilespmem:s7+$0xFFFFFF20]  }
0x19d: {  	[tilespmem:s7+$0xFFFFCD10] =	vst v1;
	v1 =	vld [tilespmem:s7+$0xFFFFCD20]  }
0x19e: {  	[tilespmem:s7+$0xFFFFFF10] =	vst v0  }
0x19f: {  	v0 =	vld [tilespmem:s8+$0xFFFFFF90];
	_ =	sdelay $0x2  }
0x1a0: {  	v2 =	vmul.f32 $8.000000000e+00, v2;
	v1 =	vmul.f32 $8.000000000e+00, v1;
	_ =	sdelay $0x1  }
0x1a1: {  	v1 =	vadd.f32 v1, v0;
	v0 =	vadd.f32 v2, v0  }
0x1a2: {  	v2 =	vld [tilespmem:s7+$0xFFFFFF30]  }
0x1a3: {  	[tilespmem:s7+$0xFFFFCD20] =	vst v1;
	v1 =	vld [tilespmem:s7+$0xFFFFCD30]  }
0x1a4: {  	[tilespmem:s7+$0xFFFFFF20] =	vst v0  }
0x1a5: {  	v0 =	vld [tilespmem:s8+$0xFFFFFFA0];
	_ =	sdelay $0x2  }
0x1a6: {  	v2 =	vmul.f32 $8.000000000e+00, v2;
	v1 =	vmul.f32 $8.000000000e+00, v1;
	_ =	sdelay $0x1  }
0x1a7: {  	v1 =	vadd.f32 v1, v0;
	v0 =	vadd.f32 v2, v0  }
0x1a8: {  	v2 =	vld [tilespmem:s7+$0xFFFFFF40]  }
0x1a9: {  	[tilespmem:s7+$0xFFFFCD30] =	vst v1;
	v1 =	vld [tilespmem:s7+$0xFFFFCD40]  }
0x1aa: {  	[tilespmem:s7+$0xFFFFFF30] =	vst v0  }
0x1ab: {  	v0 =	vld [tilespmem:s8+$0xFFFFFFB0];
	_ =	sdelay $0x2  }
0x1ac: {  	v2 =	vmul.f32 $8.000000000e+00, v2;
	v1 =	vmul.f32 $8.000000000e+00, v1;
	_ =	sdelay $0x1  }
0x1ad: {  	v1 =	vadd.f32 v1, v0;
	v0 =	vadd.f32 v2, v0  }
0x1ae: {  	v2 =	vld [tilespmem:s7+$0xFFFFFF50]  }
0x1af: {  	[tilespmem:s7+$0xFFFFCD40] =	vst v1;
	v1 =	vld [tilespmem:s7+$0xFFFFCD50]  }
0x1b0: {  	[tilespmem:s7+$0xFFFFFF40] =	vst v0  }
0x1b1: {  	v0 =	vld [tilespmem:s8+$0xFFFFFFC0];
	_ =	sdelay $0x2  }
0x1b2: {  	v2 =	vmul.f32 $8.000000000e+00, v2;
	v1 =	vmul.f32 $8.000000000e+00, v1;
	_ =	sdelay $0x1  }
0x1b3: {  	v1 =	vadd.f32 v1, v0;
	v0 =	vadd.f32 v2, v0  }
0x1b4: {  	v2 =	vld [tilespmem:s7+$0xFFFFFF60]  }
0x1b5: {  	[tilespmem:s7+$0xFFFFCD50] =	vst v1;
	v1 =	vld [tilespmem:s7+$0xFFFFCD60]  }
0x1b6: {  	[tilespmem:s7+$0xFFFFFF50] =	vst v0  }
0x1b7: {  	v0 =	vld [tilespmem:s8+$0xFFFFFFD0];
	_ =	sdelay $0x2  }
0x1b8: {  	v2 =	vmul.f32 $8.000000000e+00, v2;
	v1 =	vmul.f32 $8.000000000e+00, v1;
	_ =	sdelay $0x1  }
0x1b9: {  	v1 =	vadd.f32 v1, v0;
	v0 =	vadd.f32 v2, v0  }
0x1ba: {  	v2 =	vld [tilespmem:s7+$0xFFFFFF70]  }
0x1bb: {  	[tilespmem:s7+$0xFFFFCD60] =	vst v1;
	v1 =	vld [tilespmem:s7+$0xFFFFCD70]  }
0x1bc: {  	[tilespmem:s7+$0xFFFFFF60] =	vst v0  }
0x1bd: {  	v0 =	vld [tilespmem:s8+$0xFFFFFFE0];
	_ =	sdelay $0x2  }
0x1be: {  	v2 =	vmul.f32 $8.000000000e+00, v2;
	v1 =	vmul.f32 $8.000000000e+00, v1;
	_ =	sdelay $0x1  }
0x1bf: {  	v1 =	vadd.f32 v1, v0;
	v0 =	vadd.f32 v2, v0  }
0x1c0: {  	v2 =	vld [tilespmem:s7+$0xFFFFFF80]  }
0x1c1: {  	[tilespmem:s7+$0xFFFFCD70] =	vst v1;
	v1 =	vld [tilespmem:s7+$0xFFFFCD80]  }
0x1c2: {  	[tilespmem:s7+$0xFFFFFF70] =	vst v0  }
0x1c3: {  	v0 =	vld [tilespmem:s8+$0xFFFFFFF0];
	_ =	sdelay $0x2  }
0x1c4: {  	v2 =	vmul.f32 $8.000000000e+00, v2;
	v1 =	vmul.f32 $8.000000000e+00, v1;
	_ =	sdelay $0x1  }
0x1c5: {  	v1 =	vadd.f32 v1, v0;
	v0 =	vadd.f32 v2, v0  }
0x1c6: {  	v2 =	vld [tilespmem:s7+$0xFFFFFF90]  }
0x1c7: {  	[tilespmem:s7+$0xFFFFCD80] =	vst v1;
	v1 =	vld [tilespmem:s7+$0xFFFFCD90]  }
0x1c8: {  	[tilespmem:s7+$0xFFFFFF80] =	vst v0  }
0x1c9: {  	v0 =	vld [tilespmem:s8+$0x0];
	_ =	sdelay $0x2  }
0x1ca: {  	v2 =	vmul.f32 $8.000000000e+00, v2;
	v1 =	vmul.f32 $8.000000000e+00, v1;
	_ =	sdelay $0x1  }
0x1cb: {  	v1 =	vadd.f32 v1, v0;
	v0 =	vadd.f32 v2, v0  }
0x1cc: {  	v2 =	vld [tilespmem:s7+$0xFFFFFFA0]  }
0x1cd: {  	[tilespmem:s7+$0xFFFFCD90] =	vst v1;
	v1 =	vld [tilespmem:s7+$0xFFFFCDA0]  }
0x1ce: {  	[tilespmem:s7+$0xFFFFFF90] =	vst v0  }
0x1cf: {  	v0 =	vld [tilespmem:s8+$0x10];
	_ =	sdelay $0x2  }
0x1d0: {  	v2 =	vmul.f32 $8.000000000e+00, v2;
	v1 =	vmul.f32 $8.000000000e+00, v1;
	_ =	sdelay $0x1  }
0x1d1: {  	v1 =	vadd.f32 v1, v0;
	v0 =	vadd.f32 v2, v0  }
0x1d2: {  	v2 =	vld [tilespmem:s7+$0xFFFFFFB0]  }
0x1d3: {  	[tilespmem:s7+$0xFFFFCDA0] =	vst v1;
	v1 =	vld [tilespmem:s7+$0xFFFFCDB0]  }
0x1d4: {  	[tilespmem:s7+$0xFFFFFFA0] =	vst v0  }
0x1d5: {  	v0 =	vld [tilespmem:s8+$0x20];
	_ =	sdelay $0x2  }
0x1d6: {  	v2 =	vmul.f32 $8.000000000e+00, v2;
	v1 =	vmul.f32 $8.000000000e+00, v1;
	_ =	sdelay $0x1  }
0x1d7: {  	v1 =	vadd.f32 v1, v0;
	v0 =	vadd.f32 v2, v0  }
0x1d8: {  	v2 =	vld [tilespmem:s7+$0xFFFFFFC0]  }
0x1d9: {  	[tilespmem:s7+$0xFFFFCDB0] =	vst v1;
	v1 =	vld [tilespmem:s7+$0xFFFFCDC0]  }
0x1da: {  	[tilespmem:s7+$0xFFFFFFB0] =	vst v0  }
0x1db: {  	v0 =	vld [tilespmem:s8+$0x30];
	_ =	sdelay $0x2  }
0x1dc: {  	v2 =	vmul.f32 $8.000000000e+00, v2;
	v1 =	vmul.f32 $8.000000000e+00, v1;
	_ =	sdelay $0x1  }
0x1dd: {  	v1 =	vadd.f32 v1, v0;
	v0 =	vadd.f32 v2, v0  }
0x1de: {  	v2 =	vld [tilespmem:s7+$0xFFFFFFD0]  }
0x1df: {  	[tilespmem:s7+$0xFFFFCDC0] =	vst v1;
	v1 =	vld [tilespmem:s7+$0xFFFFCDD0]  }
0x1e0: {  	[tilespmem:s7+$0xFFFFFFC0] =	vst v0  }
0x1e1: {  	v0 =	vld [tilespmem:s8+$0x40];
	_ =	sdelay $0x2  }
0x1e2: {  	v2 =	vmul.f32 $8.000000000e+00, v2;
	v1 =	vmul.f32 $8.000000000e+00, v1;
	_ =	sdelay $0x1  }
0x1e3: {  	v1 =	vadd.f32 v1, v0;
	v0 =	vadd.f32 v2, v0  }
0x1e4: {  	v2 =	vld [tilespmem:s7+$0xFFFFFFE0]  }
0x1e5: {  	[tilespmem:s7+$0xFFFFCDD0] =	vst v1;
	v1 =	vld [tilespmem:s7+$0xFFFFCDE0]  }
0x1e6: {  	[tilespmem:s7+$0xFFFFFFD0] =	vst v0  }
0x1e7: {  	v0 =	vld [tilespmem:s8+$0x50];
	_ =	sdelay $0x2  }
0x1e8: {  	v2 =	vmul.f32 $8.000000000e+00, v2;
	v1 =	vmul.f32 $8.000000000e+00, v1;
	_ =	sdelay $0x1  }
.Ltmp1:
0x1e9: {  	v1 =	vadd.f32 v1, v0;
	v3 =	vadd.f32 v2, v0;
	(pc) =	sbr.rel @p0 .LBB2_5-.Ltmp1, $4  }
0x1ea: {  	v0 =	vld [tilespmem:s7+$0xFFFFFFF0]  }
0x1eb: {  	[tilespmem:s7+$0xFFFFCDE0] =	vst v1;
	v2 =	vld [tilespmem:s7+$0xFFFFCDF0]  }
0x1ec: {  	[tilespmem:s7+$0xFFFFFFE0] =	vst v3  }
0x1ed: {  	v1 =	vld [tilespmem:s8+$0x60]  }
0x1ee: {  	_ =	sdelay $0x1  }
0x1ef: {  	v2 =	vmul.f32 $8.000000000e+00, v2  }
0x1f0: {  	v0 =	vmul.f32 $8.000000000e+00, v0  }
0x1f1: {  	v2 =	vadd.f32 v2, v1  }
0x1f2: {  	v0 =	vadd.f32 v0, v1  }
0x1f3: {  	v1 =	vld [tilespmem:s9+$0xFFFFCE00];
	[tilespmem:s9+$0xFFFFCDF0] =	vst v2  }
0x1f4: {  	v2 =	vld [tilespmem:s9+$0x0];
	[tilespmem:s9+$0xFFFFFFF0] =	vst v0  }
0x1f5: {  	v0 =	vld [tilespmem:s0+$0x70];
	_ =	sdelay $0x2  }
0x1f6: {  	v1 =	vmul.f32 $8.000000000e+00, v1  }
0x1f7: {  	s8 =	sshll.u32 s18, $0x1;
	v2 =	vmul.f32 $8.000000000e+00, v2  }
0x1f8: {  	s0 =	sadd.s32 s6, s8;
	v1 =	vadd.f32 v1, v0  }
0x1f9: {  	s0 =	smul.u32 $0x640, s0;
	v0 =	vadd.f32 v2, v0  }
0x1fa: {  	[tilespmem:s9+$0xFFFFCE00] =	vst v1  }
0x1fb: {  	s0 =	sadd.s32 s2, s0;
	[tilespmem:s9+$0x0] =	vst v0;
	s9 =	smul.u32 $0x1380, s16  }
0x1fc: {  	[hbm4b:s0+s3] =	stream.linear.scatter [tilespmem:s20], [sflag:$0x5], $0x6400, $0x38;
	[tilespmem:$0x1C600] =	vst v63  }
0x1fd: {  	_ =	swait.ge [sflag:s31], $0x6400  }
0x1fe: {  	s0 =	sshra.s32 s9, $0x2;
	[sflag:s31] =	ssyncset.done $0x0  }
0x1ff: {  	s7 =	sadd.s32 $0x4E0, s0;
	[sflag:s31] =	ssyncadd.s32 $0xFFFF9C00  }
0x200: {  	[tilespmem:s13], [sflag:$0x1] =	stream.indirect.gather [hbm4b:s4+s12], $0x40, s7, s12, $0xb8;
	[tilespmem:$0x1C600] =	vst v63  }
0x201: {  	s10 =	sadd.s32 $0x548, s0  }
0x202: {  	[tilespmem:s15], [sflag:$0x1] =	stream.indirect.gather [hbm4b:s4+s12], $0x40, s10, s12, $0xb8;
	[tilespmem:$0x1C600] =	vst v63  }
0x203: {  	s18 =	sadd.s32 $0x5B0, s0  }
0x204: {  	[tilespmem:s17], [sflag:$0x1] =	stream.indirect.gather [hbm4b:s4+s12], $0x40, s18, s12, $0xb8;
	[tilespmem:$0x1C600] =	vst v63  }
0x205: {  	s0 =	sadd.s32 $0x618, s0  }
0x206: {  	[tilespmem:s19], [sflag:$0x1] =	stream.indirect.gather [hbm4b:s4+s12], $0x40, s0, s12, $0xb8;
	[tilespmem:$0x1C600] =	vst v63  }
0x207: {  	_ =	swait.ge [sflag:s1], $0x1900  }
0x208: {  	[sflag:s1] =	ssyncset.done $0x0  }
0x209: {  	[sflag:s1] =	ssyncadd.s32 $0xFFFFE700  }
0x20a: {  	_ =	swait.ge [sflag:s1], $0x1900  }
0x20b: {  	[sflag:s1] =	ssyncset.done $0x0  }
0x20c: {  	[sflag:s1] =	ssyncadd.s32 $0xFFFFE700  }
0x20d: {  	_ =	swait.ge [sflag:s1], $0x1900  }
0x20e: {  	[sflag:s1] =	ssyncset.done $0x0  }
0x20f: {  	[sflag:s1] =	ssyncadd.s32 $0xFFFFE700  }
0x210: {  	_ =	swait.ge [sflag:s1], $0x1900  }
0x211: {  	[sflag:s1] =	ssyncset.done $0x0  }
0x212: {  	s7 =	simm.s32 $0x162F0;
	[sflag:s1] =	ssyncadd.s32 $0xFFFFE700  }
0x213: {  	v0 =	vld [tilespmem:s7+$0xFFFFCD10]  }
0x214: {  	s8 =	simm.s32 $0x19480;
	v1 =	vld [tilespmem:s7+$0xFFFFFF10]  }
0x215: {  	v2 =	vld [tilespmem:s8+$0xFFFFFF80];
	_ =	sdelay $0x2  }
0x216: {  	v0 =	vmul.f32 $8.000000000e+00, v0  }
0x217: {  	v1 =	vmul.f32 $8.000000000e+00, v1  }
0x218: {  	v0 =	vadd.f32 v0, v2  }
0x219: {  	v1 =	vadd.f32 v1, v2  }
0x21a: {  	[tilespmem:s7+$0xFFFFCD10] =	vst v0;
	v0 =	vld [tilespmem:s7+$0xFFFFCD20]  }
0x21b: {  	v2 =	vld [tilespmem:s7+$0xFFFFFF20];
	[tilespmem:s7+$0xFFFFFF10] =	vst v1  }
0x21c: {  	v1 =	vld [tilespmem:s8+$0xFFFFFF90];
	_ =	sdelay $0x2  }
0x21d: {  	v0 =	vmul.f32 $8.000000000e+00, v0  }
0x21e: {  	v2 =	vmul.f32 $8.000000000e+00, v2  }
0x21f: {  	v0 =	vadd.f32 v0, v1  }
0x220: {  	v1 =	vadd.f32 v2, v1  }
0x221: {  	[tilespmem:s7+$0xFFFFCD20] =	vst v0;
	v0 =	vld [tilespmem:s7+$0xFFFFCD30]  }
0x222: {  	v2 =	vld [tilespmem:s7+$0xFFFFFF30];
	[tilespmem:s7+$0xFFFFFF20] =	vst v1  }
0x223: {  	v1 =	vld [tilespmem:s8+$0xFFFFFFA0];
	_ =	sdelay $0x2  }
0x224: {  	v0 =	vmul.f32 $8.000000000e+00, v0  }
0x225: {  	v2 =	vmul.f32 $8.000000000e+00, v2  }
0x226: {  	v0 =	vadd.f32 v0, v1  }
0x227: {  	v1 =	vadd.f32 v2, v1  }
0x228: {  	[tilespmem:s7+$0xFFFFCD30] =	vst v0;
	v0 =	vld [tilespmem:s7+$0xFFFFCD40]  }
0x229: {  	v2 =	vld [tilespmem:s7+$0xFFFFFF40];
	[tilespmem:s7+$0xFFFFFF30] =	vst v1  }
0x22a: {  	v1 =	vld [tilespmem:s8+$0xFFFFFFB0];
	_ =	sdelay $0x2  }
0x22b: {  	v0 =	vmul.f32 $8.000000000e+00, v0  }
0x22c: {  	v2 =	vmul.f32 $8.000000000e+00, v2  }
0x22d: {  	v0 =	vadd.f32 v0, v1  }
0x22e: {  	v1 =	vadd.f32 v2, v1  }
0x22f: {  	[tilespmem:s7+$0xFFFFCD40] =	vst v0;
	v0 =	vld [tilespmem:s7+$0xFFFFCD50]  }
0x230: {  	v2 =	vld [tilespmem:s7+$0xFFFFFF50];
	[tilespmem:s7+$0xFFFFFF40] =	vst v1  }
0x231: {  	v1 =	vld [tilespmem:s8+$0xFFFFFFC0];
	_ =	sdelay $0x2  }
0x232: {  	v0 =	vmul.f32 $8.000000000e+00, v0  }
0x233: {  	v2 =	vmul.f32 $8.000000000e+00, v2  }
0x234: {  	v0 =	vadd.f32 v0, v1  }
0x235: {  	v1 =	vadd.f32 v2, v1  }
0x236: {  	[tilespmem:s7+$0xFFFFCD50] =	vst v0;
	v0 =	vld [tilespmem:s7+$0xFFFFCD60]  }
0x237: {  	v2 =	vld [tilespmem:s7+$0xFFFFFF60];
	[tilespmem:s7+$0xFFFFFF50] =	vst v1  }
0x238: {  	v1 =	vld [tilespmem:s8+$0xFFFFFFD0];
	_ =	sdelay $0x2  }
0x239: {  	v0 =	vmul.f32 $8.000000000e+00, v0  }
0x23a: {  	v2 =	vmul.f32 $8.000000000e+00, v2  }
0x23b: {  	v0 =	vadd.f32 v0, v1  }
0x23c: {  	v1 =	vadd.f32 v2, v1  }
0x23d: {  	[tilespmem:s7+$0xFFFFCD60] =	vst v0;
	v0 =	vld [tilespmem:s7+$0xFFFFCD70]  }
0x23e: {  	v2 =	vld [tilespmem:s7+$0xFFFFFF70];
	[tilespmem:s7+$0xFFFFFF60] =	vst v1  }
0x23f: {  	v1 =	vld [tilespmem:s8+$0xFFFFFFE0];
	_ =	sdelay $0x2  }
0x240: {  	v0 =	vmul.f32 $8.000000000e+00, v0  }
0x241: {  	v2 =	vmul.f32 $8.000000000e+00, v2  }
0x242: {  	v0 =	vadd.f32 v0, v1  }
0x243: {  	v1 =	vadd.f32 v2, v1  }
0x244: {  	[tilespmem:s7+$0xFFFFCD70] =	vst v0;
	v0 =	vld [tilespmem:s7+$0xFFFFCD80]  }
0x245: {  	v2 =	vld [tilespmem:s7+$0xFFFFFF80];
	[tilespmem:s7+$0xFFFFFF70] =	vst v1  }
0x246: {  	v1 =	vld [tilespmem:s8+$0xFFFFFFF0];
	_ =	sdelay $0x2  }
0x247: {  	v0 =	vmul.f32 $8.000000000e+00, v0  }
0x248: {  	v2 =	vmul.f32 $8.000000000e+00, v2  }
0x249: {  	v0 =	vadd.f32 v0, v1  }
0x24a: {  	v1 =	vadd.f32 v2, v1  }
0x24b: {  	[tilespmem:s7+$0xFFFFCD80] =	vst v0;
	v0 =	vld [tilespmem:s7+$0xFFFFCD90]  }
0x24c: {  	v2 =	vld [tilespmem:s7+$0xFFFFFF90];
	[tilespmem:s7+$0xFFFFFF80] =	vst v1  }
0x24d: {  	v1 =	vld [tilespmem:s8+$0x0];
	_ =	sdelay $0x2  }
0x24e: {  	v0 =	vmul.f32 $8.000000000e+00, v0  }
0x24f: {  	v2 =	vmul.f32 $8.000000000e+00, v2  }
0x250: {  	v0 =	vadd.f32 v0, v1  }
0x251: {  	v1 =	vadd.f32 v2, v1  }
0x252: {  	[tilespmem:s7+$0xFFFFCD90] =	vst v0;
	v0 =	vld [tilespmem:s7+$0xFFFFCDA0]  }
0x253: {  	v2 =	vld [tilespmem:s7+$0xFFFFFFA0];
	[tilespmem:s7+$0xFFFFFF90] =	vst v1  }
0x254: {  	v1 =	vld [tilespmem:s8+$0x10];
	_ =	sdelay $0x2  }
0x255: {  	v0 =	vmul.f32 $8.000000000e+00, v0  }
0x256: {  	v2 =	vmul.f32 $8.000000000e+00, v2  }
0x257: {  	v0 =	vadd.f32 v0, v1  }
0x258: {  	v1 =	vadd.f32 v2, v1  }
0x259: {  	[tilespmem:s7+$0xFFFFCDA0] =	vst v0;
	v0 =	vld [tilespmem:s7+$0xFFFFCDB0]  }
0x25a: {  	v2 =	vld [tilespmem:s7+$0xFFFFFFB0];
	[tilespmem:s7+$0xFFFFFFA0] =	vst v1  }
0x25b: {  	v1 =	vld [tilespmem:s8+$0x20];
	_ =	sdelay $0x2  }
0x25c: {  	v0 =	vmul.f32 $8.000000000e+00, v0  }
0x25d: {  	v2 =	vmul.f32 $8.000000000e+00, v2  }
0x25e: {  	v0 =	vadd.f32 v0, v1  }
0x25f: {  	v1 =	vadd.f32 v2, v1  }
0x260: {  	[tilespmem:s7+$0xFFFFCDB0] =	vst v0;
	v0 =	vld [tilespmem:s7+$0xFFFFCDC0]  }
0x261: {  	v2 =	vld [tilespmem:s7+$0xFFFFFFC0];
	[tilespmem:s7+$0xFFFFFFB0] =	vst v1  }
0x262: {  	v1 =	vld [tilespmem:s8+$0x30];
	_ =	sdelay $0x2  }
0x263: {  	v0 =	vmul.f32 $8.000000000e+00, v0  }
0x264: {  	v2 =	vmul.f32 $8.000000000e+00, v2  }
0x265: {  	v0 =	vadd.f32 v0, v1  }
0x266: {  	v1 =	vadd.f32 v2, v1  }
0x267: {  	[tilespmem:s7+$0xFFFFCDC0] =	vst v0;
	v0 =	vld [tilespmem:s7+$0xFFFFCDD0]  }
0x268: {  	v2 =	vld [tilespmem:s7+$0xFFFFFFD0];
	[tilespmem:s7+$0xFFFFFFC0] =	vst v1  }
0x269: {  	v1 =	vld [tilespmem:s8+$0x40];
	_ =	sdelay $0x2  }
0x26a: {  	v0 =	vmul.f32 $8.000000000e+00, v0  }
0x26b: {  	v2 =	vmul.f32 $8.000000000e+00, v2  }
0x26c: {  	v0 =	vadd.f32 v0, v1  }
0x26d: {  	v1 =	vadd.f32 v2, v1  }
0x26e: {  	[tilespmem:s7+$0xFFFFCDD0] =	vst v0;
	v0 =	vld [tilespmem:s7+$0xFFFFCDE0]  }
0x26f: {  	v2 =	vld [tilespmem:s7+$0xFFFFFFE0];
	[tilespmem:s7+$0xFFFFFFD0] =	vst v1  }
0x270: {  	v1 =	vld [tilespmem:s8+$0x50];
	_ =	sdelay $0x2  }
0x271: {  	v0 =	vmul.f32 $8.000000000e+00, v0  }
0x272: {  	v2 =	vmul.f32 $8.000000000e+00, v2  }
0x273: {  	v3 =	vadd.f32 v0, v1  }
0x274: {  	v1 =	vadd.f32 v2, v1;
	v0 =	vld [tilespmem:s7+$0xFFFFFFF0]  }
0x275: {  	v2 =	vld [tilespmem:s7+$0xFFFFCDF0];
	[tilespmem:s7+$0xFFFFCDE0] =	vst v3  }
0x276: {  	[tilespmem:s7+$0xFFFFFFE0] =	vst v1  }
0x277: {  	s9 =	simm.s32 $0x162F0;
	s10 =	simm.s32 $0x0;
	s0 =	simm.s32 $0x19480;
	v1 =	vld [tilespmem:s8+$0x60]  }
.LBB2_7:
0x278: {  	s10 =	sadd.s32 $0x4, s10;
	s7 =	sadd.s32 $0x100, s7;
	s8 =	sadd.s32 $0x100, s8  }
0x279: {  	p0 =	slt.u32 s10, $0xC4  }
0x27a: {  	v0 =	vmul.f32 $8.000000000e+00, v0;
	v2 =	vmul.f32 $8.000000000e+00, v2;
	_ =	sdelay $0x1  }
0x27b: {  	v2 =	vadd.f32 v2, v1;
	v0 =	vadd.f32 v0, v1  }
0x27c: {  	v1 =	vld [tilespmem:s9+$0xFFFFCE00]  }
0x27d: {  	[tilespmem:s9+$0xFFFFCDF0] =	vst v2;
	v2 =	vld [tilespmem:s9+$0x0]  }
0x27e: {  	[tilespmem:s9+$0xFFFFFFF0] =	vst v0  }
0x27f: {  	v0 =	vld [tilespmem:s0+$0x70];
	s0 =	smov.u32 s8;
	_ =	sdelay $0x2  }
0x280: {  	v1 =	vmul.f32 $8.000000000e+00, v1;
	v2 =	vmul.f32 $8.000000000e+00, v2;
	_ =	sdelay $0x1  }
0x281: {  	v1 =	vadd.f32 v1, v0;
	v0 =	vadd.f32 v2, v0  }
0x282: {  	v2 =	vld [tilespmem:s7+$0xFFFFFF10]  }
0x283: {  	v3 =	vld [tilespmem:s7+$0xFFFFCD10];
	[tilespmem:s9+$0xFFFFCE00] =	vst v1  }
0x284: {  	[tilespmem:s9+$0x0] =	vst v0;
	s9 =	smov.u32 s7  }
0x285: {  	v0 =	vld [tilespmem:s8+$0xFFFFFF80];
	_ =	sdelay $0x2  }
0x286: {  	v2 =	vmul.f32 $8.000000000e+00, v2;
	v1 =	vmul.f32 $8.000000000e+00, v3;
	_ =	sdelay $0x1  }
0x287: {  	v1 =	vadd.f32 v1, v0;
	v0 =	vadd.f32 v2, v0  }
0x288: {  	v2 =	vld [tilespmem:s7+$0xFFFFFF20]  }
0x289: {  	[tilespmem:s7+$0xFFFFCD10] =	vst v1;
	v1 =	vld [tilespmem:s7+$0xFFFFCD20]  }
0x28a: {  	[tilespmem:s7+$0xFFFFFF10] =	vst v0  }
0x28b: {  	v0 =	vld [tilespmem:s8+$0xFFFFFF90];
	_ =	sdelay $0x2  }
0x28c: {  	v2 =	vmul.f32 $8.000000000e+00, v2;
	v1 =	vmul.f32 $8.000000000e+00, v1;
	_ =	sdelay $0x1  }
0x28d: {  	v1 =	vadd.f32 v1, v0;
	v0 =	vadd.f32 v2, v0  }
0x28e: {  	v2 =	vld [tilespmem:s7+$0xFFFFFF30]  }
0x28f: {  	[tilespmem:s7+$0xFFFFCD20] =	vst v1;
	v1 =	vld [tilespmem:s7+$0xFFFFCD30]  }
0x290: {  	[tilespmem:s7+$0xFFFFFF20] =	vst v0  }
0x291: {  	v0 =	vld [tilespmem:s8+$0xFFFFFFA0];
	_ =	sdelay $0x2  }
0x292: {  	v2 =	vmul.f32 $8.000000000e+00, v2;
	v1 =	vmul.f32 $8.000000000e+00, v1;
	_ =	sdelay $0x1  }
0x293: {  	v1 =	vadd.f32 v1, v0;
	v0 =	vadd.f32 v2, v0  }
0x294: {  	v2 =	vld [tilespmem:s7+$0xFFFFFF40]  }
0x295: {  	[tilespmem:s7+$0xFFFFCD30] =	vst v1;
	v1 =	vld [tilespmem:s7+$0xFFFFCD40]  }
0x296: {  	[tilespmem:s7+$0xFFFFFF30] =	vst v0  }
0x297: {  	v0 =	vld [tilespmem:s8+$0xFFFFFFB0];
	_ =	sdelay $0x2  }
0x298: {  	v2 =	vmul.f32 $8.000000000e+00, v2;
	v1 =	vmul.f32 $8.000000000e+00, v1;
	_ =	sdelay $0x1  }
0x299: {  	v1 =	vadd.f32 v1, v0;
	v0 =	vadd.f32 v2, v0  }
0x29a: {  	v2 =	vld [tilespmem:s7+$0xFFFFFF50]  }
0x29b: {  	[tilespmem:s7+$0xFFFFCD40] =	vst v1;
	v1 =	vld [tilespmem:s7+$0xFFFFCD50]  }
0x29c: {  	[tilespmem:s7+$0xFFFFFF40] =	vst v0  }
0x29d: {  	v0 =	vld [tilespmem:s8+$0xFFFFFFC0];
	_ =	sdelay $0x2  }
0x29e: {  	v2 =	vmul.f32 $8.000000000e+00, v2;
	v1 =	vmul.f32 $8.000000000e+00, v1;
	_ =	sdelay $0x1  }
0x29f: {  	v1 =	vadd.f32 v1, v0;
	v0 =	vadd.f32 v2, v0  }
0x2a0: {  	v2 =	vld [tilespmem:s7+$0xFFFFFF60]  }
0x2a1: {  	[tilespmem:s7+$0xFFFFCD50] =	vst v1;
	v1 =	vld [tilespmem:s7+$0xFFFFCD60]  }
0x2a2: {  	[tilespmem:s7+$0xFFFFFF50] =	vst v0  }
0x2a3: {  	v0 =	vld [tilespmem:s8+$0xFFFFFFD0];
	_ =	sdelay $0x2  }
0x2a4: {  	v2 =	vmul.f32 $8.000000000e+00, v2;
	v1 =	vmul.f32 $8.000000000e+00, v1;
	_ =	sdelay $0x1  }
0x2a5: {  	v1 =	vadd.f32 v1, v0;
	v0 =	vadd.f32 v2, v0  }
0x2a6: {  	v2 =	vld [tilespmem:s7+$0xFFFFFF70]  }
0x2a7: {  	[tilespmem:s7+$0xFFFFCD60] =	vst v1;
	v1 =	vld [tilespmem:s7+$0xFFFFCD70]  }
0x2a8: {  	[tilespmem:s7+$0xFFFFFF60] =	vst v0  }
0x2a9: {  	v0 =	vld [tilespmem:s8+$0xFFFFFFE0];
	_ =	sdelay $0x2  }
0x2aa: {  	v2 =	vmul.f32 $8.000000000e+00, v2;
	v1 =	vmul.f32 $8.000000000e+00, v1;
	_ =	sdelay $0x1  }
0x2ab: {  	v1 =	vadd.f32 v1, v0;
	v0 =	vadd.f32 v2, v0  }
0x2ac: {  	v2 =	vld [tilespmem:s7+$0xFFFFFF80]  }
0x2ad: {  	[tilespmem:s7+$0xFFFFCD70] =	vst v1;
	v1 =	vld [tilespmem:s7+$0xFFFFCD80]  }
0x2ae: {  	[tilespmem:s7+$0xFFFFFF70] =	vst v0  }
0x2af: {  	v0 =	vld [tilespmem:s8+$0xFFFFFFF0];
	_ =	sdelay $0x2  }
0x2b0: {  	v2 =	vmul.f32 $8.000000000e+00, v2;
	v1 =	vmul.f32 $8.000000000e+00, v1;
	_ =	sdelay $0x1  }
0x2b1: {  	v1 =	vadd.f32 v1, v0;
	v0 =	vadd.f32 v2, v0  }
0x2b2: {  	v2 =	vld [tilespmem:s7+$0xFFFFFF90]  }
0x2b3: {  	[tilespmem:s7+$0xFFFFCD80] =	vst v1;
	v1 =	vld [tilespmem:s7+$0xFFFFCD90]  }
0x2b4: {  	[tilespmem:s7+$0xFFFFFF80] =	vst v0  }
0x2b5: {  	v0 =	vld [tilespmem:s8+$0x0];
	_ =	sdelay $0x2  }
0x2b6: {  	v2 =	vmul.f32 $8.000000000e+00, v2;
	v1 =	vmul.f32 $8.000000000e+00, v1;
	_ =	sdelay $0x1  }
0x2b7: {  	v1 =	vadd.f32 v1, v0;
	v0 =	vadd.f32 v2, v0  }
0x2b8: {  	v2 =	vld [tilespmem:s7+$0xFFFFFFA0]  }
0x2b9: {  	[tilespmem:s7+$0xFFFFCD90] =	vst v1;
	v1 =	vld [tilespmem:s7+$0xFFFFCDA0]  }
0x2ba: {  	[tilespmem:s7+$0xFFFFFF90] =	vst v0  }
0x2bb: {  	v0 =	vld [tilespmem:s8+$0x10];
	_ =	sdelay $0x2  }
0x2bc: {  	v2 =	vmul.f32 $8.000000000e+00, v2;
	v1 =	vmul.f32 $8.000000000e+00, v1;
	_ =	sdelay $0x1  }
0x2bd: {  	v1 =	vadd.f32 v1, v0;
	v0 =	vadd.f32 v2, v0  }
0x2be: {  	v2 =	vld [tilespmem:s7+$0xFFFFFFB0]  }
0x2bf: {  	[tilespmem:s7+$0xFFFFCDA0] =	vst v1;
	v1 =	vld [tilespmem:s7+$0xFFFFCDB0]  }
0x2c0: {  	[tilespmem:s7+$0xFFFFFFA0] =	vst v0  }
0x2c1: {  	v0 =	vld [tilespmem:s8+$0x20];
	_ =	sdelay $0x2  }
0x2c2: {  	v2 =	vmul.f32 $8.000000000e+00, v2;
	v1 =	vmul.f32 $8.000000000e+00, v1;
	_ =	sdelay $0x1  }
0x2c3: {  	v1 =	vadd.f32 v1, v0;
	v0 =	vadd.f32 v2, v0  }
0x2c4: {  	v2 =	vld [tilespmem:s7+$0xFFFFFFC0]  }
0x2c5: {  	[tilespmem:s7+$0xFFFFCDB0] =	vst v1;
	v1 =	vld [tilespmem:s7+$0xFFFFCDC0]  }
0x2c6: {  	[tilespmem:s7+$0xFFFFFFB0] =	vst v0  }
0x2c7: {  	v0 =	vld [tilespmem:s8+$0x30];
	_ =	sdelay $0x2  }
0x2c8: {  	v2 =	vmul.f32 $8.000000000e+00, v2;
	v1 =	vmul.f32 $8.000000000e+00, v1;
	_ =	sdelay $0x1  }
0x2c9: {  	v1 =	vadd.f32 v1, v0;
	v0 =	vadd.f32 v2, v0  }
0x2ca: {  	v2 =	vld [tilespmem:s7+$0xFFFFFFD0]  }
0x2cb: {  	[tilespmem:s7+$0xFFFFCDC0] =	vst v1;
	v1 =	vld [tilespmem:s7+$0xFFFFCDD0]  }
0x2cc: {  	[tilespmem:s7+$0xFFFFFFC0] =	vst v0  }
0x2cd: {  	v0 =	vld [tilespmem:s8+$0x40];
	_ =	sdelay $0x2  }
0x2ce: {  	v2 =	vmul.f32 $8.000000000e+00, v2;
	v1 =	vmul.f32 $8.000000000e+00, v1;
	_ =	sdelay $0x1  }
0x2cf: {  	v1 =	vadd.f32 v1, v0;
	v0 =	vadd.f32 v2, v0  }
0x2d0: {  	v2 =	vld [tilespmem:s7+$0xFFFFFFE0]  }
0x2d1: {  	[tilespmem:s7+$0xFFFFCDD0] =	vst v1;
	v1 =	vld [tilespmem:s7+$0xFFFFCDE0]  }
0x2d2: {  	[tilespmem:s7+$0xFFFFFFD0] =	vst v0  }
0x2d3: {  	v0 =	vld [tilespmem:s8+$0x50];
	_ =	sdelay $0x2  }
0x2d4: {  	v2 =	vmul.f32 $8.000000000e+00, v2;
	v1 =	vmul.f32 $8.000000000e+00, v1;
	_ =	sdelay $0x1  }
.Ltmp2:
0x2d5: {  	v1 =	vadd.f32 v1, v0;
	v3 =	vadd.f32 v2, v0;
	(pc) =	sbr.rel @p0 .LBB2_7-.Ltmp2, $4  }
0x2d6: {  	v0 =	vld [tilespmem:s7+$0xFFFFFFF0]  }
0x2d7: {  	[tilespmem:s7+$0xFFFFCDE0] =	vst v1;
	v2 =	vld [tilespmem:s7+$0xFFFFCDF0]  }
0x2d8: {  	[tilespmem:s7+$0xFFFFFFE0] =	vst v3  }
0x2d9: {  	v1 =	vld [tilespmem:s8+$0x60]  }
0x2da: {  	_ =	sdelay $0x1  }
0x2db: {  	v2 =	vmul.f32 $8.000000000e+00, v2  }
0x2dc: {  	v0 =	vmul.f32 $8.000000000e+00, v0  }
0x2dd: {  	v2 =	vadd.f32 v2, v1  }
0x2de: {  	v0 =	vadd.f32 v0, v1  }
0x2df: {  	v62 =	vld [tilespmem:s9+$0xFFFFCE00];
	[tilespmem:s9+$0xFFFFCDF0] =	vst v2  }
0x2e0: {  	v63 =	vld [tilespmem:s9+$0x0];
	[tilespmem:s9+$0xFFFFFFF0] =	vst v0  }
0x2e1: {  	v0 =	vld [tilespmem:s0+$0x70];
	_ =	sdelay $0x2  }
0x2e2: {  	s16 =	sadd.s32 $0x1, s16;
	v1 =	vmul.f32 $8.000000000e+00, v62  }
0x2e3: {  	s18 =	sshll.u32 s5, $0x1;
	p0 =	sne.s32 s16, $0x15;
	v2 =	vmul.f32 $8.000000000e+00, v63  }
.Ltmp3:
0x2e4: {  	s0 =	sadd.s32 s6, s18;
	v1 =	vadd.f32 v1, v0;
	(pc) =	sbr.rel @p0 .LBB2_2-.Ltmp3, $4  }
0x2e5: {  	s0 =	smul.u32 $0x640, s0;
	v0 =	vadd.f32 v2, v0  }
0x2e6: {  	[tilespmem:s9+$0xFFFFCE00] =	vst v1  }
0x2e7: {  	s0 =	sadd.s32 s2, s0;
	[tilespmem:s9+$0x0] =	vst v0  }
0x2e8: {  	[hbm4b:s0+s3] =	stream.linear.scatter [tilespmem:s25], [sflag:$0x6], $0x6400, $0x38;
	[tilespmem:$0x1C600] =	vst v63  }
0x2e9: {  	s0 =	simm.s32 $0x5  }
0x2ea: {  	_ =	swait.ge [sflag:s0], $0x6400  }
0x2eb: {  	[sflag:s0] =	ssyncset.done $0x0  }
0x2ec: {  	[sflag:s0] =	ssyncadd.s32 $0xFFFF9C00  }
0x2ed: {  	_ =	swait.ge [sflag:s24], $0x1900  }
0x2ee: {  	[sflag:s24] =	ssyncset.done $0x0  }
0x2ef: {  	[sflag:s24] =	ssyncadd.s32 $0xFFFFE700  }
0x2f0: {  	_ =	swait.ge [sflag:s24], $0x1900  }
0x2f1: {  	[sflag:s24] =	ssyncset.done $0x0  }
0x2f2: {  	[sflag:s24] =	ssyncadd.s32 $0xFFFFE700  }
0x2f3: {  	_ =	swait.ge [sflag:s24], $0x1900  }
0x2f4: {  	[sflag:s24] =	ssyncset.done $0x0  }
0x2f5: {  	[sflag:s24] =	ssyncadd.s32 $0xFFFFE700  }
0x2f6: {  	_ =	swait.ge [sflag:s24], $0x1900  }
0x2f7: {  	[sflag:s24] =	ssyncset.done $0x0  }
0x2f8: {  	s5 =	simm.s32 $0x9AF0;
	[sflag:s24] =	ssyncadd.s32 $0xFFFFE700  }
0x2f9: {  	v0 =	vld [tilespmem:s5+$0xFFFFCD10]  }
0x2fa: {  	s7 =	simm.s32 $0x19480;
	v1 =	vld [tilespmem:s5+$0xFFFFFF10]  }
0x2fb: {  	v2 =	vld [tilespmem:s7+$0xFFFFFF80];
	_ =	sdelay $0x2  }
0x2fc: {  	v0 =	vmul.f32 $8.000000000e+00, v0  }
0x2fd: {  	v1 =	vmul.f32 $8.000000000e+00, v1  }
0x2fe: {  	v0 =	vadd.f32 v0, v2  }
0x2ff: {  	v1 =	vadd.f32 v1, v2  }
0x300: {  	[tilespmem:s5+$0xFFFFCD10] =	vst v0;
	v0 =	vld [tilespmem:s5+$0xFFFFCD20]  }
0x301: {  	v2 =	vld [tilespmem:s5+$0xFFFFFF20];
	[tilespmem:s5+$0xFFFFFF10] =	vst v1  }
0x302: {  	v1 =	vld [tilespmem:s7+$0xFFFFFF90];
	_ =	sdelay $0x2  }
0x303: {  	v0 =	vmul.f32 $8.000000000e+00, v0  }
0x304: {  	v2 =	vmul.f32 $8.000000000e+00, v2  }
0x305: {  	v0 =	vadd.f32 v0, v1  }
0x306: {  	v1 =	vadd.f32 v2, v1  }
0x307: {  	[tilespmem:s5+$0xFFFFCD20] =	vst v0;
	v0 =	vld [tilespmem:s5+$0xFFFFCD30]  }
0x308: {  	v2 =	vld [tilespmem:s5+$0xFFFFFF30];
	[tilespmem:s5+$0xFFFFFF20] =	vst v1  }
0x309: {  	v1 =	vld [tilespmem:s7+$0xFFFFFFA0];
	_ =	sdelay $0x2  }
0x30a: {  	v0 =	vmul.f32 $8.000000000e+00, v0  }
0x30b: {  	v2 =	vmul.f32 $8.000000000e+00, v2  }
0x30c: {  	v0 =	vadd.f32 v0, v1  }
0x30d: {  	v1 =	vadd.f32 v2, v1  }
0x30e: {  	[tilespmem:s5+$0xFFFFCD30] =	vst v0;
	v0 =	vld [tilespmem:s5+$0xFFFFCD40]  }
0x30f: {  	v2 =	vld [tilespmem:s5+$0xFFFFFF40];
	[tilespmem:s5+$0xFFFFFF30] =	vst v1  }
0x310: {  	v1 =	vld [tilespmem:s7+$0xFFFFFFB0];
	_ =	sdelay $0x2  }
0x311: {  	v0 =	vmul.f32 $8.000000000e+00, v0  }
0x312: {  	v2 =	vmul.f32 $8.000000000e+00, v2  }
0x313: {  	v0 =	vadd.f32 v0, v1  }
0x314: {  	v1 =	vadd.f32 v2, v1  }
0x315: {  	[tilespmem:s5+$0xFFFFCD40] =	vst v0;
	v0 =	vld [tilespmem:s5+$0xFFFFCD50]  }
0x316: {  	v2 =	vld [tilespmem:s5+$0xFFFFFF50];
	[tilespmem:s5+$0xFFFFFF40] =	vst v1  }
0x317: {  	v1 =	vld [tilespmem:s7+$0xFFFFFFC0];
	_ =	sdelay $0x2  }
0x318: {  	v0 =	vmul.f32 $8.000000000e+00, v0  }
0x319: {  	v2 =	vmul.f32 $8.000000000e+00, v2  }
0x31a: {  	v0 =	vadd.f32 v0, v1  }
0x31b: {  	v1 =	vadd.f32 v2, v1  }
0x31c: {  	[tilespmem:s5+$0xFFFFCD50] =	vst v0;
	v0 =	vld [tilespmem:s5+$0xFFFFCD60]  }
0x31d: {  	v2 =	vld [tilespmem:s5+$0xFFFFFF60];
	[tilespmem:s5+$0xFFFFFF50] =	vst v1  }
0x31e: {  	v1 =	vld [tilespmem:s7+$0xFFFFFFD0];
	_ =	sdelay $0x2  }
0x31f: {  	v0 =	vmul.f32 $8.000000000e+00, v0  }
0x320: {  	v2 =	vmul.f32 $8.000000000e+00, v2  }
0x321: {  	v0 =	vadd.f32 v0, v1  }
0x322: {  	v1 =	vadd.f32 v2, v1  }
0x323: {  	[tilespmem:s5+$0xFFFFCD60] =	vst v0;
	v0 =	vld [tilespmem:s5+$0xFFFFCD70]  }
0x324: {  	v2 =	vld [tilespmem:s5+$0xFFFFFF70];
	[tilespmem:s5+$0xFFFFFF60] =	vst v1  }
0x325: {  	v1 =	vld [tilespmem:s7+$0xFFFFFFE0];
	_ =	sdelay $0x2  }
0x326: {  	v0 =	vmul.f32 $8.000000000e+00, v0  }
0x327: {  	v2 =	vmul.f32 $8.000000000e+00, v2  }
0x328: {  	v0 =	vadd.f32 v0, v1  }
0x329: {  	v1 =	vadd.f32 v2, v1  }
0x32a: {  	[tilespmem:s5+$0xFFFFCD70] =	vst v0;
	v0 =	vld [tilespmem:s5+$0xFFFFCD80]  }
0x32b: {  	v2 =	vld [tilespmem:s5+$0xFFFFFF80];
	[tilespmem:s5+$0xFFFFFF70] =	vst v1  }
0x32c: {  	v1 =	vld [tilespmem:s7+$0xFFFFFFF0];
	_ =	sdelay $0x2  }
0x32d: {  	v0 =	vmul.f32 $8.000000000e+00, v0  }
0x32e: {  	v2 =	vmul.f32 $8.000000000e+00, v2  }
0x32f: {  	v0 =	vadd.f32 v0, v1  }
0x330: {  	v1 =	vadd.f32 v2, v1  }
0x331: {  	[tilespmem:s5+$0xFFFFCD80] =	vst v0;
	v0 =	vld [tilespmem:s5+$0xFFFFCD90]  }
0x332: {  	v2 =	vld [tilespmem:s5+$0xFFFFFF90];
	[tilespmem:s5+$0xFFFFFF80] =	vst v1  }
0x333: {  	v1 =	vld [tilespmem:s7+$0x0];
	_ =	sdelay $0x2  }
0x334: {  	v0 =	vmul.f32 $8.000000000e+00, v0  }
0x335: {  	v2 =	vmul.f32 $8.000000000e+00, v2  }
0x336: {  	v0 =	vadd.f32 v0, v1  }
0x337: {  	v1 =	vadd.f32 v2, v1  }
0x338: {  	[tilespmem:s5+$0xFFFFCD90] =	vst v0;
	v0 =	vld [tilespmem:s5+$0xFFFFCDA0]  }
0x339: {  	v2 =	vld [tilespmem:s5+$0xFFFFFFA0];
	[tilespmem:s5+$0xFFFFFF90] =	vst v1  }
0x33a: {  	v1 =	vld [tilespmem:s7+$0x10];
	_ =	sdelay $0x2  }
0x33b: {  	v0 =	vmul.f32 $8.000000000e+00, v0  }
0x33c: {  	v2 =	vmul.f32 $8.000000000e+00, v2  }
0x33d: {  	v0 =	vadd.f32 v0, v1  }
0x33e: {  	v1 =	vadd.f32 v2, v1  }
0x33f: {  	[tilespmem:s5+$0xFFFFCDA0] =	vst v0;
	v0 =	vld [tilespmem:s5+$0xFFFFCDB0]  }
0x340: {  	v2 =	vld [tilespmem:s5+$0xFFFFFFB0];
	[tilespmem:s5+$0xFFFFFFA0] =	vst v1  }
0x341: {  	v1 =	vld [tilespmem:s7+$0x20];
	_ =	sdelay $0x2  }
0x342: {  	v0 =	vmul.f32 $8.000000000e+00, v0  }
0x343: {  	v2 =	vmul.f32 $8.000000000e+00, v2  }
0x344: {  	v0 =	vadd.f32 v0, v1  }
0x345: {  	v1 =	vadd.f32 v2, v1  }
0x346: {  	[tilespmem:s5+$0xFFFFCDB0] =	vst v0;
	v0 =	vld [tilespmem:s5+$0xFFFFCDC0]  }
0x347: {  	v2 =	vld [tilespmem:s5+$0xFFFFFFC0];
	[tilespmem:s5+$0xFFFFFFB0] =	vst v1  }
0x348: {  	v1 =	vld [tilespmem:s7+$0x30];
	_ =	sdelay $0x2  }
0x349: {  	v0 =	vmul.f32 $8.000000000e+00, v0  }
0x34a: {  	v2 =	vmul.f32 $8.000000000e+00, v2  }
0x34b: {  	v0 =	vadd.f32 v0, v1  }
0x34c: {  	v1 =	vadd.f32 v2, v1  }
0x34d: {  	[tilespmem:s5+$0xFFFFCDC0] =	vst v0;
	v0 =	vld [tilespmem:s5+$0xFFFFCDD0]  }
0x34e: {  	v2 =	vld [tilespmem:s5+$0xFFFFFFD0];
	[tilespmem:s5+$0xFFFFFFC0] =	vst v1  }
0x34f: {  	v1 =	vld [tilespmem:s7+$0x40];
	_ =	sdelay $0x2  }
0x350: {  	v0 =	vmul.f32 $8.000000000e+00, v0  }
0x351: {  	v2 =	vmul.f32 $8.000000000e+00, v2  }
0x352: {  	v0 =	vadd.f32 v0, v1  }
0x353: {  	v1 =	vadd.f32 v2, v1  }
0x354: {  	[tilespmem:s5+$0xFFFFCDD0] =	vst v0;
	v0 =	vld [tilespmem:s5+$0xFFFFCDE0]  }
0x355: {  	v2 =	vld [tilespmem:s5+$0xFFFFFFE0];
	[tilespmem:s5+$0xFFFFFFD0] =	vst v1  }
0x356: {  	v1 =	vld [tilespmem:s7+$0x50];
	_ =	sdelay $0x2  }
0x357: {  	v0 =	vmul.f32 $8.000000000e+00, v0  }
0x358: {  	v2 =	vmul.f32 $8.000000000e+00, v2  }
0x359: {  	v3 =	vadd.f32 v0, v1  }
0x35a: {  	v1 =	vadd.f32 v2, v1;
	v0 =	vld [tilespmem:s5+$0xFFFFFFF0]  }
0x35b: {  	v2 =	vld [tilespmem:s5+$0xFFFFCDF0];
	[tilespmem:s5+$0xFFFFCDE0] =	vst v3  }
0x35c: {  	[tilespmem:s5+$0xFFFFFFE0] =	vst v1  }
0x35d: {  	s9 =	simm.s32 $0x0;
	s8 =	simm.s32 $0x9AF0;
	s0 =	simm.s32 $0x19480;
	v1 =	vld [tilespmem:s7+$0x60]  }
.LBB2_10:
0x35e: {  	s9 =	sadd.s32 $0x4, s9;
	s5 =	sadd.s32 $0x100, s5;
	s7 =	sadd.s32 $0x100, s7  }
0x35f: {  	p0 =	slt.u32 s9, $0xC4  }
0x360: {  	v0 =	vmul.f32 $8.000000000e+00, v0;
	v2 =	vmul.f32 $8.000000000e+00, v2;
	_ =	sdelay $0x1  }
0x361: {  	v2 =	vadd.f32 v2, v1;
	v0 =	vadd.f32 v0, v1  }
0x362: {  	v1 =	vld [tilespmem:s8+$0xFFFFCE00]  }
0x363: {  	[tilespmem:s8+$0xFFFFCDF0] =	vst v2;
	v2 =	vld [tilespmem:s8+$0x0]  }
0x364: {  	[tilespmem:s8+$0xFFFFFFF0] =	vst v0  }
0x365: {  	v0 =	vld [tilespmem:s0+$0x70];
	s0 =	smov.u32 s7;
	_ =	sdelay $0x2  }
0x366: {  	v1 =	vmul.f32 $8.000000000e+00, v1;
	v2 =	vmul.f32 $8.000000000e+00, v2;
	_ =	sdelay $0x1  }
0x367: {  	v1 =	vadd.f32 v1, v0;
	v0 =	vadd.f32 v2, v0  }
0x368: {  	v2 =	vld [tilespmem:s5+$0xFFFFFF10]  }
0x369: {  	v3 =	vld [tilespmem:s5+$0xFFFFCD10];
	[tilespmem:s8+$0xFFFFCE00] =	vst v1  }
0x36a: {  	[tilespmem:s8+$0x0] =	vst v0;
	s8 =	smov.u32 s5  }
0x36b: {  	v0 =	vld [tilespmem:s7+$0xFFFFFF80];
	_ =	sdelay $0x2  }
0x36c: {  	v2 =	vmul.f32 $8.000000000e+00, v2;
	v1 =	vmul.f32 $8.000000000e+00, v3;
	_ =	sdelay $0x1  }
0x36d: {  	v1 =	vadd.f32 v1, v0;
	v0 =	vadd.f32 v2, v0  }
0x36e: {  	v2 =	vld [tilespmem:s5+$0xFFFFFF20]  }
0x36f: {  	[tilespmem:s5+$0xFFFFCD10] =	vst v1;
	v1 =	vld [tilespmem:s5+$0xFFFFCD20]  }
0x370: {  	[tilespmem:s5+$0xFFFFFF10] =	vst v0  }
0x371: {  	v0 =	vld [tilespmem:s7+$0xFFFFFF90];
	_ =	sdelay $0x2  }
0x372: {  	v2 =	vmul.f32 $8.000000000e+00, v2;
	v1 =	vmul.f32 $8.000000000e+00, v1;
	_ =	sdelay $0x1  }
0x373: {  	v1 =	vadd.f32 v1, v0;
	v0 =	vadd.f32 v2, v0  }
0x374: {  	v2 =	vld [tilespmem:s5+$0xFFFFFF30]  }
0x375: {  	[tilespmem:s5+$0xFFFFCD20] =	vst v1;
	v1 =	vld [tilespmem:s5+$0xFFFFCD30]  }
0x376: {  	[tilespmem:s5+$0xFFFFFF20] =	vst v0  }
0x377: {  	v0 =	vld [tilespmem:s7+$0xFFFFFFA0];
	_ =	sdelay $0x2  }
0x378: {  	v2 =	vmul.f32 $8.000000000e+00, v2;
	v1 =	vmul.f32 $8.000000000e+00, v1;
	_ =	sdelay $0x1  }
0x379: {  	v1 =	vadd.f32 v1, v0;
	v0 =	vadd.f32 v2, v0  }
0x37a: {  	v2 =	vld [tilespmem:s5+$0xFFFFFF40]  }
0x37b: {  	[tilespmem:s5+$0xFFFFCD30] =	vst v1;
	v1 =	vld [tilespmem:s5+$0xFFFFCD40]  }
0x37c: {  	[tilespmem:s5+$0xFFFFFF30] =	vst v0  }
0x37d: {  	v0 =	vld [tilespmem:s7+$0xFFFFFFB0];
	_ =	sdelay $0x2  }
0x37e: {  	v2 =	vmul.f32 $8.000000000e+00, v2;
	v1 =	vmul.f32 $8.000000000e+00, v1;
	_ =	sdelay $0x1  }
0x37f: {  	v1 =	vadd.f32 v1, v0;
	v0 =	vadd.f32 v2, v0  }
0x380: {  	v2 =	vld [tilespmem:s5+$0xFFFFFF50]  }
0x381: {  	[tilespmem:s5+$0xFFFFCD40] =	vst v1;
	v1 =	vld [tilespmem:s5+$0xFFFFCD50]  }
0x382: {  	[tilespmem:s5+$0xFFFFFF40] =	vst v0  }
0x383: {  	v0 =	vld [tilespmem:s7+$0xFFFFFFC0];
	_ =	sdelay $0x2  }
0x384: {  	v2 =	vmul.f32 $8.000000000e+00, v2;
	v1 =	vmul.f32 $8.000000000e+00, v1;
	_ =	sdelay $0x1  }
0x385: {  	v1 =	vadd.f32 v1, v0;
	v0 =	vadd.f32 v2, v0  }
0x386: {  	v2 =	vld [tilespmem:s5+$0xFFFFFF60]  }
0x387: {  	[tilespmem:s5+$0xFFFFCD50] =	vst v1;
	v1 =	vld [tilespmem:s5+$0xFFFFCD60]  }
0x388: {  	[tilespmem:s5+$0xFFFFFF50] =	vst v0  }
0x389: {  	v0 =	vld [tilespmem:s7+$0xFFFFFFD0];
	_ =	sdelay $0x2  }
0x38a: {  	v2 =	vmul.f32 $8.000000000e+00, v2;
	v1 =	vmul.f32 $8.000000000e+00, v1;
	_ =	sdelay $0x1  }
0x38b: {  	v1 =	vadd.f32 v1, v0;
	v0 =	vadd.f32 v2, v0  }
0x38c: {  	v2 =	vld [tilespmem:s5+$0xFFFFFF70]  }
0x38d: {  	[tilespmem:s5+$0xFFFFCD60] =	vst v1;
	v1 =	vld [tilespmem:s5+$0xFFFFCD70]  }
0x38e: {  	[tilespmem:s5+$0xFFFFFF60] =	vst v0  }
0x38f: {  	v0 =	vld [tilespmem:s7+$0xFFFFFFE0];
	_ =	sdelay $0x2  }
0x390: {  	v2 =	vmul.f32 $8.000000000e+00, v2;
	v1 =	vmul.f32 $8.000000000e+00, v1;
	_ =	sdelay $0x1  }
0x391: {  	v1 =	vadd.f32 v1, v0;
	v0 =	vadd.f32 v2, v0  }
0x392: {  	v2 =	vld [tilespmem:s5+$0xFFFFFF80]  }
0x393: {  	[tilespmem:s5+$0xFFFFCD70] =	vst v1;
	v1 =	vld [tilespmem:s5+$0xFFFFCD80]  }
0x394: {  	[tilespmem:s5+$0xFFFFFF70] =	vst v0  }
0x395: {  	v0 =	vld [tilespmem:s7+$0xFFFFFFF0];
	_ =	sdelay $0x2  }
0x396: {  	v2 =	vmul.f32 $8.000000000e+00, v2;
	v1 =	vmul.f32 $8.000000000e+00, v1;
	_ =	sdelay $0x1  }
0x397: {  	v1 =	vadd.f32 v1, v0;
	v0 =	vadd.f32 v2, v0  }
0x398: {  	v2 =	vld [tilespmem:s5+$0xFFFFFF90]  }
0x399: {  	[tilespmem:s5+$0xFFFFCD80] =	vst v1;
	v1 =	vld [tilespmem:s5+$0xFFFFCD90]  }
0x39a: {  	[tilespmem:s5+$0xFFFFFF80] =	vst v0  }
0x39b: {  	v0 =	vld [tilespmem:s7+$0x0];
	_ =	sdelay $0x2  }
0x39c: {  	v2 =	vmul.f32 $8.000000000e+00, v2;
	v1 =	vmul.f32 $8.000000000e+00, v1;
	_ =	sdelay $0x1  }
0x39d: {  	v1 =	vadd.f32 v1, v0;
	v0 =	vadd.f32 v2, v0  }
0x39e: {  	v2 =	vld [tilespmem:s5+$0xFFFFFFA0]  }
0x39f: {  	[tilespmem:s5+$0xFFFFCD90] =	vst v1;
	v1 =	vld [tilespmem:s5+$0xFFFFCDA0]  }
0x3a0: {  	[tilespmem:s5+$0xFFFFFF90] =	vst v0  }
0x3a1: {  	v0 =	vld [tilespmem:s7+$0x10];
	_ =	sdelay $0x2  }
0x3a2: {  	v2 =	vmul.f32 $8.000000000e+00, v2;
	v1 =	vmul.f32 $8.000000000e+00, v1;
	_ =	sdelay $0x1  }
0x3a3: {  	v1 =	vadd.f32 v1, v0;
	v0 =	vadd.f32 v2, v0  }
0x3a4: {  	v2 =	vld [tilespmem:s5+$0xFFFFFFB0]  }
0x3a5: {  	[tilespmem:s5+$0xFFFFCDA0] =	vst v1;
	v1 =	vld [tilespmem:s5+$0xFFFFCDB0]  }
0x3a6: {  	[tilespmem:s5+$0xFFFFFFA0] =	vst v0  }
0x3a7: {  	v0 =	vld [tilespmem:s7+$0x20];
	_ =	sdelay $0x2  }
0x3a8: {  	v2 =	vmul.f32 $8.000000000e+00, v2;
	v1 =	vmul.f32 $8.000000000e+00, v1;
	_ =	sdelay $0x1  }
0x3a9: {  	v1 =	vadd.f32 v1, v0;
	v0 =	vadd.f32 v2, v0  }
0x3aa: {  	v2 =	vld [tilespmem:s5+$0xFFFFFFC0]  }
0x3ab: {  	[tilespmem:s5+$0xFFFFCDB0] =	vst v1;
	v1 =	vld [tilespmem:s5+$0xFFFFCDC0]  }
0x3ac: {  	[tilespmem:s5+$0xFFFFFFB0] =	vst v0  }
0x3ad: {  	v0 =	vld [tilespmem:s7+$0x30];
	_ =	sdelay $0x2  }
0x3ae: {  	v2 =	vmul.f32 $8.000000000e+00, v2;
	v1 =	vmul.f32 $8.000000000e+00, v1;
	_ =	sdelay $0x1  }
0x3af: {  	v1 =	vadd.f32 v1, v0;
	v0 =	vadd.f32 v2, v0  }
0x3b0: {  	v2 =	vld [tilespmem:s5+$0xFFFFFFD0]  }
0x3b1: {  	[tilespmem:s5+$0xFFFFCDC0] =	vst v1;
	v1 =	vld [tilespmem:s5+$0xFFFFCDD0]  }
0x3b2: {  	[tilespmem:s5+$0xFFFFFFC0] =	vst v0  }
0x3b3: {  	v0 =	vld [tilespmem:s7+$0x40];
	_ =	sdelay $0x2  }
0x3b4: {  	v2 =	vmul.f32 $8.000000000e+00, v2;
	v1 =	vmul.f32 $8.000000000e+00, v1;
	_ =	sdelay $0x1  }
0x3b5: {  	v1 =	vadd.f32 v1, v0;
	v0 =	vadd.f32 v2, v0  }
0x3b6: {  	v2 =	vld [tilespmem:s5+$0xFFFFFFE0]  }
0x3b7: {  	[tilespmem:s5+$0xFFFFCDD0] =	vst v1;
	v1 =	vld [tilespmem:s5+$0xFFFFCDE0]  }
0x3b8: {  	[tilespmem:s5+$0xFFFFFFD0] =	vst v0  }
0x3b9: {  	v0 =	vld [tilespmem:s7+$0x50];
	_ =	sdelay $0x2  }
0x3ba: {  	v2 =	vmul.f32 $8.000000000e+00, v2;
	v1 =	vmul.f32 $8.000000000e+00, v1;
	_ =	sdelay $0x1  }
.Ltmp4:
0x3bb: {  	v1 =	vadd.f32 v1, v0;
	v3 =	vadd.f32 v2, v0;
	(pc) =	sbr.rel @p0 .LBB2_10-.Ltmp4, $4  }
0x3bc: {  	v0 =	vld [tilespmem:s5+$0xFFFFFFF0]  }
0x3bd: {  	[tilespmem:s5+$0xFFFFCDE0] =	vst v1;
	v2 =	vld [tilespmem:s5+$0xFFFFCDF0]  }
0x3be: {  	[tilespmem:s5+$0xFFFFFFE0] =	vst v3  }
0x3bf: {  	v1 =	vld [tilespmem:s7+$0x60]  }
0x3c0: {  	_ =	sdelay $0x1  }
0x3c1: {  	v2 =	vmul.f32 $8.000000000e+00, v2  }
0x3c2: {  	v0 =	vmul.f32 $8.000000000e+00, v0  }
0x3c3: {  	v2 =	vadd.f32 v2, v1  }
0x3c4: {  	v0 =	vadd.f32 v0, v1  }
0x3c5: {  	v62 =	vld [tilespmem:s8+$0xFFFFCE00];
	[tilespmem:s8+$0xFFFFCDF0] =	vst v2  }
0x3c6: {  	v63 =	vld [tilespmem:s8+$0x0];
	[tilespmem:s8+$0xFFFFFFF0] =	vst v0  }
0x3c7: {  	v0 =	vld [tilespmem:s0+$0x70];
	_ =	sdelay $0x2  }
0x3c8: {  	v1 =	vmul.f32 $8.000000000e+00, v62  }
0x3c9: {  	v2 =	vmul.f32 $8.000000000e+00, v63  }
0x3ca: {  	v1 =	vadd.f32 v1, v0  }
0x3cb: {  	v0 =	vadd.f32 v2, v0  }
0x3cc: {  	[tilespmem:s8+$0xFFFFCE00] =	vst v1  }
0x3cd: {  	s10 =	rddreg [dreg:$0x5];
	s16 =	simm.s32 $0x6;
	[tilespmem:s8+$0x0] =	vst v0  }
0x3ce: {  	[hbm4b:s10+s3] =	stream.linear.scatter [tilespmem:s13], [sflag:$0x4], $0x6400, $0x38;
	[tilespmem:$0x1C600] =	vst v63  }
0x3cf: {  	_ =	swait.ge [sflag:s16], $0x6400  }
0x3d0: {  	[sflag:s16] =	ssyncset.done $0x0  }
0x3d1: {  	[sflag:s16] =	ssyncadd.s32 $0xFFFF9C00  }
0x3d2: {  	_ =	swait.ge [sflag:s31], $0x6400  }
0x3d3: {  	s14 =	sadd.s32 $0x1, s14;
	s18 =	rddreg [dreg:$0x6]  }
0x3d4: {  	p0 =	sne.s32 s14, s18  }
.Ltmp5:
0x3d5: {  	_ = 	snop;
	(pc) =	sbr.rel @p0 .LBB2_1-.Ltmp5, $3  }
0x3d6: {  	_ =	sdelay $0x1  }
0x3d7: {  	[sflag:s31] =	ssyncset.done $0x0  }
0x3d8: {  	[sflag:s31] =	ssyncadd.s32 $0xFFFF9C00  }
0x3d9: {  	_ =	sfence.sel $0x180000  }
0x3da: {  	[bflag:$0x0] =	sbarrier.arrive $0xFFFF  }
0x3db: {  	_ =	strace $0x90000047  }
0x3dc: {  	s0 =	stileid.u32;
	[bflag:$0x2] =	sbarrier.arrive $0xFFFF  }
0x3dd: {  	p0 =	sne.s32 s0, $0x0;
	s0 =	rddreg [dreg:$0x2]  }
0x3de: {  	s0 =	sadd.s32 @!p0 $0x100000, s0  }
0x3df: {  	[sflag:s0] =	ssyncadd.tile.s32 @!p0 $0x1;
	_ =	shalt  }
.Lfunc_end2:
_tile_overlayer_lowered:
.L_overlay_start_2:
0x3e0: {  	(tag) =	ssettag $0x2  }
0x3e1: {  	s0 =	rddreg [dreg:$0x0];
	s2 =	stileid.u32  }
0x3e2: {  	s1 =	rddreg [dreg:$0x1];
	p0 =	sne.s32 s2, $0x0  }
0x3e3: {  	s3 =	rddreg [dreg:$0x2];
	[bflag:$0x3] =	sbarrier.arrive $0xFFFF;
	s2 =	simm.s32 @!p0 $0x1C07  }
0x3e4: {  	[timem:s3], [sflag:s2] =	dma.local @!p0 [hbm:s0], s1  }
0x3e5: {  	s0 =	simm.s32 @!p0 $0x7  }
0x3e6: {  	_ =	swait.ge @!p0 [sflag:s0], s1  }
0x3e7: {  	s1 =	ssub.s32 @!p0 $0x0, s1;
	[sflag:s0] =	ssyncset.done @!p0 $0x0  }
0x3e8: {  	[sflag:s0] =	ssyncadd.s32 @!p0 s1  }
0x3e9: {  	[bflag:$0x3] =	sbarrier.arrive $0xFFFF  }
0x3ea: {  	_ =	shalt  }

// kernel: sparse-core-data-format-call.cloned.1.call-start
scs
called_computation_lowered:
.L_overlay_start_0:
0x0: {  	s2 =	sld [smem:$0x3FD9]  }
0x1: {  	s3 =	sld [smem:$0x3FFE];
	_ =	sdelay $0x1  }
0x2: {  	s1 =	srdreg.scid  }
0x3: {  	s0 =	sand.u32 $0x1, s1  }
0x4: {  	s18 =	sshll.u32 s0, $0xA;
	s2 =	sadd.s32 s3, s2  }
0x5: {  	s2 =	sadd.s32 s2, s18  }
0x6: {  	[smem:$0x3FC6] =	sst s2  }
0x7: {  	_ = 	snop  }
0x8: {  	s2 =	sld [smem:$0x3FD0];
	(tm) =	ssettm $0x1  }
0x9: {  	s19 =	sld [smem:$0x3FFB];
	_ =	sdelay $0x3  }
0xa: {  	_ =	strace s19  }
0xb: {  	s3 =	sld [smem:$0x3FFC];
	_ =	sdelay $0x3  }
0xc: {  	_ =	strace s3  }
0xd: {  	s3 =	sld [smem:$0x3FFD];
	_ =	sdelay $0x3  }
0xe: {  	_ =	strace s3  }
0xf: {  	_ =	strace $0x8FFFFFFF  }
0x10: {  	s20 =	sld [smem:$0x3FDB];
	_ =	sdelay $0x1  }
0x11: {  	s4 =	simm.s32 $_scs_section_size  }
0x12: {  	s5 =	simm.s32 $_size__tile_overlayer_lowered;
	s6 =	simm.s32 $_tile_overlayer_lowered  }
0x13: {  	s23 =	simm.s32 $0x1BFF;
	s22 =	sshll.u32 s6, $0x1;
	s3 =	sadd.s32 s4, s20  }
0x14: {  	s7 =	simm.s32 $0x0;
	s21 =	sshll.u32 s5, $0x1;
	s5 =	sadd.s32 s22, s3  }
0x15: {  	[timem:s7], [sflag:s23] =	dma.local [hbm:s5], s21  }
0x16: {  	_ =	swait.ge [sflag:s23], s21  }
0x17: {  	s4 =	ssub.s32 $0x0, s21;
	[sflag:s23] =	ssyncset.done $0x0  }
0x18: {  	[sflag:s23] =	ssyncadd.s32 s4;
	_ =	sdelay $0x1  }
0x19: {  	s24 =	simm.s32 $0x1B8B  }
0x1a: {  	_ =	swait.ge [sflag:s24], $0x1  }
0x1b: {  	[sflag:s24] =	ssyncset.done $0x0  }
0x1c: {  	s26 =	simm.s32 $0x1B8E;
	s25 =	sld [smem:$0x3FFE];
	[sflag:s24] =	ssyncadd.s32 $0xFFFFFFFF  }
0x1d: {  	s27 =	simm.s32 $execute0_lowered;
	[smem:$0x3FD2] =	sst s26  }
0x1e: {  	s5 =	sshll.u32 s27, $0x1;
	_ =	strace $0x80000049;
	[dreg:$0x1] =	wrdreg $0xFFFFFFFF  }
0x1f: {  	s28 =	simm.s32 $_size_execute0_lowered;
	s3 =	sadd.s32 s3, s5;
	[dreg:$0x0] =	wrdreg $0x0  }
0x20: {  	s5 =	sshll.u32 s28, $0x1;
	[dreg:$0x2] =	wrdreg s3  }
0x21: {  	[dreg:$0x3] =	wrdreg s5  }
0x22: {  	[dreg:$0x4] =	wrdreg $0xC0  }
0x23: {  	_ =	task [dreg:s7], $0x5FFFF  }
0x24: {  	[dreg:$0x1] =	wrdreg $0xFFFFFFFF  }
0x25: {  	[dreg:$0x0] =	wrdreg $0x60  }
0x26: {  	[dreg:$0x2] =	wrdreg s25  }
0x27: {  	[dreg:$0x3] =	wrdreg s2  }
0x28: {  	[dreg:$0x4] =	wrdreg $0x9  }
0x29: {  	_ =	task.clear_ibuf [dreg:s7], $0x5FFFF;
	_ =	strace $0x90000049  }
0x2a: {  	s29 =	simm.s32 $0x9;
	_ =	strace $0x8000004B  }
0x2b: {  	_ =	swait.ge [sflag:s29], $0x1  }
0x2c: {  	[sflag:s29] =	ssyncadd.s32 $0xFFFFFFFF  }
0x2d: {  	_ =	strace $0x9000004B  }
0x2e: {  	_ =	sfence  }
0x2f: {  	s30 =	sld [smem:$0x0];
	_ =	sdelay $0x2  }
0x30: {  	s31 =	sshll.u32 s1, $0xD;
	s1 =	sshrl.u32 s1, $0x2  }
0x31: {  	s3 =	sand.u32 $0x4000, s31;
	s1 =	sadd.s32 s1, s30  }
0x32: {  	s0 =	sor.u32 s3, s0;
	s1 =	sshll.u32 s1, $0x11  }
0x33: {  	s0 =	sor.u32 s1, s0  }
0x34: {  	s0 =	sadd.s32 $0x8F2B, s0  }
0x35: {  	[sflag:s0] =	ssyncadd.remote.s32 $0x1  }
0x36: {  	_ =	sfence.sel $0xFFFF  }
0x37: {  	[dreg:$0x0] =	wrdreg $0xFFFFFFFF;
	(pc) =	sbr.abs _section_cstart, $3  }
0x38: {  	[dreg:$0x1] =	wrdreg $0xFFFFFFFF  }
0x39: {  	_ =	task.clear_ibuf [dreg:s7], $0x2FFFF;
	_ =	strace $0x9FFFFFFF  }
0x3a: {  	(tm) =	ssettm $0x7FFFFFFF  }
0x3b: {  	_ =	shalt  }
tec
execute0_lowered:
.L_overlay_start_1:
0x0: {  	(tag) =	ssettag $0x1  }
0x1: {  	s0 =	srdreg.scid  }
0x2: {  	s1 =	sshll.u32 s0, $0x4  }
0x3: {  	s0 =	stileid.u32;
	s1 =	sand.u32 $0x10, s1  }
0x4: {  	s1 =	sor.u32 s0, s1  }
0x5: {  	s6 =	rddreg [dreg:$0x0];
	s4 =	simm.s32 $0x1;
	s2 =	sshll.u32 s1, $0x7  }
0x6: {  	s7 =	simm.s32 $0x2;
	s12 =	simm.s32 $0x0;
	s1 =	ssub.s32 $0x1000, s2  }
0x7: {  	s8 =	simm.s32 $0x8000;
	s13 =	simm.s32 $0x0;
	s3 =	sand.u32 $0xF80, s1  }
0x8: {  	s9 =	simm.s32 $0x0;
	s5 =	sshrl.u32 s1, $0xC;
	p0 =	sne.s32 s3, $0x0  }
.Ltmp0:
0x9: {  	s1 =	rddreg [dreg:$0x2];
	s4 =	simm.s32 @!p0 $0x0;
	(pc) =	sbr.rel .LBB1_1-.Ltmp0, $4  }
0xa: {  	s11 =	simm.s32 $0x0;
	s3 =	rddreg [dreg:$0x1];
	s5 =	sadd.s32 s4, s5  }
0xb: {  	_ =	strace $0x8000004A;
	s4 =	simm.s32 $0x1;
	s5 =	smul.u32 $0xC8, s5  }
0xc: {  	s6 =	sadd.s32 $0xC00, s6;
	s10 =	smov.u32 s2;
	[sflag:s4] =	ssyncpa.u1 $0x0  }
0xd: {  	p0 =	por $0x0, $0x0;
	[sflag:s7] =	ssyncpa.u1 $0x0;
	s7 =	sor.u32 $0x1, s5  }
.LBB1_4:
0xe: {  	s16 =	sshll.u32 s13, $0x3;
	s17 =	sand.u32 $0x78, s13  }
0xf: {  	s30 =	sand.u32 $0x7E00, s13;
	s12 =	sshll.u32 s12, $0xF;
	s16 =	sand.u32 $0xC00, s16  }
0x10: {  	[tilespmem:s15+$0x810 ss:$0x81] =	vst.msk $0xffff, v2;
	s31 =	sand.u32 $0x7, s13;
	s16 =	sor.u32 s17, s16;
	s17 =	sadd.s32 s3, s30  }
0x11: {  	[tilespmem:s15+$0x1020 ss:$0x81] =	vst.msk $0xffff, v0;
	s13 =	sshll.u32 s31, $0x12;
	s12 =	sadd.s32 s12, s17;
	s16 =	sshrl.u32 s16, $0x3  }
0x12: {  	[tilespmem:s15+$0x0 ss:$0x81] =	vst.msk $0xffff, v1;
	s13 =	sor.u32 $0x400, s13;
	s12 =	sadd.s32 s16, s12  }
0x13: {  	[hbm4b:s12+s13] =	stream.strided.scatter [tilespmem:s14], [sflag:$0x2], $0x2000, s8, s13, $0x20;
	[tilespmem:$0x8080] =	vst v63  }
.LBB1_5:
0x14: {  	s14 =	sadd.s32 $0x1, s9  }
0x15: {  	s12 =	sadd.s32 $0x1000, s10;
	s16 =	smov.u32 s10;
	p2 =	sgt.s32 s14, $0xC7  }
0x16: {  	s16 =	smov.u32 @p2 s12  }
0x17: {  	s14 =	simm.s32 @p2 $0x0;
	p2 =	sgt.s32 s16, $0xFFF  }
0x18: {  	s16 =	smov.u32 @p2 s2;
	p2 =	sne.s32 s11, s7  }
.Ltmp1:
0x19: {  	p1 =	slt.u32 s11, $0x2;
	(pc) =	sbr.rel @!p2 .LBB1_6-.Ltmp1, $4  }
0x1a: {  	s15 =	simm.s32 @!p1 $0x2  }
0x1b: {  	s13 =	smov.u32 s10;
	p0 =	por !p0, !p0;
	_ =	swait.ge @!p1 [sflag:s15], $0x2000  }
0x1c: {  	s12 =	smov.u32 s9;
	[sflag:s15] =	ssyncset.done @!p1 $0x0;
	s9 =	smov.u32 s14  }
0x1d: {  	s11 =	sadd.s32 $0x1, s11;
	[sflag:s15] =	ssyncadd.s32 @!p1 $0xFFFFE000;
	s10 =	smov.u32 s16  }
.LBB1_1:
0x1e: {  	p1 =	sge.u32 s11, s5  }
0x1f: {  	s14 =	sand.u32 @!p1 $0x1FFFFFF, s9  }
0x20: {  	s15 =	smulhi.u32 @!p1 $0x147AE15, s14;
	_ =	sdelay $0x1  }
0x21: {  	s15 =	smul.u32 @!p1 $0xC8, s15  }
0x22: {  	s16 =	sxor.u32 @!p1 $0xFFFFFFFF, s11;
	s17 =	smul.u32 @!p1 $0xC80, s10  }
0x23: {  	s31 =	sadd.s32 $0xFFFFFFFF, s11;
	s16 =	sshll.u32 @!p1 s16, $0xD;
	s14 =	ssub.s32 @!p1 s14, s15  }
0x24: {  	s15 =	sand.u32 @!p1 $0x2000, s16;
	s16 =	sadd.s32 @!p1 s6, s17;
	s14 =	sshll.u32 @!p1 s14, $0x4  }
0x25: {  	s17 =	simm.s32 @!p1 $0x6400;
	s14 =	sadd.s32 @!p1 s14, s16;
	s16 =	simm.s32 @!p1 $0x40  }
0x26: {  	[tilespmem:s15], [sflag:$0x1] =	stream.strided.gather @!p1 [hbm4b:s14+s16], $0x2000, s17, s16, $0x38;
	[tilespmem:$0x8080] =	vst v63  }
0x27: {  	p1 =	sge.u32 s31, s5  }
.Ltmp2:
0x28: {  	_ = 	snop;
	(pc) =	sbr.rel @p1 .LBB1_5-.Ltmp2, $1  }
0x29: {  	_ =	sdelay $0x3  }
0x2a: {  	s14 =	simm.s32 $0x1  }
0x2b: {  	_ =	swait.ge [sflag:s4], $0x2000;
	s14 =	simm.s32 @!p0 $0x0  }
0x2c: {  	[sflag:s4] =	ssyncset.done $0x0;
	s15 =	sshll.u32 s14, $0xD  }
0x2d: {  	[sflag:s4] =	ssyncadd.s32 $0xFFFFE000;
	s18 =	sor.u32 $0x20, s15  }
0x2e: {  	s14 =	smul.u32 $0x8100, s14;
	v3 =	vld [tilespmem:s18+$0x10]  }
0x2f: {  	s30 =	sand.u32 $0x1, s11;
	v2 =	vld [tilespmem:s18+$0xFFFFFFF0]  }
0x30: {  	s15 =	smul.u32 $0x8100, s30;
	s14 =	sshrl.u32 s14, $0x2;
	v0 =	vld [tilespmem:s18+$0x0]  }
0x31: {  	v1 =	vld [tilespmem:s18+$0xFFFFFFE0];
	s16 =	sor.u32 $0x4000, s14  }
0x32: {  	s31 =	sshrl.u32 s15, $0x2;
	s15 =	sadd.s32 $0x0, s16  }
0x33: {  	s17 =	simm.s32 $0x4;
	s18 =	sadd.s32 $0x40, s18;
	s14 =	sor.u32 $0x4000, s31;
	[tilespmem:s15+$0x1830 ss:$0x81] =	vst.msk $0xffff, v3  }
.LBB1_3:
0x34: {  	v3 =	vld [tilespmem:s18+$0x10];
	p1 =	sne.s32 s17, $0x1FC;
	[tilespmem:s15+$0x810 ss:$0x81] =	vst.msk $0xffff, v2;
	s19 =	smov.u32 s17;
	s17 =	sadd.s32 $0x4, s17  }
.Ltmp3:
0x35: {  	v2 =	vld [tilespmem:s18+$0xFFFFFFF0];
	[tilespmem:s15+$0x1020 ss:$0x81] =	vst.msk $0xffff, v0;
	(pc) =	sbr.rel @p1 .LBB1_3-.Ltmp3, $4  }
0x36: {  	v0 =	vld [tilespmem:s18+$0x0];
	[tilespmem:s15+$0x0 ss:$0x81] =	vst.msk $0xffff, v1  }
0x37: {  	s15 =	sshra.s32 s19, $0x2;
	v1 =	vld [tilespmem:s18+$0xFFFFFFE0]  }
0x38: {  	s15 =	sadd.s32 s15, s16  }
0x39: {  	s18 =	sadd.s32 $0x40, s18;
	[tilespmem:s15+$0x1830 ss:$0x81] =	vst.msk $0xffff, v3  }
.Ltmp4:
0x3a: {  	_ = 	snop;
	(pc) =	sbr.rel .LBB1_4-.Ltmp4, $1  }
0x3b: {  	_ =	sdelay $0x3  }
.LBB1_6:
0x3c: {  	_ =	sfence.sel $0x180000  }
0x3d: {  	s2 =	simm.s32 $0x1;
	[bflag:$0x0] =	sbarrier.arrive $0xFFFF  }
0x3e: {  	s31 =	simm.s32 $0x2;
	[sflag:s2] =	ssyncpa.u1 $0x1  }
0x3f: {  	[sflag:s31] =	ssyncpa.u1 $0x1  }
0x40: {  	p0 =	sne.s32 s0, $0x0;
	_ =	strace $0x9000004A  }
0x41: {  	s0 =	sadd.s32 @!p0 $0x100000, s1;
	[bflag:$0x2] =	sbarrier.arrive $0xFFFF  }
0x42: {  	[sflag:s0] =	ssyncadd.tile.s32 @!p0 $0x1;
	_ =	shalt  }
.Lfunc_end1:
_tile_overlayer_lowered:
.L_overlay_start_2:
0x43: {  	(tag) =	ssettag $0x2  }
0x44: {  	s0 =	rddreg [dreg:$0x0];
	s2 =	stileid.u32  }
0x45: {  	s1 =	rddreg [dreg:$0x1];
	p0 =	sne.s32 s2, $0x0  }
0x46: {  	s3 =	rddreg [dreg:$0x2];
	[bflag:$0x3] =	sbarrier.arrive $0xFFFF;
	s2 =	simm.s32 @!p0 $0x1C01  }
0x47: {  	[timem:s3], [sflag:s2] =	dma.local @!p0 [hbm:s0], s1  }
0x48: {  	s0 =	simm.s32 @!p0 $0x1  }
0x49: {  	_ =	swait.ge @!p0 [sflag:s0], s1  }
0x4a: {  	s1 =	ssub.s32 @!p0 $0x0, s1;
	[sflag:s0] =	ssyncset.done @!p0 $0x0  }
0x4b: {  	[sflag:s0] =	ssyncadd.s32 @!p0 s1  }
0x4c: {  	[bflag:$0x3] =	sbarrier.arrive $0xFFFF  }
0x4d: {  	_ =	shalt  }

</sc_bundles>
